<compile_context>
chip_gen: v7x
topology: tpu7x:2x2x1
jax: 0.10.2.dev20260603
libtpu: 0.0.44.dev20260713+nightly
codegen_flags: <defaults>
</compile_context>

<pallas_src>
import functools

import jax
import jax.numpy as jnp
import numpy as np
from jax import lax
from jax.experimental import pallas as pl
from jax.experimental.pallas import tpu as pltpu
from jax.experimental.pallas import tpu_sc as plsc

_NW = 32
_NS = 16
_CHUNK = 128



def _make_deg_kernel(n_pad, c_chunks, batch):
    mesh = plsc.VectorSubcoreMesh(core_axis_name="c", subcore_axis_name="s")
    zrows = n_pad // _NS
    groups = c_chunks // batch

    @functools.partial(
        pl.kernel,
        mesh=mesh,
        out_type=jax.ShapeDtypeStruct((2 * n_pad, 16), jnp.float32),
        compiler_params=pltpu.CompilerParams(use_tc_tiling_on_sc=False),
        scratch_types=[
            pltpu.VMEM((groups, batch, _CHUNK), jnp.int32),
            pltpu.VMEM((_CHUNK, 16), jnp.float32),
            pltpu.VMEM((_CHUNK, 16), jnp.float32),
            pltpu.VMEM_SHARED((n_pad, 16), jnp.float32),
        ],
    )
    def k(rows_hbm, out_hbm, rows_v, ebuf, zbuf, acc):
        cid = lax.axis_index("c")
        sid = lax.axis_index("s")
        wid = cid * _NS + sid
        e0v = jnp.where(lax.iota(jnp.int32, 16) == 0, 1.0, 0.0)
        z16 = jnp.zeros((16,), jnp.float32)

        def fill(i, carry):
            ebuf[i, pl.ds(0, 16)] = e0v
            return carry

        lax.fori_loop(0, _CHUNK, fill, 0)

        def fillz(i, carry):
            zbuf[i, pl.ds(0, 16)] = z16
            return carry

        lax.fori_loop(0, _CHUNK, fillz, 0)

        def zstripe(k2, carry):
            pltpu.sync_copy(
                zbuf, acc.at[pl.ds(sid * zrows + k2 * _CHUNK, _CHUNK)])
            return carry

        lax.fori_loop(0, zrows // _CHUNK, zstripe, 0)
        pltpu.sync_copy(rows_hbm.at[wid], rows_v)
        plsc.subcore_barrier()

        def body(j, carry):
            for b in range(batch):
                pltpu.sync_copy(ebuf, acc.at[rows_v.at[j, b]], add=True)
            return carry

        lax.fori_loop(0, groups, body, 0)
        plsc.subcore_barrier()
        pltpu.sync_copy(acc.at[pl.ds(sid * zrows, zrows)],
                        out_hbm.at[pl.ds(cid * n_pad + sid * zrows, zrows)])

    return k


def _make_spmm_kernel(n_pad, c_chunks, feat, batch):
    mesh = plsc.VectorSubcoreMesh(core_axis_name="c", subcore_axis_name="s")
    zrows = n_pad // _NS
    groups = c_chunks // batch

    @functools.partial(
        pl.kernel,
        mesh=mesh,
        out_type=jax.ShapeDtypeStruct((2 * n_pad, feat), jnp.float32),
        compiler_params=pltpu.CompilerParams(use_tc_tiling_on_sc=False),
        scratch_types=[
            pltpu.VMEM((groups + 1, batch, _CHUNK), jnp.int32),
            pltpu.VMEM((groups, batch, _CHUNK), jnp.int32),
            pltpu.VMEM((_CHUNK, feat), jnp.float32),
            pltpu.VMEM((_CHUNK, feat), jnp.float32),
            pltpu.VMEM_SHARED((n_pad, feat), jnp.float32),
            pltpu.VMEM_SHARED((n_pad, feat), jnp.float32),
            pltpu.SemaphoreType.DMA,
            pltpu.SemaphoreType.DMA,
            pltpu.SemaphoreType.DMA,
            pltpu.SemaphoreType.DMA,
        ],
    )
    def k(g_hbm, rows_hbm, cols_hbm, out_hbm,
          rows_v, cols_v, gbuf0, gbuf1, acc, gtab, sem0, sem1, sem2, sem3):
        cid = lax.axis_index("c")
        sid = lax.axis_index("s")
        wid = cid * _NS + sid
        z16 = jnp.zeros((16,), jnp.float32)

        def fill(i, carry):
            for kk in range(feat // 16):
                gbuf0[i, pl.ds(16 * kk, 16)] = z16
            return carry

        lax.fori_loop(0, _CHUNK, fill, 0)

        def zstripe(k2, carry):
            pltpu.sync_copy(
                gbuf0.at[pl.ds(0, _CHUNK)],
                acc.at[pl.ds(sid * zrows + k2 * _CHUNK, _CHUNK)])
            return carry

        lax.fori_loop(0, zrows // _CHUNK, zstripe, 0)
        pltpu.sync_copy(rows_hbm.at[wid], rows_v.at[pl.ds(0, groups)])
        pltpu.sync_copy(cols_hbm.at[wid], cols_v)
        lane = lax.iota(jnp.int32, 16)
        for b in range(batch):
            for kk in range(_CHUNK // 16):
                rows_v[groups, b, pl.ds(16 * kk, 16)] = (
                    (n_pad - _CHUNK) + 16 * kk + lane)
        pltpu.sync_copy(g_hbm.at[pl.ds(sid * zrows, zrows)],
                        gtab.at[pl.ds(sid * zrows, zrows)])
        plsc.subcore_barrier()

        bufs = (gbuf0, gbuf1)
        gsems = (sem0, sem1)
        ssems = (sem2, sem3)

        def gat(j, b, t):
            pltpu.async_copy(gtab.at[rows_v.at[j, b]], bufs[t], gsems[t])

        def gwait(j, b, t):
            pltpu.make_async_copy(gtab.at[rows_v.at[j, b]], bufs[t],
                                  gsems[t]).wait()

        def sca(j, b, t):
            pltpu.async_copy(bufs[t], acc.at[cols_v.at[j, b]], ssems[t],
                             add=True)

        def swait(j, b, t):
            pltpu.make_async_copy(bufs[t], acc.at[cols_v.at[j, b]],
                                  ssems[t]).wait()

        def step(j, b, jn, bn):
            cur = b % 2
            nxt = 1 - cur
            gwait(j, b, cur)
            sca(j, b, cur)
            swait(j, b, nxt)
            gat(jn, bn, nxt)

        gat(0, 0, 0)
        gwait(0, 0, 0)
        sca(0, 0, 0)
        gat(0, 1, 1)
        for b in range(1, batch):
            jn, bn = (0, b + 1) if b + 1 < batch else (1, 0)
            if b == 1:
                gwait(0, 1, 1)
                sca(0, 1, 1)
                swait(0, 1, 0)
                gat(jn, bn, 0)
            else:
                step(0, b, jn, bn)

        def body(j, carry):
            for b in range(batch):
                jn, bn = (j, b + 1) if b + 1 < batch else (j + 1, 0)
                step(j, b, jn, bn)
            return carry

        lax.fori_loop(1, groups, body, 0)
        gwait(groups, 0, 0)
        swait(0, 0, (batch - 1) % 2)
        plsc.subcore_barrier()
        pltpu.sync_copy(acc.at[pl.ds(sid * zrows, zrows)],
                        out_hbm.at[pl.ds(cid * n_pad + sid * zrows, zrows)])

    return k



def _d_col(degp, n, n_pad):
    deg = degp[:n, 0:1] + degp[n_pad:n_pad + n, 0:1]
    return jnp.where(deg > 0.0, lax.rsqrt(deg), 0.0)


def _psum(sp, n, n_pad):
    return sp[:n] + sp[n_pad:n_pad + n]


def _tc1a_body(x_ref, w10_ref, w11_ref, z1_ref, y1_ref):
    x = x_ref[...]
    z1_ref[...] = jnp.dot(x, w10_ref[...], preferred_element_type=jnp.float32)
    y1_ref[...] = jnp.dot(x, w11_ref[...], preferred_element_type=jnp.float32)


def _tc1b_body(n, n_pad, y1_ref, degp_ref, g1_ref):
    d = _d_col(degp_ref[...], n, n_pad)
    g1_ref[0:n, :] = d * y1_ref[...]
    g1_ref[n:n_pad, :] = jnp.zeros((n_pad - n, y1_ref.shape[1]), jnp.float32)


def _tc2_body(n, n_pad, z1_ref, sp_ref, degp_ref, b1_ref, w20_ref, w21_ref,
              z2_ref, g2_ref):
    d = _d_col(degp_ref[...], n, n_pad)
    s1 = d * _psum(sp_ref[...], n, n_pad)
    h = jnp.maximum(z1_ref[...] - s1 + b1_ref[...], 0.0)
    z2_ref[...] = jnp.dot(h, w20_ref[...], preferred_element_type=jnp.float32)
    g2_ref[0:n, :] = d * jnp.dot(h, w21_ref[...],
                                 preferred_element_type=jnp.float32)
    g2_ref[n:n_pad, :] = jnp.zeros((n_pad - n, w21_ref.shape[1]), jnp.float32)


def _tc3_body(n, n_pad, z2_ref, sp_ref, degp_ref, b2_ref, out_ref):
    d = _d_col(degp_ref[...], n, n_pad)
    o = z2_ref[...] - d * _psum(sp_ref[...], n, n_pad) + b2_ref[...]
    m = jnp.max(o, axis=1, keepdims=True)
    e = jnp.exp(o - m)
    out_ref[...] = (o - m) - jnp.log(jnp.sum(e, axis=1, keepdims=True))



def kernel(x, edge_index, W1, b1, W2, b2):
    n, in_c = x.shape
    e = edge_index.shape[1]
    hid = W1.shape[2]
    out_c = W2.shape[2]

    batch = 8
    c_chunks = batch * (-(-e // (_NW * _CHUNK * batch)))
    e_pad = _NW * c_chunks * _CHUNK
    n_pad = ((n + _CHUNK + 127) // 128) * 128

    rows = edge_index[0].astype(jnp.int32)
    cols = edge_index[1].astype(jnp.int32)
    pad = jnp.asarray(
        n + (np.arange(e_pad - e, dtype=np.int32) % _CHUNK), jnp.int32)
    shape4 = (_NW, c_chunks // batch, batch, _CHUNK)
    rows3 = jnp.concatenate([rows, pad]).reshape(shape4)
    cols3 = jnp.concatenate([cols, pad]).reshape(shape4)

    degp = _make_deg_kernel(n_pad, c_chunks, batch)(rows3)

    b1r = b1.reshape(1, hid)
    b2r = b2.reshape(1, out_c)

    z1, y1 = pl.pallas_call(
        _tc1a_body,
        out_shape=(jax.ShapeDtypeStruct((n, hid), jnp.float32),
                   jax.ShapeDtypeStruct((n, hid), jnp.float32)),
    )(x, W1[0], W1[1])

    g1p = pl.pallas_call(
        functools.partial(_tc1b_body, n, n_pad),
        out_shape=jax.ShapeDtypeStruct((n_pad, hid), jnp.float32),
    )(y1, degp)

    s1p = _make_spmm_kernel(n_pad, c_chunks, hid, batch)(g1p, rows3, cols3)

    z2, g2p = pl.pallas_call(
        functools.partial(_tc2_body, n, n_pad),
        out_shape=(jax.ShapeDtypeStruct((n, out_c), jnp.float32),
                   jax.ShapeDtypeStruct((n_pad, out_c), jnp.float32)),
    )(z1, s1p, degp, b1r, W2[0], W2[1])

    s2p = _make_spmm_kernel(n_pad, c_chunks, out_c, batch)(g2p, rows3,
                                                           cols3)

    return pl.pallas_call(
        functools.partial(_tc3_body, n, n_pad),
        out_shape=jax.ShapeDtypeStruct((n, out_c), jnp.float32),
    )(z2, s2p, degp, b2r)

# --- scband reference (transcript-rebuilt; emitter-appended) ---
"""Pipeline reference for scband-cheb-net-71339406786681 (READ-ONLY COPY).

The authoritative reference and input builder live on the scoring server;
editing this copy changes nothing except your own understanding.
"""

import jax, jax.numpy as jnp
import numpy as np

N = 10000
E = 320000
IN_C = 128
HID = 64
OUT_C = 64
K = 2  # num_hops // 2


def setup_inputs(seed: int = 0) -> dict:
    key = jax.random.key(seed)
    k1, k2, k3, k4, k5, k6 = jax.random.split(key, 6)
    x = jax.random.normal(k1, (N, IN_C), dtype=jnp.float32)
    edge_index = jax.random.randint(k2, (2, E), 0, N)
    W1 = jax.random.normal(k3, (K, IN_C, HID), dtype=jnp.float32) * (1.0 / np.sqrt(IN_C))
    b1 = jnp.zeros((HID,), dtype=jnp.float32)
    W2 = jax.random.normal(k4, (K, HID, OUT_C), dtype=jnp.float32) * (1.0 / np.sqrt(HID))
    b2 = jnp.zeros((OUT_C,), dtype=jnp.float32)
    return {"x": x, "edge_index": edge_index, "W1": W1, "b1": b1, "W2": W2, "b2": b2}


def _cheb_conv(x, edge_index, W, b):
    # PyG ChebConv with normalization='sym', lambda_max=2.0:
    # L_hat = 2L/lambda_max - I = -D^{-1/2} A D^{-1/2} (zero diagonal)
    row = edge_index[0]
    col = edge_index[1]
    n = x.shape[0]
    deg = jax.ops.segment_sum(jnp.ones((edge_index.shape[1],), dtype=x.dtype), row, num_segments=n)
    deg_inv_sqrt = jnp.where(deg > 0, deg ** -0.5, 0.0)
    w = -deg_inv_sqrt[row] * deg_inv_sqrt[col]  # edge weights of L_hat

    def spmm(h):
        return jax.ops.segment_sum(w[:, None] * h[row], col, num_segments=n)

    Tx0 = x
    out = Tx0 @ W[0]
    Tx1 = spmm(Tx0)
    out = out + Tx1 @ W[1]
    Txp, Txc = Tx0, Tx1
    for k in range(2, W.shape[0]):
        Txn = 2.0 * spmm(Txc) - Txp
        out = out + Txn @ W[k]
        Txp, Txc = Txc, Txn
    return out + b


def reference(x, edge_index, W1, b1, W2, b2):
    h = jax.nn.relu(_cheb_conv(x, edge_index, W1, b1))
    # dropout is identity in eval mode (p=0.0)
    h = _cheb_conv(h, edge_index, W2, b2)
    return jax.nn.log_softmax(h, axis=1)

if __name__ == "__main__":
    import jax
    _d = setup_inputs()
    print(jax.jit(kernel)(*tuple(_d.values())))

</pallas_src>

<mosaic_0001>
#map = affine_map<(d0, d1) -> (0, 0, 0, 0)>
#map1 = affine_map<(d0, d1) -> (0, 0)>
module attributes {stable_mosaic.version = 14 : i64} {
  func.func @k(%arg0: i32, %arg1: i32, %arg2: memref<32x10x8x128xi32, #tpu.memory_space<hbm>>, %arg3: memref<20480x16xf32, #tpu.memory_space<hbm>>, %arg4: memref<10x8x128xi32, #tpu.memory_space<vmem>>, %arg5: memref<128x16xf32, #tpu.memory_space<vmem>>, %arg6: memref<128x16xf32, #tpu.memory_space<vmem>>, %arg7: memref<10240x16xf32, #tpu.memory_space<vmem_shared>>) attributes {dimension_semantics = [#tpu.dimension_semantics<core_parallel>, #tpu.dimension_semantics<subcore_parallel>], iteration_bounds = array<i64: 2, 16>, scalar_prefetch = 0 : i64, scratch_operands = 4 : i64, tpu.core_type = #tpu.core_type<sc_vector_subcore>, window_params = [{transform_indices = #map}, {transform_indices = #map1}]} {
    %mul3A = arith.constant 16 : i32
    %mul3A_0 = arith.muli %arg0, %mul3A : i32
    %add3A = arith.addi %mul3A_0, %arg1 : i32
    %iota3A = tpu.iota {dimensions = array<i32: 0>} : vector<16xi32>
    %eq3A = arith.constant 0 : i32
    %eq3A_1 = vector.broadcast %eq3A : i32 to vector<16xi32>
    %eq3A_2 = arith.cmpi eq, %iota3A, %eq3A_1 : vector<16xi32>
    %jit3A = arith.constant 1.000000e+00 : f32
    %jit3A_3 = arith.constant 0.000000e+00 : f32
    %broadcast_in_dim3A = vector.broadcast %jit3A : f32 to vector<16xf32>
    %broadcast_in_dim3A_4 = vector.broadcast %jit3A_3 : f32 to vector<16xf32>
    %select_n3A = arith.select %eq3A_2, %broadcast_in_dim3A, %broadcast_in_dim3A_4 : vector<16xi1>, vector<16xf32>
    %broadcast_in_dim3A_5 = arith.constant 0.000000e+00 : f32
    %broadcast_in_dim3A_6 = vector.broadcast %broadcast_in_dim3A_5 : f32 to vector<16xf32>
    %scan3A = arith.constant 0 : i32
    %scan3A_7 = arith.constant 0 : i32
    %scan3A_8 = arith.constant 128 : i32
    %scan3A_9 = arith.addi %scan3A_7, %scan3A_8 : i32
    %scan3A_10 = arith.constant 1 : i32
    scf.for %scan3A_38 = %scan3A_7 to %scan3A_9 step %scan3A_10  : i32 {
      %swap3A = arith.index_cast %scan3A_38 : i32 to index
      %swap3A_39 = arith.constant 0 : index
      %swap3A_40 = tpu.vector_load %arg5[%swap3A, %swap3A_39] {strides = array<i32>} : memref<128x16xf32, #tpu.memory_space<vmem>>, vector<1x16xf32>,
      %swap3A_41 = vector.shape_cast %swap3A_40 : vector<1x16xf32> to vector<16xf32>
      %swap3A_42 = vector.shape_cast %select_n3A : vector<16xf32> to vector<1x16xf32>
      tpu.vector_store %arg5[%swap3A, %swap3A_39], %swap3A_42 {strides = array<i32>} : memref<128x16xf32, #tpu.memory_space<vmem>>, vector<1x16xf32>,
    }
    %scan3A_11 = arith.constant 128 : i32
    %scan3A_12 = arith.constant 0 : i32
    %scan3A_13 = arith.constant 0 : i32
    %scan3A_14 = arith.constant 128 : i32
    %scan3A_15 = arith.addi %scan3A_13, %scan3A_14 : i32
    %scan3A_16 = arith.constant 1 : i32
    scf.for %scan3A_38 = %scan3A_13 to %scan3A_15 step %scan3A_16  : i32 {
      %swap3A = arith.index_cast %scan3A_38 : i32 to index
      %swap3A_39 = arith.constant 0 : index
      %swap3A_40 = tpu.vector_load %arg6[%swap3A, %swap3A_39] {strides = array<i32>} : memref<128x16xf32, #tpu.memory_space<vmem>>, vector<1x16xf32>,
      %swap3A_41 = vector.shape_cast %swap3A_40 : vector<1x16xf32> to vector<16xf32>
      %swap3A_42 = vector.shape_cast %broadcast_in_dim3A_6 : vector<16xf32> to vector<1x16xf32>
      tpu.vector_store %arg6[%swap3A, %swap3A_39], %swap3A_42 {strides = array<i32>} : memref<128x16xf32, #tpu.memory_space<vmem>>, vector<1x16xf32>,
    }
    %scan3A_17 = arith.constant 128 : i32
    %scan3A_18 = arith.constant 0 : i32
    %scan3A_19 = arith.constant 0 : i32
    %scan3A_20 = arith.constant 5 : i32
    %scan3A_21 = arith.addi %scan3A_19, %scan3A_20 : i32
    %scan3A_22 = arith.constant 1 : i32
    scf.for %scan3A_38 = %scan3A_19 to %scan3A_21 step %scan3A_22  : i32 {
      %mul3A_39 = arith.constant 640 : i32
      %mul3A_40 = arith.muli %arg1, %mul3A_39 : i32
      %mul3A_41 = arith.constant 128 : i32
      %mul3A_42 = arith.muli %scan3A_38, %mul3A_41 : i32
      %add3A_43 = arith.addi %mul3A_40, %mul3A_42 : i32
      "tpu.region"() ({
        %run_scoped3A = tpu.sem_alloc : memref<!tpu.dma_semaphore, #tpu.memory_space<semaphore_mem>>
        %dma_start3A = arith.constant 0 : i32
        %dma_start3A_44 = tpu.memref_slice %arg7[%add3A_43, %dma_start3A] : memref<10240x16xf32, #tpu.memory_space<vmem_shared>> -> memref<128x16xf32, #tpu.memory_space<vmem_shared>>
        %dma_start3A_45 = arith.constant 0 : i32
        %dma_start3A_46 = tpu.memref_slice %arg7[%add3A_43, %dma_start3A_45] : memref<10240x16xf32, #tpu.memory_space<vmem_shared>> -> memref<128x16xf32, #tpu.memory_space<vmem_shared>>
        tpu.enqueue_dma source(%arg6 : memref<128x16xf32, #tpu.memory_space<vmem>>) target(%dma_start3A_46 : memref<128x16xf32, #tpu.memory_space<vmem_shared>>) target_semaphore(%run_scoped3A : memref<!tpu.dma_semaphore, #tpu.memory_space<semaphore_mem>>)
        %dma_wait3A = arith.constant 0 : i32
        %dma_wait3A_47 = tpu.memref_slice %arg7[%add3A_43, %dma_wait3A] : memref<10240x16xf32, #tpu.memory_space<vmem_shared>> -> memref<128x16xf32, #tpu.memory_space<vmem_shared>>
        %dma_wait3A_48 = arith.constant 0 : i32
        %dma_wait3A_49 = tpu.memref_slice %arg7[%add3A_43, %dma_wait3A_48] : memref<10240x16xf32, #tpu.memory_space<vmem_shared>> -> memref<128x16xf32, #tpu.memory_space<vmem_shared>>
        tpu.wait_dma2 semaphore(%run_scoped3A : memref<!tpu.dma_semaphore, #tpu.memory_space<semaphore_mem>>) src(%arg6 : memref<128x16xf32, #tpu.memory_space<vmem>>) dst(%dma_wait3A_49 : memref<128x16xf32, #tpu.memory_space<vmem_shared>>)
        tpu.yield
      }) : () -> ()
    }
    %scan3A_23 = arith.constant 5 : i32
    "tpu.region"() ({
      %run_scoped3A = tpu.sem_alloc : memref<!tpu.dma_semaphore, #tpu.memory_space<semaphore_mem>>
      %dma_start3A = arith.constant 0 : i32
      %dma_start3A_38 = arith.constant 0 : i32
      %dma_start3A_39 = arith.constant 0 : i32
      %dma_start3A_40 = tpu.memref_slice %arg2[%add3A, %dma_start3A, %dma_start3A_38, %dma_start3A_39] : memref<32x10x8x128xi32, #tpu.memory_space<hbm>> -> memref<1x10x8x128xi32, #tpu.memory_space<hbm>>
      %dma_start3A_41 = tpu.memref_squeeze %dma_start3A_40 : memref<1x10x8x128xi32, #tpu.memory_space<hbm>> -> memref<10x8x128xi32, #tpu.memory_space<hbm>>
      %dma_start3A_42 = arith.constant 0 : i32
      %dma_start3A_43 = arith.constant 0 : i32
      %dma_start3A_44 = arith.constant 0 : i32
      %dma_start3A_45 = tpu.memref_slice %arg2[%add3A, %dma_start3A_42, %dma_start3A_43, %dma_start3A_44] : memref<32x10x8x128xi32, #tpu.memory_space<hbm>> -> memref<1x10x8x128xi32, #tpu.memory_space<hbm>>
      %dma_start3A_46 = tpu.memref_squeeze %dma_start3A_45 : memref<1x10x8x128xi32, #tpu.memory_space<hbm>> -> memref<10x8x128xi32, #tpu.memory_space<hbm>>
      tpu.enqueue_dma source(%dma_start3A_46 : memref<10x8x128xi32, #tpu.memory_space<hbm>>) target(%arg4 : memref<10x8x128xi32, #tpu.memory_space<vmem>>) target_semaphore(%run_scoped3A : memref<!tpu.dma_semaphore, #tpu.memory_space<semaphore_mem>>)
      %dma_wait3A = arith.constant 0 : i32
      %dma_wait3A_47 = arith.constant 0 : i32
      %dma_wait3A_48 = arith.constant 0 : i32
      %dma_wait3A_49 = tpu.memref_slice %arg2[%add3A, %dma_wait3A, %dma_wait3A_47, %dma_wait3A_48] : memref<32x10x8x128xi32, #tpu.memory_space<hbm>> -> memref<1x10x8x128xi32, #tpu.memory_space<hbm>>
      %dma_wait3A_50 = tpu.memref_squeeze %dma_wait3A_49 : memref<1x10x8x128xi32, #tpu.memory_space<hbm>> -> memref<10x8x128xi32, #tpu.memory_space<hbm>>
      %dma_wait3A_51 = arith.constant 0 : i32
      %dma_wait3A_52 = arith.constant 0 : i32
      %dma_wait3A_53 = arith.constant 0 : i32
      %dma_wait3A_54 = tpu.memref_slice %arg2[%add3A, %dma_wait3A_51, %dma_wait3A_52, %dma_wait3A_53] : memref<32x10x8x128xi32, #tpu.memory_space<hbm>> -> memref<1x10x8x128xi32, #tpu.memory_space<hbm>>
      %dma_wait3A_55 = tpu.memref_squeeze %dma_wait3A_54 : memref<1x10x8x128xi32, #tpu.memory_space<hbm>> -> memref<10x8x128xi32, #tpu.memory_space<hbm>>
      tpu.wait_dma2 semaphore(%run_scoped3A : memref<!tpu.dma_semaphore, #tpu.memory_space<semaphore_mem>>) src(%dma_wait3A_55 : memref<10x8x128xi32, #tpu.memory_space<hbm>>) dst(%arg4 : memref<10x8x128xi32, #tpu.memory_space<vmem>>)
      tpu.yield
    }) : () -> ()
    %barrier3A = arith.constant 0 : index
    tpu.barrier barrier_id(%barrier3A)
    %scan3A_24 = arith.constant 0 : i32
    %scan3A_25 = arith.constant 0 : i32
    %scan3A_26 = arith.constant 10 : i32
    %scan3A_27 = arith.addi %scan3A_25, %scan3A_26 : i32
    %scan3A_28 = arith.constant 1 : i32
    scf.for %scan3A_38 = %scan3A_25 to %scan3A_27 step %scan3A_28  : i32 {
      %run_scoped3A = arith.constant 0 : i32
      "tpu.region"() ({
        %run_scoped3A_46 = tpu.sem_alloc : memref<!tpu.dma_semaphore, #tpu.memory_space<semaphore_mem>>
        %dma_start3A = arith.constant 0 : i32
        %dma_start3A_47 = tpu.memref_slice %arg4[%scan3A_38, %run_scoped3A, %dma_start3A] : memref<10x8x128xi32, #tpu.memory_space<vmem>> -> memref<1x1x128xi32, #tpu.memory_space<vmem>>
        %dma_start3A_48 = tpu.memref_squeeze %dma_start3A_47 : memref<1x1x128xi32, #tpu.memory_space<vmem>> -> memref<128xi32, #tpu.memory_space<vmem>>
        %dma_start3A_49 = arith.constant 0 : i32
        %dma_start3A_50 = arith.constant 0 : i32
        %dma_start3A_51 = tpu.memref_slice %arg7[%dma_start3A_49, %dma_start3A_50] : memref<10240x16xf32, #tpu.memory_space<vmem_shared>> -> memref<10240x16xf32, #tpu.memory_space<vmem_shared>>
        tpu.enqueue_indirect_dma source(%arg5 : memref<128x16xf32, #tpu.memory_space<vmem>>) target(%dma_start3A_51 : memref<10240x16xf32, #tpu.memory_space<vmem_shared>>) offsets(%dma_start3A_48 : memref<128xi32, #tpu.memory_space<vmem>>) semaphore(%run_scoped3A_46 : memref<!tpu.dma_semaphore, #tpu.memory_space<semaphore_mem>>) {add = true}
        %dma_wait3A = arith.constant 0 : i32
        %dma_wait3A_52 = tpu.memref_slice %arg4[%scan3A_38, %run_scoped3A, %dma_wait3A] : memref<10x8x128xi32, #tpu.memory_space<vmem>> -> memref<1x1x128xi32, #tpu.memory_space<vmem>>
        %dma_wait3A_53 = tpu.memref_squeeze %dma_wait3A_52 : memref<1x1x128xi32, #tpu.memory_space<vmem>> -> memref<128xi32, #tpu.memory_space<vmem>>
        %dma_wait3A_54 = arith.constant 0 : i32
        %dma_wait3A_55 = arith.constant 0 : i32
        %dma_wait3A_56 = tpu.memref_slice %arg7[%dma_wait3A_54, %dma_wait3A_55] : memref<10240x16xf32, #tpu.memory_space<vmem_shared>> -> memref<10240x16xf32, #tpu.memory_space<vmem_shared>>
        tpu.wait_indirect_dma semaphore(%run_scoped3A_46 : memref<!tpu.dma_semaphore, #tpu.memory_space<semaphore_mem>>) src(%arg5 : memref<128x16xf32, #tpu.memory_space<vmem>>) dst(%dma_wait3A_56 : memref<10240x16xf32, #tpu.memory_space<vmem_shared>>)
        tpu.yield
      }) : () -> ()
      %run_scoped3A_39 = arith.constant 1 : i32
      "tpu.region"() ({
        %run_scoped3A_46 = tpu.sem_alloc : memref<!tpu.dma_semaphore, #tpu.memory_space<semaphore_mem>>
        %dma_start3A = arith.constant 0 : i32
        %dma_start3A_47 = tpu.memref_slice %arg4[%scan3A_38, %run_scoped3A_39, %dma_start3A] : memref<10x8x128xi32, #tpu.memory_space<vmem>> -> memref<1x1x128xi32, #tpu.memory_space<vmem>>
        %dma_start3A_48 = tpu.memref_squeeze %dma_start3A_47 : memref<1x1x128xi32, #tpu.memory_space<vmem>> -> memref<128xi32, #tpu.memory_space<vmem>>
        %dma_start3A_49 = arith.constant 0 : i32
        %dma_start3A_50 = arith.constant 0 : i32
        %dma_start3A_51 = tpu.memref_slice %arg7[%dma_start3A_49, %dma_start3A_50] : memref<10240x16xf32, #tpu.memory_space<vmem_shared>> -> memref<10240x16xf32, #tpu.memory_space<vmem_shared>>
        tpu.enqueue_indirect_dma source(%arg5 : memref<128x16xf32, #tpu.memory_space<vmem>>) target(%dma_start3A_51 : memref<10240x16xf32, #tpu.memory_space<vmem_shared>>) offsets(%dma_start3A_48 : memref<128xi32, #tpu.memory_space<vmem>>) semaphore(%run_scoped3A_46 : memref<!tpu.dma_semaphore, #tpu.memory_space<semaphore_mem>>) {add = true}
        %dma_wait3A = arith.constant 0 : i32
        %dma_wait3A_52 = tpu.memref_slice %arg4[%scan3A_38, %run_scoped3A_39, %dma_wait3A] : memref<10x8x128xi32, #tpu.memory_space<vmem>> -> memref<1x1x128xi32, #tpu.memory_space<vmem>>
        %dma_wait3A_53 = tpu.memref_squeeze %dma_wait3A_52 : memref<1x1x128xi32, #tpu.memory_space<vmem>> -> memref<128xi32, #tpu.memory_space<vmem>>
        %dma_wait3A_54 = arith.constant 0 : i32
        %dma_wait3A_55 = arith.constant 0 : i32
        %dma_wait3A_56 = tpu.memref_slice %arg7[%dma_wait3A_54, %dma_wait3A_55] : memref<10240x16xf32, #tpu.memory_space<vmem_shared>> -> memref<10240x16xf32, #tpu.memory_space<vmem_shared>>
        tpu.wait_indirect_dma semaphore(%run_scoped3A_46 : memref<!tpu.dma_semaphore, #tpu.memory_space<semaphore_mem>>) src(%arg5 : memref<128x16xf32, #tpu.memory_space<vmem>>) dst(%dma_wait3A_56 : memref<10240x16xf32, #tpu.memory_space<vmem_shared>>)
        tpu.yield
      }) : () -> ()
      %run_scoped3A_40 = arith.constant 2 : i32
      "tpu.region"() ({
        %run_scoped3A_46 = tpu.sem_alloc : memref<!tpu.dma_semaphore, #tpu.memory_space<semaphore_mem>>
        %dma_start3A = arith.constant 0 : i32
        %dma_start3A_47 = tpu.memref_slice %arg4[%scan3A_38, %run_scoped3A_40, %dma_start3A] : memref<10x8x128xi32, #tpu.memory_space<vmem>> -> memref<1x1x128xi32, #tpu.memory_space<vmem>>
        %dma_start3A_48 = tpu.memref_squeeze %dma_start3A_47 : memref<1x1x128xi32, #tpu.memory_space<vmem>> -> memref<128xi32, #tpu.memory_space<vmem>>
        %dma_start3A_49 = arith.constant 0 : i32
        %dma_start3A_50 = arith.constant 0 : i32
        %dma_start3A_51 = tpu.memref_slice %arg7[%dma_start3A_49, %dma_start3A_50] : memref<10240x16xf32, #tpu.memory_space<vmem_shared>> -> memref<10240x16xf32, #tpu.memory_space<vmem_shared>>
        tpu.enqueue_indirect_dma source(%arg5 : memref<128x16xf32, #tpu.memory_space<vmem>>) target(%dma_start3A_51 : memref<10240x16xf32, #tpu.memory_space<vmem_shared>>) offsets(%dma_start3A_48 : memref<128xi32, #tpu.memory_space<vmem>>) semaphore(%run_scoped3A_46 : memref<!tpu.dma_semaphore, #tpu.memory_space<semaphore_mem>>) {add = true}
        %dma_wait3A = arith.constant 0 : i32
        %dma_wait3A_52 = tpu.memref_slice %arg4[%scan3A_38, %run_scoped3A_40, %dma_wait3A] : memref<10x8x128xi32, #tpu.memory_space<vmem>> -> memref<1x1x128xi32, #tpu.memory_space<vmem>>
        %dma_wait3A_53 = tpu.memref_squeeze %dma_wait3A_52 : memref<1x1x128xi32, #tpu.memory_space<vmem>> -> memref<128xi32, #tpu.memory_space<vmem>>
        %dma_wait3A_54 = arith.constant 0 : i32
        %dma_wait3A_55 = arith.constant 0 : i32
        %dma_wait3A_56 = tpu.memref_slice %arg7[%dma_wait3A_54, %dma_wait3A_55] : memref<10240x16xf32, #tpu.memory_space<vmem_shared>> -> memref<10240x16xf32, #tpu.memory_space<vmem_shared>>
        tpu.wait_indirect_dma semaphore(%run_scoped3A_46 : memref<!tpu.dma_semaphore, #tpu.memory_space<semaphore_mem>>) src(%arg5 : memref<128x16xf32, #tpu.memory_space<vmem>>) dst(%dma_wait3A_56 : memref<10240x16xf32, #tpu.memory_space<vmem_shared>>)
        tpu.yield
      }) : () -> ()
      %run_scoped3A_41 = arith.constant 3 : i32
      "tpu.region"() ({
        %run_scoped3A_46 = tpu.sem_alloc : memref<!tpu.dma_semaphore, #tpu.memory_space<semaphore_mem>>
        %dma_start3A = arith.constant 0 : i32
        %dma_start3A_47 = tpu.memref_slice %arg4[%scan3A_38, %run_scoped3A_41, %dma_start3A] : memref<10x8x128xi32, #tpu.memory_space<vmem>> -> memref<1x1x128xi32, #tpu.memory_space<vmem>>
        %dma_start3A_48 = tpu.memref_squeeze %dma_start3A_47 : memref<1x1x128xi32, #tpu.memory_space<vmem>> -> memref<128xi32, #tpu.memory_space<vmem>>
        %dma_start3A_49 = arith.constant 0 : i32
        %dma_start3A_50 = arith.constant 0 : i32
        %dma_start3A_51 = tpu.memref_slice %arg7[%dma_start3A_49, %dma_start3A_50] : memref<10240x16xf32, #tpu.memory_space<vmem_shared>> -> memref<10240x16xf32, #tpu.memory_space<vmem_shared>>
        tpu.enqueue_indirect_dma source(%arg5 : memref<128x16xf32, #tpu.memory_space<vmem>>) target(%dma_start3A_51 : memref<10240x16xf32, #tpu.memory_space<vmem_shared>>) offsets(%dma_start3A_48 : memref<128xi32, #tpu.memory_space<vmem>>) semaphore(%run_scoped3A_46 : memref<!tpu.dma_semaphore, #tpu.memory_space<semaphore_mem>>) {add = true}
        %dma_wait3A = arith.constant 0 : i32
        %dma_wait3A_52 = tpu.memref_slice %arg4[%scan3A_38, %run_scoped3A_41, %dma_wait3A] : memref<10x8x128xi32, #tpu.memory_space<vmem>> -> memref<1x1x128xi32, #tpu.memory_space<vmem>>
        %dma_wait3A_53 = tpu.memref_squeeze %dma_wait3A_52 : memref<1x1x128xi32, #tpu.memory_space<vmem>> -> memref<128xi32, #tpu.memory_space<vmem>>
        %dma_wait3A_54 = arith.constant 0 : i32
        %dma_wait3A_55 = arith.constant 0 : i32
        %dma_wait3A_56 = tpu.memref_slice %arg7[%dma_wait3A_54, %dma_wait3A_55] : memref<10240x16xf32, #tpu.memory_space<vmem_shared>> -> memref<10240x16xf32, #tpu.memory_space<vmem_shared>>
        tpu.wait_indirect_dma semaphore(%run_scoped3A_46 : memref<!tpu.dma_semaphore, #tpu.memory_space<semaphore_mem>>) src(%arg5 : memref<128x16xf32, #tpu.memory_space<vmem>>) dst(%dma_wait3A_56 : memref<10240x16xf32, #tpu.memory_space<vmem_shared>>)
        tpu.yield
      }) : () -> ()
      %run_scoped3A_42 = arith.constant 4 : i32
      "tpu.region"() ({
        %run_scoped3A_46 = tpu.sem_alloc : memref<!tpu.dma_semaphore, #tpu.memory_space<semaphore_mem>>
        %dma_start3A = arith.constant 0 : i32
        %dma_start3A_47 = tpu.memref_slice %arg4[%scan3A_38, %run_scoped3A_42, %dma_start3A] : memref<10x8x128xi32, #tpu.memory_space<vmem>> -> memref<1x1x128xi32, #tpu.memory_space<vmem>>
        %dma_start3A_48 = tpu.memref_squeeze %dma_start3A_47 : memref<1x1x128xi32, #tpu.memory_space<vmem>> -> memref<128xi32, #tpu.memory_space<vmem>>
        %dma_start3A_49 = arith.constant 0 : i32
        %dma_start3A_50 = arith.constant 0 : i32
        %dma_start3A_51 = tpu.memref_slice %arg7[%dma_start3A_49, %dma_start3A_50] : memref<10240x16xf32, #tpu.memory_space<vmem_shared>> -> memref<10240x16xf32, #tpu.memory_space<vmem_shared>>
        tpu.enqueue_indirect_dma source(%arg5 : memref<128x16xf32, #tpu.memory_space<vmem>>) target(%dma_start3A_51 : memref<10240x16xf32, #tpu.memory_space<vmem_shared>>) offsets(%dma_start3A_48 : memref<128xi32, #tpu.memory_space<vmem>>) semaphore(%run_scoped3A_46 : memref<!tpu.dma_semaphore, #tpu.memory_space<semaphore_mem>>) {add = true}
        %dma_wait3A = arith.constant 0 : i32
        %dma_wait3A_52 = tpu.memref_slice %arg4[%scan3A_38, %run_scoped3A_42, %dma_wait3A] : memref<10x8x128xi32, #tpu.memory_space<vmem>> -> memref<1x1x128xi32, #tpu.memory_space<vmem>>
        %dma_wait3A_53 = tpu.memref_squeeze %dma_wait3A_52 : memref<1x1x128xi32, #tpu.memory_space<vmem>> -> memref<128xi32, #tpu.memory_space<vmem>>
        %dma_wait3A_54 = arith.constant 0 : i32
        %dma_wait3A_55 = arith.constant 0 : i32
        %dma_wait3A_56 = tpu.memref_slice %arg7[%dma_wait3A_54, %dma_wait3A_55] : memref<10240x16xf32, #tpu.memory_space<vmem_shared>> -> memref<10240x16xf32, #tpu.memory_space<vmem_shared>>
        tpu.wait_indirect_dma semaphore(%run_scoped3A_46 : memref<!tpu.dma_semaphore, #tpu.memory_space<semaphore_mem>>) src(%arg5 : memref<128x16xf32, #tpu.memory_space<vmem>>) dst(%dma_wait3A_56 : memref<10240x16xf32, #tpu.memory_space<vmem_shared>>)
        tpu.yield
      }) : () -> ()
      %run_scoped3A_43 = arith.constant 5 : i32
      "tpu.region"() ({
        %run_scoped3A_46 = tpu.sem_alloc : memref<!tpu.dma_semaphore, #tpu.memory_space<semaphore_mem>>
        %dma_start3A = arith.constant 0 : i32
        %dma_start3A_47 = tpu.memref_slice %arg4[%scan3A_38, %run_scoped3A_43, %dma_start3A] : memref<10x8x128xi32, #tpu.memory_space<vmem>> -> memref<1x1x128xi32, #tpu.memory_space<vmem>>
        %dma_start3A_48 = tpu.memref_squeeze %dma_start3A_47 : memref<1x1x128xi32, #tpu.memory_space<vmem>> -> memref<128xi32, #tpu.memory_space<vmem>>
        %dma_start3A_49 = arith.constant 0 : i32
        %dma_start3A_50 = arith.constant 0 : i32
        %dma_start3A_51 = tpu.memref_slice %arg7[%dma_start3A_49, %dma_start3A_50] : memref<10240x16xf32, #tpu.memory_space<vmem_shared>> -> memref<10240x16xf32, #tpu.memory_space<vmem_shared>>
        tpu.enqueue_indirect_dma source(%arg5 : memref<128x16xf32, #tpu.memory_space<vmem>>) target(%dma_start3A_51 : memref<10240x16xf32, #tpu.memory_space<vmem_shared>>) offsets(%dma_start3A_48 : memref<128xi32, #tpu.memory_space<vmem>>) semaphore(%run_scoped3A_46 : memref<!tpu.dma_semaphore, #tpu.memory_space<semaphore_mem>>) {add = true}
        %dma_wait3A = arith.constant 0 : i32
        %dma_wait3A_52 = tpu.memref_slice %arg4[%scan3A_38, %run_scoped3A_43, %dma_wait3A] : memref<10x8x128xi32, #tpu.memory_space<vmem>> -> memref<1x1x128xi32, #tpu.memory_space<vmem>>
        %dma_wait3A_53 = tpu.memref_squeeze %dma_wait3A_52 : memref<1x1x128xi32, #tpu.memory_space<vmem>> -> memref<128xi32, #tpu.memory_space<vmem>>
        %dma_wait3A_54 = arith.constant 0 : i32
        %dma_wait3A_55 = arith.constant 0 : i32
        %dma_wait3A_56 = tpu.memref_slice %arg7[%dma_wait3A_54, %dma_wait3A_55] : memref<10240x16xf32, #tpu.memory_space<vmem_shared>> -> memref<10240x16xf32, #tpu.memory_space<vmem_shared>>
        tpu.wait_indirect_dma semaphore(%run_scoped3A_46 : memref<!tpu.dma_semaphore, #tpu.memory_space<semaphore_mem>>) src(%arg5 : memref<128x16xf32, #tpu.memory_space<vmem>>) dst(%dma_wait3A_56 : memref<10240x16xf32, #tpu.memory_space<vmem_shared>>)
        tpu.yield
      }) : () -> ()
      %run_scoped3A_44 = arith.constant 6 : i32
      "tpu.region"() ({
        %run_scoped3A_46 = tpu.sem_alloc : memref<!tpu.dma_semaphore, #tpu.memory_space<semaphore_mem>>
        %dma_start3A = arith.constant 0 : i32
        %dma_start3A_47 = tpu.memref_slice %arg4[%scan3A_38, %run_scoped3A_44, %dma_start3A] : memref<10x8x128xi32, #tpu.memory_space<vmem>> -> memref<1x1x128xi32, #tpu.memory_space<vmem>>
        %dma_start3A_48 = tpu.memref_squeeze %dma_start3A_47 : memref<1x1x128xi32, #tpu.memory_space<vmem>> -> memref<128xi32, #tpu.memory_space<vmem>>
        %dma_start3A_49 = arith.constant 0 : i32
        %dma_start3A_50 = arith.constant 0 : i32
        %dma_start3A_51 = tpu.memref_slice %arg7[%dma_start3A_49, %dma_start3A_50] : memref<10240x16xf32, #tpu.memory_space<vmem_shared>> -> memref<10240x16xf32, #tpu.memory_space<vmem_shared>>
        tpu.enqueue_indirect_dma source(%arg5 : memref<128x16xf32, #tpu.memory_space<vmem>>) target(%dma_start3A_51 : memref<10240x16xf32, #tpu.memory_space<vmem_shared>>) offsets(%dma_start3A_48 : memref<128xi32, #tpu.memory_space<vmem>>) semaphore(%run_scoped3A_46 : memref<!tpu.dma_semaphore, #tpu.memory_space<semaphore_mem>>) {add = true}
        %dma_wait3A = arith.constant 0 : i32
        %dma_wait3A_52 = tpu.memref_slice %arg4[%scan3A_38, %run_scoped3A_44, %dma_wait3A] : memref<10x8x128xi32, #tpu.memory_space<vmem>> -> memref<1x1x128xi32, #tpu.memory_space<vmem>>
        %dma_wait3A_53 = tpu.memref_squeeze %dma_wait3A_52 : memref<1x1x128xi32, #tpu.memory_space<vmem>> -> memref<128xi32, #tpu.memory_space<vmem>>
        %dma_wait3A_54 = arith.constant 0 : i32
        %dma_wait3A_55 = arith.constant 0 : i32
        %dma_wait3A_56 = tpu.memref_slice %arg7[%dma_wait3A_54, %dma_wait3A_55] : memref<10240x16xf32, #tpu.memory_space<vmem_shared>> -> memref<10240x16xf32, #tpu.memory_space<vmem_shared>>
        tpu.wait_indirect_dma semaphore(%run_scoped3A_46 : memref<!tpu.dma_semaphore, #tpu.memory_space<semaphore_mem>>) src(%arg5 : memref<128x16xf32, #tpu.memory_space<vmem>>) dst(%dma_wait3A_56 : memref<10240x16xf32, #tpu.memory_space<vmem_shared>>)
        tpu.yield
      }) : () -> ()
      %run_scoped3A_45 = arith.constant 7 : i32
      "tpu.region"() ({
        %run_scoped3A_46 = tpu.sem_alloc : memref<!tpu.dma_semaphore, #tpu.memory_space<semaphore_mem>>
        %dma_start3A = arith.constant 0 : i32
        %dma_start3A_47 = tpu.memref_slice %arg4[%scan3A_38, %run_scoped3A_45, %dma_start3A] : memref<10x8x128xi32, #tpu.memory_space<vmem>> -> memref<1x1x128xi32, #tpu.memory_space<vmem>>
        %dma_start3A_48 = tpu.memref_squeeze %dma_start3A_47 : memref<1x1x128xi32, #tpu.memory_space<vmem>> -> memref<128xi32, #tpu.memory_space<vmem>>
        %dma_start3A_49 = arith.constant 0 : i32
        %dma_start3A_50 = arith.constant 0 : i32
        %dma_start3A_51 = tpu.memref_slice %arg7[%dma_start3A_49, %dma_start3A_50] : memref<10240x16xf32, #tpu.memory_space<vmem_shared>> -> memref<10240x16xf32, #tpu.memory_space<vmem_shared>>
        tpu.enqueue_indirect_dma source(%arg5 : memref<128x16xf32, #tpu.memory_space<vmem>>) target(%dma_start3A_51 : memref<10240x16xf32, #tpu.memory_space<vmem_shared>>) offsets(%dma_start3A_48 : memref<128xi32, #tpu.memory_space<vmem>>) semaphore(%run_scoped3A_46 : memref<!tpu.dma_semaphore, #tpu.memory_space<semaphore_mem>>) {add = true}
        %dma_wait3A = arith.constant 0 : i32
        %dma_wait3A_52 = tpu.memref_slice %arg4[%scan3A_38, %run_scoped3A_45, %dma_wait3A] : memref<10x8x128xi32, #tpu.memory_space<vmem>> -> memref<1x1x128xi32, #tpu.memory_space<vmem>>
        %dma_wait3A_53 = tpu.memref_squeeze %dma_wait3A_52 : memref<1x1x128xi32, #tpu.memory_space<vmem>> -> memref<128xi32, #tpu.memory_space<vmem>>
        %dma_wait3A_54 = arith.constant 0 : i32
        %dma_wait3A_55 = arith.constant 0 : i32
        %dma_wait3A_56 = tpu.memref_slice %arg7[%dma_wait3A_54, %dma_wait3A_55] : memref<10240x16xf32, #tpu.memory_space<vmem_shared>> -> memref<10240x16xf32, #tpu.memory_space<vmem_shared>>
        tpu.wait_indirect_dma semaphore(%run_scoped3A_46 : memref<!tpu.dma_semaphore, #tpu.memory_space<semaphore_mem>>) src(%arg5 : memref<128x16xf32, #tpu.memory_space<vmem>>) dst(%dma_wait3A_56 : memref<10240x16xf32, #tpu.memory_space<vmem_shared>>)
        tpu.yield
      }) : () -> ()
    }
    %scan3A_29 = arith.constant 10 : i32
    %barrier3A_30 = arith.constant 0 : index
    tpu.barrier barrier_id(%barrier3A_30)
    %mul3A_31 = arith.constant 640 : i32
    %mul3A_32 = arith.muli %arg1, %mul3A_31 : i32
    %mul3A_33 = arith.constant 10240 : i32
    %mul3A_34 = arith.muli %arg0, %mul3A_33 : i32
    %mul3A_35 = arith.constant 640 : i32
    %mul3A_36 = arith.muli %arg1, %mul3A_35 : i32
    %add3A_37 = arith.addi %mul3A_34, %mul3A_36 : i32
    "tpu.region"() ({
      %run_scoped3A = tpu.sem_alloc : memref<!tpu.dma_semaphore, #tpu.memory_space<semaphore_mem>>
      %dma_start3A = arith.constant 0 : i32
      %dma_start3A_38 = tpu.memref_slice %arg3[%add3A_37, %dma_start3A] : memref<20480x16xf32, #tpu.memory_space<hbm>> -> memref<640x16xf32, #tpu.memory_space<hbm>>
      %dma_start3A_39 = arith.constant 0 : i32
      %dma_start3A_40 = tpu.memref_slice %arg7[%mul3A_32, %dma_start3A_39] : memref<10240x16xf32, #tpu.memory_space<vmem_shared>> -> memref<640x16xf32, #tpu.memory_space<vmem_shared>>
      tpu.enqueue_dma source(%dma_start3A_40 : memref<640x16xf32, #tpu.memory_space<vmem_shared>>) target(%dma_start3A_38 : memref<640x16xf32, #tpu.memory_space<hbm>>) target_semaphore(%run_scoped3A : memref<!tpu.dma_semaphore, #tpu.memory_space<semaphore_mem>>)
      %dma_wait3A = arith.constant 0 : i32
      %dma_wait3A_41 = tpu.memref_slice %arg3[%add3A_37, %dma_wait3A] : memref<20480x16xf32, #tpu.memory_space<hbm>> -> memref<640x16xf32, #tpu.memory_space<hbm>>
      %dma_wait3A_42 = arith.constant 0 : i32
      %dma_wait3A_43 = tpu.memref_slice %arg7[%mul3A_32, %dma_wait3A_42] : memref<10240x16xf32, #tpu.memory_space<vmem_shared>> -> memref<640x16xf32, #tpu.memory_space<vmem_shared>>
      tpu.wait_dma2 semaphore(%run_scoped3A : memref<!tpu.dma_semaphore, #tpu.memory_space<semaphore_mem>>) src(%dma_wait3A_43 : memref<640x16xf32, #tpu.memory_space<vmem_shared>>) dst(%dma_wait3A_41 : memref<640x16xf32, #tpu.memory_space<hbm>>)
      tpu.yield
    }) : () -> ()
    return
  }
}

#map = affine_map<(d0, d1) -> (0, 0)>
#map1 = affine_map<(d0, d1) -> (0, 0, 0, 0)>
module attributes {stable_mosaic.version = 14 : i64} {
  func.func @k(%arg0: i32, %arg1: i32, %arg2: memref<10240x64xf32, #tpu.memory_space<hbm>>, %arg3: memref<32x10x8x128xi32, #tpu.memory_space<hbm>>, %arg4: memref<32x10x8x128xi32, #tpu.memory_space<hbm>>, %arg5: memref<20480x64xf32, #tpu.memory_space<hbm>>, %arg6: memref<11x8x128xi32, #tpu.memory_space<vmem>>, %arg7: memref<10x8x128xi32, #tpu.memory_space<vmem>>, %arg8: memref<128x64xf32, #tpu.memory_space<vmem>>, %arg9: memref<128x64xf32, #tpu.memory_space<vmem>>, %arg10: memref<10240x64xf32, #tpu.memory_space<vmem_shared>>, %arg11: memref<10240x64xf32, #tpu.memory_space<vmem_shared>>, %arg12: memref<!tpu.dma_semaphore, #tpu.memory_space<semaphore_mem>>, %arg13: memref<!tpu.dma_semaphore, #tpu.memory_space<semaphore_mem>>, %arg14: memref<!tpu.dma_semaphore, #tpu.memory_space<semaphore_mem>>, %arg15: memref<!tpu.dma_semaphore, #tpu.memory_space<semaphore_mem>>) attributes {dimension_semantics = [#tpu.dimension_semantics<core_parallel>, #tpu.dimension_semantics<subcore_parallel>], iteration_bounds = array<i64: 2, 16>, scalar_prefetch = 0 : i64, scratch_operands = 10 : i64, tpu.core_type = #tpu.core_type<sc_vector_subcore>, window_params = [{transform_indices = #map}, {transform_indices = #map1}, {transform_indices = #map1}, {transform_indices = #map}]} {
    %mul3A = arith.constant 16 : i32
    %mul3A_0 = arith.muli %arg0, %mul3A : i32
    %add3A = arith.addi %mul3A_0, %arg1 : i32
    %broadcast_in_dim3A = arith.constant 0.000000e+00 : f32
    %broadcast_in_dim3A_1 = vector.broadcast %broadcast_in_dim3A : f32 to vector<16xf32>
    %scan3A = arith.constant 0 : i32
    %scan3A_2 = arith.constant 0 : i32
    %scan3A_3 = arith.constant 128 : i32
    %scan3A_4 = arith.addi %scan3A_2, %scan3A_3 : i32
    %scan3A_5 = arith.constant 1 : i32
    scf.for %scan3A_1004 = %scan3A_2 to %scan3A_4 step %scan3A_5  : i32 {
      %swap3A_1005 = arith.index_cast %scan3A_1004 : i32 to index
      %swap3A_1006 = arith.constant 0 : index
      %swap3A_1007 = tpu.vector_load %arg8[%swap3A_1005, %swap3A_1006] {strides = array<i32>} : memref<128x64xf32, #tpu.memory_space<vmem>>, vector<1x16xf32>,
      %swap3A_1008 = vector.shape_cast %swap3A_1007 : vector<1x16xf32> to vector<16xf32>
      %swap3A_1009 = vector.shape_cast %broadcast_in_dim3A_1 : vector<16xf32> to vector<1x16xf32>
      tpu.vector_store %arg8[%swap3A_1005, %swap3A_1006], %swap3A_1009 {strides = array<i32>} : memref<128x64xf32, #tpu.memory_space<vmem>>, vector<1x16xf32>,
      %swap3A_1010 = arith.index_cast %scan3A_1004 : i32 to index
      %swap3A_1011 = arith.constant 16 : index
      %swap3A_1012 = tpu.vector_load %arg8[%swap3A_1010, %swap3A_1011] {strides = array<i32>} : memref<128x64xf32, #tpu.memory_space<vmem>>, vector<1x16xf32>,
      %swap3A_1013 = vector.shape_cast %swap3A_1012 : vector<1x16xf32> to vector<16xf32>
      %swap3A_1014 = vector.shape_cast %broadcast_in_dim3A_1 : vector<16xf32> to vector<1x16xf32>
      tpu.vector_store %arg8[%swap3A_1010, %swap3A_1011], %swap3A_1014 {strides = array<i32>} : memref<128x64xf32, #tpu.memory_space<vmem>>, vector<1x16xf32>,
      %swap3A_1015 = arith.index_cast %scan3A_1004 : i32 to index
      %swap3A_1016 = arith.constant 32 : index
      %swap3A_1017 = tpu.vector_load %arg8[%swap3A_1015, %swap3A_1016] {strides = array<i32>} : memref<128x64xf32, #tpu.memory_space<vmem>>, vector<1x16xf32>,
      %swap3A_1018 = vector.shape_cast %swap3A_1017 : vector<1x16xf32> to vector<16xf32>
      %swap3A_1019 = vector.shape_cast %broadcast_in_dim3A_1 : vector<16xf32> to vector<1x16xf32>
      tpu.vector_store %arg8[%swap3A_1015, %swap3A_1016], %swap3A_1019 {strides = array<i32>} : memref<128x64xf32, #tpu.memory_space<vmem>>, vector<1x16xf32>,
      %swap3A_1020 = arith.index_cast %scan3A_1004 : i32 to index
      %swap3A_1021 = arith.constant 48 : index
      %swap3A_1022 = tpu.vector_load %arg8[%swap3A_1020, %swap3A_1021] {strides = array<i32>} : memref<128x64xf32, #tpu.memory_space<vmem>>, vector<1x16xf32>,
      %swap3A_1023 = vector.shape_cast %swap3A_1022 : vector<1x16xf32> to vector<16xf32>
      %swap3A_1024 = vector.shape_cast %broadcast_in_dim3A_1 : vector<16xf32> to vector<1x16xf32>
      tpu.vector_store %arg8[%swap3A_1020, %swap3A_1021], %swap3A_1024 {strides = array<i32>} : memref<128x64xf32, #tpu.memory_space<vmem>>, vector<1x16xf32>,
    }
    %scan3A_6 = arith.constant 128 : i32
    %scan3A_7 = arith.constant 0 : i32
    %scan3A_8 = arith.constant 0 : i32
    %scan3A_9 = arith.constant 5 : i32
    %scan3A_10 = arith.addi %scan3A_8, %scan3A_9 : i32
    %scan3A_11 = arith.constant 1 : i32
    scf.for %scan3A_1004 = %scan3A_8 to %scan3A_10 step %scan3A_11  : i32 {
      %mul3A_1005 = arith.constant 640 : i32
      %mul3A_1006 = arith.muli %arg1, %mul3A_1005 : i32
      %mul3A_1007 = arith.constant 128 : i32
      %mul3A_1008 = arith.muli %scan3A_1004, %mul3A_1007 : i32
      %add3A_1009 = arith.addi %mul3A_1006, %mul3A_1008 : i32
      "tpu.region"() ({
        %run_scoped3A = tpu.sem_alloc : memref<!tpu.dma_semaphore, #tpu.memory_space<semaphore_mem>>
        %dma_start3A_1010 = arith.constant 0 : i32
        %dma_start3A_1011 = arith.constant 0 : i32
        %dma_start3A_1012 = tpu.memref_slice %arg8[%dma_start3A_1010, %dma_start3A_1011] : memref<128x64xf32, #tpu.memory_space<vmem>> -> memref<128x64xf32, #tpu.memory_space<vmem>>
        %dma_start3A_1013 = arith.constant 0 : i32
        %dma_start3A_1014 = tpu.memref_slice %arg10[%add3A_1009, %dma_start3A_1013] : memref<10240x64xf32, #tpu.memory_space<vmem_shared>> -> memref<128x64xf32, #tpu.memory_space<vmem_shared>>
        %dma_start3A_1015 = arith.constant 0 : i32
        %dma_start3A_1016 = tpu.memref_slice %arg10[%add3A_1009, %dma_start3A_1015] : memref<10240x64xf32, #tpu.memory_space<vmem_shared>> -> memref<128x64xf32, #tpu.memory_space<vmem_shared>>
        %dma_start3A_1017 = arith.constant 0 : i32
        %dma_start3A_1018 = arith.constant 0 : i32
        %dma_start3A_1019 = tpu.memref_slice %arg8[%dma_start3A_1017, %dma_start3A_1018] : memref<128x64xf32, #tpu.memory_space<vmem>> -> memref<128x64xf32, #tpu.memory_space<vmem>>
        tpu.enqueue_dma source(%dma_start3A_1019 : memref<128x64xf32, #tpu.memory_space<vmem>>) target(%dma_start3A_1016 : memref<128x64xf32, #tpu.memory_space<vmem_shared>>) target_semaphore(%run_scoped3A : memref<!tpu.dma_semaphore, #tpu.memory_space<semaphore_mem>>)
        %dma_wait3A_1020 = arith.constant 0 : i32
        %dma_wait3A_1021 = arith.constant 0 : i32
        %dma_wait3A_1022 = tpu.memref_slice %arg8[%dma_wait3A_1020, %dma_wait3A_1021] : memref<128x64xf32, #tpu.memory_space<vmem>> -> memref<128x64xf32, #tpu.memory_space<vmem>>
        %dma_wait3A_1023 = arith.constant 0 : i32
        %dma_wait3A_1024 = tpu.memref_slice %arg10[%add3A_1009, %dma_wait3A_1023] : memref<10240x64xf32, #tpu.memory_space<vmem_shared>> -> memref<128x64xf32, #tpu.memory_space<vmem_shared>>
        %dma_wait3A_1025 = arith.constant 0 : i32
        %dma_wait3A_1026 = tpu.memref_slice %arg10[%add3A_1009, %dma_wait3A_1025] : memref<10240x64xf32, #tpu.memory_space<vmem_shared>> -> memref<128x64xf32, #tpu.memory_space<vmem_shared>>
        %dma_wait3A_1027 = arith.constant 0 : i32
        %dma_wait3A_1028 = arith.constant 0 : i32
        %dma_wait3A_1029 = tpu.memref_slice %arg8[%dma_wait3A_1027, %dma_wait3A_1028] : memref<128x64xf32, #tpu.memory_space<vmem>> -> memref<128x64xf32, #tpu.memory_space<vmem>>
        tpu.wait_dma2 semaphore(%run_scoped3A : memref<!tpu.dma_semaphore, #tpu.memory_space<semaphore_mem>>) src(%dma_wait3A_1029 : memref<128x64xf32, #tpu.memory_space<vmem>>) dst(%dma_wait3A_1026 : memref<128x64xf32, #tpu.memory_space<vmem_shared>>)
        tpu.yield
      }) : () -> ()
    }
    %scan3A_12 = arith.constant 5 : i32
    "tpu.region"() ({
      %run_scoped3A = tpu.sem_alloc : memref<!tpu.dma_semaphore, #tpu.memory_space<semaphore_mem>>
      %dma_start3A_1004 = arith.constant 0 : i32
      %dma_start3A_1005 = arith.constant 0 : i32
      %dma_start3A_1006 = arith.constant 0 : i32
      %dma_start3A_1007 = tpu.memref_slice %arg6[%dma_start3A_1004, %dma_start3A_1005, %dma_start3A_1006] : memref<11x8x128xi32, #tpu.memory_space<vmem>> -> memref<10x8x128xi32, #tpu.memory_space<vmem>>
      %dma_start3A_1008 = arith.constant 0 : i32
      %dma_start3A_1009 = arith.constant 0 : i32
      %dma_start3A_1010 = arith.constant 0 : i32
      %dma_start3A_1011 = tpu.memref_slice %arg3[%add3A, %dma_start3A_1008, %dma_start3A_1009, %dma_start3A_1010] : memref<32x10x8x128xi32, #tpu.memory_space<hbm>> -> memref<1x10x8x128xi32, #tpu.memory_space<hbm>>
      %dma_start3A_1012 = tpu.memref_squeeze %dma_start3A_1011 : memref<1x10x8x128xi32, #tpu.memory_space<hbm>> -> memref<10x8x128xi32, #tpu.memory_space<hbm>>
      %dma_start3A_1013 = arith.constant 0 : i32
      %dma_start3A_1014 = arith.constant 0 : i32
      %dma_start3A_1015 = arith.constant 0 : i32
      %dma_start3A_1016 = tpu.memref_slice %arg6[%dma_start3A_1013, %dma_start3A_1014, %dma_start3A_1015] : memref<11x8x128xi32, #tpu.memory_space<vmem>> -> memref<10x8x128xi32, #tpu.memory_space<vmem>>
      %dma_start3A_1017 = arith.constant 0 : i32
      %dma_start3A_1018 = arith.constant 0 : i32
      %dma_start3A_1019 = arith.constant 0 : i32
      %dma_start3A_1020 = tpu.memref_slice %arg3[%add3A, %dma_start3A_1017, %dma_start3A_1018, %dma_start3A_1019] : memref<32x10x8x128xi32, #tpu.memory_space<hbm>> -> memref<1x10x8x128xi32, #tpu.memory_space<hbm>>
      %dma_start3A_1021 = tpu.memref_squeeze %dma_start3A_1020 : memref<1x10x8x128xi32, #tpu.memory_space<hbm>> -> memref<10x8x128xi32, #tpu.memory_space<hbm>>
      tpu.enqueue_dma source(%dma_start3A_1021 : memref<10x8x128xi32, #tpu.memory_space<hbm>>) target(%dma_start3A_1016 : memref<10x8x128xi32, #tpu.memory_space<vmem>>) target_semaphore(%run_scoped3A : memref<!tpu.dma_semaphore, #tpu.memory_space<semaphore_mem>>)
      %dma_wait3A_1022 = arith.constant 0 : i32
      %dma_wait3A_1023 = arith.constant 0 : i32
      %dma_wait3A_1024 = arith.constant 0 : i32
      %dma_wait3A_1025 = tpu.memref_slice %arg6[%dma_wait3A_1022, %dma_wait3A_1023, %dma_wait3A_1024] : memref<11x8x128xi32, #tpu.memory_space<vmem>> -> memref<10x8x128xi32, #tpu.memory_space<vmem>>
      %dma_wait3A_1026 = arith.constant 0 : i32
      %dma_wait3A_1027 = arith.constant 0 : i32
      %dma_wait3A_1028 = arith.constant 0 : i32
      %dma_wait3A_1029 = tpu.memref_slice %arg3[%add3A, %dma_wait3A_1026, %dma_wait3A_1027, %dma_wait3A_1028] : memref<32x10x8x128xi32, #tpu.memory_space<hbm>> -> memref<1x10x8x128xi32, #tpu.memory_space<hbm>>
      %dma_wait3A_1030 = tpu.memref_squeeze %dma_wait3A_1029 : memref<1x10x8x128xi32, #tpu.memory_space<hbm>> -> memref<10x8x128xi32, #tpu.memory_space<hbm>>
      %dma_wait3A_1031 = arith.constant 0 : i32
      %dma_wait3A_1032 = arith.constant 0 : i32
      %dma_wait3A_1033 = arith.constant 0 : i32
      %dma_wait3A_1034 = tpu.memref_slice %arg6[%dma_wait3A_1031, %dma_wait3A_1032, %dma_wait3A_1033] : memref<11x8x128xi32, #tpu.memory_space<vmem>> -> memref<10x8x128xi32, #tpu.memory_space<vmem>>
      %dma_wait3A_1035 = arith.constant 0 : i32
      %dma_wait3A_1036 = arith.constant 0 : i32
      %dma_wait3A_1037 = arith.constant 0 : i32
      %dma_wait3A_1038 = tpu.memref_slice %arg3[%add3A, %dma_wait3A_1035, %dma_wait3A_1036, %dma_wait3A_1037] : memref<32x10x8x128xi32, #tpu.memory_space<hbm>> -> memref<1x10x8x128xi32, #tpu.memory_space<hbm>>
      %dma_wait3A_1039 = tpu.memref_squeeze %dma_wait3A_1038 : memref<1x10x8x128xi32, #tpu.memory_space<hbm>> -> memref<10x8x128xi32, #tpu.memory_space<hbm>>
      tpu.wait_dma2 semaphore(%run_scoped3A : memref<!tpu.dma_semaphore, #tpu.memory_space<semaphore_mem>>) src(%dma_wait3A_1039 : memref<10x8x128xi32, #tpu.memory_space<hbm>>) dst(%dma_wait3A_1034 : memref<10x8x128xi32, #tpu.memory_space<vmem>>)
      tpu.yield
    }) : () -> ()
    "tpu.region"() ({
      %run_scoped3A = tpu.sem_alloc : memref<!tpu.dma_semaphore, #tpu.memory_space<semaphore_mem>>
      %dma_start3A_1004 = arith.constant 0 : i32
      %dma_start3A_1005 = arith.constant 0 : i32
      %dma_start3A_1006 = arith.constant 0 : i32
      %dma_start3A_1007 = tpu.memref_slice %arg4[%add3A, %dma_start3A_1004, %dma_start3A_1005, %dma_start3A_1006] : memref<32x10x8x128xi32, #tpu.memory_space<hbm>> -> memref<1x10x8x128xi32, #tpu.memory_space<hbm>>
      %dma_start3A_1008 = tpu.memref_squeeze %dma_start3A_1007 : memref<1x10x8x128xi32, #tpu.memory_space<hbm>> -> memref<10x8x128xi32, #tpu.memory_space<hbm>>
      %dma_start3A_1009 = arith.constant 0 : i32
      %dma_start3A_1010 = arith.constant 0 : i32
      %dma_start3A_1011 = arith.constant 0 : i32
      %dma_start3A_1012 = tpu.memref_slice %arg4[%add3A, %dma_start3A_1009, %dma_start3A_1010, %dma_start3A_1011] : memref<32x10x8x128xi32, #tpu.memory_space<hbm>> -> memref<1x10x8x128xi32, #tpu.memory_space<hbm>>
      %dma_start3A_1013 = tpu.memref_squeeze %dma_start3A_1012 : memref<1x10x8x128xi32, #tpu.memory_space<hbm>> -> memref<10x8x128xi32, #tpu.memory_space<hbm>>
      tpu.enqueue_dma source(%dma_start3A_1013 : memref<10x8x128xi32, #tpu.memory_space<hbm>>) target(%arg7 : memref<10x8x128xi32, #tpu.memory_space<vmem>>) target_semaphore(%run_scoped3A : memref<!tpu.dma_semaphore, #tpu.memory_space<semaphore_mem>>)
      %dma_wait3A_1014 = arith.constant 0 : i32
      %dma_wait3A_1015 = arith.constant 0 : i32
      %dma_wait3A_1016 = arith.constant 0 : i32
      %dma_wait3A_1017 = tpu.memref_slice %arg4[%add3A, %dma_wait3A_1014, %dma_wait3A_1015, %dma_wait3A_1016] : memref<32x10x8x128xi32, #tpu.memory_space<hbm>> -> memref<1x10x8x128xi32, #tpu.memory_space<hbm>>
      %dma_wait3A_1018 = tpu.memref_squeeze %dma_wait3A_1017 : memref<1x10x8x128xi32, #tpu.memory_space<hbm>> -> memref<10x8x128xi32, #tpu.memory_space<hbm>>
      %dma_wait3A_1019 = arith.constant 0 : i32
      %dma_wait3A_1020 = arith.constant 0 : i32
      %dma_wait3A_1021 = arith.constant 0 : i32
      %dma_wait3A_1022 = tpu.memref_slice %arg4[%add3A, %dma_wait3A_1019, %dma_wait3A_1020, %dma_wait3A_1021] : memref<32x10x8x128xi32, #tpu.memory_space<hbm>> -> memref<1x10x8x128xi32, #tpu.memory_space<hbm>>
      %dma_wait3A_1023 = tpu.memref_squeeze %dma_wait3A_1022 : memref<1x10x8x128xi32, #tpu.memory_space<hbm>> -> memref<10x8x128xi32, #tpu.memory_space<hbm>>
      tpu.wait_dma2 semaphore(%run_scoped3A : memref<!tpu.dma_semaphore, #tpu.memory_space<semaphore_mem>>) src(%dma_wait3A_1023 : memref<10x8x128xi32, #tpu.memory_space<hbm>>) dst(%arg7 : memref<10x8x128xi32, #tpu.memory_space<vmem>>)
      tpu.yield
    }) : () -> ()
    %iota3A = tpu.iota {dimensions = array<i32: 0>} : vector<16xi32>
    %add3A_13 = arith.constant 10112 : i32
    %add3A_14 = vector.broadcast %add3A_13 : i32 to vector<16xi32>
    %add3A_15 = arith.addi %add3A_14, %iota3A : vector<16xi32>
    %swap3A = arith.constant 10 : i32
    %swap3A_16 = arith.constant 0 : i32
    %swap3A_17 = arith.index_cast %swap3A : i32 to index
    %swap3A_18 = arith.index_cast %swap3A_16 : i32 to index
    %swap3A_19 = arith.constant 0 : index
    %swap3A_20 = tpu.vector_load %arg6[%swap3A_17, %swap3A_18, %swap3A_19] {strides = array<i32>} : memref<11x8x128xi32, #tpu.memory_space<vmem>>, vector<1x1x16xi32>,
    %swap3A_21 = vector.shape_cast %swap3A_20 : vector<1x1x16xi32> to vector<16xi32>
    %swap3A_22 = vector.shape_cast %add3A_15 : vector<16xi32> to vector<1x1x16xi32>
    tpu.vector_store %arg6[%swap3A_17, %swap3A_18, %swap3A_19], %swap3A_22 {strides = array<i32>} : memref<11x8x128xi32, #tpu.memory_space<vmem>>, vector<1x1x16xi32>,
    %add3A_23 = arith.constant 10128 : i32
    %add3A_24 = vector.broadcast %add3A_23 : i32 to vector<16xi32>
    %add3A_25 = arith.addi %add3A_24, %iota3A : vector<16xi32>
    %swap3A_26 = arith.constant 10 : i32
    %swap3A_27 = arith.constant 0 : i32
    %swap3A_28 = arith.index_cast %swap3A_26 : i32 to index
    %swap3A_29 = arith.index_cast %swap3A_27 : i32 to index
    %swap3A_30 = arith.constant 16 : index
    %swap3A_31 = tpu.vector_load %arg6[%swap3A_28, %swap3A_29, %swap3A_30] {strides = array<i32>} : memref<11x8x128xi32, #tpu.memory_space<vmem>>, vector<1x1x16xi32>,
    %swap3A_32 = vector.shape_cast %swap3A_31 : vector<1x1x16xi32> to vector<16xi32>
    %swap3A_33 = vector.shape_cast %add3A_25 : vector<16xi32> to vector<1x1x16xi32>
    tpu.vector_store %arg6[%swap3A_28, %swap3A_29, %swap3A_30], %swap3A_33 {strides = array<i32>} : memref<11x8x128xi32, #tpu.memory_space<vmem>>, vector<1x1x16xi32>,
    %add3A_34 = arith.constant 10144 : i32
    %add3A_35 = vector.broadcast %add3A_34 : i32 to vector<16xi32>
    %add3A_36 = arith.addi %add3A_35, %iota3A : vector<16xi32>
    %swap3A_37 = arith.constant 10 : i32
    %swap3A_38 = arith.constant 0 : i32
    %swap3A_39 = arith.index_cast %swap3A_37 : i32 to index
    %swap3A_40 = arith.index_cast %swap3A_38 : i32 to index
    %swap3A_41 = arith.constant 32 : index
    %swap3A_42 = tpu.vector_load %arg6[%swap3A_39, %swap3A_40, %swap3A_41] {strides = array<i32>} : memref<11x8x128xi32, #tpu.memory_space<vmem>>, vector<1x1x16xi32>,
    %swap3A_43 = vector.shape_cast %swap3A_42 : vector<1x1x16xi32> to vector<16xi32>
    %swap3A_44 = vector.shape_cast %add3A_36 : vector<16xi32> to vector<1x1x16xi32>
    tpu.vector_store %arg6[%swap3A_39, %swap3A_40, %swap3A_41], %swap3A_44 {strides = array<i32>} : memref<11x8x128xi32, #tpu.memory_space<vmem>>, vector<1x1x16xi32>,
    %add3A_45 = arith.constant 10160 : i32
    %add3A_46 = vector.broadcast %add3A_45 : i32 to vector<16xi32>
    %add3A_47 = arith.addi %add3A_46, %iota3A : vector<16xi32>
    %swap3A_48 = arith.constant 10 : i32
    %swap3A_49 = arith.constant 0 : i32
    %swap3A_50 = arith.index_cast %swap3A_48 : i32 to index
    %swap3A_51 = arith.index_cast %swap3A_49 : i32 to index
    %swap3A_52 = arith.constant 48 : index
    %swap3A_53 = tpu.vector_load %arg6[%swap3A_50, %swap3A_51, %swap3A_52] {strides = array<i32>} : memref<11x8x128xi32, #tpu.memory_space<vmem>>, vector<1x1x16xi32>,
    %swap3A_54 = vector.shape_cast %swap3A_53 : vector<1x1x16xi32> to vector<16xi32>
    %swap3A_55 = vector.shape_cast %add3A_47 : vector<16xi32> to vector<1x1x16xi32>
    tpu.vector_store %arg6[%swap3A_50, %swap3A_51, %swap3A_52], %swap3A_55 {strides = array<i32>} : memref<11x8x128xi32, #tpu.memory_space<vmem>>, vector<1x1x16xi32>,
    %add3A_56 = arith.constant 10176 : i32
    %add3A_57 = vector.broadcast %add3A_56 : i32 to vector<16xi32>
    %add3A_58 = arith.addi %add3A_57, %iota3A : vector<16xi32>
    %swap3A_59 = arith.constant 10 : i32
    %swap3A_60 = arith.constant 0 : i32
    %swap3A_61 = arith.index_cast %swap3A_59 : i32 to index
    %swap3A_62 = arith.index_cast %swap3A_60 : i32 to index
    %swap3A_63 = arith.constant 64 : index
    %swap3A_64 = tpu.vector_load %arg6[%swap3A_61, %swap3A_62, %swap3A_63] {strides = array<i32>} : memref<11x8x128xi32, #tpu.memory_space<vmem>>, vector<1x1x16xi32>,
    %swap3A_65 = vector.shape_cast %swap3A_64 : vector<1x1x16xi32> to vector<16xi32>
    %swap3A_66 = vector.shape_cast %add3A_58 : vector<16xi32> to vector<1x1x16xi32>
    tpu.vector_store %arg6[%swap3A_61, %swap3A_62, %swap3A_63], %swap3A_66 {strides = array<i32>} : memref<11x8x128xi32, #tpu.memory_space<vmem>>, vector<1x1x16xi32>,
    %add3A_67 = arith.constant 10192 : i32
    %add3A_68 = vector.broadcast %add3A_67 : i32 to vector<16xi32>
    %add3A_69 = arith.addi %add3A_68, %iota3A : vector<16xi32>
    %swap3A_70 = arith.constant 10 : i32
    %swap3A_71 = arith.constant 0 : i32
    %swap3A_72 = arith.index_cast %swap3A_70 : i32 to index
    %swap3A_73 = arith.index_cast %swap3A_71 : i32 to index
    %swap3A_74 = arith.constant 80 : index
    %swap3A_75 = tpu.vector_load %arg6[%swap3A_72, %swap3A_73, %swap3A_74] {strides = array<i32>} : memref<11x8x128xi32, #tpu.memory_space<vmem>>, vector<1x1x16xi32>,
    %swap3A_76 = vector.shape_cast %swap3A_75 : vector<1x1x16xi32> to vector<16xi32>
    %swap3A_77 = vector.shape_cast %add3A_69 : vector<16xi32> to vector<1x1x16xi32>
    tpu.vector_store %arg6[%swap3A_72, %swap3A_73, %swap3A_74], %swap3A_77 {strides = array<i32>} : memref<11x8x128xi32, #tpu.memory_space<vmem>>, vector<1x1x16xi32>,
    %add3A_78 = arith.constant 10208 : i32
    %add3A_79 = vector.broadcast %add3A_78 : i32 to vector<16xi32>
    %add3A_80 = arith.addi %add3A_79, %iota3A : vector<16xi32>
    %swap3A_81 = arith.constant 10 : i32
    %swap3A_82 = arith.constant 0 : i32
    %swap3A_83 = arith.index_cast %swap3A_81 : i32 to index
    %swap3A_84 = arith.index_cast %swap3A_82 : i32 to index
    %swap3A_85 = arith.constant 96 : index
    %swap3A_86 = tpu.vector_load %arg6[%swap3A_83, %swap3A_84, %swap3A_85] {strides = array<i32>} : memref<11x8x128xi32, #tpu.memory_space<vmem>>, vector<1x1x16xi32>,
    %swap3A_87 = vector.shape_cast %swap3A_86 : vector<1x1x16xi32> to vector<16xi32>
    %swap3A_88 = vector.shape_cast %add3A_80 : vector<16xi32> to vector<1x1x16xi32>
    tpu.vector_store %arg6[%swap3A_83, %swap3A_84, %swap3A_85], %swap3A_88 {strides = array<i32>} : memref<11x8x128xi32, #tpu.memory_space<vmem>>, vector<1x1x16xi32>,
    %add3A_89 = arith.constant 10224 : i32
    %add3A_90 = vector.broadcast %add3A_89 : i32 to vector<16xi32>
    %add3A_91 = arith.addi %add3A_90, %iota3A : vector<16xi32>
    %swap3A_92 = arith.constant 10 : i32
    %swap3A_93 = arith.constant 0 : i32
    %swap3A_94 = arith.index_cast %swap3A_92 : i32 to index
    %swap3A_95 = arith.index_cast %swap3A_93 : i32 to index
    %swap3A_96 = arith.constant 112 : index
    %swap3A_97 = tpu.vector_load %arg6[%swap3A_94, %swap3A_95, %swap3A_96] {strides = array<i32>} : memref<11x8x128xi32, #tpu.memory_space<vmem>>, vector<1x1x16xi32>,
    %swap3A_98 = vector.shape_cast %swap3A_97 : vector<1x1x16xi32> to vector<16xi32>
    %swap3A_99 = vector.shape_cast %add3A_91 : vector<16xi32> to vector<1x1x16xi32>
    tpu.vector_store %arg6[%swap3A_94, %swap3A_95, %swap3A_96], %swap3A_99 {strides = array<i32>} : memref<11x8x128xi32, #tpu.memory_space<vmem>>, vector<1x1x16xi32>,
    %add3A_100 = arith.constant 10112 : i32
    %add3A_101 = vector.broadcast %add3A_100 : i32 to vector<16xi32>
    %add3A_102 = arith.addi %add3A_101, %iota3A : vector<16xi32>
    %swap3A_103 = arith.constant 10 : i32
    %swap3A_104 = arith.constant 1 : i32
    %swap3A_105 = arith.index_cast %swap3A_103 : i32 to index
    %swap3A_106 = arith.index_cast %swap3A_104 : i32 to index
    %swap3A_107 = arith.constant 0 : index
    %swap3A_108 = tpu.vector_load %arg6[%swap3A_105, %swap3A_106, %swap3A_107] {strides = array<i32>} : memref<11x8x128xi32, #tpu.memory_space<vmem>>, vector<1x1x16xi32>,
    %swap3A_109 = vector.shape_cast %swap3A_108 : vector<1x1x16xi32> to vector<16xi32>
    %swap3A_110 = vector.shape_cast %add3A_102 : vector<16xi32> to vector<1x1x16xi32>
    tpu.vector_store %arg6[%swap3A_105, %swap3A_106, %swap3A_107], %swap3A_110 {strides = array<i32>} : memref<11x8x128xi32, #tpu.memory_space<vmem>>, vector<1x1x16xi32>,
    %add3A_111 = arith.constant 10128 : i32
    %add3A_112 = vector.broadcast %add3A_111 : i32 to vector<16xi32>
    %add3A_113 = arith.addi %add3A_112, %iota3A : vector<16xi32>
    %swap3A_114 = arith.constant 10 : i32
    %swap3A_115 = arith.constant 1 : i32
    %swap3A_116 = arith.index_cast %swap3A_114 : i32 to index
    %swap3A_117 = arith.index_cast %swap3A_115 : i32 to index
    %swap3A_118 = arith.constant 16 : index
    %swap3A_119 = tpu.vector_load %arg6[%swap3A_116, %swap3A_117, %swap3A_118] {strides = array<i32>} : memref<11x8x128xi32, #tpu.memory_space<vmem>>, vector<1x1x16xi32>,
    %swap3A_120 = vector.shape_cast %swap3A_119 : vector<1x1x16xi32> to vector<16xi32>
    %swap3A_121 = vector.shape_cast %add3A_113 : vector<16xi32> to vector<1x1x16xi32>
    tpu.vector_store %arg6[%swap3A_116, %swap3A_117, %swap3A_118], %swap3A_121 {strides = array<i32>} : memref<11x8x128xi32, #tpu.memory_space<vmem>>, vector<1x1x16xi32>,
    %add3A_122 = arith.constant 10144 : i32
    %add3A_123 = vector.broadcast %add3A_122 : i32 to vector<16xi32>
    %add3A_124 = arith.addi %add3A_123, %iota3A : vector<16xi32>
    %swap3A_125 = arith.constant 10 : i32
    %swap3A_126 = arith.constant 1 : i32
    %swap3A_127 = arith.index_cast %swap3A_125 : i32 to index
    %swap3A_128 = arith.index_cast %swap3A_126 : i32 to index
    %swap3A_129 = arith.constant 32 : index
    %swap3A_130 = tpu.vector_load %arg6[%swap3A_127, %swap3A_128, %swap3A_129] {strides = array<i32>} : memref<11x8x128xi32, #tpu.memory_space<vmem>>, vector<1x1x16xi32>,
    %swap3A_131 = vector.shape_cast %swap3A_130 : vector<1x1x16xi32> to vector<16xi32>
    %swap3A_132 = vector.shape_cast %add3A_124 : vector<16xi32> to vector<1x1x16xi32>
    tpu.vector_store %arg6[%swap3A_127, %swap3A_128, %swap3A_129], %swap3A_132 {strides = array<i32>} : memref<11x8x128xi32, #tpu.memory_space<vmem>>, vector<1x1x16xi32>,
    %add3A_133 = arith.constant 10160 : i32
    %add3A_134 = vector.broadcast %add3A_133 : i32 to vector<16xi32>
    %add3A_135 = arith.addi %add3A_134, %iota3A : vector<16xi32>
    %swap3A_136 = arith.constant 10 : i32
    %swap3A_137 = arith.constant 1 : i32
    %swap3A_138 = arith.index_cast %swap3A_136 : i32 to index
    %swap3A_139 = arith.index_cast %swap3A_137 : i32 to index
    %swap3A_140 = arith.constant 48 : index
    %swap3A_141 = tpu.vector_load %arg6[%swap3A_138, %swap3A_139, %swap3A_140] {strides = array<i32>} : memref<11x8x128xi32, #tpu.memory_space<vmem>>, vector<1x1x16xi32>,
    %swap3A_142 = vector.shape_cast %swap3A_141 : vector<1x1x16xi32> to vector<16xi32>
    %swap3A_143 = vector.shape_cast %add3A_135 : vector<16xi32> to vector<1x1x16xi32>
    tpu.vector_store %arg6[%swap3A_138, %swap3A_139, %swap3A_140], %swap3A_143 {strides = array<i32>} : memref<11x8x128xi32, #tpu.memory_space<vmem>>, vector<1x1x16xi32>,
    %add3A_144 = arith.constant 10176 : i32
    %add3A_145 = vector.broadcast %add3A_144 : i32 to vector<16xi32>
    %add3A_146 = arith.addi %add3A_145, %iota3A : vector<16xi32>
    %swap3A_147 = arith.constant 10 : i32
    %swap3A_148 = arith.constant 1 : i32
    %swap3A_149 = arith.index_cast %swap3A_147 : i32 to index
    %swap3A_150 = arith.index_cast %swap3A_148 : i32 to index
    %swap3A_151 = arith.constant 64 : index
    %swap3A_152 = tpu.vector_load %arg6[%swap3A_149, %swap3A_150, %swap3A_151] {strides = array<i32>} : memref<11x8x128xi32, #tpu.memory_space<vmem>>, vector<1x1x16xi32>,
    %swap3A_153 = vector.shape_cast %swap3A_152 : vector<1x1x16xi32> to vector<16xi32>
    %swap3A_154 = vector.shape_cast %add3A_146 : vector<16xi32> to vector<1x1x16xi32>
    tpu.vector_store %arg6[%swap3A_149, %swap3A_150, %swap3A_151], %swap3A_154 {strides = array<i32>} : memref<11x8x128xi32, #tpu.memory_space<vmem>>, vector<1x1x16xi32>,
    %add3A_155 = arith.constant 10192 : i32
    %add3A_156 = vector.broadcast %add3A_155 : i32 to vector<16xi32>
    %add3A_157 = arith.addi %add3A_156, %iota3A : vector<16xi32>
    %swap3A_158 = arith.constant 10 : i32
    %swap3A_159 = arith.constant 1 : i32
    %swap3A_160 = arith.index_cast %swap3A_158 : i32 to index
    %swap3A_161 = arith.index_cast %swap3A_159 : i32 to index
    %swap3A_162 = arith.constant 80 : index
    %swap3A_163 = tpu.vector_load %arg6[%swap3A_160, %swap3A_161, %swap3A_162] {strides = array<i32>} : memref<11x8x128xi32, #tpu.memory_space<vmem>>, vector<1x1x16xi32>,
    %swap3A_164 = vector.shape_cast %swap3A_163 : vector<1x1x16xi32> to vector<16xi32>
    %swap3A_165 = vector.shape_cast %add3A_157 : vector<16xi32> to vector<1x1x16xi32>
    tpu.vector_store %arg6[%swap3A_160, %swap3A_161, %swap3A_162], %swap3A_165 {strides = array<i32>} : memref<11x8x128xi32, #tpu.memory_space<vmem>>, vector<1x1x16xi32>,
    %add3A_166 = arith.constant 10208 : i32
    %add3A_167 = vector.broadcast %add3A_166 : i32 to vector<16xi32>
    %add3A_168 = arith.addi %add3A_167, %iota3A : vector<16xi32>
    %swap3A_169 = arith.constant 10 : i32
    %swap3A_170 = arith.constant 1 : i32
    %swap3A_171 = arith.index_cast %swap3A_169 : i32 to index
    %swap3A_172 = arith.index_cast %swap3A_170 : i32 to index
    %swap3A_173 = arith.constant 96 : index
    %swap3A_174 = tpu.vector_load %arg6[%swap3A_171, %swap3A_172, %swap3A_173] {strides = array<i32>} : memref<11x8x128xi32, #tpu.memory_space<vmem>>, vector<1x1x16xi32>,
    %swap3A_175 = vector.shape_cast %swap3A_174 : vector<1x1x16xi32> to vector<16xi32>
    %swap3A_176 = vector.shape_cast %add3A_168 : vector<16xi32> to vector<1x1x16xi32>
    tpu.vector_store %arg6[%swap3A_171, %swap3A_172, %swap3A_173], %swap3A_176 {strides = array<i32>} : memref<11x8x128xi32, #tpu.memory_space<vmem>>, vector<1x1x16xi32>,
    %add3A_177 = arith.constant 10224 : i32
    %add3A_178 = vector.broadcast %add3A_177 : i32 to vector<16xi32>
    %add3A_179 = arith.addi %add3A_178, %iota3A : vector<16xi32>
    %swap3A_180 = arith.constant 10 : i32
    %swap3A_181 = arith.constant 1 : i32
    %swap3A_182 = arith.index_cast %swap3A_180 : i32 to index
    %swap3A_183 = arith.index_cast %swap3A_181 : i32 to index
    %swap3A_184 = arith.constant 112 : index
    %swap3A_185 = tpu.vector_load %arg6[%swap3A_182, %swap3A_183, %swap3A_184] {strides = array<i32>} : memref<11x8x128xi32, #tpu.memory_space<vmem>>, vector<1x1x16xi32>,
    %swap3A_186 = vector.shape_cast %swap3A_185 : vector<1x1x16xi32> to vector<16xi32>
    %swap3A_187 = vector.shape_cast %add3A_179 : vector<16xi32> to vector<1x1x16xi32>
    tpu.vector_store %arg6[%swap3A_182, %swap3A_183, %swap3A_184], %swap3A_187 {strides = array<i32>} : memref<11x8x128xi32, #tpu.memory_space<vmem>>, vector<1x1x16xi32>,
    %add3A_188 = arith.constant 10112 : i32
    %add3A_189 = vector.broadcast %add3A_188 : i32 to vector<16xi32>
    %add3A_190 = arith.addi %add3A_189, %iota3A : vector<16xi32>
    %swap3A_191 = arith.constant 10 : i32
    %swap3A_192 = arith.constant 2 : i32
    %swap3A_193 = arith.index_cast %swap3A_191 : i32 to index
    %swap3A_194 = arith.index_cast %swap3A_192 : i32 to index
    %swap3A_195 = arith.constant 0 : index
    %swap3A_196 = tpu.vector_load %arg6[%swap3A_193, %swap3A_194, %swap3A_195] {strides = array<i32>} : memref<11x8x128xi32, #tpu.memory_space<vmem>>, vector<1x1x16xi32>,
    %swap3A_197 = vector.shape_cast %swap3A_196 : vector<1x1x16xi32> to vector<16xi32>
    %swap3A_198 = vector.shape_cast %add3A_190 : vector<16xi32> to vector<1x1x16xi32>
    tpu.vector_store %arg6[%swap3A_193, %swap3A_194, %swap3A_195], %swap3A_198 {strides = array<i32>} : memref<11x8x128xi32, #tpu.memory_space<vmem>>, vector<1x1x16xi32>,
    %add3A_199 = arith.constant 10128 : i32
    %add3A_200 = vector.broadcast %add3A_199 : i32 to vector<16xi32>
    %add3A_201 = arith.addi %add3A_200, %iota3A : vector<16xi32>
    %swap3A_202 = arith.constant 10 : i32
    %swap3A_203 = arith.constant 2 : i32
    %swap3A_204 = arith.index_cast %swap3A_202 : i32 to index
    %swap3A_205 = arith.index_cast %swap3A_203 : i32 to index
    %swap3A_206 = arith.constant 16 : index
    %swap3A_207 = tpu.vector_load %arg6[%swap3A_204, %swap3A_205, %swap3A_206] {strides = array<i32>} : memref<11x8x128xi32, #tpu.memory_space<vmem>>, vector<1x1x16xi32>,
    %swap3A_208 = vector.shape_cast %swap3A_207 : vector<1x1x16xi32> to vector<16xi32>
    %swap3A_209 = vector.shape_cast %add3A_201 : vector<16xi32> to vector<1x1x16xi32>
    tpu.vector_store %arg6[%swap3A_204, %swap3A_205, %swap3A_206], %swap3A_209 {strides = array<i32>} : memref<11x8x128xi32, #tpu.memory_space<vmem>>, vector<1x1x16xi32>,
    %add3A_210 = arith.constant 10144 : i32
    %add3A_211 = vector.broadcast %add3A_210 : i32 to vector<16xi32>
    %add3A_212 = arith.addi %add3A_211, %iota3A : vector<16xi32>
    %swap3A_213 = arith.constant 10 : i32
    %swap3A_214 = arith.constant 2 : i32
    %swap3A_215 = arith.index_cast %swap3A_213 : i32 to index
    %swap3A_216 = arith.index_cast %swap3A_214 : i32 to index
    %swap3A_217 = arith.constant 32 : index
    %swap3A_218 = tpu.vector_load %arg6[%swap3A_215, %swap3A_216, %swap3A_217] {strides = array<i32>} : memref<11x8x128xi32, #tpu.memory_space<vmem>>, vector<1x1x16xi32>,
    %swap3A_219 = vector.shape_cast %swap3A_218 : vector<1x1x16xi32> to vector<16xi32>
    %swap3A_220 = vector.shape_cast %add3A_212 : vector<16xi32> to vector<1x1x16xi32>
    tpu.vector_store %arg6[%swap3A_215, %swap3A_216, %swap3A_217], %swap3A_220 {strides = array<i32>} : memref<11x8x128xi32, #tpu.memory_space<vmem>>, vector<1x1x16xi32>,
    %add3A_221 = arith.constant 10160 : i32
    %add3A_222 = vector.broadcast %add3A_221 : i32 to vector<16xi32>
    %add3A_223 = arith.addi %add3A_222, %iota3A : vector<16xi32>
    %swap3A_224 = arith.constant 10 : i32
    %swap3A_225 = arith.constant 2 : i32
    %swap3A_226 = arith.index_cast %swap3A_224 : i32 to index
    %swap3A_227 = arith.index_cast %swap3A_225 : i32 to index
    %swap3A_228 = arith.constant 48 : index
    %swap3A_229 = tpu.vector_load %arg6[%swap3A_226, %swap3A_227, %swap3A_228] {strides = array<i32>} : memref<11x8x128xi32, #tpu.memory_space<vmem>>, vector<1x1x16xi32>,
    %swap3A_230 = vector.shape_cast %swap3A_229 : vector<1x1x16xi32> to vector<16xi32>
    %swap3A_231 = vector.shape_cast %add3A_223 : vector<16xi32> to vector<1x1x16xi32>
    tpu.vector_store %arg6[%swap3A_226, %swap3A_227, %swap3A_228], %swap3A_231 {strides = array<i32>} : memref<11x8x128xi32, #tpu.memory_space<vmem>>, vector<1x1x16xi32>,
    %add3A_232 = arith.constant 10176 : i32
    %add3A_233 = vector.broadcast %add3A_232 : i32 to vector<16xi32>
    %add3A_234 = arith.addi %add3A_233, %iota3A : vector<16xi32>
    %swap3A_235 = arith.constant 10 : i32
    %swap3A_236 = arith.constant 2 : i32
    %swap3A_237 = arith.index_cast %swap3A_235 : i32 to index
    %swap3A_238 = arith.index_cast %swap3A_236 : i32 to index
    %swap3A_239 = arith.constant 64 : index
    %swap3A_240 = tpu.vector_load %arg6[%swap3A_237, %swap3A_238, %swap3A_239] {strides = array<i32>} : memref<11x8x128xi32, #tpu.memory_space<vmem>>, vector<1x1x16xi32>,
    %swap3A_241 = vector.shape_cast %swap3A_240 : vector<1x1x16xi32> to vector<16xi32>
    %swap3A_242 = vector.shape_cast %add3A_234 : vector<16xi32> to vector<1x1x16xi32>
    tpu.vector_store %arg6[%swap3A_237, %swap3A_238, %swap3A_239], %swap3A_242 {strides = array<i32>} : memref<11x8x128xi32, #tpu.memory_space<vmem>>, vector<1x1x16xi32>,
    %add3A_243 = arith.constant 10192 : i32
    %add3A_244 = vector.broadcast %add3A_243 : i32 to vector<16xi32>
    %add3A_245 = arith.addi %add3A_244, %iota3A : vector<16xi32>
    %swap3A_246 = arith.constant 10 : i32
    %swap3A_247 = arith.constant 2 : i32
    %swap3A_248 = arith.index_cast %swap3A_246 : i32 to index
    %swap3A_249 = arith.index_cast %swap3A_247 : i32 to index
    %swap3A_250 = arith.constant 80 : index
    %swap3A_251 = tpu.vector_load %arg6[%swap3A_248, %swap3A_249, %swap3A_250] {strides = array<i32>} : memref<11x8x128xi32, #tpu.memory_space<vmem>>, vector<1x1x16xi32>,
    %swap3A_252 = vector.shape_cast %swap3A_251 : vector<1x1x16xi32> to vector<16xi32>
    %swap3A_253 = vector.shape_cast %add3A_245 : vector<16xi32> to vector<1x1x16xi32>
    tpu.vector_store %arg6[%swap3A_248, %swap3A_249, %swap3A_250], %swap3A_253 {strides = array<i32>} : memref<11x8x128xi32, #tpu.memory_space<vmem>>, vector<1x1x16xi32>,
    %add3A_254 = arith.constant 10208 : i32
    %add3A_255 = vector.broadcast %add3A_254 : i32 to vector<16xi32>
    %add3A_256 = arith.addi %add3A_255, %iota3A : vector<16xi32>
    %swap3A_257 = arith.constant 10 : i32
    %swap3A_258 = arith.constant 2 : i32
    %swap3A_259 = arith.index_cast %swap3A_257 : i32 to index
    %swap3A_260 = arith.index_cast %swap3A_258 : i32 to index
    %swap3A_261 = arith.constant 96 : index
    %swap3A_262 = tpu.vector_load %arg6[%swap3A_259, %swap3A_260, %swap3A_261] {strides = array<i32>} : memref<11x8x128xi32, #tpu.memory_space<vmem>>, vector<1x1x16xi32>,
    %swap3A_263 = vector.shape_cast %swap3A_262 : vector<1x1x16xi32> to vector<16xi32>
    %swap3A_264 = vector.shape_cast %add3A_256 : vector<16xi32> to vector<1x1x16xi32>
    tpu.vector_store %arg6[%swap3A_259, %swap3A_260, %swap3A_261], %swap3A_264 {strides = array<i32>} : memref<11x8x128xi32, #tpu.memory_space<vmem>>, vector<1x1x16xi32>,
    %add3A_265 = arith.constant 10224 : i32
    %add3A_266 = vector.broadcast %add3A_265 : i32 to vector<16xi32>
    %add3A_267 = arith.addi %add3A_266, %iota3A : vector<16xi32>
    %swap3A_268 = arith.constant 10 : i32
    %swap3A_269 = arith.constant 2 : i32
    %swap3A_270 = arith.index_cast %swap3A_268 : i32 to index
    %swap3A_271 = arith.index_cast %swap3A_269 : i32 to index
    %swap3A_272 = arith.constant 112 : index
    %swap3A_273 = tpu.vector_load %arg6[%swap3A_270, %swap3A_271, %swap3A_272] {strides = array<i32>} : memref<11x8x128xi32, #tpu.memory_space<vmem>>, vector<1x1x16xi32>,
    %swap3A_274 = vector.shape_cast %swap3A_273 : vector<1x1x16xi32> to vector<16xi32>
    %swap3A_275 = vector.shape_cast %add3A_267 : vector<16xi32> to vector<1x1x16xi32>
    tpu.vector_store %arg6[%swap3A_270, %swap3A_271, %swap3A_272], %swap3A_275 {strides = array<i32>} : memref<11x8x128xi32, #tpu.memory_space<vmem>>, vector<1x1x16xi32>,
    %add3A_276 = arith.constant 10112 : i32
    %add3A_277 = vector.broadcast %add3A_276 : i32 to vector<16xi32>
    %add3A_278 = arith.addi %add3A_277, %iota3A : vector<16xi32>
    %swap3A_279 = arith.constant 10 : i32
    %swap3A_280 = arith.constant 3 : i32
    %swap3A_281 = arith.index_cast %swap3A_279 : i32 to index
    %swap3A_282 = arith.index_cast %swap3A_280 : i32 to index
    %swap3A_283 = arith.constant 0 : index
    %swap3A_284 = tpu.vector_load %arg6[%swap3A_281, %swap3A_282, %swap3A_283] {strides = array<i32>} : memref<11x8x128xi32, #tpu.memory_space<vmem>>, vector<1x1x16xi32>,
    %swap3A_285 = vector.shape_cast %swap3A_284 : vector<1x1x16xi32> to vector<16xi32>
    %swap3A_286 = vector.shape_cast %add3A_278 : vector<16xi32> to vector<1x1x16xi32>
    tpu.vector_store %arg6[%swap3A_281, %swap3A_282, %swap3A_283], %swap3A_286 {strides = array<i32>} : memref<11x8x128xi32, #tpu.memory_space<vmem>>, vector<1x1x16xi32>,
    %add3A_287 = arith.constant 10128 : i32
    %add3A_288 = vector.broadcast %add3A_287 : i32 to vector<16xi32>
    %add3A_289 = arith.addi %add3A_288, %iota3A : vector<16xi32>
    %swap3A_290 = arith.constant 10 : i32
    %swap3A_291 = arith.constant 3 : i32
    %swap3A_292 = arith.index_cast %swap3A_290 : i32 to index
    %swap3A_293 = arith.index_cast %swap3A_291 : i32 to index
    %swap3A_294 = arith.constant 16 : index
    %swap3A_295 = tpu.vector_load %arg6[%swap3A_292, %swap3A_293, %swap3A_294] {strides = array<i32>} : memref<11x8x128xi32, #tpu.memory_space<vmem>>, vector<1x1x16xi32>,
    %swap3A_296 = vector.shape_cast %swap3A_295 : vector<1x1x16xi32> to vector<16xi32>
    %swap3A_297 = vector.shape_cast %add3A_289 : vector<16xi32> to vector<1x1x16xi32>
    tpu.vector_store %arg6[%swap3A_292, %swap3A_293, %swap3A_294], %swap3A_297 {strides = array<i32>} : memref<11x8x128xi32, #tpu.memory_space<vmem>>, vector<1x1x16xi32>,
    %add3A_298 = arith.constant 10144 : i32
    %add3A_299 = vector.broadcast %add3A_298 : i32 to vector<16xi32>
    %add3A_300 = arith.addi %add3A_299, %iota3A : vector<16xi32>
    %swap3A_301 = arith.constant 10 : i32
    %swap3A_302 = arith.constant 3 : i32
    %swap3A_303 = arith.index_cast %swap3A_301 : i32 to index
    %swap3A_304 = arith.index_cast %swap3A_302 : i32 to index
    %swap3A_305 = arith.constant 32 : index
    %swap3A_306 = tpu.vector_load %arg6[%swap3A_303, %swap3A_304, %swap3A_305] {strides = array<i32>} : memref<11x8x128xi32, #tpu.memory_space<vmem>>, vector<1x1x16xi32>,
    %swap3A_307 = vector.shape_cast %swap3A_306 : vector<1x1x16xi32> to vector<16xi32>
    %swap3A_308 = vector.shape_cast %add3A_300 : vector<16xi32> to vector<1x1x16xi32>
    tpu.vector_store %arg6[%swap3A_303, %swap3A_304, %swap3A_305], %swap3A_308 {strides = array<i32>} : memref<11x8x128xi32, #tpu.memory_space<vmem>>, vector<1x1x16xi32>,
    %add3A_309 = arith.constant 10160 : i32
    %add3A_310 = vector.broadcast %add3A_309 : i32 to vector<16xi32>
    %add3A_311 = arith.addi %add3A_310, %iota3A : vector<16xi32>
    %swap3A_312 = arith.constant 10 : i32
    %swap3A_313 = arith.constant 3 : i32
    %swap3A_314 = arith.index_cast %swap3A_312 : i32 to index
    %swap3A_315 = arith.index_cast %swap3A_313 : i32 to index
    %swap3A_316 = arith.constant 48 : index
    %swap3A_317 = tpu.vector_load %arg6[%swap3A_314, %swap3A_315, %swap3A_316] {strides = array<i32>} : memref<11x8x128xi32, #tpu.memory_space<vmem>>, vector<1x1x16xi32>,
    %swap3A_318 = vector.shape_cast %swap3A_317 : vector<1x1x16xi32> to vector<16xi32>
    %swap3A_319 = vector.shape_cast %add3A_311 : vector<16xi32> to vector<1x1x16xi32>
    tpu.vector_store %arg6[%swap3A_314, %swap3A_315, %swap3A_316], %swap3A_319 {strides = array<i32>} : memref<11x8x128xi32, #tpu.memory_space<vmem>>, vector<1x1x16xi32>,
    %add3A_320 = arith.constant 10176 : i32
    %add3A_321 = vector.broadcast %add3A_320 : i32 to vector<16xi32>
    %add3A_322 = arith.addi %add3A_321, %iota3A : vector<16xi32>
    %swap3A_323 = arith.constant 10 : i32
    %swap3A_324 = arith.constant 3 : i32
    %swap3A_325 = arith.index_cast %swap3A_323 : i32 to index
    %swap3A_326 = arith.index_cast %swap3A_324 : i32 to index
    %swap3A_327 = arith.constant 64 : index
    %swap3A_328 = tpu.vector_load %arg6[%swap3A_325, %swap3A_326, %swap3A_327] {strides = array<i32>} : memref<11x8x128xi32, #tpu.memory_space<vmem>>, vector<1x1x16xi32>,
    %swap3A_329 = vector.shape_cast %swap3A_328 : vector<1x1x16xi32> to vector<16xi32>
    %swap3A_330 = vector.shape_cast %add3A_322 : vector<16xi32> to vector<1x1x16xi32>
    tpu.vector_store %arg6[%swap3A_325, %swap3A_326, %swap3A_327], %swap3A_330 {strides = array<i32>} : memref<11x8x128xi32, #tpu.memory_space<vmem>>, vector<1x1x16xi32>,
    %add3A_331 = arith.constant 10192 : i32
    %add3A_332 = vector.broadcast %add3A_331 : i32 to vector<16xi32>
    %add3A_333 = arith.addi %add3A_332, %iota3A : vector<16xi32>
    %swap3A_334 = arith.constant 10 : i32
    %swap3A_335 = arith.constant 3 : i32
    %swap3A_336 = arith.index_cast %swap3A_334 : i32 to index
    %swap3A_337 = arith.index_cast %swap3A_335 : i32 to index
    %swap3A_338 = arith.constant 80 : index
    %swap3A_339 = tpu.vector_load %arg6[%swap3A_336, %swap3A_337, %swap3A_338] {strides = array<i32>} : memref<11x8x128xi32, #tpu.memory_space<vmem>>, vector<1x1x16xi32>,
    %swap3A_340 = vector.shape_cast %swap3A_339 : vector<1x1x16xi32> to vector<16xi32>
    %swap3A_341 = vector.shape_cast %add3A_333 : vector<16xi32> to vector<1x1x16xi32>
    tpu.vector_store %arg6[%swap3A_336, %swap3A_337, %swap3A_338], %swap3A_341 {strides = array<i32>} : memref<11x8x128xi32, #tpu.memory_space<vmem>>, vector<1x1x16xi32>,
    %add3A_342 = arith.constant 10208 : i32
    %add3A_343 = vector.broadcast %add3A_342 : i32 to vector<16xi32>
    %add3A_344 = arith.addi %add3A_343, %iota3A : vector<16xi32>
    %swap3A_345 = arith.constant 10 : i32
    %swap3A_346 = arith.constant 3 : i32
    %swap3A_347 = arith.index_cast %swap3A_345 : i32 to index
    %swap3A_348 = arith.index_cast %swap3A_346 : i32 to index
    %swap3A_349 = arith.constant 96 : index
    %swap3A_350 = tpu.vector_load %arg6[%swap3A_347, %swap3A_348, %swap3A_349] {strides = array<i32>} : memref<11x8x128xi32, #tpu.memory_space<vmem>>, vector<1x1x16xi32>,
    %swap3A_351 = vector.shape_cast %swap3A_350 : vector<1x1x16xi32> to vector<16xi32>
    %swap3A_352 = vector.shape_cast %add3A_344 : vector<16xi32> to vector<1x1x16xi32>
    tpu.vector_store %arg6[%swap3A_347, %swap3A_348, %swap3A_349], %swap3A_352 {strides = array<i32>} : memref<11x8x128xi32, #tpu.memory_space<vmem>>, vector<1x1x16xi32>,
    %add3A_353 = arith.constant 10224 : i32
    %add3A_354 = vector.broadcast %add3A_353 : i32 to vector<16xi32>
    %add3A_355 = arith.addi %add3A_354, %iota3A : vector<16xi32>
    %swap3A_356 = arith.constant 10 : i32
    %swap3A_357 = arith.constant 3 : i32
    %swap3A_358 = arith.index_cast %swap3A_356 : i32 to index
    %swap3A_359 = arith.index_cast %swap3A_357 : i32 to index
    %swap3A_360 = arith.constant 112 : index
    %swap3A_361 = tpu.vector_load %arg6[%swap3A_358, %swap3A_359, %swap3A_360] {strides = array<i32>} : memref<11x8x128xi32, #tpu.memory_space<vmem>>, vector<1x1x16xi32>,
    %swap3A_362 = vector.shape_cast %swap3A_361 : vector<1x1x16xi32> to vector<16xi32>
    %swap3A_363 = vector.shape_cast %add3A_355 : vector<16xi32> to vector<1x1x16xi32>
    tpu.vector_store %arg6[%swap3A_358, %swap3A_359, %swap3A_360], %swap3A_363 {strides = array<i32>} : memref<11x8x128xi32, #tpu.memory_space<vmem>>, vector<1x1x16xi32>,
    %add3A_364 = arith.constant 10112 : i32
    %add3A_365 = vector.broadcast %add3A_364 : i32 to vector<16xi32>
    %add3A_366 = arith.addi %add3A_365, %iota3A : vector<16xi32>
    %swap3A_367 = arith.constant 10 : i32
    %swap3A_368 = arith.constant 4 : i32
    %swap3A_369 = arith.index_cast %swap3A_367 : i32 to index
    %swap3A_370 = arith.index_cast %swap3A_368 : i32 to index
    %swap3A_371 = arith.constant 0 : index
    %swap3A_372 = tpu.vector_load %arg6[%swap3A_369, %swap3A_370, %swap3A_371] {strides = array<i32>} : memref<11x8x128xi32, #tpu.memory_space<vmem>>, vector<1x1x16xi32>,
    %swap3A_373 = vector.shape_cast %swap3A_372 : vector<1x1x16xi32> to vector<16xi32>
    %swap3A_374 = vector.shape_cast %add3A_366 : vector<16xi32> to vector<1x1x16xi32>
    tpu.vector_store %arg6[%swap3A_369, %swap3A_370, %swap3A_371], %swap3A_374 {strides = array<i32>} : memref<11x8x128xi32, #tpu.memory_space<vmem>>, vector<1x1x16xi32>,
    %add3A_375 = arith.constant 10128 : i32
    %add3A_376 = vector.broadcast %add3A_375 : i32 to vector<16xi32>
    %add3A_377 = arith.addi %add3A_376, %iota3A : vector<16xi32>
    %swap3A_378 = arith.constant 10 : i32
    %swap3A_379 = arith.constant 4 : i32
    %swap3A_380 = arith.index_cast %swap3A_378 : i32 to index
    %swap3A_381 = arith.index_cast %swap3A_379 : i32 to index
    %swap3A_382 = arith.constant 16 : index
    %swap3A_383 = tpu.vector_load %arg6[%swap3A_380, %swap3A_381, %swap3A_382] {strides = array<i32>} : memref<11x8x128xi32, #tpu.memory_space<vmem>>, vector<1x1x16xi32>,
    %swap3A_384 = vector.shape_cast %swap3A_383 : vector<1x1x16xi32> to vector<16xi32>
    %swap3A_385 = vector.shape_cast %add3A_377 : vector<16xi32> to vector<1x1x16xi32>
    tpu.vector_store %arg6[%swap3A_380, %swap3A_381, %swap3A_382], %swap3A_385 {strides = array<i32>} : memref<11x8x128xi32, #tpu.memory_space<vmem>>, vector<1x1x16xi32>,
    %add3A_386 = arith.constant 10144 : i32
    %add3A_387 = vector.broadcast %add3A_386 : i32 to vector<16xi32>
    %add3A_388 = arith.addi %add3A_387, %iota3A : vector<16xi32>
    %swap3A_389 = arith.constant 10 : i32
    %swap3A_390 = arith.constant 4 : i32
    %swap3A_391 = arith.index_cast %swap3A_389 : i32 to index
    %swap3A_392 = arith.index_cast %swap3A_390 : i32 to index
    %swap3A_393 = arith.constant 32 : index
    %swap3A_394 = tpu.vector_load %arg6[%swap3A_391, %swap3A_392, %swap3A_393] {strides = array<i32>} : memref<11x8x128xi32, #tpu.memory_space<vmem>>, vector<1x1x16xi32>,
    %swap3A_395 = vector.shape_cast %swap3A_394 : vector<1x1x16xi32> to vector<16xi32>
    %swap3A_396 = vector.shape_cast %add3A_388 : vector<16xi32> to vector<1x1x16xi32>
    tpu.vector_store %arg6[%swap3A_391, %swap3A_392, %swap3A_393], %swap3A_396 {strides = array<i32>} : memref<11x8x128xi32, #tpu.memory_space<vmem>>, vector<1x1x16xi32>,
    %add3A_397 = arith.constant 10160 : i32
    %add3A_398 = vector.broadcast %add3A_397 : i32 to vector<16xi32>
    %add3A_399 = arith.addi %add3A_398, %iota3A : vector<16xi32>
    %swap3A_400 = arith.constant 10 : i32
    %swap3A_401 = arith.constant 4 : i32
    %swap3A_402 = arith.index_cast %swap3A_400 : i32 to index
    %swap3A_403 = arith.index_cast %swap3A_401 : i32 to index
    %swap3A_404 = arith.constant 48 : index
    %swap3A_405 = tpu.vector_load %arg6[%swap3A_402, %swap3A_403, %swap3A_404] {strides = array<i32>} : memref<11x8x128xi32, #tpu.memory_space<vmem>>, vector<1x1x16xi32>,
    %swap3A_406 = vector.shape_cast %swap3A_405 : vector<1x1x16xi32> to vector<16xi32>
    %swap3A_407 = vector.shape_cast %add3A_399 : vector<16xi32> to vector<1x1x16xi32>
    tpu.vector_store %arg6[%swap3A_402, %swap3A_403, %swap3A_404], %swap3A_407 {strides = array<i32>} : memref<11x8x128xi32, #tpu.memory_space<vmem>>, vector<1x1x16xi32>,
    %add3A_408 = arith.constant 10176 : i32
    %add3A_409 = vector.broadcast %add3A_408 : i32 to vector<16xi32>
    %add3A_410 = arith.addi %add3A_409, %iota3A : vector<16xi32>
    %swap3A_411 = arith.constant 10 : i32
    %swap3A_412 = arith.constant 4 : i32
    %swap3A_413 = arith.index_cast %swap3A_411 : i32 to index
    %swap3A_414 = arith.index_cast %swap3A_412 : i32 to index
    %swap3A_415 = arith.constant 64 : index
    %swap3A_416 = tpu.vector_load %arg6[%swap3A_413, %swap3A_414, %swap3A_415] {strides = array<i32>} : memref<11x8x128xi32, #tpu.memory_space<vmem>>, vector<1x1x16xi32>,
    %swap3A_417 = vector.shape_cast %swap3A_416 : vector<1x1x16xi32> to vector<16xi32>
    %swap3A_418 = vector.shape_cast %add3A_410 : vector<16xi32> to vector<1x1x16xi32>
    tpu.vector_store %arg6[%swap3A_413, %swap3A_414, %swap3A_415], %swap3A_418 {strides = array<i32>} : memref<11x8x128xi32, #tpu.memory_space<vmem>>, vector<1x1x16xi32>,
    %add3A_419 = arith.constant 10192 : i32
    %add3A_420 = vector.broadcast %add3A_419 : i32 to vector<16xi32>
    %add3A_421 = arith.addi %add3A_420, %iota3A : vector<16xi32>
    %swap3A_422 = arith.constant 10 : i32
    %swap3A_423 = arith.constant 4 : i32
    %swap3A_424 = arith.index_cast %swap3A_422 : i32 to index
    %swap3A_425 = arith.index_cast %swap3A_423 : i32 to index
    %swap3A_426 = arith.constant 80 : index
    %swap3A_427 = tpu.vector_load %arg6[%swap3A_424, %swap3A_425, %swap3A_426] {strides = array<i32>} : memref<11x8x128xi32, #tpu.memory_space<vmem>>, vector<1x1x16xi32>,
    %swap3A_428 = vector.shape_cast %swap3A_427 : vector<1x1x16xi32> to vector<16xi32>
    %swap3A_429 = vector.shape_cast %add3A_421 : vector<16xi32> to vector<1x1x16xi32>
    tpu.vector_store %arg6[%swap3A_424, %swap3A_425, %swap3A_426], %swap3A_429 {strides = array<i32>} : memref<11x8x128xi32, #tpu.memory_space<vmem>>, vector<1x1x16xi32>,
    %add3A_430 = arith.constant 10208 : i32
    %add3A_431 = vector.broadcast %add3A_430 : i32 to vector<16xi32>
    %add3A_432 = arith.addi %add3A_431, %iota3A : vector<16xi32>
    %swap3A_433 = arith.constant 10 : i32
    %swap3A_434 = arith.constant 4 : i32
    %swap3A_435 = arith.index_cast %swap3A_433 : i32 to index
    %swap3A_436 = arith.index_cast %swap3A_434 : i32 to index
    %swap3A_437 = arith.constant 96 : index
    %swap3A_438 = tpu.vector_load %arg6[%swap3A_435, %swap3A_436, %swap3A_437] {strides = array<i32>} : memref<11x8x128xi32, #tpu.memory_space<vmem>>, vector<1x1x16xi32>,
    %swap3A_439 = vector.shape_cast %swap3A_438 : vector<1x1x16xi32> to vector<16xi32>
    %swap3A_440 = vector.shape_cast %add3A_432 : vector<16xi32> to vector<1x1x16xi32>
    tpu.vector_store %arg6[%swap3A_435, %swap3A_436, %swap3A_437], %swap3A_440 {strides = array<i32>} : memref<11x8x128xi32, #tpu.memory_space<vmem>>, vector<1x1x16xi32>,
    %add3A_441 = arith.constant 10224 : i32
    %add3A_442 = vector.broadcast %add3A_441 : i32 to vector<16xi32>
    %add3A_443 = arith.addi %add3A_442, %iota3A : vector<16xi32>
    %swap3A_444 = arith.constant 10 : i32
    %swap3A_445 = arith.constant 4 : i32
    %swap3A_446 = arith.index_cast %swap3A_444 : i32 to index
    %swap3A_447 = arith.index_cast %swap3A_445 : i32 to index
    %swap3A_448 = arith.constant 112 : index
    %swap3A_449 = tpu.vector_load %arg6[%swap3A_446, %swap3A_447, %swap3A_448] {strides = array<i32>} : memref<11x8x128xi32, #tpu.memory_space<vmem>>, vector<1x1x16xi32>,
    %swap3A_450 = vector.shape_cast %swap3A_449 : vector<1x1x16xi32> to vector<16xi32>
    %swap3A_451 = vector.shape_cast %add3A_443 : vector<16xi32> to vector<1x1x16xi32>
    tpu.vector_store %arg6[%swap3A_446, %swap3A_447, %swap3A_448], %swap3A_451 {strides = array<i32>} : memref<11x8x128xi32, #tpu.memory_space<vmem>>, vector<1x1x16xi32>,
    %add3A_452 = arith.constant 10112 : i32
    %add3A_453 = vector.broadcast %add3A_452 : i32 to vector<16xi32>
    %add3A_454 = arith.addi %add3A_453, %iota3A : vector<16xi32>
    %swap3A_455 = arith.constant 10 : i32
    %swap3A_456 = arith.constant 5 : i32
    %swap3A_457 = arith.index_cast %swap3A_455 : i32 to index
    %swap3A_458 = arith.index_cast %swap3A_456 : i32 to index
    %swap3A_459 = arith.constant 0 : index
    %swap3A_460 = tpu.vector_load %arg6[%swap3A_457, %swap3A_458, %swap3A_459] {strides = array<i32>} : memref<11x8x128xi32, #tpu.memory_space<vmem>>, vector<1x1x16xi32>,
    %swap3A_461 = vector.shape_cast %swap3A_460 : vector<1x1x16xi32> to vector<16xi32>
    %swap3A_462 = vector.shape_cast %add3A_454 : vector<16xi32> to vector<1x1x16xi32>
    tpu.vector_store %arg6[%swap3A_457, %swap3A_458, %swap3A_459], %swap3A_462 {strides = array<i32>} : memref<11x8x128xi32, #tpu.memory_space<vmem>>, vector<1x1x16xi32>,
    %add3A_463 = arith.constant 10128 : i32
    %add3A_464 = vector.broadcast %add3A_463 : i32 to vector<16xi32>
    %add3A_465 = arith.addi %add3A_464, %iota3A : vector<16xi32>
    %swap3A_466 = arith.constant 10 : i32
    %swap3A_467 = arith.constant 5 : i32
    %swap3A_468 = arith.index_cast %swap3A_466 : i32 to index
    %swap3A_469 = arith.index_cast %swap3A_467 : i32 to index
    %swap3A_470 = arith.constant 16 : index
    %swap3A_471 = tpu.vector_load %arg6[%swap3A_468, %swap3A_469, %swap3A_470] {strides = array<i32>} : memref<11x8x128xi32, #tpu.memory_space<vmem>>, vector<1x1x16xi32>,
    %swap3A_472 = vector.shape_cast %swap3A_471 : vector<1x1x16xi32> to vector<16xi32>
    %swap3A_473 = vector.shape_cast %add3A_465 : vector<16xi32> to vector<1x1x16xi32>
    tpu.vector_store %arg6[%swap3A_468, %swap3A_469, %swap3A_470], %swap3A_473 {strides = array<i32>} : memref<11x8x128xi32, #tpu.memory_space<vmem>>, vector<1x1x16xi32>,
    %add3A_474 = arith.constant 10144 : i32
    %add3A_475 = vector.broadcast %add3A_474 : i32 to vector<16xi32>
    %add3A_476 = arith.addi %add3A_475, %iota3A : vector<16xi32>
    %swap3A_477 = arith.constant 10 : i32
    %swap3A_478 = arith.constant 5 : i32
    %swap3A_479 = arith.index_cast %swap3A_477 : i32 to index
    %swap3A_480 = arith.index_cast %swap3A_478 : i32 to index
    %swap3A_481 = arith.constant 32 : index
    %swap3A_482 = tpu.vector_load %arg6[%swap3A_479, %swap3A_480, %swap3A_481] {strides = array<i32>} : memref<11x8x128xi32, #tpu.memory_space<vmem>>, vector<1x1x16xi32>,
    %swap3A_483 = vector.shape_cast %swap3A_482 : vector<1x1x16xi32> to vector<16xi32>
    %swap3A_484 = vector.shape_cast %add3A_476 : vector<16xi32> to vector<1x1x16xi32>
    tpu.vector_store %arg6[%swap3A_479, %swap3A_480, %swap3A_481], %swap3A_484 {strides = array<i32>} : memref<11x8x128xi32, #tpu.memory_space<vmem>>, vector<1x1x16xi32>,
    %add3A_485 = arith.constant 10160 : i32
    %add3A_486 = vector.broadcast %add3A_485 : i32 to vector<16xi32>
    %add3A_487 = arith.addi %add3A_486, %iota3A : vector<16xi32>
    %swap3A_488 = arith.constant 10 : i32
    %swap3A_489 = arith.constant 5 : i32
    %swap3A_490 = arith.index_cast %swap3A_488 : i32 to index
    %swap3A_491 = arith.index_cast %swap3A_489 : i32 to index
    %swap3A_492 = arith.constant 48 : index
    %swap3A_493 = tpu.vector_load %arg6[%swap3A_490, %swap3A_491, %swap3A_492] {strides = array<i32>} : memref<11x8x128xi32, #tpu.memory_space<vmem>>, vector<1x1x16xi32>,
    %swap3A_494 = vector.shape_cast %swap3A_493 : vector<1x1x16xi32> to vector<16xi32>
    %swap3A_495 = vector.shape_cast %add3A_487 : vector<16xi32> to vector<1x1x16xi32>
    tpu.vector_store %arg6[%swap3A_490, %swap3A_491, %swap3A_492], %swap3A_495 {strides = array<i32>} : memref<11x8x128xi32, #tpu.memory_space<vmem>>, vector<1x1x16xi32>,
    %add3A_496 = arith.constant 10176 : i32
    %add3A_497 = vector.broadcast %add3A_496 : i32 to vector<16xi32>
    %add3A_498 = arith.addi %add3A_497, %iota3A : vector<16xi32>
    %swap3A_499 = arith.constant 10 : i32
    %swap3A_500 = arith.constant 5 : i32
    %swap3A_501 = arith.index_cast %swap3A_499 : i32 to index
    %swap3A_502 = arith.index_cast %swap3A_500 : i32 to index
    %swap3A_503 = arith.constant 64 : index
    %swap3A_504 = tpu.vector_load %arg6[%swap3A_501, %swap3A_502, %swap3A_503] {strides = array<i32>} : memref<11x8x128xi32, #tpu.memory_space<vmem>>, vector<1x1x16xi32>,
    %swap3A_505 = vector.shape_cast %swap3A_504 : vector<1x1x16xi32> to vector<16xi32>
    %swap3A_506 = vector.shape_cast %add3A_498 : vector<16xi32> to vector<1x1x16xi32>
    tpu.vector_store %arg6[%swap3A_501, %swap3A_502, %swap3A_503], %swap3A_506 {strides = array<i32>} : memref<11x8x128xi32, #tpu.memory_space<vmem>>, vector<1x1x16xi32>,
    %add3A_507 = arith.constant 10192 : i32
    %add3A_508 = vector.broadcast %add3A_507 : i32 to vector<16xi32>
    %add3A_509 = arith.addi %add3A_508, %iota3A : vector<16xi32>
    %swap3A_510 = arith.constant 10 : i32
    %swap3A_511 = arith.constant 5 : i32
    %swap3A_512 = arith.index_cast %swap3A_510 : i32 to index
    %swap3A_513 = arith.index_cast %swap3A_511 : i32 to index
    %swap3A_514 = arith.constant 80 : index
    %swap3A_515 = tpu.vector_load %arg6[%swap3A_512, %swap3A_513, %swap3A_514] {strides = array<i32>} : memref<11x8x128xi32, #tpu.memory_space<vmem>>, vector<1x1x16xi32>,
    %swap3A_516 = vector.shape_cast %swap3A_515 : vector<1x1x16xi32> to vector<16xi32>
    %swap3A_517 = vector.shape_cast %add3A_509 : vector<16xi32> to vector<1x1x16xi32>
    tpu.vector_store %arg6[%swap3A_512, %swap3A_513, %swap3A_514], %swap3A_517 {strides = array<i32>} : memref<11x8x128xi32, #tpu.memory_space<vmem>>, vector<1x1x16xi32>,
    %add3A_518 = arith.constant 10208 : i32
    %add3A_519 = vector.broadcast %add3A_518 : i32 to vector<16xi32>
    %add3A_520 = arith.addi %add3A_519, %iota3A : vector<16xi32>
    %swap3A_521 = arith.constant 10 : i32
    %swap3A_522 = arith.constant 5 : i32
    %swap3A_523 = arith.index_cast %swap3A_521 : i32 to index
    %swap3A_524 = arith.index_cast %swap3A_522 : i32 to index
    %swap3A_525 = arith.constant 96 : index
    %swap3A_526 = tpu.vector_load %arg6[%swap3A_523, %swap3A_524, %swap3A_525] {strides = array<i32>} : memref<11x8x128xi32, #tpu.memory_space<vmem>>, vector<1x1x16xi32>,
    %swap3A_527 = vector.shape_cast %swap3A_526 : vector<1x1x16xi32> to vector<16xi32>
    %swap3A_528 = vector.shape_cast %add3A_520 : vector<16xi32> to vector<1x1x16xi32>
    tpu.vector_store %arg6[%swap3A_523, %swap3A_524, %swap3A_525], %swap3A_528 {strides = array<i32>} : memref<11x8x128xi32, #tpu.memory_space<vmem>>, vector<1x1x16xi32>,
    %add3A_529 = arith.constant 10224 : i32
    %add3A_530 = vector.broadcast %add3A_529 : i32 to vector<16xi32>
    %add3A_531 = arith.addi %add3A_530, %iota3A : vector<16xi32>
    %swap3A_532 = arith.constant 10 : i32
    %swap3A_533 = arith.constant 5 : i32
    %swap3A_534 = arith.index_cast %swap3A_532 : i32 to index
    %swap3A_535 = arith.index_cast %swap3A_533 : i32 to index
    %swap3A_536 = arith.constant 112 : index
    %swap3A_537 = tpu.vector_load %arg6[%swap3A_534, %swap3A_535, %swap3A_536] {strides = array<i32>} : memref<11x8x128xi32, #tpu.memory_space<vmem>>, vector<1x1x16xi32>,
    %swap3A_538 = vector.shape_cast %swap3A_537 : vector<1x1x16xi32> to vector<16xi32>
    %swap3A_539 = vector.shape_cast %add3A_531 : vector<16xi32> to vector<1x1x16xi32>
    tpu.vector_store %arg6[%swap3A_534, %swap3A_535, %swap3A_536], %swap3A_539 {strides = array<i32>} : memref<11x8x128xi32, #tpu.memory_space<vmem>>, vector<1x1x16xi32>,
    %add3A_540 = arith.constant 10112 : i32
    %add3A_541 = vector.broadcast %add3A_540 : i32 to vector<16xi32>
    %add3A_542 = arith.addi %add3A_541, %iota3A : vector<16xi32>
    %swap3A_543 = arith.constant 10 : i32
    %swap3A_544 = arith.constant 6 : i32
    %swap3A_545 = arith.index_cast %swap3A_543 : i32 to index
    %swap3A_546 = arith.index_cast %swap3A_544 : i32 to index
    %swap3A_547 = arith.constant 0 : index
    %swap3A_548 = tpu.vector_load %arg6[%swap3A_545, %swap3A_546, %swap3A_547] {strides = array<i32>} : memref<11x8x128xi32, #tpu.memory_space<vmem>>, vector<1x1x16xi32>,
    %swap3A_549 = vector.shape_cast %swap3A_548 : vector<1x1x16xi32> to vector<16xi32>
    %swap3A_550 = vector.shape_cast %add3A_542 : vector<16xi32> to vector<1x1x16xi32>
    tpu.vector_store %arg6[%swap3A_545, %swap3A_546, %swap3A_547], %swap3A_550 {strides = array<i32>} : memref<11x8x128xi32, #tpu.memory_space<vmem>>, vector<1x1x16xi32>,
    %add3A_551 = arith.constant 10128 : i32
    %add3A_552 = vector.broadcast %add3A_551 : i32 to vector<16xi32>
    %add3A_553 = arith.addi %add3A_552, %iota3A : vector<16xi32>
    %swap3A_554 = arith.constant 10 : i32
    %swap3A_555 = arith.constant 6 : i32
    %swap3A_556 = arith.index_cast %swap3A_554 : i32 to index
    %swap3A_557 = arith.index_cast %swap3A_555 : i32 to index
    %swap3A_558 = arith.constant 16 : index
    %swap3A_559 = tpu.vector_load %arg6[%swap3A_556, %swap3A_557, %swap3A_558] {strides = array<i32>} : memref<11x8x128xi32, #tpu.memory_space<vmem>>, vector<1x1x16xi32>,
    %swap3A_560 = vector.shape_cast %swap3A_559 : vector<1x1x16xi32> to vector<16xi32>
    %swap3A_561 = vector.shape_cast %add3A_553 : vector<16xi32> to vector<1x1x16xi32>
    tpu.vector_store %arg6[%swap3A_556, %swap3A_557, %swap3A_558], %swap3A_561 {strides = array<i32>} : memref<11x8x128xi32, #tpu.memory_space<vmem>>, vector<1x1x16xi32>,
    %add3A_562 = arith.constant 10144 : i32
    %add3A_563 = vector.broadcast %add3A_562 : i32 to vector<16xi32>
    %add3A_564 = arith.addi %add3A_563, %iota3A : vector<16xi32>
    %swap3A_565 = arith.constant 10 : i32
    %swap3A_566 = arith.constant 6 : i32
    %swap3A_567 = arith.index_cast %swap3A_565 : i32 to index
    %swap3A_568 = arith.index_cast %swap3A_566 : i32 to index
    %swap3A_569 = arith.constant 32 : index
    %swap3A_570 = tpu.vector_load %arg6[%swap3A_567, %swap3A_568, %swap3A_569] {strides = array<i32>} : memref<11x8x128xi32, #tpu.memory_space<vmem>>, vector<1x1x16xi32>,
    %swap3A_571 = vector.shape_cast %swap3A_570 : vector<1x1x16xi32> to vector<16xi32>
    %swap3A_572 = vector.shape_cast %add3A_564 : vector<16xi32> to vector<1x1x16xi32>
    tpu.vector_store %arg6[%swap3A_567, %swap3A_568, %swap3A_569], %swap3A_572 {strides = array<i32>} : memref<11x8x128xi32, #tpu.memory_space<vmem>>, vector<1x1x16xi32>,
    %add3A_573 = arith.constant 10160 : i32
    %add3A_574 = vector.broadcast %add3A_573 : i32 to vector<16xi32>
    %add3A_575 = arith.addi %add3A_574, %iota3A : vector<16xi32>
    %swap3A_576 = arith.constant 10 : i32
    %swap3A_577 = arith.constant 6 : i32
    %swap3A_578 = arith.index_cast %swap3A_576 : i32 to index
    %swap3A_579 = arith.index_cast %swap3A_577 : i32 to index
    %swap3A_580 = arith.constant 48 : index
    %swap3A_581 = tpu.vector_load %arg6[%swap3A_578, %swap3A_579, %swap3A_580] {strides = array<i32>} : memref<11x8x128xi32, #tpu.memory_space<vmem>>, vector<1x1x16xi32>,
    %swap3A_582 = vector.shape_cast %swap3A_581 : vector<1x1x16xi32> to vector<16xi32>
    %swap3A_583 = vector.shape_cast %add3A_575 : vector<16xi32> to vector<1x1x16xi32>
    tpu.vector_store %arg6[%swap3A_578, %swap3A_579, %swap3A_580], %swap3A_583 {strides = array<i32>} : memref<11x8x128xi32, #tpu.memory_space<vmem>>, vector<1x1x16xi32>,
    %add3A_584 = arith.constant 10176 : i32
    %add3A_585 = vector.broadcast %add3A_584 : i32 to vector<16xi32>
    %add3A_586 = arith.addi %add3A_585, %iota3A : vector<16xi32>
    %swap3A_587 = arith.constant 10 : i32
    %swap3A_588 = arith.constant 6 : i32
    %swap3A_589 = arith.index_cast %swap3A_587 : i32 to index
    %swap3A_590 = arith.index_cast %swap3A_588 : i32 to index
    %swap3A_591 = arith.constant 64 : index
    %swap3A_592 = tpu.vector_load %arg6[%swap3A_589, %swap3A_590, %swap3A_591] {strides = array<i32>} : memref<11x8x128xi32, #tpu.memory_space<vmem>>, vector<1x1x16xi32>,
    %swap3A_593 = vector.shape_cast %swap3A_592 : vector<1x1x16xi32> to vector<16xi32>
    %swap3A_594 = vector.shape_cast %add3A_586 : vector<16xi32> to vector<1x1x16xi32>
    tpu.vector_store %arg6[%swap3A_589, %swap3A_590, %swap3A_591], %swap3A_594 {strides = array<i32>} : memref<11x8x128xi32, #tpu.memory_space<vmem>>, vector<1x1x16xi32>,
    %add3A_595 = arith.constant 10192 : i32
    %add3A_596 = vector.broadcast %add3A_595 : i32 to vector<16xi32>
    %add3A_597 = arith.addi %add3A_596, %iota3A : vector<16xi32>
    %swap3A_598 = arith.constant 10 : i32
    %swap3A_599 = arith.constant 6 : i32
    %swap3A_600 = arith.index_cast %swap3A_598 : i32 to index
    %swap3A_601 = arith.index_cast %swap3A_599 : i32 to index
    %swap3A_602 = arith.constant 80 : index
    %swap3A_603 = tpu.vector_load %arg6[%swap3A_600, %swap3A_601, %swap3A_602] {strides = array<i32>} : memref<11x8x128xi32, #tpu.memory_space<vmem>>, vector<1x1x16xi32>,
    %swap3A_604 = vector.shape_cast %swap3A_603 : vector<1x1x16xi32> to vector<16xi32>
    %swap3A_605 = vector.shape_cast %add3A_597 : vector<16xi32> to vector<1x1x16xi32>
    tpu.vector_store %arg6[%swap3A_600, %swap3A_601, %swap3A_602], %swap3A_605 {strides = array<i32>} : memref<11x8x128xi32, #tpu.memory_space<vmem>>, vector<1x1x16xi32>,
    %add3A_606 = arith.constant 10208 : i32
    %add3A_607 = vector.broadcast %add3A_606 : i32 to vector<16xi32>
    %add3A_608 = arith.addi %add3A_607, %iota3A : vector<16xi32>
    %swap3A_609 = arith.constant 10 : i32
    %swap3A_610 = arith.constant 6 : i32
    %swap3A_611 = arith.index_cast %swap3A_609 : i32 to index
    %swap3A_612 = arith.index_cast %swap3A_610 : i32 to index
    %swap3A_613 = arith.constant 96 : index
    %swap3A_614 = tpu.vector_load %arg6[%swap3A_611, %swap3A_612, %swap3A_613] {strides = array<i32>} : memref<11x8x128xi32, #tpu.memory_space<vmem>>, vector<1x1x16xi32>,
    %swap3A_615 = vector.shape_cast %swap3A_614 : vector<1x1x16xi32> to vector<16xi32>
    %swap3A_616 = vector.shape_cast %add3A_608 : vector<16xi32> to vector<1x1x16xi32>
    tpu.vector_store %arg6[%swap3A_611, %swap3A_612, %swap3A_613], %swap3A_616 {strides = array<i32>} : memref<11x8x128xi32, #tpu.memory_space<vmem>>, vector<1x1x16xi32>,
    %add3A_617 = arith.constant 10224 : i32
    %add3A_618 = vector.broadcast %add3A_617 : i32 to vector<16xi32>
    %add3A_619 = arith.addi %add3A_618, %iota3A : vector<16xi32>
    %swap3A_620 = arith.constant 10 : i32
    %swap3A_621 = arith.constant 6 : i32
    %swap3A_622 = arith.index_cast %swap3A_620 : i32 to index
    %swap3A_623 = arith.index_cast %swap3A_621 : i32 to index
    %swap3A_624 = arith.constant 112 : index
    %swap3A_625 = tpu.vector_load %arg6[%swap3A_622, %swap3A_623, %swap3A_624] {strides = array<i32>} : memref<11x8x128xi32, #tpu.memory_space<vmem>>, vector<1x1x16xi32>,
    %swap3A_626 = vector.shape_cast %swap3A_625 : vector<1x1x16xi32> to vector<16xi32>
    %swap3A_627 = vector.shape_cast %add3A_619 : vector<16xi32> to vector<1x1x16xi32>
    tpu.vector_store %arg6[%swap3A_622, %swap3A_623, %swap3A_624], %swap3A_627 {strides = array<i32>} : memref<11x8x128xi32, #tpu.memory_space<vmem>>, vector<1x1x16xi32>,
    %add3A_628 = arith.constant 10112 : i32
    %add3A_629 = vector.broadcast %add3A_628 : i32 to vector<16xi32>
    %add3A_630 = arith.addi %add3A_629, %iota3A : vector<16xi32>
    %swap3A_631 = arith.constant 10 : i32
    %swap3A_632 = arith.constant 7 : i32
    %swap3A_633 = arith.index_cast %swap3A_631 : i32 to index
    %swap3A_634 = arith.index_cast %swap3A_632 : i32 to index
    %swap3A_635 = arith.constant 0 : index
    %swap3A_636 = tpu.vector_load %arg6[%swap3A_633, %swap3A_634, %swap3A_635] {strides = array<i32>} : memref<11x8x128xi32, #tpu.memory_space<vmem>>, vector<1x1x16xi32>,
    %swap3A_637 = vector.shape_cast %swap3A_636 : vector<1x1x16xi32> to vector<16xi32>
    %swap3A_638 = vector.shape_cast %add3A_630 : vector<16xi32> to vector<1x1x16xi32>
    tpu.vector_store %arg6[%swap3A_633, %swap3A_634, %swap3A_635], %swap3A_638 {strides = array<i32>} : memref<11x8x128xi32, #tpu.memory_space<vmem>>, vector<1x1x16xi32>,
    %add3A_639 = arith.constant 10128 : i32
    %add3A_640 = vector.broadcast %add3A_639 : i32 to vector<16xi32>
    %add3A_641 = arith.addi %add3A_640, %iota3A : vector<16xi32>
    %swap3A_642 = arith.constant 10 : i32
    %swap3A_643 = arith.constant 7 : i32
    %swap3A_644 = arith.index_cast %swap3A_642 : i32 to index
    %swap3A_645 = arith.index_cast %swap3A_643 : i32 to index
    %swap3A_646 = arith.constant 16 : index
    %swap3A_647 = tpu.vector_load %arg6[%swap3A_644, %swap3A_645, %swap3A_646] {strides = array<i32>} : memref<11x8x128xi32, #tpu.memory_space<vmem>>, vector<1x1x16xi32>,
    %swap3A_648 = vector.shape_cast %swap3A_647 : vector<1x1x16xi32> to vector<16xi32>
    %swap3A_649 = vector.shape_cast %add3A_641 : vector<16xi32> to vector<1x1x16xi32>
    tpu.vector_store %arg6[%swap3A_644, %swap3A_645, %swap3A_646], %swap3A_649 {strides = array<i32>} : memref<11x8x128xi32, #tpu.memory_space<vmem>>, vector<1x1x16xi32>,
    %add3A_650 = arith.constant 10144 : i32
    %add3A_651 = vector.broadcast %add3A_650 : i32 to vector<16xi32>
    %add3A_652 = arith.addi %add3A_651, %iota3A : vector<16xi32>
    %swap3A_653 = arith.constant 10 : i32
    %swap3A_654 = arith.constant 7 : i32
    %swap3A_655 = arith.index_cast %swap3A_653 : i32 to index
    %swap3A_656 = arith.index_cast %swap3A_654 : i32 to index
    %swap3A_657 = arith.constant 32 : index
    %swap3A_658 = tpu.vector_load %arg6[%swap3A_655, %swap3A_656, %swap3A_657] {strides = array<i32>} : memref<11x8x128xi32, #tpu.memory_space<vmem>>, vector<1x1x16xi32>,
    %swap3A_659 = vector.shape_cast %swap3A_658 : vector<1x1x16xi32> to vector<16xi32>
    %swap3A_660 = vector.shape_cast %add3A_652 : vector<16xi32> to vector<1x1x16xi32>
    tpu.vector_store %arg6[%swap3A_655, %swap3A_656, %swap3A_657], %swap3A_660 {strides = array<i32>} : memref<11x8x128xi32, #tpu.memory_space<vmem>>, vector<1x1x16xi32>,
    %add3A_661 = arith.constant 10160 : i32
    %add3A_662 = vector.broadcast %add3A_661 : i32 to vector<16xi32>
    %add3A_663 = arith.addi %add3A_662, %iota3A : vector<16xi32>
    %swap3A_664 = arith.constant 10 : i32
    %swap3A_665 = arith.constant 7 : i32
    %swap3A_666 = arith.index_cast %swap3A_664 : i32 to index
    %swap3A_667 = arith.index_cast %swap3A_665 : i32 to index
    %swap3A_668 = arith.constant 48 : index
    %swap3A_669 = tpu.vector_load %arg6[%swap3A_666, %swap3A_667, %swap3A_668] {strides = array<i32>} : memref<11x8x128xi32, #tpu.memory_space<vmem>>, vector<1x1x16xi32>,
    %swap3A_670 = vector.shape_cast %swap3A_669 : vector<1x1x16xi32> to vector<16xi32>
    %swap3A_671 = vector.shape_cast %add3A_663 : vector<16xi32> to vector<1x1x16xi32>
    tpu.vector_store %arg6[%swap3A_666, %swap3A_667, %swap3A_668], %swap3A_671 {strides = array<i32>} : memref<11x8x128xi32, #tpu.memory_space<vmem>>, vector<1x1x16xi32>,
    %add3A_672 = arith.constant 10176 : i32
    %add3A_673 = vector.broadcast %add3A_672 : i32 to vector<16xi32>
    %add3A_674 = arith.addi %add3A_673, %iota3A : vector<16xi32>
    %swap3A_675 = arith.constant 10 : i32
    %swap3A_676 = arith.constant 7 : i32
    %swap3A_677 = arith.index_cast %swap3A_675 : i32 to index
    %swap3A_678 = arith.index_cast %swap3A_676 : i32 to index
    %swap3A_679 = arith.constant 64 : index
    %swap3A_680 = tpu.vector_load %arg6[%swap3A_677, %swap3A_678, %swap3A_679] {strides = array<i32>} : memref<11x8x128xi32, #tpu.memory_space<vmem>>, vector<1x1x16xi32>,
    %swap3A_681 = vector.shape_cast %swap3A_680 : vector<1x1x16xi32> to vector<16xi32>
    %swap3A_682 = vector.shape_cast %add3A_674 : vector<16xi32> to vector<1x1x16xi32>
    tpu.vector_store %arg6[%swap3A_677, %swap3A_678, %swap3A_679], %swap3A_682 {strides = array<i32>} : memref<11x8x128xi32, #tpu.memory_space<vmem>>, vector<1x1x16xi32>,
    %add3A_683 = arith.constant 10192 : i32
    %add3A_684 = vector.broadcast %add3A_683 : i32 to vector<16xi32>
    %add3A_685 = arith.addi %add3A_684, %iota3A : vector<16xi32>
    %swap3A_686 = arith.constant 10 : i32
    %swap3A_687 = arith.constant 7 : i32
    %swap3A_688 = arith.index_cast %swap3A_686 : i32 to index
    %swap3A_689 = arith.index_cast %swap3A_687 : i32 to index
    %swap3A_690 = arith.constant 80 : index
    %swap3A_691 = tpu.vector_load %arg6[%swap3A_688, %swap3A_689, %swap3A_690] {strides = array<i32>} : memref<11x8x128xi32, #tpu.memory_space<vmem>>, vector<1x1x16xi32>,
    %swap3A_692 = vector.shape_cast %swap3A_691 : vector<1x1x16xi32> to vector<16xi32>
    %swap3A_693 = vector.shape_cast %add3A_685 : vector<16xi32> to vector<1x1x16xi32>
    tpu.vector_store %arg6[%swap3A_688, %swap3A_689, %swap3A_690], %swap3A_693 {strides = array<i32>} : memref<11x8x128xi32, #tpu.memory_space<vmem>>, vector<1x1x16xi32>,
    %add3A_694 = arith.constant 10208 : i32
    %add3A_695 = vector.broadcast %add3A_694 : i32 to vector<16xi32>
    %add3A_696 = arith.addi %add3A_695, %iota3A : vector<16xi32>
    %swap3A_697 = arith.constant 10 : i32
    %swap3A_698 = arith.constant 7 : i32
    %swap3A_699 = arith.index_cast %swap3A_697 : i32 to index
    %swap3A_700 = arith.index_cast %swap3A_698 : i32 to index
    %swap3A_701 = arith.constant 96 : index
    %swap3A_702 = tpu.vector_load %arg6[%swap3A_699, %swap3A_700, %swap3A_701] {strides = array<i32>} : memref<11x8x128xi32, #tpu.memory_space<vmem>>, vector<1x1x16xi32>,
    %swap3A_703 = vector.shape_cast %swap3A_702 : vector<1x1x16xi32> to vector<16xi32>
    %swap3A_704 = vector.shape_cast %add3A_696 : vector<16xi32> to vector<1x1x16xi32>
    tpu.vector_store %arg6[%swap3A_699, %swap3A_700, %swap3A_701], %swap3A_704 {strides = array<i32>} : memref<11x8x128xi32, #tpu.memory_space<vmem>>, vector<1x1x16xi32>,
    %add3A_705 = arith.constant 10224 : i32
    %add3A_706 = vector.broadcast %add3A_705 : i32 to vector<16xi32>
    %add3A_707 = arith.addi %add3A_706, %iota3A : vector<16xi32>
    %swap3A_708 = arith.constant 10 : i32
    %swap3A_709 = arith.constant 7 : i32
    %swap3A_710 = arith.index_cast %swap3A_708 : i32 to index
    %swap3A_711 = arith.index_cast %swap3A_709 : i32 to index
    %swap3A_712 = arith.constant 112 : index
    %swap3A_713 = tpu.vector_load %arg6[%swap3A_710, %swap3A_711, %swap3A_712] {strides = array<i32>} : memref<11x8x128xi32, #tpu.memory_space<vmem>>, vector<1x1x16xi32>,
    %swap3A_714 = vector.shape_cast %swap3A_713 : vector<1x1x16xi32> to vector<16xi32>
    %swap3A_715 = vector.shape_cast %add3A_707 : vector<16xi32> to vector<1x1x16xi32>
    tpu.vector_store %arg6[%swap3A_710, %swap3A_711, %swap3A_712], %swap3A_715 {strides = array<i32>} : memref<11x8x128xi32, #tpu.memory_space<vmem>>, vector<1x1x16xi32>,
    %mul3A_716 = arith.constant 640 : i32
    %mul3A_717 = arith.muli %arg1, %mul3A_716 : i32
    %mul3A_718 = arith.constant 640 : i32
    %mul3A_719 = arith.muli %arg1, %mul3A_718 : i32
    "tpu.region"() ({
      %run_scoped3A = tpu.sem_alloc : memref<!tpu.dma_semaphore, #tpu.memory_space<semaphore_mem>>
      %dma_start3A_1004 = arith.constant 0 : i32
      %dma_start3A_1005 = tpu.memref_slice %arg11[%mul3A_719, %dma_start3A_1004] : memref<10240x64xf32, #tpu.memory_space<vmem_shared>> -> memref<640x64xf32, #tpu.memory_space<vmem_shared>>
      %dma_start3A_1006 = arith.constant 0 : i32
      %dma_start3A_1007 = tpu.memref_slice %arg2[%mul3A_717, %dma_start3A_1006] : memref<10240x64xf32, #tpu.memory_space<hbm>> -> memref<640x64xf32, #tpu.memory_space<hbm>>
      tpu.enqueue_dma source(%dma_start3A_1007 : memref<640x64xf32, #tpu.memory_space<hbm>>) target(%dma_start3A_1005 : memref<640x64xf32, #tpu.memory_space<vmem_shared>>) target_semaphore(%run_scoped3A : memref<!tpu.dma_semaphore, #tpu.memory_space<semaphore_mem>>)
      %dma_wait3A_1008 = arith.constant 0 : i32
      %dma_wait3A_1009 = tpu.memref_slice %arg11[%mul3A_719, %dma_wait3A_1008] : memref<10240x64xf32, #tpu.memory_space<vmem_shared>> -> memref<640x64xf32, #tpu.memory_space<vmem_shared>>
      %dma_wait3A_1010 = arith.constant 0 : i32
      %dma_wait3A_1011 = tpu.memref_slice %arg2[%mul3A_717, %dma_wait3A_1010] : memref<10240x64xf32, #tpu.memory_space<hbm>> -> memref<640x64xf32, #tpu.memory_space<hbm>>
      tpu.wait_dma2 semaphore(%run_scoped3A : memref<!tpu.dma_semaphore, #tpu.memory_space<semaphore_mem>>) src(%dma_wait3A_1011 : memref<640x64xf32, #tpu.memory_space<hbm>>) dst(%dma_wait3A_1009 : memref<640x64xf32, #tpu.memory_space<vmem_shared>>)
      tpu.yield
    }) : () -> ()
    %barrier3A = arith.constant 0 : index
    tpu.barrier barrier_id(%barrier3A)
    %dma_start3A = arith.constant 0 : i32
    %dma_start3A_720 = arith.constant 0 : i32
    %dma_start3A_721 = arith.constant 0 : i32
    %dma_start3A_722 = tpu.memref_slice %arg6[%dma_start3A, %dma_start3A_720, %dma_start3A_721] : memref<11x8x128xi32, #tpu.memory_space<vmem>> -> memref<1x1x128xi32, #tpu.memory_space<vmem>>
    %dma_start3A_723 = tpu.memref_squeeze %dma_start3A_722 : memref<1x1x128xi32, #tpu.memory_space<vmem>> -> memref<128xi32, #tpu.memory_space<vmem>>
    %dma_start3A_724 = arith.constant 0 : i32
    %dma_start3A_725 = arith.constant 0 : i32
    %dma_start3A_726 = tpu.memref_slice %arg11[%dma_start3A_724, %dma_start3A_725] : memref<10240x64xf32, #tpu.memory_space<vmem_shared>> -> memref<10240x64xf32, #tpu.memory_space<vmem_shared>>
    tpu.enqueue_indirect_dma source(%dma_start3A_726 : memref<10240x64xf32, #tpu.memory_space<vmem_shared>>) target(%arg8 : memref<128x64xf32, #tpu.memory_space<vmem>>) offsets(%dma_start3A_723 : memref<128xi32, #tpu.memory_space<vmem>>) semaphore(%arg12 : memref<!tpu.dma_semaphore, #tpu.memory_space<semaphore_mem>>)
    %dma_wait3A = arith.constant 0 : i32
    %dma_wait3A_727 = arith.constant 0 : i32
    %dma_wait3A_728 = arith.constant 0 : i32
    %dma_wait3A_729 = tpu.memref_slice %arg6[%dma_wait3A, %dma_wait3A_727, %dma_wait3A_728] : memref<11x8x128xi32, #tpu.memory_space<vmem>> -> memref<1x1x128xi32, #tpu.memory_space<vmem>>
    %dma_wait3A_730 = tpu.memref_squeeze %dma_wait3A_729 : memref<1x1x128xi32, #tpu.memory_space<vmem>> -> memref<128xi32, #tpu.memory_space<vmem>>
    %dma_wait3A_731 = arith.constant 0 : i32
    %dma_wait3A_732 = arith.constant 0 : i32
    %dma_wait3A_733 = tpu.memref_slice %arg11[%dma_wait3A_731, %dma_wait3A_732] : memref<10240x64xf32, #tpu.memory_space<vmem_shared>> -> memref<10240x64xf32, #tpu.memory_space<vmem_shared>>
    tpu.wait_indirect_dma semaphore(%arg12 : memref<!tpu.dma_semaphore, #tpu.memory_space<semaphore_mem>>) src(%dma_wait3A_733 : memref<10240x64xf32, #tpu.memory_space<vmem_shared>>) dst(%arg8 : memref<128x64xf32, #tpu.memory_space<vmem>>)
    %dma_start3A_734 = arith.constant 0 : i32
    %dma_start3A_735 = arith.constant 0 : i32
    %dma_start3A_736 = arith.constant 0 : i32
    %dma_start3A_737 = tpu.memref_slice %arg7[%dma_start3A_734, %dma_start3A_735, %dma_start3A_736] : memref<10x8x128xi32, #tpu.memory_space<vmem>> -> memref<1x1x128xi32, #tpu.memory_space<vmem>>
    %dma_start3A_738 = tpu.memref_squeeze %dma_start3A_737 : memref<1x1x128xi32, #tpu.memory_space<vmem>> -> memref<128xi32, #tpu.memory_space<vmem>>
    %dma_start3A_739 = arith.constant 0 : i32
    %dma_start3A_740 = arith.constant 0 : i32
    %dma_start3A_741 = tpu.memref_slice %arg10[%dma_start3A_739, %dma_start3A_740] : memref<10240x64xf32, #tpu.memory_space<vmem_shared>> -> memref<10240x64xf32, #tpu.memory_space<vmem_shared>>
    tpu.enqueue_indirect_dma source(%arg8 : memref<128x64xf32, #tpu.memory_space<vmem>>) target(%dma_start3A_741 : memref<10240x64xf32, #tpu.memory_space<vmem_shared>>) offsets(%dma_start3A_738 : memref<128xi32, #tpu.memory_space<vmem>>) semaphore(%arg14 : memref<!tpu.dma_semaphore, #tpu.memory_space<semaphore_mem>>) {add = true}
    %dma_start3A_742 = arith.constant 0 : i32
    %dma_start3A_743 = arith.constant 1 : i32
    %dma_start3A_744 = arith.constant 0 : i32
    %dma_start3A_745 = tpu.memref_slice %arg6[%dma_start3A_742, %dma_start3A_743, %dma_start3A_744] : memref<11x8x128xi32, #tpu.memory_space<vmem>> -> memref<1x1x128xi32, #tpu.memory_space<vmem>>
    %dma_start3A_746 = tpu.memref_squeeze %dma_start3A_745 : memref<1x1x128xi32, #tpu.memory_space<vmem>> -> memref<128xi32, #tpu.memory_space<vmem>>
    %dma_start3A_747 = arith.constant 0 : i32
    %dma_start3A_748 = arith.constant 0 : i32
    %dma_start3A_749 = tpu.memref_slice %arg11[%dma_start3A_747, %dma_start3A_748] : memref<10240x64xf32, #tpu.memory_space<vmem_shared>> -> memref<10240x64xf32, #tpu.memory_space<vmem_shared>>
    tpu.enqueue_indirect_dma source(%dma_start3A_749 : memref<10240x64xf32, #tpu.memory_space<vmem_shared>>) target(%arg9 : memref<128x64xf32, #tpu.memory_space<vmem>>) offsets(%dma_start3A_746 : memref<128xi32, #tpu.memory_space<vmem>>) semaphore(%arg13 : memref<!tpu.dma_semaphore, #tpu.memory_space<semaphore_mem>>)
    %dma_wait3A_750 = arith.constant 0 : i32
    %dma_wait3A_751 = arith.constant 1 : i32
    %dma_wait3A_752 = arith.constant 0 : i32
    %dma_wait3A_753 = tpu.memref_slice %arg6[%dma_wait3A_750, %dma_wait3A_751, %dma_wait3A_752] : memref<11x8x128xi32, #tpu.memory_space<vmem>> -> memref<1x1x128xi32, #tpu.memory_space<vmem>>
    %dma_wait3A_754 = tpu.memref_squeeze %dma_wait3A_753 : memref<1x1x128xi32, #tpu.memory_space<vmem>> -> memref<128xi32, #tpu.memory_space<vmem>>
    %dma_wait3A_755 = arith.constant 0 : i32
    %dma_wait3A_756 = arith.constant 0 : i32
    %dma_wait3A_757 = tpu.memref_slice %arg11[%dma_wait3A_755, %dma_wait3A_756] : memref<10240x64xf32, #tpu.memory_space<vmem_shared>> -> memref<10240x64xf32, #tpu.memory_space<vmem_shared>>
    tpu.wait_indirect_dma semaphore(%arg13 : memref<!tpu.dma_semaphore, #tpu.memory_space<semaphore_mem>>) src(%dma_wait3A_757 : memref<10240x64xf32, #tpu.memory_space<vmem_shared>>) dst(%arg9 : memref<128x64xf32, #tpu.memory_space<vmem>>)
    %dma_start3A_758 = arith.constant 0 : i32
    %dma_start3A_759 = arith.constant 1 : i32
    %dma_start3A_760 = arith.constant 0 : i32
    %dma_start3A_761 = tpu.memref_slice %arg7[%dma_start3A_758, %dma_start3A_759, %dma_start3A_760] : memref<10x8x128xi32, #tpu.memory_space<vmem>> -> memref<1x1x128xi32, #tpu.memory_space<vmem>>
    %dma_start3A_762 = tpu.memref_squeeze %dma_start3A_761 : memref<1x1x128xi32, #tpu.memory_space<vmem>> -> memref<128xi32, #tpu.memory_space<vmem>>
    %dma_start3A_763 = arith.constant 0 : i32
    %dma_start3A_764 = arith.constant 0 : i32
    %dma_start3A_765 = tpu.memref_slice %arg10[%dma_start3A_763, %dma_start3A_764] : memref<10240x64xf32, #tpu.memory_space<vmem_shared>> -> memref<10240x64xf32, #tpu.memory_space<vmem_shared>>
    tpu.enqueue_indirect_dma source(%arg9 : memref<128x64xf32, #tpu.memory_space<vmem>>) target(%dma_start3A_765 : memref<10240x64xf32, #tpu.memory_space<vmem_shared>>) offsets(%dma_start3A_762 : memref<128xi32, #tpu.memory_space<vmem>>) semaphore(%arg15 : memref<!tpu.dma_semaphore, #tpu.memory_space<semaphore_mem>>) {add = true}
    %dma_wait3A_766 = arith.constant 0 : i32
    %dma_wait3A_767 = arith.constant 1 : i32
    %dma_wait3A_768 = arith.constant 0 : i32
    %dma_wait3A_769 = tpu.memref_slice %arg7[%dma_wait3A_766, %dma_wait3A_767, %dma_wait3A_768] : memref<10x8x128xi32, #tpu.memory_space<vmem>> -> memref<1x1x128xi32, #tpu.memory_space<vmem>>
    %dma_wait3A_770 = tpu.memref_squeeze %dma_wait3A_769 : memref<1x1x128xi32, #tpu.memory_space<vmem>> -> memref<128xi32, #tpu.memory_space<vmem>>
    %dma_wait3A_771 = arith.constant 0 : i32
    %dma_wait3A_772 = arith.constant 0 : i32
    %dma_wait3A_773 = tpu.memref_slice %arg10[%dma_wait3A_771, %dma_wait3A_772] : memref<10240x64xf32, #tpu.memory_space<vmem_shared>> -> memref<10240x64xf32, #tpu.memory_space<vmem_shared>>
    tpu.wait_indirect_dma semaphore(%arg14 : memref<!tpu.dma_semaphore, #tpu.memory_space<semaphore_mem>>) src(%arg8 : memref<128x64xf32, #tpu.memory_space<vmem>>) dst(%dma_wait3A_773 : memref<10240x64xf32, #tpu.memory_space<vmem_shared>>)
    %dma_start3A_774 = arith.constant 0 : i32
    %dma_start3A_775 = arith.constant 2 : i32
    %dma_start3A_776 = arith.constant 0 : i32
    %dma_start3A_777 = tpu.memref_slice %arg6[%dma_start3A_774, %dma_start3A_775, %dma_start3A_776] : memref<11x8x128xi32, #tpu.memory_space<vmem>> -> memref<1x1x128xi32, #tpu.memory_space<vmem>>
    %dma_start3A_778 = tpu.memref_squeeze %dma_start3A_777 : memref<1x1x128xi32, #tpu.memory_space<vmem>> -> memref<128xi32, #tpu.memory_space<vmem>>
    %dma_start3A_779 = arith.constant 0 : i32
    %dma_start3A_780 = arith.constant 0 : i32
    %dma_start3A_781 = tpu.memref_slice %arg11[%dma_start3A_779, %dma_start3A_780] : memref<10240x64xf32, #tpu.memory_space<vmem_shared>> -> memref<10240x64xf32, #tpu.memory_space<vmem_shared>>
    tpu.enqueue_indirect_dma source(%dma_start3A_781 : memref<10240x64xf32, #tpu.memory_space<vmem_shared>>) target(%arg8 : memref<128x64xf32, #tpu.memory_space<vmem>>) offsets(%dma_start3A_778 : memref<128xi32, #tpu.memory_space<vmem>>) semaphore(%arg12 : memref<!tpu.dma_semaphore, #tpu.memory_space<semaphore_mem>>)
    %dma_wait3A_782 = arith.constant 0 : i32
    %dma_wait3A_783 = arith.constant 2 : i32
    %dma_wait3A_784 = arith.constant 0 : i32
    %dma_wait3A_785 = tpu.memref_slice %arg6[%dma_wait3A_782, %dma_wait3A_783, %dma_wait3A_784] : memref<11x8x128xi32, #tpu.memory_space<vmem>> -> memref<1x1x128xi32, #tpu.memory_space<vmem>>
    %dma_wait3A_786 = tpu.memref_squeeze %dma_wait3A_785 : memref<1x1x128xi32, #tpu.memory_space<vmem>> -> memref<128xi32, #tpu.memory_space<vmem>>
    %dma_wait3A_787 = arith.constant 0 : i32
    %dma_wait3A_788 = arith.constant 0 : i32
    %dma_wait3A_789 = tpu.memref_slice %arg11[%dma_wait3A_787, %dma_wait3A_788] : memref<10240x64xf32, #tpu.memory_space<vmem_shared>> -> memref<10240x64xf32, #tpu.memory_space<vmem_shared>>
    tpu.wait_indirect_dma semaphore(%arg12 : memref<!tpu.dma_semaphore, #tpu.memory_space<semaphore_mem>>) src(%dma_wait3A_789 : memref<10240x64xf32, #tpu.memory_space<vmem_shared>>) dst(%arg8 : memref<128x64xf32, #tpu.memory_space<vmem>>)
    %dma_start3A_790 = arith.constant 0 : i32
    %dma_start3A_791 = arith.constant 2 : i32
    %dma_start3A_792 = arith.constant 0 : i32
    %dma_start3A_793 = tpu.memref_slice %arg7[%dma_start3A_790, %dma_start3A_791, %dma_start3A_792] : memref<10x8x128xi32, #tpu.memory_space<vmem>> -> memref<1x1x128xi32, #tpu.memory_space<vmem>>
    %dma_start3A_794 = tpu.memref_squeeze %dma_start3A_793 : memref<1x1x128xi32, #tpu.memory_space<vmem>> -> memref<128xi32, #tpu.memory_space<vmem>>
    %dma_start3A_795 = arith.constant 0 : i32
    %dma_start3A_796 = arith.constant 0 : i32
    %dma_start3A_797 = tpu.memref_slice %arg10[%dma_start3A_795, %dma_start3A_796] : memref<10240x64xf32, #tpu.memory_space<vmem_shared>> -> memref<10240x64xf32, #tpu.memory_space<vmem_shared>>
    tpu.enqueue_indirect_dma source(%arg8 : memref<128x64xf32, #tpu.memory_space<vmem>>) target(%dma_start3A_797 : memref<10240x64xf32, #tpu.memory_space<vmem_shared>>) offsets(%dma_start3A_794 : memref<128xi32, #tpu.memory_space<vmem>>) semaphore(%arg14 : memref<!tpu.dma_semaphore, #tpu.memory_space<semaphore_mem>>) {add = true}
    %dma_wait3A_798 = arith.constant 0 : i32
    %dma_wait3A_799 = arith.constant 2 : i32
    %dma_wait3A_800 = arith.constant 0 : i32
    %dma_wait3A_801 = tpu.memref_slice %arg7[%dma_wait3A_798, %dma_wait3A_799, %dma_wait3A_800] : memref<10x8x128xi32, #tpu.memory_space<vmem>> -> memref<1x1x128xi32, #tpu.memory_space<vmem>>
    %dma_wait3A_802 = tpu.memref_squeeze %dma_wait3A_801 : memref<1x1x128xi32, #tpu.memory_space<vmem>> -> memref<128xi32, #tpu.memory_space<vmem>>
    %dma_wait3A_803 = arith.constant 0 : i32
    %dma_wait3A_804 = arith.constant 0 : i32
    %dma_wait3A_805 = tpu.memref_slice %arg10[%dma_wait3A_803, %dma_wait3A_804] : memref<10240x64xf32, #tpu.memory_space<vmem_shared>> -> memref<10240x64xf32, #tpu.memory_space<vmem_shared>>
    tpu.wait_indirect_dma semaphore(%arg15 : memref<!tpu.dma_semaphore, #tpu.memory_space<semaphore_mem>>) src(%arg9 : memref<128x64xf32, #tpu.memory_space<vmem>>) dst(%dma_wait3A_805 : memref<10240x64xf32, #tpu.memory_space<vmem_shared>>)
    %dma_start3A_806 = arith.constant 0 : i32
    %dma_start3A_807 = arith.constant 3 : i32
    %dma_start3A_808 = arith.constant 0 : i32
    %dma_start3A_809 = tpu.memref_slice %arg6[%dma_start3A_806, %dma_start3A_807, %dma_start3A_808] : memref<11x8x128xi32, #tpu.memory_space<vmem>> -> memref<1x1x128xi32, #tpu.memory_space<vmem>>
    %dma_start3A_810 = tpu.memref_squeeze %dma_start3A_809 : memref<1x1x128xi32, #tpu.memory_space<vmem>> -> memref<128xi32, #tpu.memory_space<vmem>>
    %dma_start3A_811 = arith.constant 0 : i32
    %dma_start3A_812 = arith.constant 0 : i32
    %dma_start3A_813 = tpu.memref_slice %arg11[%dma_start3A_811, %dma_start3A_812] : memref<10240x64xf32, #tpu.memory_space<vmem_shared>> -> memref<10240x64xf32, #tpu.memory_space<vmem_shared>>
    tpu.enqueue_indirect_dma source(%dma_start3A_813 : memref<10240x64xf32, #tpu.memory_space<vmem_shared>>) target(%arg9 : memref<128x64xf32, #tpu.memory_space<vmem>>) offsets(%dma_start3A_810 : memref<128xi32, #tpu.memory_space<vmem>>) semaphore(%arg13 : memref<!tpu.dma_semaphore, #tpu.memory_space<semaphore_mem>>)
    %dma_wait3A_814 = arith.constant 0 : i32
    %dma_wait3A_815 = arith.constant 3 : i32
    %dma_wait3A_816 = arith.constant 0 : i32
    %dma_wait3A_817 = tpu.memref_slice %arg6[%dma_wait3A_814, %dma_wait3A_815, %dma_wait3A_816] : memref<11x8x128xi32, #tpu.memory_space<vmem>> -> memref<1x1x128xi32, #tpu.memory_space<vmem>>
    %dma_wait3A_818 = tpu.memref_squeeze %dma_wait3A_817 : memref<1x1x128xi32, #tpu.memory_space<vmem>> -> memref<128xi32, #tpu.memory_space<vmem>>
    %dma_wait3A_819 = arith.constant 0 : i32
    %dma_wait3A_820 = arith.constant 0 : i32
    %dma_wait3A_821 = tpu.memref_slice %arg11[%dma_wait3A_819, %dma_wait3A_820] : memref<10240x64xf32, #tpu.memory_space<vmem_shared>> -> memref<10240x64xf32, #tpu.memory_space<vmem_shared>>
    tpu.wait_indirect_dma semaphore(%arg13 : memref<!tpu.dma_semaphore, #tpu.memory_space<semaphore_mem>>) src(%dma_wait3A_821 : memref<10240x64xf32, #tpu.memory_space<vmem_shared>>) dst(%arg9 : memref<128x64xf32, #tpu.memory_space<vmem>>)
    %dma_start3A_822 = arith.constant 0 : i32
    %dma_start3A_823 = arith.constant 3 : i32
    %dma_start3A_824 = arith.constant 0 : i32
    %dma_start3A_825 = tpu.memref_slice %arg7[%dma_start3A_822, %dma_start3A_823, %dma_start3A_824] : memref<10x8x128xi32, #tpu.memory_space<vmem>> -> memref<1x1x128xi32, #tpu.memory_space<vmem>>
    %dma_start3A_826 = tpu.memref_squeeze %dma_start3A_825 : memref<1x1x128xi32, #tpu.memory_space<vmem>> -> memref<128xi32, #tpu.memory_space<vmem>>
    %dma_start3A_827 = arith.constant 0 : i32
    %dma_start3A_828 = arith.constant 0 : i32
    %dma_start3A_829 = tpu.memref_slice %arg10[%dma_start3A_827, %dma_start3A_828] : memref<10240x64xf32, #tpu.memory_space<vmem_shared>> -> memref<10240x64xf32, #tpu.memory_space<vmem_shared>>
    tpu.enqueue_indirect_dma source(%arg9 : memref<128x64xf32, #tpu.memory_space<vmem>>) target(%dma_start3A_829 : memref<10240x64xf32, #tpu.memory_space<vmem_shared>>) offsets(%dma_start3A_826 : memref<128xi32, #tpu.memory_space<vmem>>) semaphore(%arg15 : memref<!tpu.dma_semaphore, #tpu.memory_space<semaphore_mem>>) {add = true}
    %dma_wait3A_830 = arith.constant 0 : i32
    %dma_wait3A_831 = arith.constant 3 : i32
    %dma_wait3A_832 = arith.constant 0 : i32
    %dma_wait3A_833 = tpu.memref_slice %arg7[%dma_wait3A_830, %dma_wait3A_831, %dma_wait3A_832] : memref<10x8x128xi32, #tpu.memory_space<vmem>> -> memref<1x1x128xi32, #tpu.memory_space<vmem>>
    %dma_wait3A_834 = tpu.memref_squeeze %dma_wait3A_833 : memref<1x1x128xi32, #tpu.memory_space<vmem>> -> memref<128xi32, #tpu.memory_space<vmem>>
    %dma_wait3A_835 = arith.constant 0 : i32
    %dma_wait3A_836 = arith.constant 0 : i32
    %dma_wait3A_837 = tpu.memref_slice %arg10[%dma_wait3A_835, %dma_wait3A_836] : memref<10240x64xf32, #tpu.memory_space<vmem_shared>> -> memref<10240x64xf32, #tpu.memory_space<vmem_shared>>
    tpu.wait_indirect_dma semaphore(%arg14 : memref<!tpu.dma_semaphore, #tpu.memory_space<semaphore_mem>>) src(%arg8 : memref<128x64xf32, #tpu.memory_space<vmem>>) dst(%dma_wait3A_837 : memref<10240x64xf32, #tpu.memory_space<vmem_shared>>)
    %dma_start3A_838 = arith.constant 0 : i32
    %dma_start3A_839 = arith.constant 4 : i32
    %dma_start3A_840 = arith.constant 0 : i32
    %dma_start3A_841 = tpu.memref_slice %arg6[%dma_start3A_838, %dma_start3A_839, %dma_start3A_840] : memref<11x8x128xi32, #tpu.memory_space<vmem>> -> memref<1x1x128xi32, #tpu.memory_space<vmem>>
    %dma_start3A_842 = tpu.memref_squeeze %dma_start3A_841 : memref<1x1x128xi32, #tpu.memory_space<vmem>> -> memref<128xi32, #tpu.memory_space<vmem>>
    %dma_start3A_843 = arith.constant 0 : i32
    %dma_start3A_844 = arith.constant 0 : i32
    %dma_start3A_845 = tpu.memref_slice %arg11[%dma_start3A_843, %dma_start3A_844] : memref<10240x64xf32, #tpu.memory_space<vmem_shared>> -> memref<10240x64xf32, #tpu.memory_space<vmem_shared>>
    tpu.enqueue_indirect_dma source(%dma_start3A_845 : memref<10240x64xf32, #tpu.memory_space<vmem_shared>>) target(%arg8 : memref<128x64xf32, #tpu.memory_space<vmem>>) offsets(%dma_start3A_842 : memref<128xi32, #tpu.memory_space<vmem>>) semaphore(%arg12 : memref<!tpu.dma_semaphore, #tpu.memory_space<semaphore_mem>>)
    %dma_wait3A_846 = arith.constant 0 : i32
    %dma_wait3A_847 = arith.constant 4 : i32
    %dma_wait3A_848 = arith.constant 0 : i32
    %dma_wait3A_849 = tpu.memref_slice %arg6[%dma_wait3A_846, %dma_wait3A_847, %dma_wait3A_848] : memref<11x8x128xi32, #tpu.memory_space<vmem>> -> memref<1x1x128xi32, #tpu.memory_space<vmem>>
    %dma_wait3A_850 = tpu.memref_squeeze %dma_wait3A_849 : memref<1x1x128xi32, #tpu.memory_space<vmem>> -> memref<128xi32, #tpu.memory_space<vmem>>
    %dma_wait3A_851 = arith.constant 0 : i32
    %dma_wait3A_852 = arith.constant 0 : i32
    %dma_wait3A_853 = tpu.memref_slice %arg11[%dma_wait3A_851, %dma_wait3A_852] : memref<10240x64xf32, #tpu.memory_space<vmem_shared>> -> memref<10240x64xf32, #tpu.memory_space<vmem_shared>>
    tpu.wait_indirect_dma semaphore(%arg12 : memref<!tpu.dma_semaphore, #tpu.memory_space<semaphore_mem>>) src(%dma_wait3A_853 : memref<10240x64xf32, #tpu.memory_space<vmem_shared>>) dst(%arg8 : memref<128x64xf32, #tpu.memory_space<vmem>>)
    %dma_start3A_854 = arith.constant 0 : i32
    %dma_start3A_855 = arith.constant 4 : i32
    %dma_start3A_856 = arith.constant 0 : i32
    %dma_start3A_857 = tpu.memref_slice %arg7[%dma_start3A_854, %dma_start3A_855, %dma_start3A_856] : memref<10x8x128xi32, #tpu.memory_space<vmem>> -> memref<1x1x128xi32, #tpu.memory_space<vmem>>
    %dma_start3A_858 = tpu.memref_squeeze %dma_start3A_857 : memref<1x1x128xi32, #tpu.memory_space<vmem>> -> memref<128xi32, #tpu.memory_space<vmem>>
    %dma_start3A_859 = arith.constant 0 : i32
    %dma_start3A_860 = arith.constant 0 : i32
    %dma_start3A_861 = tpu.memref_slice %arg10[%dma_start3A_859, %dma_start3A_860] : memref<10240x64xf32, #tpu.memory_space<vmem_shared>> -> memref<10240x64xf32, #tpu.memory_space<vmem_shared>>
    tpu.enqueue_indirect_dma source(%arg8 : memref<128x64xf32, #tpu.memory_space<vmem>>) target(%dma_start3A_861 : memref<10240x64xf32, #tpu.memory_space<vmem_shared>>) offsets(%dma_start3A_858 : memref<128xi32, #tpu.memory_space<vmem>>) semaphore(%arg14 : memref<!tpu.dma_semaphore, #tpu.memory_space<semaphore_mem>>) {add = true}
    %dma_wait3A_862 = arith.constant 0 : i32
    %dma_wait3A_863 = arith.constant 4 : i32
    %dma_wait3A_864 = arith.constant 0 : i32
    %dma_wait3A_865 = tpu.memref_slice %arg7[%dma_wait3A_862, %dma_wait3A_863, %dma_wait3A_864] : memref<10x8x128xi32, #tpu.memory_space<vmem>> -> memref<1x1x128xi32, #tpu.memory_space<vmem>>
    %dma_wait3A_866 = tpu.memref_squeeze %dma_wait3A_865 : memref<1x1x128xi32, #tpu.memory_space<vmem>> -> memref<128xi32, #tpu.memory_space<vmem>>
    %dma_wait3A_867 = arith.constant 0 : i32
    %dma_wait3A_868 = arith.constant 0 : i32
    %dma_wait3A_869 = tpu.memref_slice %arg10[%dma_wait3A_867, %dma_wait3A_868] : memref<10240x64xf32, #tpu.memory_space<vmem_shared>> -> memref<10240x64xf32, #tpu.memory_space<vmem_shared>>
    tpu.wait_indirect_dma semaphore(%arg15 : memref<!tpu.dma_semaphore, #tpu.memory_space<semaphore_mem>>) src(%arg9 : memref<128x64xf32, #tpu.memory_space<vmem>>) dst(%dma_wait3A_869 : memref<10240x64xf32, #tpu.memory_space<vmem_shared>>)
    %dma_start3A_870 = arith.constant 0 : i32
    %dma_start3A_871 = arith.constant 5 : i32
    %dma_start3A_872 = arith.constant 0 : i32
    %dma_start3A_873 = tpu.memref_slice %arg6[%dma_start3A_870, %dma_start3A_871, %dma_start3A_872] : memref<11x8x128xi32, #tpu.memory_space<vmem>> -> memref<1x1x128xi32, #tpu.memory_space<vmem>>
    %dma_start3A_874 = tpu.memref_squeeze %dma_start3A_873 : memref<1x1x128xi32, #tpu.memory_space<vmem>> -> memref<128xi32, #tpu.memory_space<vmem>>
    %dma_start3A_875 = arith.constant 0 : i32
    %dma_start3A_876 = arith.constant 0 : i32
    %dma_start3A_877 = tpu.memref_slice %arg11[%dma_start3A_875, %dma_start3A_876] : memref<10240x64xf32, #tpu.memory_space<vmem_shared>> -> memref<10240x64xf32, #tpu.memory_space<vmem_shared>>
    tpu.enqueue_indirect_dma source(%dma_start3A_877 : memref<10240x64xf32, #tpu.memory_space<vmem_shared>>) target(%arg9 : memref<128x64xf32, #tpu.memory_space<vmem>>) offsets(%dma_start3A_874 : memref<128xi32, #tpu.memory_space<vmem>>) semaphore(%arg13 : memref<!tpu.dma_semaphore, #tpu.memory_space<semaphore_mem>>)
    %dma_wait3A_878 = arith.constant 0 : i32
    %dma_wait3A_879 = arith.constant 5 : i32
    %dma_wait3A_880 = arith.constant 0 : i32
    %dma_wait3A_881 = tpu.memref_slice %arg6[%dma_wait3A_878, %dma_wait3A_879, %dma_wait3A_880] : memref<11x8x128xi32, #tpu.memory_space<vmem>> -> memref<1x1x128xi32, #tpu.memory_space<vmem>>
    %dma_wait3A_882 = tpu.memref_squeeze %dma_wait3A_881 : memref<1x1x128xi32, #tpu.memory_space<vmem>> -> memref<128xi32, #tpu.memory_space<vmem>>
    %dma_wait3A_883 = arith.constant 0 : i32
    %dma_wait3A_884 = arith.constant 0 : i32
    %dma_wait3A_885 = tpu.memref_slice %arg11[%dma_wait3A_883, %dma_wait3A_884] : memref<10240x64xf32, #tpu.memory_space<vmem_shared>> -> memref<10240x64xf32, #tpu.memory_space<vmem_shared>>
    tpu.wait_indirect_dma semaphore(%arg13 : memref<!tpu.dma_semaphore, #tpu.memory_space<semaphore_mem>>) src(%dma_wait3A_885 : memref<10240x64xf32, #tpu.memory_space<vmem_shared>>) dst(%arg9 : memref<128x64xf32, #tpu.memory_space<vmem>>)
    %dma_start3A_886 = arith.constant 0 : i32
    %dma_start3A_887 = arith.constant 5 : i32
    %dma_start3A_888 = arith.constant 0 : i32
    %dma_start3A_889 = tpu.memref_slice %arg7[%dma_start3A_886, %dma_start3A_887, %dma_start3A_888] : memref<10x8x128xi32, #tpu.memory_space<vmem>> -> memref<1x1x128xi32, #tpu.memory_space<vmem>>
    %dma_start3A_890 = tpu.memref_squeeze %dma_start3A_889 : memref<1x1x128xi32, #tpu.memory_space<vmem>> -> memref<128xi32, #tpu.memory_space<vmem>>
    %dma_start3A_891 = arith.constant 0 : i32
    %dma_start3A_892 = arith.constant 0 : i32
    %dma_start3A_893 = tpu.memref_slice %arg10[%dma_start3A_891, %dma_start3A_892] : memref<10240x64xf32, #tpu.memory_space<vmem_shared>> -> memref<10240x64xf32, #tpu.memory_space<vmem_shared>>
    tpu.enqueue_indirect_dma source(%arg9 : memref<128x64xf32, #tpu.memory_space<vmem>>) target(%dma_start3A_893 : memref<10240x64xf32, #tpu.memory_space<vmem_shared>>) offsets(%dma_start3A_890 : memref<128xi32, #tpu.memory_space<vmem>>) semaphore(%arg15 : memref<!tpu.dma_semaphore, #tpu.memory_space<semaphore_mem>>) {add = true}
    %dma_wait3A_894 = arith.constant 0 : i32
    %dma_wait3A_895 = arith.constant 5 : i32
    %dma_wait3A_896 = arith.constant 0 : i32
    %dma_wait3A_897 = tpu.memref_slice %arg7[%dma_wait3A_894, %dma_wait3A_895, %dma_wait3A_896] : memref<10x8x128xi32, #tpu.memory_space<vmem>> -> memref<1x1x128xi32, #tpu.memory_space<vmem>>
    %dma_wait3A_898 = tpu.memref_squeeze %dma_wait3A_897 : memref<1x1x128xi32, #tpu.memory_space<vmem>> -> memref<128xi32, #tpu.memory_space<vmem>>
    %dma_wait3A_899 = arith.constant 0 : i32
    %dma_wait3A_900 = arith.constant 0 : i32
    %dma_wait3A_901 = tpu.memref_slice %arg10[%dma_wait3A_899, %dma_wait3A_900] : memref<10240x64xf32, #tpu.memory_space<vmem_shared>> -> memref<10240x64xf32, #tpu.memory_space<vmem_shared>>
    tpu.wait_indirect_dma semaphore(%arg14 : memref<!tpu.dma_semaphore, #tpu.memory_space<semaphore_mem>>) src(%arg8 : memref<128x64xf32, #tpu.memory_space<vmem>>) dst(%dma_wait3A_901 : memref<10240x64xf32, #tpu.memory_space<vmem_shared>>)
    %dma_start3A_902 = arith.constant 0 : i32
    %dma_start3A_903 = arith.constant 6 : i32
    %dma_start3A_904 = arith.constant 0 : i32
    %dma_start3A_905 = tpu.memref_slice %arg6[%dma_start3A_902, %dma_start3A_903, %dma_start3A_904] : memref<11x8x128xi32, #tpu.memory_space<vmem>> -> memref<1x1x128xi32, #tpu.memory_space<vmem>>
    %dma_start3A_906 = tpu.memref_squeeze %dma_start3A_905 : memref<1x1x128xi32, #tpu.memory_space<vmem>> -> memref<128xi32, #tpu.memory_space<vmem>>
    %dma_start3A_907 = arith.constant 0 : i32
    %dma_start3A_908 = arith.constant 0 : i32
    %dma_start3A_909 = tpu.memref_slice %arg11[%dma_start3A_907, %dma_start3A_908] : memref<10240x64xf32, #tpu.memory_space<vmem_shared>> -> memref<10240x64xf32, #tpu.memory_space<vmem_shared>>
    tpu.enqueue_indirect_dma source(%dma_start3A_909 : memref<10240x64xf32, #tpu.memory_space<vmem_shared>>) target(%arg8 : memref<128x64xf32, #tpu.memory_space<vmem>>) offsets(%dma_start3A_906 : memref<128xi32, #tpu.memory_space<vmem>>) semaphore(%arg12 : memref<!tpu.dma_semaphore, #tpu.memory_space<semaphore_mem>>)
    %dma_wait3A_910 = arith.constant 0 : i32
    %dma_wait3A_911 = arith.constant 6 : i32
    %dma_wait3A_912 = arith.constant 0 : i32
    %dma_wait3A_913 = tpu.memref_slice %arg6[%dma_wait3A_910, %dma_wait3A_911, %dma_wait3A_912] : memref<11x8x128xi32, #tpu.memory_space<vmem>> -> memref<1x1x128xi32, #tpu.memory_space<vmem>>
    %dma_wait3A_914 = tpu.memref_squeeze %dma_wait3A_913 : memref<1x1x128xi32, #tpu.memory_space<vmem>> -> memref<128xi32, #tpu.memory_space<vmem>>
    %dma_wait3A_915 = arith.constant 0 : i32
    %dma_wait3A_916 = arith.constant 0 : i32
    %dma_wait3A_917 = tpu.memref_slice %arg11[%dma_wait3A_915, %dma_wait3A_916] : memref<10240x64xf32, #tpu.memory_space<vmem_shared>> -> memref<10240x64xf32, #tpu.memory_space<vmem_shared>>
    tpu.wait_indirect_dma semaphore(%arg12 : memref<!tpu.dma_semaphore, #tpu.memory_space<semaphore_mem>>) src(%dma_wait3A_917 : memref<10240x64xf32, #tpu.memory_space<vmem_shared>>) dst(%arg8 : memref<128x64xf32, #tpu.memory_space<vmem>>)
    %dma_start3A_918 = arith.constant 0 : i32
    %dma_start3A_919 = arith.constant 6 : i32
    %dma_start3A_920 = arith.constant 0 : i32
    %dma_start3A_921 = tpu.memref_slice %arg7[%dma_start3A_918, %dma_start3A_919, %dma_start3A_920] : memref<10x8x128xi32, #tpu.memory_space<vmem>> -> memref<1x1x128xi32, #tpu.memory_space<vmem>>
    %dma_start3A_922 = tpu.memref_squeeze %dma_start3A_921 : memref<1x1x128xi32, #tpu.memory_space<vmem>> -> memref<128xi32, #tpu.memory_space<vmem>>
    %dma_start3A_923 = arith.constant 0 : i32
    %dma_start3A_924 = arith.constant 0 : i32
    %dma_start3A_925 = tpu.memref_slice %arg10[%dma_start3A_923, %dma_start3A_924] : memref<10240x64xf32, #tpu.memory_space<vmem_shared>> -> memref<10240x64xf32, #tpu.memory_space<vmem_shared>>
    tpu.enqueue_indirect_dma source(%arg8 : memref<128x64xf32, #tpu.memory_space<vmem>>) target(%dma_start3A_925 : memref<10240x64xf32, #tpu.memory_space<vmem_shared>>) offsets(%dma_start3A_922 : memref<128xi32, #tpu.memory_space<vmem>>) semaphore(%arg14 : memref<!tpu.dma_semaphore, #tpu.memory_space<semaphore_mem>>) {add = true}
    %dma_wait3A_926 = arith.constant 0 : i32
    %dma_wait3A_927 = arith.constant 6 : i32
    %dma_wait3A_928 = arith.constant 0 : i32
    %dma_wait3A_929 = tpu.memref_slice %arg7[%dma_wait3A_926, %dma_wait3A_927, %dma_wait3A_928] : memref<10x8x128xi32, #tpu.memory_space<vmem>> -> memref<1x1x128xi32, #tpu.memory_space<vmem>>
    %dma_wait3A_930 = tpu.memref_squeeze %dma_wait3A_929 : memref<1x1x128xi32, #tpu.memory_space<vmem>> -> memref<128xi32, #tpu.memory_space<vmem>>
    %dma_wait3A_931 = arith.constant 0 : i32
    %dma_wait3A_932 = arith.constant 0 : i32
    %dma_wait3A_933 = tpu.memref_slice %arg10[%dma_wait3A_931, %dma_wait3A_932] : memref<10240x64xf32, #tpu.memory_space<vmem_shared>> -> memref<10240x64xf32, #tpu.memory_space<vmem_shared>>
    tpu.wait_indirect_dma semaphore(%arg15 : memref<!tpu.dma_semaphore, #tpu.memory_space<semaphore_mem>>) src(%arg9 : memref<128x64xf32, #tpu.memory_space<vmem>>) dst(%dma_wait3A_933 : memref<10240x64xf32, #tpu.memory_space<vmem_shared>>)
    %dma_start3A_934 = arith.constant 0 : i32
    %dma_start3A_935 = arith.constant 7 : i32
    %dma_start3A_936 = arith.constant 0 : i32
    %dma_start3A_937 = tpu.memref_slice %arg6[%dma_start3A_934, %dma_start3A_935, %dma_start3A_936] : memref<11x8x128xi32, #tpu.memory_space<vmem>> -> memref<1x1x128xi32, #tpu.memory_space<vmem>>
    %dma_start3A_938 = tpu.memref_squeeze %dma_start3A_937 : memref<1x1x128xi32, #tpu.memory_space<vmem>> -> memref<128xi32, #tpu.memory_space<vmem>>
    %dma_start3A_939 = arith.constant 0 : i32
    %dma_start3A_940 = arith.constant 0 : i32
    %dma_start3A_941 = tpu.memref_slice %arg11[%dma_start3A_939, %dma_start3A_940] : memref<10240x64xf32, #tpu.memory_space<vmem_shared>> -> memref<10240x64xf32, #tpu.memory_space<vmem_shared>>
    tpu.enqueue_indirect_dma source(%dma_start3A_941 : memref<10240x64xf32, #tpu.memory_space<vmem_shared>>) target(%arg9 : memref<128x64xf32, #tpu.memory_space<vmem>>) offsets(%dma_start3A_938 : memref<128xi32, #tpu.memory_space<vmem>>) semaphore(%arg13 : memref<!tpu.dma_semaphore, #tpu.memory_space<semaphore_mem>>)
    %dma_wait3A_942 = arith.constant 0 : i32
    %dma_wait3A_943 = arith.constant 7 : i32
    %dma_wait3A_944 = arith.constant 0 : i32
    %dma_wait3A_945 = tpu.memref_slice %arg6[%dma_wait3A_942, %dma_wait3A_943, %dma_wait3A_944] : memref<11x8x128xi32, #tpu.memory_space<vmem>> -> memref<1x1x128xi32, #tpu.memory_space<vmem>>
    %dma_wait3A_946 = tpu.memref_squeeze %dma_wait3A_945 : memref<1x1x128xi32, #tpu.memory_space<vmem>> -> memref<128xi32, #tpu.memory_space<vmem>>
    %dma_wait3A_947 = arith.constant 0 : i32
    %dma_wait3A_948 = arith.constant 0 : i32
    %dma_wait3A_949 = tpu.memref_slice %arg11[%dma_wait3A_947, %dma_wait3A_948] : memref<10240x64xf32, #tpu.memory_space<vmem_shared>> -> memref<10240x64xf32, #tpu.memory_space<vmem_shared>>
    tpu.wait_indirect_dma semaphore(%arg13 : memref<!tpu.dma_semaphore, #tpu.memory_space<semaphore_mem>>) src(%dma_wait3A_949 : memref<10240x64xf32, #tpu.memory_space<vmem_shared>>) dst(%arg9 : memref<128x64xf32, #tpu.memory_space<vmem>>)
    %dma_start3A_950 = arith.constant 0 : i32
    %dma_start3A_951 = arith.constant 7 : i32
    %dma_start3A_952 = arith.constant 0 : i32
    %dma_start3A_953 = tpu.memref_slice %arg7[%dma_start3A_950, %dma_start3A_951, %dma_start3A_952] : memref<10x8x128xi32, #tpu.memory_space<vmem>> -> memref<1x1x128xi32, #tpu.memory_space<vmem>>
    %dma_start3A_954 = tpu.memref_squeeze %dma_start3A_953 : memref<1x1x128xi32, #tpu.memory_space<vmem>> -> memref<128xi32, #tpu.memory_space<vmem>>
    %dma_start3A_955 = arith.constant 0 : i32
    %dma_start3A_956 = arith.constant 0 : i32
    %dma_start3A_957 = tpu.memref_slice %arg10[%dma_start3A_955, %dma_start3A_956] : memref<10240x64xf32, #tpu.memory_space<vmem_shared>> -> memref<10240x64xf32, #tpu.memory_space<vmem_shared>>
    tpu.enqueue_indirect_dma source(%arg9 : memref<128x64xf32, #tpu.memory_space<vmem>>) target(%dma_start3A_957 : memref<10240x64xf32, #tpu.memory_space<vmem_shared>>) offsets(%dma_start3A_954 : memref<128xi32, #tpu.memory_space<vmem>>) semaphore(%arg15 : memref<!tpu.dma_semaphore, #tpu.memory_space<semaphore_mem>>) {add = true}
    %dma_wait3A_958 = arith.constant 0 : i32
    %dma_wait3A_959 = arith.constant 7 : i32
    %dma_wait3A_960 = arith.constant 0 : i32
    %dma_wait3A_961 = tpu.memref_slice %arg7[%dma_wait3A_958, %dma_wait3A_959, %dma_wait3A_960] : memref<10x8x128xi32, #tpu.memory_space<vmem>> -> memref<1x1x128xi32, #tpu.memory_space<vmem>>
    %dma_wait3A_962 = tpu.memref_squeeze %dma_wait3A_961 : memref<1x1x128xi32, #tpu.memory_space<vmem>> -> memref<128xi32, #tpu.memory_space<vmem>>
    %dma_wait3A_963 = arith.constant 0 : i32
    %dma_wait3A_964 = arith.constant 0 : i32
    %dma_wait3A_965 = tpu.memref_slice %arg10[%dma_wait3A_963, %dma_wait3A_964] : memref<10240x64xf32, #tpu.memory_space<vmem_shared>> -> memref<10240x64xf32, #tpu.memory_space<vmem_shared>>
    tpu.wait_indirect_dma semaphore(%arg14 : memref<!tpu.dma_semaphore, #tpu.memory_space<semaphore_mem>>) src(%arg8 : memref<128x64xf32, #tpu.memory_space<vmem>>) dst(%dma_wait3A_965 : memref<10240x64xf32, #tpu.memory_space<vmem_shared>>)
    %dma_start3A_966 = arith.constant 1 : i32
    %dma_start3A_967 = arith.constant 0 : i32
    %dma_start3A_968 = arith.constant 0 : i32
    %dma_start3A_969 = tpu.memref_slice %arg6[%dma_start3A_966, %dma_start3A_967, %dma_start3A_968] : memref<11x8x128xi32, #tpu.memory_space<vmem>> -> memref<1x1x128xi32, #tpu.memory_space<vmem>>
    %dma_start3A_970 = tpu.memref_squeeze %dma_start3A_969 : memref<1x1x128xi32, #tpu.memory_space<vmem>> -> memref<128xi32, #tpu.memory_space<vmem>>
    %dma_start3A_971 = arith.constant 0 : i32
    %dma_start3A_972 = arith.constant 0 : i32
    %dma_start3A_973 = tpu.memref_slice %arg11[%dma_start3A_971, %dma_start3A_972] : memref<10240x64xf32, #tpu.memory_space<vmem_shared>> -> memref<10240x64xf32, #tpu.memory_space<vmem_shared>>
    tpu.enqueue_indirect_dma source(%dma_start3A_973 : memref<10240x64xf32, #tpu.memory_space<vmem_shared>>) target(%arg8 : memref<128x64xf32, #tpu.memory_space<vmem>>) offsets(%dma_start3A_970 : memref<128xi32, #tpu.memory_space<vmem>>) semaphore(%arg12 : memref<!tpu.dma_semaphore, #tpu.memory_space<semaphore_mem>>)
    %scan3A_974 = arith.constant 0 : i32
    %scan3A_975 = arith.constant 1 : i32
    %scan3A_976 = arith.constant 9 : i32
    %scan3A_977 = arith.addi %scan3A_975, %scan3A_976 : i32
    %scan3A_978 = arith.constant 1 : i32
    scf.for %scan3A_1004 = %scan3A_975 to %scan3A_977 step %scan3A_978  : i32 {
      %dma_wait3A_1005 = arith.constant 0 : i32
      %dma_wait3A_1006 = arith.constant 0 : i32
      %dma_wait3A_1007 = tpu.memref_slice %arg6[%scan3A_1004, %dma_wait3A_1005, %dma_wait3A_1006] : memref<11x8x128xi32, #tpu.memory_space<vmem>> -> memref<1x1x128xi32, #tpu.memory_space<vmem>>
      %dma_wait3A_1008 = tpu.memref_squeeze %dma_wait3A_1007 : memref<1x1x128xi32, #tpu.memory_space<vmem>> -> memref<128xi32, #tpu.memory_space<vmem>>
      %dma_wait3A_1009 = arith.constant 0 : i32
      %dma_wait3A_1010 = arith.constant 0 : i32
      %dma_wait3A_1011 = tpu.memref_slice %arg11[%dma_wait3A_1009, %dma_wait3A_1010] : memref<10240x64xf32, #tpu.memory_space<vmem_shared>> -> memref<10240x64xf32, #tpu.memory_space<vmem_shared>>
      tpu.wait_indirect_dma semaphore(%arg12 : memref<!tpu.dma_semaphore, #tpu.memory_space<semaphore_mem>>) src(%dma_wait3A_1011 : memref<10240x64xf32, #tpu.memory_space<vmem_shared>>) dst(%arg8 : memref<128x64xf32, #tpu.memory_space<vmem>>)
      %dma_start3A_1012 = arith.constant 0 : i32
      %dma_start3A_1013 = arith.constant 0 : i32
      %dma_start3A_1014 = tpu.memref_slice %arg7[%scan3A_1004, %dma_start3A_1012, %dma_start3A_1013] : memref<10x8x128xi32, #tpu.memory_space<vmem>> -> memref<1x1x128xi32, #tpu.memory_space<vmem>>
      %dma_start3A_1015 = tpu.memref_squeeze %dma_start3A_1014 : memref<1x1x128xi32, #tpu.memory_space<vmem>> -> memref<128xi32, #tpu.memory_space<vmem>>
      %dma_start3A_1016 = arith.constant 0 : i32
      %dma_start3A_1017 = arith.constant 0 : i32
      %dma_start3A_1018 = tpu.memref_slice %arg10[%dma_start3A_1016, %dma_start3A_1017] : memref<10240x64xf32, #tpu.memory_space<vmem_shared>> -> memref<10240x64xf32, #tpu.memory_space<vmem_shared>>
      tpu.enqueue_indirect_dma source(%arg8 : memref<128x64xf32, #tpu.memory_space<vmem>>) target(%dma_start3A_1018 : memref<10240x64xf32, #tpu.memory_space<vmem_shared>>) offsets(%dma_start3A_1015 : memref<128xi32, #tpu.memory_space<vmem>>) semaphore(%arg14 : memref<!tpu.dma_semaphore, #tpu.memory_space<semaphore_mem>>) {add = true}
      %dma_wait3A_1019 = arith.constant 0 : i32
      %dma_wait3A_1020 = arith.constant 0 : i32
      %dma_wait3A_1021 = tpu.memref_slice %arg7[%scan3A_1004, %dma_wait3A_1019, %dma_wait3A_1020] : memref<10x8x128xi32, #tpu.memory_space<vmem>> -> memref<1x1x128xi32, #tpu.memory_space<vmem>>
      %dma_wait3A_1022 = tpu.memref_squeeze %dma_wait3A_1021 : memref<1x1x128xi32, #tpu.memory_space<vmem>> -> memref<128xi32, #tpu.memory_space<vmem>>
      %dma_wait3A_1023 = arith.constant 0 : i32
      %dma_wait3A_1024 = arith.constant 0 : i32
      %dma_wait3A_1025 = tpu.memref_slice %arg10[%dma_wait3A_1023, %dma_wait3A_1024] : memref<10240x64xf32, #tpu.memory_space<vmem_shared>> -> memref<10240x64xf32, #tpu.memory_space<vmem_shared>>
      tpu.wait_indirect_dma semaphore(%arg15 : memref<!tpu.dma_semaphore, #tpu.memory_space<semaphore_mem>>) src(%arg9 : memref<128x64xf32, #tpu.memory_space<vmem>>) dst(%dma_wait3A_1025 : memref<10240x64xf32, #tpu.memory_space<vmem_shared>>)
      %dma_start3A_1026 = arith.constant 1 : i32
      %dma_start3A_1027 = arith.constant 0 : i32
      %dma_start3A_1028 = tpu.memref_slice %arg6[%scan3A_1004, %dma_start3A_1026, %dma_start3A_1027] : memref<11x8x128xi32, #tpu.memory_space<vmem>> -> memref<1x1x128xi32, #tpu.memory_space<vmem>>
      %dma_start3A_1029 = tpu.memref_squeeze %dma_start3A_1028 : memref<1x1x128xi32, #tpu.memory_space<vmem>> -> memref<128xi32, #tpu.memory_space<vmem>>
      %dma_start3A_1030 = arith.constant 0 : i32
      %dma_start3A_1031 = arith.constant 0 : i32
      %dma_start3A_1032 = tpu.memref_slice %arg11[%dma_start3A_1030, %dma_start3A_1031] : memref<10240x64xf32, #tpu.memory_space<vmem_shared>> -> memref<10240x64xf32, #tpu.memory_space<vmem_shared>>
      tpu.enqueue_indirect_dma source(%dma_start3A_1032 : memref<10240x64xf32, #tpu.memory_space<vmem_shared>>) target(%arg9 : memref<128x64xf32, #tpu.memory_space<vmem>>) offsets(%dma_start3A_1029 : memref<128xi32, #tpu.memory_space<vmem>>) semaphore(%arg13 : memref<!tpu.dma_semaphore, #tpu.memory_space<semaphore_mem>>)
      %dma_wait3A_1033 = arith.constant 1 : i32
      %dma_wait3A_1034 = arith.constant 0 : i32
      %dma_wait3A_1035 = tpu.memref_slice %arg6[%scan3A_1004, %dma_wait3A_1033, %dma_wait3A_1034] : memref<11x8x128xi32, #tpu.memory_space<vmem>> -> memref<1x1x128xi32, #tpu.memory_space<vmem>>
      %dma_wait3A_1036 = tpu.memref_squeeze %dma_wait3A_1035 : memref<1x1x128xi32, #tpu.memory_space<vmem>> -> memref<128xi32, #tpu.memory_space<vmem>>
      %dma_wait3A_1037 = arith.constant 0 : i32
      %dma_wait3A_1038 = arith.constant 0 : i32
      %dma_wait3A_1039 = tpu.memref_slice %arg11[%dma_wait3A_1037, %dma_wait3A_1038] : memref<10240x64xf32, #tpu.memory_space<vmem_shared>> -> memref<10240x64xf32, #tpu.memory_space<vmem_shared>>
      tpu.wait_indirect_dma semaphore(%arg13 : memref<!tpu.dma_semaphore, #tpu.memory_space<semaphore_mem>>) src(%dma_wait3A_1039 : memref<10240x64xf32, #tpu.memory_space<vmem_shared>>) dst(%arg9 : memref<128x64xf32, #tpu.memory_space<vmem>>)
      %dma_start3A_1040 = arith.constant 1 : i32
      %dma_start3A_1041 = arith.constant 0 : i32
      %dma_start3A_1042 = tpu.memref_slice %arg7[%scan3A_1004, %dma_start3A_1040, %dma_start3A_1041] : memref<10x8x128xi32, #tpu.memory_space<vmem>> -> memref<1x1x128xi32, #tpu.memory_space<vmem>>
      %dma_start3A_1043 = tpu.memref_squeeze %dma_start3A_1042 : memref<1x1x128xi32, #tpu.memory_space<vmem>> -> memref<128xi32, #tpu.memory_space<vmem>>
      %dma_start3A_1044 = arith.constant 0 : i32
      %dma_start3A_1045 = arith.constant 0 : i32
      %dma_start3A_1046 = tpu.memref_slice %arg10[%dma_start3A_1044, %dma_start3A_1045] : memref<10240x64xf32, #tpu.memory_space<vmem_shared>> -> memref<10240x64xf32, #tpu.memory_space<vmem_shared>>
      tpu.enqueue_indirect_dma source(%arg9 : memref<128x64xf32, #tpu.memory_space<vmem>>) target(%dma_start3A_1046 : memref<10240x64xf32, #tpu.memory_space<vmem_shared>>) offsets(%dma_start3A_1043 : memref<128xi32, #tpu.memory_space<vmem>>) semaphore(%arg15 : memref<!tpu.dma_semaphore, #tpu.memory_space<semaphore_mem>>) {add = true}
      %dma_wait3A_1047 = arith.constant 1 : i32
      %dma_wait3A_1048 = arith.constant 0 : i32
      %dma_wait3A_1049 = tpu.memref_slice %arg7[%scan3A_1004, %dma_wait3A_1047, %dma_wait3A_1048] : memref<10x8x128xi32, #tpu.memory_space<vmem>> -> memref<1x1x128xi32, #tpu.memory_space<vmem>>
      %dma_wait3A_1050 = tpu.memref_squeeze %dma_wait3A_1049 : memref<1x1x128xi32, #tpu.memory_space<vmem>> -> memref<128xi32, #tpu.memory_space<vmem>>
      %dma_wait3A_1051 = arith.constant 0 : i32
      %dma_wait3A_1052 = arith.constant 0 : i32
      %dma_wait3A_1053 = tpu.memref_slice %arg10[%dma_wait3A_1051, %dma_wait3A_1052] : memref<10240x64xf32, #tpu.memory_space<vmem_shared>> -> memref<10240x64xf32, #tpu.memory_space<vmem_shared>>
      tpu.wait_indirect_dma semaphore(%arg14 : memref<!tpu.dma_semaphore, #tpu.memory_space<semaphore_mem>>) src(%arg8 : memref<128x64xf32, #tpu.memory_space<vmem>>) dst(%dma_wait3A_1053 : memref<10240x64xf32, #tpu.memory_space<vmem_shared>>)
      %dma_start3A_1054 = arith.constant 2 : i32
      %dma_start3A_1055 = arith.constant 0 : i32
      %dma_start3A_1056 = tpu.memref_slice %arg6[%scan3A_1004, %dma_start3A_1054, %dma_start3A_1055] : memref<11x8x128xi32, #tpu.memory_space<vmem>> -> memref<1x1x128xi32, #tpu.memory_space<vmem>>
      %dma_start3A_1057 = tpu.memref_squeeze %dma_start3A_1056 : memref<1x1x128xi32, #tpu.memory_space<vmem>> -> memref<128xi32, #tpu.memory_space<vmem>>
      %dma_start3A_1058 = arith.constant 0 : i32
      %dma_start3A_1059 = arith.constant 0 : i32
      %dma_start3A_1060 = tpu.memref_slice %arg11[%dma_start3A_1058, %dma_start3A_1059] : memref<10240x64xf32, #tpu.memory_space<vmem_shared>> -> memref<10240x64xf32, #tpu.memory_space<vmem_shared>>
      tpu.enqueue_indirect_dma source(%dma_start3A_1060 : memref<10240x64xf32, #tpu.memory_space<vmem_shared>>) target(%arg8 : memref<128x64xf32, #tpu.memory_space<vmem>>) offsets(%dma_start3A_1057 : memref<128xi32, #tpu.memory_space<vmem>>) semaphore(%arg12 : memref<!tpu.dma_semaphore, #tpu.memory_space<semaphore_mem>>)
      %dma_wait3A_1061 = arith.constant 2 : i32
      %dma_wait3A_1062 = arith.constant 0 : i32
      %dma_wait3A_1063 = tpu.memref_slice %arg6[%scan3A_1004, %dma_wait3A_1061, %dma_wait3A_1062] : memref<11x8x128xi32, #tpu.memory_space<vmem>> -> memref<1x1x128xi32, #tpu.memory_space<vmem>>
      %dma_wait3A_1064 = tpu.memref_squeeze %dma_wait3A_1063 : memref<1x1x128xi32, #tpu.memory_space<vmem>> -> memref<128xi32, #tpu.memory_space<vmem>>
      %dma_wait3A_1065 = arith.constant 0 : i32
      %dma_wait3A_1066 = arith.constant 0 : i32
      %dma_wait3A_1067 = tpu.memref_slice %arg11[%dma_wait3A_1065, %dma_wait3A_1066] : memref<10240x64xf32, #tpu.memory_space<vmem_shared>> -> memref<10240x64xf32, #tpu.memory_space<vmem_shared>>
      tpu.wait_indirect_dma semaphore(%arg12 : memref<!tpu.dma_semaphore, #tpu.memory_space<semaphore_mem>>) src(%dma_wait3A_1067 : memref<10240x64xf32, #tpu.memory_space<vmem_shared>>) dst(%arg8 : memref<128x64xf32, #tpu.memory_space<vmem>>)
      %dma_start3A_1068 = arith.constant 2 : i32
      %dma_start3A_1069 = arith.constant 0 : i32
      %dma_start3A_1070 = tpu.memref_slice %arg7[%scan3A_1004, %dma_start3A_1068, %dma_start3A_1069] : memref<10x8x128xi32, #tpu.memory_space<vmem>> -> memref<1x1x128xi32, #tpu.memory_space<vmem>>
      %dma_start3A_1071 = tpu.memref_squeeze %dma_start3A_1070 : memref<1x1x128xi32, #tpu.memory_space<vmem>> -> memref<128xi32, #tpu.memory_space<vmem>>
      %dma_start3A_1072 = arith.constant 0 : i32
      %dma_start3A_1073 = arith.constant 0 : i32
      %dma_start3A_1074 = tpu.memref_slice %arg10[%dma_start3A_1072, %dma_start3A_1073] : memref<10240x64xf32, #tpu.memory_space<vmem_shared>> -> memref<10240x64xf32, #tpu.memory_space<vmem_shared>>
      tpu.enqueue_indirect_dma source(%arg8 : memref<128x64xf32, #tpu.memory_space<vmem>>) target(%dma_start3A_1074 : memref<10240x64xf32, #tpu.memory_space<vmem_shared>>) offsets(%dma_start3A_1071 : memref<128xi32, #tpu.memory_space<vmem>>) semaphore(%arg14 : memref<!tpu.dma_semaphore, #tpu.memory_space<semaphore_mem>>) {add = true}
      %dma_wait3A_1075 = arith.constant 2 : i32
      %dma_wait3A_1076 = arith.constant 0 : i32
      %dma_wait3A_1077 = tpu.memref_slice %arg7[%scan3A_1004, %dma_wait3A_1075, %dma_wait3A_1076] : memref<10x8x128xi32, #tpu.memory_space<vmem>> -> memref<1x1x128xi32, #tpu.memory_space<vmem>>
      %dma_wait3A_1078 = tpu.memref_squeeze %dma_wait3A_1077 : memref<1x1x128xi32, #tpu.memory_space<vmem>> -> memref<128xi32, #tpu.memory_space<vmem>>
      %dma_wait3A_1079 = arith.constant 0 : i32
      %dma_wait3A_1080 = arith.constant 0 : i32
      %dma_wait3A_1081 = tpu.memref_slice %arg10[%dma_wait3A_1079, %dma_wait3A_1080] : memref<10240x64xf32, #tpu.memory_space<vmem_shared>> -> memref<10240x64xf32, #tpu.memory_space<vmem_shared>>
      tpu.wait_indirect_dma semaphore(%arg15 : memref<!tpu.dma_semaphore, #tpu.memory_space<semaphore_mem>>) src(%arg9 : memref<128x64xf32, #tpu.memory_space<vmem>>) dst(%dma_wait3A_1081 : memref<10240x64xf32, #tpu.memory_space<vmem_shared>>)
      %dma_start3A_1082 = arith.constant 3 : i32
      %dma_start3A_1083 = arith.constant 0 : i32
      %dma_start3A_1084 = tpu.memref_slice %arg6[%scan3A_1004, %dma_start3A_1082, %dma_start3A_1083] : memref<11x8x128xi32, #tpu.memory_space<vmem>> -> memref<1x1x128xi32, #tpu.memory_space<vmem>>
      %dma_start3A_1085 = tpu.memref_squeeze %dma_start3A_1084 : memref<1x1x128xi32, #tpu.memory_space<vmem>> -> memref<128xi32, #tpu.memory_space<vmem>>
      %dma_start3A_1086 = arith.constant 0 : i32
      %dma_start3A_1087 = arith.constant 0 : i32
      %dma_start3A_1088 = tpu.memref_slice %arg11[%dma_start3A_1086, %dma_start3A_1087] : memref<10240x64xf32, #tpu.memory_space<vmem_shared>> -> memref<10240x64xf32, #tpu.memory_space<vmem_shared>>
      tpu.enqueue_indirect_dma source(%dma_start3A_1088 : memref<10240x64xf32, #tpu.memory_space<vmem_shared>>) target(%arg9 : memref<128x64xf32, #tpu.memory_space<vmem>>) offsets(%dma_start3A_1085 : memref<128xi32, #tpu.memory_space<vmem>>) semaphore(%arg13 : memref<!tpu.dma_semaphore, #tpu.memory_space<semaphore_mem>>)
      %dma_wait3A_1089 = arith.constant 3 : i32
      %dma_wait3A_1090 = arith.constant 0 : i32
      %dma_wait3A_1091 = tpu.memref_slice %arg6[%scan3A_1004, %dma_wait3A_1089, %dma_wait3A_1090] : memref<11x8x128xi32, #tpu.memory_space<vmem>> -> memref<1x1x128xi32, #tpu.memory_space<vmem>>
      %dma_wait3A_1092 = tpu.memref_squeeze %dma_wait3A_1091 : memref<1x1x128xi32, #tpu.memory_space<vmem>> -> memref<128xi32, #tpu.memory_space<vmem>>
      %dma_wait3A_1093 = arith.constant 0 : i32
      %dma_wait3A_1094 = arith.constant 0 : i32
      %dma_wait3A_1095 = tpu.memref_slice %arg11[%dma_wait3A_1093, %dma_wait3A_1094] : memref<10240x64xf32, #tpu.memory_space<vmem_shared>> -> memref<10240x64xf32, #tpu.memory_space<vmem_shared>>
      tpu.wait_indirect_dma semaphore(%arg13 : memref<!tpu.dma_semaphore, #tpu.memory_space<semaphore_mem>>) src(%dma_wait3A_1095 : memref<10240x64xf32, #tpu.memory_space<vmem_shared>>) dst(%arg9 : memref<128x64xf32, #tpu.memory_space<vmem>>)
      %dma_start3A_1096 = arith.constant 3 : i32
      %dma_start3A_1097 = arith.constant 0 : i32
      %dma_start3A_1098 = tpu.memref_slice %arg7[%scan3A_1004, %dma_start3A_1096, %dma_start3A_1097] : memref<10x8x128xi32, #tpu.memory_space<vmem>> -> memref<1x1x128xi32, #tpu.memory_space<vmem>>
      %dma_start3A_1099 = tpu.memref_squeeze %dma_start3A_1098 : memref<1x1x128xi32, #tpu.memory_space<vmem>> -> memref<128xi32, #tpu.memory_space<vmem>>
      %dma_start3A_1100 = arith.constant 0 : i32
      %dma_start3A_1101 = arith.constant 0 : i32
      %dma_start3A_1102 = tpu.memref_slice %arg10[%dma_start3A_1100, %dma_start3A_1101] : memref<10240x64xf32, #tpu.memory_space<vmem_shared>> -> memref<10240x64xf32, #tpu.memory_space<vmem_shared>>
      tpu.enqueue_indirect_dma source(%arg9 : memref<128x64xf32, #tpu.memory_space<vmem>>) target(%dma_start3A_1102 : memref<10240x64xf32, #tpu.memory_space<vmem_shared>>) offsets(%dma_start3A_1099 : memref<128xi32, #tpu.memory_space<vmem>>) semaphore(%arg15 : memref<!tpu.dma_semaphore, #tpu.memory_space<semaphore_mem>>) {add = true}
      %dma_wait3A_1103 = arith.constant 3 : i32
      %dma_wait3A_1104 = arith.constant 0 : i32
      %dma_wait3A_1105 = tpu.memref_slice %arg7[%scan3A_1004, %dma_wait3A_1103, %dma_wait3A_1104] : memref<10x8x128xi32, #tpu.memory_space<vmem>> -> memref<1x1x128xi32, #tpu.memory_space<vmem>>
      %dma_wait3A_1106 = tpu.memref_squeeze %dma_wait3A_1105 : memref<1x1x128xi32, #tpu.memory_space<vmem>> -> memref<128xi32, #tpu.memory_space<vmem>>
      %dma_wait3A_1107 = arith.constant 0 : i32
      %dma_wait3A_1108 = arith.constant 0 : i32
      %dma_wait3A_1109 = tpu.memref_slice %arg10[%dma_wait3A_1107, %dma_wait3A_1108] : memref<10240x64xf32, #tpu.memory_space<vmem_shared>> -> memref<10240x64xf32, #tpu.memory_space<vmem_shared>>
      tpu.wait_indirect_dma semaphore(%arg14 : memref<!tpu.dma_semaphore, #tpu.memory_space<semaphore_mem>>) src(%arg8 : memref<128x64xf32, #tpu.memory_space<vmem>>) dst(%dma_wait3A_1109 : memref<10240x64xf32, #tpu.memory_space<vmem_shared>>)
      %dma_start3A_1110 = arith.constant 4 : i32
      %dma_start3A_1111 = arith.constant 0 : i32
      %dma_start3A_1112 = tpu.memref_slice %arg6[%scan3A_1004, %dma_start3A_1110, %dma_start3A_1111] : memref<11x8x128xi32, #tpu.memory_space<vmem>> -> memref<1x1x128xi32, #tpu.memory_space<vmem>>
      %dma_start3A_1113 = tpu.memref_squeeze %dma_start3A_1112 : memref<1x1x128xi32, #tpu.memory_space<vmem>> -> memref<128xi32, #tpu.memory_space<vmem>>
      %dma_start3A_1114 = arith.constant 0 : i32
      %dma_start3A_1115 = arith.constant 0 : i32
      %dma_start3A_1116 = tpu.memref_slice %arg11[%dma_start3A_1114, %dma_start3A_1115] : memref<10240x64xf32, #tpu.memory_space<vmem_shared>> -> memref<10240x64xf32, #tpu.memory_space<vmem_shared>>
      tpu.enqueue_indirect_dma source(%dma_start3A_1116 : memref<10240x64xf32, #tpu.memory_space<vmem_shared>>) target(%arg8 : memref<128x64xf32, #tpu.memory_space<vmem>>) offsets(%dma_start3A_1113 : memref<128xi32, #tpu.memory_space<vmem>>) semaphore(%arg12 : memref<!tpu.dma_semaphore, #tpu.memory_space<semaphore_mem>>)
      %dma_wait3A_1117 = arith.constant 4 : i32
      %dma_wait3A_1118 = arith.constant 0 : i32
      %dma_wait3A_1119 = tpu.memref_slice %arg6[%scan3A_1004, %dma_wait3A_1117, %dma_wait3A_1118] : memref<11x8x128xi32, #tpu.memory_space<vmem>> -> memref<1x1x128xi32, #tpu.memory_space<vmem>>
      %dma_wait3A_1120 = tpu.memref_squeeze %dma_wait3A_1119 : memref<1x1x128xi32, #tpu.memory_space<vmem>> -> memref<128xi32, #tpu.memory_space<vmem>>
      %dma_wait3A_1121 = arith.constant 0 : i32
      %dma_wait3A_1122 = arith.constant 0 : i32
      %dma_wait3A_1123 = tpu.memref_slice %arg11[%dma_wait3A_1121, %dma_wait3A_1122] : memref<10240x64xf32, #tpu.memory_space<vmem_shared>> -> memref<10240x64xf32, #tpu.memory_space<vmem_shared>>
      tpu.wait_indirect_dma semaphore(%arg12 : memref<!tpu.dma_semaphore, #tpu.memory_space<semaphore_mem>>) src(%dma_wait3A_1123 : memref<10240x64xf32, #tpu.memory_space<vmem_shared>>) dst(%arg8 : memref<128x64xf32, #tpu.memory_space<vmem>>)
      %dma_start3A_1124 = arith.constant 4 : i32
      %dma_start3A_1125 = arith.constant 0 : i32
      %dma_start3A_1126 = tpu.memref_slice %arg7[%scan3A_1004, %dma_start3A_1124, %dma_start3A_1125] : memref<10x8x128xi32, #tpu.memory_space<vmem>> -> memref<1x1x128xi32, #tpu.memory_space<vmem>>
      %dma_start3A_1127 = tpu.memref_squeeze %dma_start3A_1126 : memref<1x1x128xi32, #tpu.memory_space<vmem>> -> memref<128xi32, #tpu.memory_space<vmem>>
      %dma_start3A_1128 = arith.constant 0 : i32
      %dma_start3A_1129 = arith.constant 0 : i32
      %dma_start3A_1130 = tpu.memref_slice %arg10[%dma_start3A_1128, %dma_start3A_1129] : memref<10240x64xf32, #tpu.memory_space<vmem_shared>> -> memref<10240x64xf32, #tpu.memory_space<vmem_shared>>
      tpu.enqueue_indirect_dma source(%arg8 : memref<128x64xf32, #tpu.memory_space<vmem>>) target(%dma_start3A_1130 : memref<10240x64xf32, #tpu.memory_space<vmem_shared>>) offsets(%dma_start3A_1127 : memref<128xi32, #tpu.memory_space<vmem>>) semaphore(%arg14 : memref<!tpu.dma_semaphore, #tpu.memory_space<semaphore_mem>>) {add = true}
      %dma_wait3A_1131 = arith.constant 4 : i32
      %dma_wait3A_1132 = arith.constant 0 : i32
      %dma_wait3A_1133 = tpu.memref_slice %arg7[%scan3A_1004, %dma_wait3A_1131, %dma_wait3A_1132] : memref<10x8x128xi32, #tpu.memory_space<vmem>> -> memref<1x1x128xi32, #tpu.memory_space<vmem>>
      %dma_wait3A_1134 = tpu.memref_squeeze %dma_wait3A_1133 : memref<1x1x128xi32, #tpu.memory_space<vmem>> -> memref<128xi32, #tpu.memory_space<vmem>>
      %dma_wait3A_1135 = arith.constant 0 : i32
      %dma_wait3A_1136 = arith.constant 0 : i32
      %dma_wait3A_1137 = tpu.memref_slice %arg10[%dma_wait3A_1135, %dma_wait3A_1136] : memref<10240x64xf32, #tpu.memory_space<vmem_shared>> -> memref<10240x64xf32, #tpu.memory_space<vmem_shared>>
      tpu.wait_indirect_dma semaphore(%arg15 : memref<!tpu.dma_semaphore, #tpu.memory_space<semaphore_mem>>) src(%arg9 : memref<128x64xf32, #tpu.memory_space<vmem>>) dst(%dma_wait3A_1137 : memref<10240x64xf32, #tpu.memory_space<vmem_shared>>)
      %dma_start3A_1138 = arith.constant 5 : i32
      %dma_start3A_1139 = arith.constant 0 : i32
      %dma_start3A_1140 = tpu.memref_slice %arg6[%scan3A_1004, %dma_start3A_1138, %dma_start3A_1139] : memref<11x8x128xi32, #tpu.memory_space<vmem>> -> memref<1x1x128xi32, #tpu.memory_space<vmem>>
      %dma_start3A_1141 = tpu.memref_squeeze %dma_start3A_1140 : memref<1x1x128xi32, #tpu.memory_space<vmem>> -> memref<128xi32, #tpu.memory_space<vmem>>
      %dma_start3A_1142 = arith.constant 0 : i32
      %dma_start3A_1143 = arith.constant 0 : i32
      %dma_start3A_1144 = tpu.memref_slice %arg11[%dma_start3A_1142, %dma_start3A_1143] : memref<10240x64xf32, #tpu.memory_space<vmem_shared>> -> memref<10240x64xf32, #tpu.memory_space<vmem_shared>>
      tpu.enqueue_indirect_dma source(%dma_start3A_1144 : memref<10240x64xf32, #tpu.memory_space<vmem_shared>>) target(%arg9 : memref<128x64xf32, #tpu.memory_space<vmem>>) offsets(%dma_start3A_1141 : memref<128xi32, #tpu.memory_space<vmem>>) semaphore(%arg13 : memref<!tpu.dma_semaphore, #tpu.memory_space<semaphore_mem>>)
      %dma_wait3A_1145 = arith.constant 5 : i32
      %dma_wait3A_1146 = arith.constant 0 : i32
      %dma_wait3A_1147 = tpu.memref_slice %arg6[%scan3A_1004, %dma_wait3A_1145, %dma_wait3A_1146] : memref<11x8x128xi32, #tpu.memory_space<vmem>> -> memref<1x1x128xi32, #tpu.memory_space<vmem>>
      %dma_wait3A_1148 = tpu.memref_squeeze %dma_wait3A_1147 : memref<1x1x128xi32, #tpu.memory_space<vmem>> -> memref<128xi32, #tpu.memory_space<vmem>>
      %dma_wait3A_1149 = arith.constant 0 : i32
      %dma_wait3A_1150 = arith.constant 0 : i32
      %dma_wait3A_1151 = tpu.memref_slice %arg11[%dma_wait3A_1149, %dma_wait3A_1150] : memref<10240x64xf32, #tpu.memory_space<vmem_shared>> -> memref<10240x64xf32, #tpu.memory_space<vmem_shared>>
      tpu.wait_indirect_dma semaphore(%arg13 : memref<!tpu.dma_semaphore, #tpu.memory_space<semaphore_mem>>) src(%dma_wait3A_1151 : memref<10240x64xf32, #tpu.memory_space<vmem_shared>>) dst(%arg9 : memref<128x64xf32, #tpu.memory_space<vmem>>)
      %dma_start3A_1152 = arith.constant 5 : i32
      %dma_start3A_1153 = arith.constant 0 : i32
      %dma_start3A_1154 = tpu.memref_slice %arg7[%scan3A_1004, %dma_start3A_1152, %dma_start3A_1153] : memref<10x8x128xi32, #tpu.memory_space<vmem>> -> memref<1x1x128xi32, #tpu.memory_space<vmem>>
      %dma_start3A_1155 = tpu.memref_squeeze %dma_start3A_1154 : memref<1x1x128xi32, #tpu.memory_space<vmem>> -> memref<128xi32, #tpu.memory_space<vmem>>
      %dma_start3A_1156 = arith.constant 0 : i32
      %dma_start3A_1157 = arith.constant 0 : i32
      %dma_start3A_1158 = tpu.memref_slice %arg10[%dma_start3A_1156, %dma_start3A_1157] : memref<10240x64xf32, #tpu.memory_space<vmem_shared>> -> memref<10240x64xf32, #tpu.memory_space<vmem_shared>>
      tpu.enqueue_indirect_dma source(%arg9 : memref<128x64xf32, #tpu.memory_space<vmem>>) target(%dma_start3A_1158 : memref<10240x64xf32, #tpu.memory_space<vmem_shared>>) offsets(%dma_start3A_1155 : memref<128xi32, #tpu.memory_space<vmem>>) semaphore(%arg15 : memref<!tpu.dma_semaphore, #tpu.memory_space<semaphore_mem>>) {add = true}
      %dma_wait3A_1159 = arith.constant 5 : i32
      %dma_wait3A_1160 = arith.constant 0 : i32
      %dma_wait3A_1161 = tpu.memref_slice %arg7[%scan3A_1004, %dma_wait3A_1159, %dma_wait3A_1160] : memref<10x8x128xi32, #tpu.memory_space<vmem>> -> memref<1x1x128xi32, #tpu.memory_space<vmem>>
      %dma_wait3A_1162 = tpu.memref_squeeze %dma_wait3A_1161 : memref<1x1x128xi32, #tpu.memory_space<vmem>> -> memref<128xi32, #tpu.memory_space<vmem>>
      %dma_wait3A_1163 = arith.constant 0 : i32
      %dma_wait3A_1164 = arith.constant 0 : i32
      %dma_wait3A_1165 = tpu.memref_slice %arg10[%dma_wait3A_1163, %dma_wait3A_1164] : memref<10240x64xf32, #tpu.memory_space<vmem_shared>> -> memref<10240x64xf32, #tpu.memory_space<vmem_shared>>
      tpu.wait_indirect_dma semaphore(%arg14 : memref<!tpu.dma_semaphore, #tpu.memory_space<semaphore_mem>>) src(%arg8 : memref<128x64xf32, #tpu.memory_space<vmem>>) dst(%dma_wait3A_1165 : memref<10240x64xf32, #tpu.memory_space<vmem_shared>>)
      %dma_start3A_1166 = arith.constant 6 : i32
      %dma_start3A_1167 = arith.constant 0 : i32
      %dma_start3A_1168 = tpu.memref_slice %arg6[%scan3A_1004, %dma_start3A_1166, %dma_start3A_1167] : memref<11x8x128xi32, #tpu.memory_space<vmem>> -> memref<1x1x128xi32, #tpu.memory_space<vmem>>
      %dma_start3A_1169 = tpu.memref_squeeze %dma_start3A_1168 : memref<1x1x128xi32, #tpu.memory_space<vmem>> -> memref<128xi32, #tpu.memory_space<vmem>>
      %dma_start3A_1170 = arith.constant 0 : i32
      %dma_start3A_1171 = arith.constant 0 : i32
      %dma_start3A_1172 = tpu.memref_slice %arg11[%dma_start3A_1170, %dma_start3A_1171] : memref<10240x64xf32, #tpu.memory_space<vmem_shared>> -> memref<10240x64xf32, #tpu.memory_space<vmem_shared>>
      tpu.enqueue_indirect_dma source(%dma_start3A_1172 : memref<10240x64xf32, #tpu.memory_space<vmem_shared>>) target(%arg8 : memref<128x64xf32, #tpu.memory_space<vmem>>) offsets(%dma_start3A_1169 : memref<128xi32, #tpu.memory_space<vmem>>) semaphore(%arg12 : memref<!tpu.dma_semaphore, #tpu.memory_space<semaphore_mem>>)
      %dma_wait3A_1173 = arith.constant 6 : i32
      %dma_wait3A_1174 = arith.constant 0 : i32
      %dma_wait3A_1175 = tpu.memref_slice %arg6[%scan3A_1004, %dma_wait3A_1173, %dma_wait3A_1174] : memref<11x8x128xi32, #tpu.memory_space<vmem>> -> memref<1x1x128xi32, #tpu.memory_space<vmem>>
      %dma_wait3A_1176 = tpu.memref_squeeze %dma_wait3A_1175 : memref<1x1x128xi32, #tpu.memory_space<vmem>> -> memref<128xi32, #tpu.memory_space<vmem>>
      %dma_wait3A_1177 = arith.constant 0 : i32
      %dma_wait3A_1178 = arith.constant 0 : i32
      %dma_wait3A_1179 = tpu.memref_slice %arg11[%dma_wait3A_1177, %dma_wait3A_1178] : memref<10240x64xf32, #tpu.memory_space<vmem_shared>> -> memref<10240x64xf32, #tpu.memory_space<vmem_shared>>
      tpu.wait_indirect_dma semaphore(%arg12 : memref<!tpu.dma_semaphore, #tpu.memory_space<semaphore_mem>>) src(%dma_wait3A_1179 : memref<10240x64xf32, #tpu.memory_space<vmem_shared>>) dst(%arg8 : memref<128x64xf32, #tpu.memory_space<vmem>>)
      %dma_start3A_1180 = arith.constant 6 : i32
      %dma_start3A_1181 = arith.constant 0 : i32
      %dma_start3A_1182 = tpu.memref_slice %arg7[%scan3A_1004, %dma_start3A_1180, %dma_start3A_1181] : memref<10x8x128xi32, #tpu.memory_space<vmem>> -> memref<1x1x128xi32, #tpu.memory_space<vmem>>
      %dma_start3A_1183 = tpu.memref_squeeze %dma_start3A_1182 : memref<1x1x128xi32, #tpu.memory_space<vmem>> -> memref<128xi32, #tpu.memory_space<vmem>>
      %dma_start3A_1184 = arith.constant 0 : i32
      %dma_start3A_1185 = arith.constant 0 : i32
      %dma_start3A_1186 = tpu.memref_slice %arg10[%dma_start3A_1184, %dma_start3A_1185] : memref<10240x64xf32, #tpu.memory_space<vmem_shared>> -> memref<10240x64xf32, #tpu.memory_space<vmem_shared>>
      tpu.enqueue_indirect_dma source(%arg8 : memref<128x64xf32, #tpu.memory_space<vmem>>) target(%dma_start3A_1186 : memref<10240x64xf32, #tpu.memory_space<vmem_shared>>) offsets(%dma_start3A_1183 : memref<128xi32, #tpu.memory_space<vmem>>) semaphore(%arg14 : memref<!tpu.dma_semaphore, #tpu.memory_space<semaphore_mem>>) {add = true}
      %dma_wait3A_1187 = arith.constant 6 : i32
      %dma_wait3A_1188 = arith.constant 0 : i32
      %dma_wait3A_1189 = tpu.memref_slice %arg7[%scan3A_1004, %dma_wait3A_1187, %dma_wait3A_1188] : memref<10x8x128xi32, #tpu.memory_space<vmem>> -> memref<1x1x128xi32, #tpu.memory_space<vmem>>
      %dma_wait3A_1190 = tpu.memref_squeeze %dma_wait3A_1189 : memref<1x1x128xi32, #tpu.memory_space<vmem>> -> memref<128xi32, #tpu.memory_space<vmem>>
      %dma_wait3A_1191 = arith.constant 0 : i32
      %dma_wait3A_1192 = arith.constant 0 : i32
      %dma_wait3A_1193 = tpu.memref_slice %arg10[%dma_wait3A_1191, %dma_wait3A_1192] : memref<10240x64xf32, #tpu.memory_space<vmem_shared>> -> memref<10240x64xf32, #tpu.memory_space<vmem_shared>>
      tpu.wait_indirect_dma semaphore(%arg15 : memref<!tpu.dma_semaphore, #tpu.memory_space<semaphore_mem>>) src(%arg9 : memref<128x64xf32, #tpu.memory_space<vmem>>) dst(%dma_wait3A_1193 : memref<10240x64xf32, #tpu.memory_space<vmem_shared>>)
      %dma_start3A_1194 = arith.constant 7 : i32
      %dma_start3A_1195 = arith.constant 0 : i32
      %dma_start3A_1196 = tpu.memref_slice %arg6[%scan3A_1004, %dma_start3A_1194, %dma_start3A_1195] : memref<11x8x128xi32, #tpu.memory_space<vmem>> -> memref<1x1x128xi32, #tpu.memory_space<vmem>>
      %dma_start3A_1197 = tpu.memref_squeeze %dma_start3A_1196 : memref<1x1x128xi32, #tpu.memory_space<vmem>> -> memref<128xi32, #tpu.memory_space<vmem>>
      %dma_start3A_1198 = arith.constant 0 : i32
      %dma_start3A_1199 = arith.constant 0 : i32
      %dma_start3A_1200 = tpu.memref_slice %arg11[%dma_start3A_1198, %dma_start3A_1199] : memref<10240x64xf32, #tpu.memory_space<vmem_shared>> -> memref<10240x64xf32, #tpu.memory_space<vmem_shared>>
      tpu.enqueue_indirect_dma source(%dma_start3A_1200 : memref<10240x64xf32, #tpu.memory_space<vmem_shared>>) target(%arg9 : memref<128x64xf32, #tpu.memory_space<vmem>>) offsets(%dma_start3A_1197 : memref<128xi32, #tpu.memory_space<vmem>>) semaphore(%arg13 : memref<!tpu.dma_semaphore, #tpu.memory_space<semaphore_mem>>)
      %add3A_1201 = arith.constant 1 : i32
      %add3A_1202 = arith.addi %scan3A_1004, %add3A_1201 : i32
      %dma_wait3A_1203 = arith.constant 7 : i32
      %dma_wait3A_1204 = arith.constant 0 : i32
      %dma_wait3A_1205 = tpu.memref_slice %arg6[%scan3A_1004, %dma_wait3A_1203, %dma_wait3A_1204] : memref<11x8x128xi32, #tpu.memory_space<vmem>> -> memref<1x1x128xi32, #tpu.memory_space<vmem>>
      %dma_wait3A_1206 = tpu.memref_squeeze %dma_wait3A_1205 : memref<1x1x128xi32, #tpu.memory_space<vmem>> -> memref<128xi32, #tpu.memory_space<vmem>>
      %dma_wait3A_1207 = arith.constant 0 : i32
      %dma_wait3A_1208 = arith.constant 0 : i32
      %dma_wait3A_1209 = tpu.memref_slice %arg11[%dma_wait3A_1207, %dma_wait3A_1208] : memref<10240x64xf32, #tpu.memory_space<vmem_shared>> -> memref<10240x64xf32, #tpu.memory_space<vmem_shared>>
      tpu.wait_indirect_dma semaphore(%arg13 : memref<!tpu.dma_semaphore, #tpu.memory_space<semaphore_mem>>) src(%dma_wait3A_1209 : memref<10240x64xf32, #tpu.memory_space<vmem_shared>>) dst(%arg9 : memref<128x64xf32, #tpu.memory_space<vmem>>)
      %dma_start3A_1210 = arith.constant 7 : i32
      %dma_start3A_1211 = arith.constant 0 : i32
      %dma_start3A_1212 = tpu.memref_slice %arg7[%scan3A_1004, %dma_start3A_1210, %dma_start3A_1211] : memref<10x8x128xi32, #tpu.memory_space<vmem>> -> memref<1x1x128xi32, #tpu.memory_space<vmem>>
      %dma_start3A_1213 = tpu.memref_squeeze %dma_start3A_1212 : memref<1x1x128xi32, #tpu.memory_space<vmem>> -> memref<128xi32, #tpu.memory_space<vmem>>
      %dma_start3A_1214 = arith.constant 0 : i32
      %dma_start3A_1215 = arith.constant 0 : i32
      %dma_start3A_1216 = tpu.memref_slice %arg10[%dma_start3A_1214, %dma_start3A_1215] : memref<10240x64xf32, #tpu.memory_space<vmem_shared>> -> memref<10240x64xf32, #tpu.memory_space<vmem_shared>>
      tpu.enqueue_indirect_dma source(%arg9 : memref<128x64xf32, #tpu.memory_space<vmem>>) target(%dma_start3A_1216 : memref<10240x64xf32, #tpu.memory_space<vmem_shared>>) offsets(%dma_start3A_1213 : memref<128xi32, #tpu.memory_space<vmem>>) semaphore(%arg15 : memref<!tpu.dma_semaphore, #tpu.memory_space<semaphore_mem>>) {add = true}
      %dma_wait3A_1217 = arith.constant 7 : i32
      %dma_wait3A_1218 = arith.constant 0 : i32
      %dma_wait3A_1219 = tpu.memref_slice %arg7[%scan3A_1004, %dma_wait3A_1217, %dma_wait3A_1218] : memref<10x8x128xi32, #tpu.memory_space<vmem>> -> memref<1x1x128xi32, #tpu.memory_space<vmem>>
      %dma_wait3A_1220 = tpu.memref_squeeze %dma_wait3A_1219 : memref<1x1x128xi32, #tpu.memory_space<vmem>> -> memref<128xi32, #tpu.memory_space<vmem>>
      %dma_wait3A_1221 = arith.constant 0 : i32
      %dma_wait3A_1222 = arith.constant 0 : i32
      %dma_wait3A_1223 = tpu.memref_slice %arg10[%dma_wait3A_1221, %dma_wait3A_1222] : memref<10240x64xf32, #tpu.memory_space<vmem_shared>> -> memref<10240x64xf32, #tpu.memory_space<vmem_shared>>
      tpu.wait_indirect_dma semaphore(%arg14 : memref<!tpu.dma_semaphore, #tpu.memory_space<semaphore_mem>>) src(%arg8 : memref<128x64xf32, #tpu.memory_space<vmem>>) dst(%dma_wait3A_1223 : memref<10240x64xf32, #tpu.memory_space<vmem_shared>>)
      %dma_start3A_1224 = arith.constant 0 : i32
      %dma_start3A_1225 = arith.constant 0 : i32
      %dma_start3A_1226 = tpu.memref_slice %arg6[%add3A_1202, %dma_start3A_1224, %dma_start3A_1225] : memref<11x8x128xi32, #tpu.memory_space<vmem>> -> memref<1x1x128xi32, #tpu.memory_space<vmem>>
      %dma_start3A_1227 = tpu.memref_squeeze %dma_start3A_1226 : memref<1x1x128xi32, #tpu.memory_space<vmem>> -> memref<128xi32, #tpu.memory_space<vmem>>
      %dma_start3A_1228 = arith.constant 0 : i32
      %dma_start3A_1229 = arith.constant 0 : i32
      %dma_start3A_1230 = tpu.memref_slice %arg11[%dma_start3A_1228, %dma_start3A_1229] : memref<10240x64xf32, #tpu.memory_space<vmem_shared>> -> memref<10240x64xf32, #tpu.memory_space<vmem_shared>>
      tpu.enqueue_indirect_dma source(%dma_start3A_1230 : memref<10240x64xf32, #tpu.memory_space<vmem_shared>>) target(%arg8 : memref<128x64xf32, #tpu.memory_space<vmem>>) offsets(%dma_start3A_1227 : memref<128xi32, #tpu.memory_space<vmem>>) semaphore(%arg12 : memref<!tpu.dma_semaphore, #tpu.memory_space<semaphore_mem>>)
    }
    %scan3A_979 = arith.constant 9 : i32
    %dma_wait3A_980 = arith.constant 10 : i32
    %dma_wait3A_981 = arith.constant 0 : i32
    %dma_wait3A_982 = arith.constant 0 : i32
    %dma_wait3A_983 = tpu.memref_slice %arg6[%dma_wait3A_980, %dma_wait3A_981, %dma_wait3A_982] : memref<11x8x128xi32, #tpu.memory_space<vmem>> -> memref<1x1x128xi32, #tpu.memory_space<vmem>>
    %dma_wait3A_984 = tpu.memref_squeeze %dma_wait3A_983 : memref<1x1x128xi32, #tpu.memory_space<vmem>> -> memref<128xi32, #tpu.memory_space<vmem>>
    %dma_wait3A_985 = arith.constant 0 : i32
    %dma_wait3A_986 = arith.constant 0 : i32
    %dma_wait3A_987 = tpu.memref_slice %arg11[%dma_wait3A_985, %dma_wait3A_986] : memref<10240x64xf32, #tpu.memory_space<vmem_shared>> -> memref<10240x64xf32, #tpu.memory_space<vmem_shared>>
    tpu.wait_indirect_dma semaphore(%arg12 : memref<!tpu.dma_semaphore, #tpu.memory_space<semaphore_mem>>) src(%dma_wait3A_987 : memref<10240x64xf32, #tpu.memory_space<vmem_shared>>) dst(%arg8 : memref<128x64xf32, #tpu.memory_space<vmem>>)
    %dma_wait3A_988 = arith.constant 0 : i32
    %dma_wait3A_989 = arith.constant 0 : i32
    %dma_wait3A_990 = arith.constant 0 : i32
    %dma_wait3A_991 = tpu.memref_slice %arg7[%dma_wait3A_988, %dma_wait3A_989, %dma_wait3A_990] : memref<10x8x128xi32, #tpu.memory_space<vmem>> -> memref<1x1x128xi32, #tpu.memory_space<vmem>>
    %dma_wait3A_992 = tpu.memref_squeeze %dma_wait3A_991 : memref<1x1x128xi32, #tpu.memory_space<vmem>> -> memref<128xi32, #tpu.memory_space<vmem>>
    %dma_wait3A_993 = arith.constant 0 : i32
    %dma_wait3A_994 = arith.constant 0 : i32
    %dma_wait3A_995 = tpu.memref_slice %arg10[%dma_wait3A_993, %dma_wait3A_994] : memref<10240x64xf32, #tpu.memory_space<vmem_shared>> -> memref<10240x64xf32, #tpu.memory_space<vmem_shared>>
    tpu.wait_indirect_dma semaphore(%arg15 : memref<!tpu.dma_semaphore, #tpu.memory_space<semaphore_mem>>) src(%arg9 : memref<128x64xf32, #tpu.memory_space<vmem>>) dst(%dma_wait3A_995 : memref<10240x64xf32, #tpu.memory_space<vmem_shared>>)
    %barrier3A_996 = arith.constant 0 : index
    tpu.barrier barrier_id(%barrier3A_996)
    %mul3A_997 = arith.constant 640 : i32
    %mul3A_998 = arith.muli %arg1, %mul3A_997 : i32
    %mul3A_999 = arith.constant 10240 : i32
    %mul3A_1000 = arith.muli %arg0, %mul3A_999 : i32
    %mul3A_1001 = arith.constant 640 : i32
    %mul3A_1002 = arith.muli %arg1, %mul3A_1001 : i32
    %add3A_1003 = arith.addi %mul3A_1000, %mul3A_1002 : i32
    "tpu.region"() ({
      %run_scoped3A = tpu.sem_alloc : memref<!tpu.dma_semaphore, #tpu.memory_space<semaphore_mem>>
      %dma_start3A_1004 = arith.constant 0 : i32
      %dma_start3A_1005 = tpu.memref_slice %arg5[%add3A_1003, %dma_start3A_1004] : memref<20480x64xf32, #tpu.memory_space<hbm>> -> memref<640x64xf32, #tpu.memory_space<hbm>>
      %dma_start3A_1006 = arith.constant 0 : i32
      %dma_start3A_1007 = tpu.memref_slice %arg10[%mul3A_998, %dma_start3A_1006] : memref<10240x64xf32, #tpu.memory_space<vmem_shared>> -> memref<640x64xf32, #tpu.memory_space<vmem_shared>>
      tpu.enqueue_dma source(%dma_start3A_1007 : memref<640x64xf32, #tpu.memory_space<vmem_shared>>) target(%dma_start3A_1005 : memref<640x64xf32, #tpu.memory_space<hbm>>) target_semaphore(%run_scoped3A : memref<!tpu.dma_semaphore, #tpu.memory_space<semaphore_mem>>)
      %dma_wait3A_1008 = arith.constant 0 : i32
      %dma_wait3A_1009 = tpu.memref_slice %arg5[%add3A_1003, %dma_wait3A_1008] : memref<20480x64xf32, #tpu.memory_space<hbm>> -> memref<640x64xf32, #tpu.memory_space<hbm>>
      %dma_wait3A_1010 = arith.constant 0 : i32
      %dma_wait3A_1011 = tpu.memref_slice %arg10[%mul3A_998, %dma_wait3A_1010] : memref<10240x64xf32, #tpu.memory_space<vmem_shared>> -> memref<640x64xf32, #tpu.memory_space<vmem_shared>>
      tpu.wait_dma2 semaphore(%run_scoped3A : memref<!tpu.dma_semaphore, #tpu.memory_space<semaphore_mem>>) src(%dma_wait3A_1011 : memref<640x64xf32, #tpu.memory_space<vmem_shared>>) dst(%dma_wait3A_1009 : memref<640x64xf32, #tpu.memory_space<hbm>>)
      tpu.yield
    }) : () -> ()
    return
  }
}

#map = affine_map<(d0, d1) -> (0, 0)>
#map1 = affine_map<(d0, d1) -> (0, 0, 0, 0)>
module attributes {stable_mosaic.version = 14 : i64} {
  func.func @k(%arg0: i32, %arg1: i32, %arg2: memref<10240x64xf32, #tpu.memory_space<hbm>>, %arg3: memref<32x10x8x128xi32, #tpu.memory_space<hbm>>, %arg4: memref<32x10x8x128xi32, #tpu.memory_space<hbm>>, %arg5: memref<20480x64xf32, #tpu.memory_space<hbm>>, %arg6: memref<11x8x128xi32, #tpu.memory_space<vmem>>, %arg7: memref<10x8x128xi32, #tpu.memory_space<vmem>>, %arg8: memref<128x64xf32, #tpu.memory_space<vmem>>, %arg9: memref<128x64xf32, #tpu.memory_space<vmem>>, %arg10: memref<10240x64xf32, #tpu.memory_space<vmem_shared>>, %arg11: memref<10240x64xf32, #tpu.memory_space<vmem_shared>>, %arg12: memref<!tpu.dma_semaphore, #tpu.memory_space<semaphore_mem>>, %arg13: memref<!tpu.dma_semaphore, #tpu.memory_space<semaphore_mem>>, %arg14: memref<!tpu.dma_semaphore, #tpu.memory_space<semaphore_mem>>, %arg15: memref<!tpu.dma_semaphore, #tpu.memory_space<semaphore_mem>>) attributes {dimension_semantics = [#tpu.dimension_semantics<core_parallel>, #tpu.dimension_semantics<subcore_parallel>], iteration_bounds = array<i64: 2, 16>, scalar_prefetch = 0 : i64, scratch_operands = 10 : i64, tpu.core_type = #tpu.core_type<sc_vector_subcore>, window_params = [{transform_indices = #map}, {transform_indices = #map1}, {transform_indices = #map1}, {transform_indices = #map}]} {
    %mul3A = arith.constant 16 : i32
    %mul3A_0 = arith.muli %arg0, %mul3A : i32
    %add3A = arith.addi %mul3A_0, %arg1 : i32
    %broadcast_in_dim3A = arith.constant 0.000000e+00 : f32
    %broadcast_in_dim3A_1 = vector.broadcast %broadcast_in_dim3A : f32 to vector<16xf32>
    %scan3A = arith.constant 0 : i32
    %scan3A_2 = arith.constant 0 : i32
    %scan3A_3 = arith.constant 128 : i32
    %scan3A_4 = arith.addi %scan3A_2, %scan3A_3 : i32
    %scan3A_5 = arith.constant 1 : i32
    scf.for %scan3A_1004 = %scan3A_2 to %scan3A_4 step %scan3A_5  : i32 {
      %swap3A_1005 = arith.index_cast %scan3A_1004 : i32 to index
      %swap3A_1006 = arith.constant 0 : index
      %swap3A_1007 = tpu.vector_load %arg8[%swap3A_1005, %swap3A_1006] {strides = array<i32>} : memref<128x64xf32, #tpu.memory_space<vmem>>, vector<1x16xf32>,
      %swap3A_1008 = vector.shape_cast %swap3A_1007 : vector<1x16xf32> to vector<16xf32>
      %swap3A_1009 = vector.shape_cast %broadcast_in_dim3A_1 : vector<16xf32> to vector<1x16xf32>
      tpu.vector_store %arg8[%swap3A_1005, %swap3A_1006], %swap3A_1009 {strides = array<i32>} : memref<128x64xf32, #tpu.memory_space<vmem>>, vector<1x16xf32>,
      %swap3A_1010 = arith.index_cast %scan3A_1004 : i32 to index
      %swap3A_1011 = arith.constant 16 : index
      %swap3A_1012 = tpu.vector_load %arg8[%swap3A_1010, %swap3A_1011] {strides = array<i32>} : memref<128x64xf32, #tpu.memory_space<vmem>>, vector<1x16xf32>,
      %swap3A_1013 = vector.shape_cast %swap3A_1012 : vector<1x16xf32> to vector<16xf32>
      %swap3A_1014 = vector.shape_cast %broadcast_in_dim3A_1 : vector<16xf32> to vector<1x16xf32>
      tpu.vector_store %arg8[%swap3A_1010, %swap3A_1011], %swap3A_1014 {strides = array<i32>} : memref<128x64xf32, #tpu.memory_space<vmem>>, vector<1x16xf32>,
      %swap3A_1015 = arith.index_cast %scan3A_1004 : i32 to index
      %swap3A_1016 = arith.constant 32 : index
      %swap3A_1017 = tpu.vector_load %arg8[%swap3A_1015, %swap3A_1016] {strides = array<i32>} : memref<128x64xf32, #tpu.memory_space<vmem>>, vector<1x16xf32>,
      %swap3A_1018 = vector.shape_cast %swap3A_1017 : vector<1x16xf32> to vector<16xf32>
      %swap3A_1019 = vector.shape_cast %broadcast_in_dim3A_1 : vector<16xf32> to vector<1x16xf32>
      tpu.vector_store %arg8[%swap3A_1015, %swap3A_1016], %swap3A_1019 {strides = array<i32>} : memref<128x64xf32, #tpu.memory_space<vmem>>, vector<1x16xf32>,
      %swap3A_1020 = arith.index_cast %scan3A_1004 : i32 to index
      %swap3A_1021 = arith.constant 48 : index
      %swap3A_1022 = tpu.vector_load %arg8[%swap3A_1020, %swap3A_1021] {strides = array<i32>} : memref<128x64xf32, #tpu.memory_space<vmem>>, vector<1x16xf32>,
      %swap3A_1023 = vector.shape_cast %swap3A_1022 : vector<1x16xf32> to vector<16xf32>
      %swap3A_1024 = vector.shape_cast %broadcast_in_dim3A_1 : vector<16xf32> to vector<1x16xf32>
      tpu.vector_store %arg8[%swap3A_1020, %swap3A_1021], %swap3A_1024 {strides = array<i32>} : memref<128x64xf32, #tpu.memory_space<vmem>>, vector<1x16xf32>,
    }
    %scan3A_6 = arith.constant 128 : i32
    %scan3A_7 = arith.constant 0 : i32
    %scan3A_8 = arith.constant 0 : i32
    %scan3A_9 = arith.constant 5 : i32
    %scan3A_10 = arith.addi %scan3A_8, %scan3A_9 : i32
    %scan3A_11 = arith.constant 1 : i32
    scf.for %scan3A_1004 = %scan3A_8 to %scan3A_10 step %scan3A_11  : i32 {
      %mul3A_1005 = arith.constant 640 : i32
      %mul3A_1006 = arith.muli %arg1, %mul3A_1005 : i32
      %mul3A_1007 = arith.constant 128 : i32
      %mul3A_1008 = arith.muli %scan3A_1004, %mul3A_1007 : i32
      %add3A_1009 = arith.addi %mul3A_1006, %mul3A_1008 : i32
      "tpu.region"() ({
        %run_scoped3A = tpu.sem_alloc : memref<!tpu.dma_semaphore, #tpu.memory_space<semaphore_mem>>
        %dma_start3A_1010 = arith.constant 0 : i32
        %dma_start3A_1011 = arith.constant 0 : i32
        %dma_start3A_1012 = tpu.memref_slice %arg8[%dma_start3A_1010, %dma_start3A_1011] : memref<128x64xf32, #tpu.memory_space<vmem>> -> memref<128x64xf32, #tpu.memory_space<vmem>>
        %dma_start3A_1013 = arith.constant 0 : i32
        %dma_start3A_1014 = tpu.memref_slice %arg10[%add3A_1009, %dma_start3A_1013] : memref<10240x64xf32, #tpu.memory_space<vmem_shared>> -> memref<128x64xf32, #tpu.memory_space<vmem_shared>>
        %dma_start3A_1015 = arith.constant 0 : i32
        %dma_start3A_1016 = tpu.memref_slice %arg10[%add3A_1009, %dma_start3A_1015] : memref<10240x64xf32, #tpu.memory_space<vmem_shared>> -> memref<128x64xf32, #tpu.memory_space<vmem_shared>>
        %dma_start3A_1017 = arith.constant 0 : i32
        %dma_start3A_1018 = arith.constant 0 : i32
        %dma_start3A_1019 = tpu.memref_slice %arg8[%dma_start3A_1017, %dma_start3A_1018] : memref<128x64xf32, #tpu.memory_space<vmem>> -> memref<128x64xf32, #tpu.memory_space<vmem>>
        tpu.enqueue_dma source(%dma_start3A_1019 : memref<128x64xf32, #tpu.memory_space<vmem>>) target(%dma_start3A_1016 : memref<128x64xf32, #tpu.memory_space<vmem_shared>>) target_semaphore(%run_scoped3A : memref<!tpu.dma_semaphore, #tpu.memory_space<semaphore_mem>>)
        %dma_wait3A_1020 = arith.constant 0 : i32
        %dma_wait3A_1021 = arith.constant 0 : i32
        %dma_wait3A_1022 = tpu.memref_slice %arg8[%dma_wait3A_1020, %dma_wait3A_1021] : memref<128x64xf32, #tpu.memory_space<vmem>> -> memref<128x64xf32, #tpu.memory_space<vmem>>
        %dma_wait3A_1023 = arith.constant 0 : i32
        %dma_wait3A_1024 = tpu.memref_slice %arg10[%add3A_1009, %dma_wait3A_1023] : memref<10240x64xf32, #tpu.memory_space<vmem_shared>> -> memref<128x64xf32, #tpu.memory_space<vmem_shared>>
        %dma_wait3A_1025 = arith.constant 0 : i32
        %dma_wait3A_1026 = tpu.memref_slice %arg10[%add3A_1009, %dma_wait3A_1025] : memref<10240x64xf32, #tpu.memory_space<vmem_shared>> -> memref<128x64xf32, #tpu.memory_space<vmem_shared>>
        %dma_wait3A_1027 = arith.constant 0 : i32
        %dma_wait3A_1028 = arith.constant 0 : i32
        %dma_wait3A_1029 = tpu.memref_slice %arg8[%dma_wait3A_1027, %dma_wait3A_1028] : memref<128x64xf32, #tpu.memory_space<vmem>> -> memref<128x64xf32, #tpu.memory_space<vmem>>
        tpu.wait_dma2 semaphore(%run_scoped3A : memref<!tpu.dma_semaphore, #tpu.memory_space<semaphore_mem>>) src(%dma_wait3A_1029 : memref<128x64xf32, #tpu.memory_space<vmem>>) dst(%dma_wait3A_1026 : memref<128x64xf32, #tpu.memory_space<vmem_shared>>)
        tpu.yield
      }) : () -> ()
    }
    %scan3A_12 = arith.constant 5 : i32
    "tpu.region"() ({
      %run_scoped3A = tpu.sem_alloc : memref<!tpu.dma_semaphore, #tpu.memory_space<semaphore_mem>>
      %dma_start3A_1004 = arith.constant 0 : i32
      %dma_start3A_1005 = arith.constant 0 : i32
      %dma_start3A_1006 = arith.constant 0 : i32
      %dma_start3A_1007 = tpu.memref_slice %arg6[%dma_start3A_1004, %dma_start3A_1005, %dma_start3A_1006] : memref<11x8x128xi32, #tpu.memory_space<vmem>> -> memref<10x8x128xi32, #tpu.memory_space<vmem>>
      %dma_start3A_1008 = arith.constant 0 : i32
      %dma_start3A_1009 = arith.constant 0 : i32
      %dma_start3A_1010 = arith.constant 0 : i32
      %dma_start3A_1011 = tpu.memref_slice %arg3[%add3A, %dma_start3A_1008, %dma_start3A_1009, %dma_start3A_1010] : memref<32x10x8x128xi32, #tpu.memory_space<hbm>> -> memref<1x10x8x128xi32, #tpu.memory_space<hbm>>
      %dma_start3A_1012 = tpu.memref_squeeze %dma_start3A_1011 : memref<1x10x8x128xi32, #tpu.memory_space<hbm>> -> memref<10x8x128xi32, #tpu.memory_space<hbm>>
      %dma_start3A_1013 = arith.constant 0 : i32
      %dma_start3A_1014 = arith.constant 0 : i32
      %dma_start3A_1015 = arith.constant 0 : i32
      %dma_start3A_1016 = tpu.memref_slice %arg6[%dma_start3A_1013, %dma_start3A_1014, %dma_start3A_1015] : memref<11x8x128xi32, #tpu.memory_space<vmem>> -> memref<10x8x128xi32, #tpu.memory_space<vmem>>
      %dma_start3A_1017 = arith.constant 0 : i32
      %dma_start3A_1018 = arith.constant 0 : i32
      %dma_start3A_1019 = arith.constant 0 : i32
      %dma_start3A_1020 = tpu.memref_slice %arg3[%add3A, %dma_start3A_1017, %dma_start3A_1018, %dma_start3A_1019] : memref<32x10x8x128xi32, #tpu.memory_space<hbm>> -> memref<1x10x8x128xi32, #tpu.memory_space<hbm>>
      %dma_start3A_1021 = tpu.memref_squeeze %dma_start3A_1020 : memref<1x10x8x128xi32, #tpu.memory_space<hbm>> -> memref<10x8x128xi32, #tpu.memory_space<hbm>>
      tpu.enqueue_dma source(%dma_start3A_1021 : memref<10x8x128xi32, #tpu.memory_space<hbm>>) target(%dma_start3A_1016 : memref<10x8x128xi32, #tpu.memory_space<vmem>>) target_semaphore(%run_scoped3A : memref<!tpu.dma_semaphore, #tpu.memory_space<semaphore_mem>>)
      %dma_wait3A_1022 = arith.constant 0 : i32
      %dma_wait3A_1023 = arith.constant 0 : i32
      %dma_wait3A_1024 = arith.constant 0 : i32
      %dma_wait3A_1025 = tpu.memref_slice %arg6[%dma_wait3A_1022, %dma_wait3A_1023, %dma_wait3A_1024] : memref<11x8x128xi32, #tpu.memory_space<vmem>> -> memref<10x8x128xi32, #tpu.memory_space<vmem>>
      %dma_wait3A_1026 = arith.constant 0 : i32
      %dma_wait3A_1027 = arith.constant 0 : i32
      %dma_wait3A_1028 = arith.constant 0 : i32
      %dma_wait3A_1029 = tpu.memref_slice %arg3[%add3A, %dma_wait3A_1026, %dma_wait3A_1027, %dma_wait3A_1028] : memref<32x10x8x128xi32, #tpu.memory_space<hbm>> -> memref<1x10x8x128xi32, #tpu.memory_space<hbm>>
      %dma_wait3A_1030 = tpu.memref_squeeze %dma_wait3A_1029 : memref<1x10x8x128xi32, #tpu.memory_space<hbm>> -> memref<10x8x128xi32, #tpu.memory_space<hbm>>
      %dma_wait3A_1031 = arith.constant 0 : i32
      %dma_wait3A_1032 = arith.constant 0 : i32
      %dma_wait3A_1033 = arith.constant 0 : i32
      %dma_wait3A_1034 = tpu.memref_slice %arg6[%dma_wait3A_1031, %dma_wait3A_1032, %dma_wait3A_1033] : memref<11x8x128xi32, #tpu.memory_space<vmem>> -> memref<10x8x128xi32, #tpu.memory_space<vmem>>
      %dma_wait3A_1035 = arith.constant 0 : i32
      %dma_wait3A_1036 = arith.constant 0 : i32
      %dma_wait3A_1037 = arith.constant 0 : i32
      %dma_wait3A_1038 = tpu.memref_slice %arg3[%add3A, %dma_wait3A_1035, %dma_wait3A_1036, %dma_wait3A_1037] : memref<32x10x8x128xi32, #tpu.memory_space<hbm>> -> memref<1x10x8x128xi32, #tpu.memory_space<hbm>>
      %dma_wait3A_1039 = tpu.memref_squeeze %dma_wait3A_1038 : memref<1x10x8x128xi32, #tpu.memory_space<hbm>> -> memref<10x8x128xi32, #tpu.memory_space<hbm>>
      tpu.wait_dma2 semaphore(%run_scoped3A : memref<!tpu.dma_semaphore, #tpu.memory_space<semaphore_mem>>) src(%dma_wait3A_1039 : memref<10x8x128xi32, #tpu.memory_space<hbm>>) dst(%dma_wait3A_1034 : memref<10x8x128xi32, #tpu.memory_space<vmem>>)
      tpu.yield
    }) : () -> ()
    "tpu.region"() ({
      %run_scoped3A = tpu.sem_alloc : memref<!tpu.dma_semaphore, #tpu.memory_space<semaphore_mem>>
      %dma_start3A_1004 = arith.constant 0 : i32
      %dma_start3A_1005 = arith.constant 0 : i32
      %dma_start3A_1006 = arith.constant 0 : i32
      %dma_start3A_1007 = tpu.memref_slice %arg4[%add3A, %dma_start3A_1004, %dma_start3A_1005, %dma_start3A_1006] : memref<32x10x8x128xi32, #tpu.memory_space<hbm>> -> memref<1x10x8x128xi32, #tpu.memory_space<hbm>>
      %dma_start3A_1008 = tpu.memref_squeeze %dma_start3A_1007 : memref<1x10x8x128xi32, #tpu.memory_space<hbm>> -> memref<10x8x128xi32, #tpu.memory_space<hbm>>
      %dma_start3A_1009 = arith.constant 0 : i32
      %dma_start3A_1010 = arith.constant 0 : i32
      %dma_start3A_1011 = arith.constant 0 : i32
      %dma_start3A_1012 = tpu.memref_slice %arg4[%add3A, %dma_start3A_1009, %dma_start3A_1010, %dma_start3A_1011] : memref<32x10x8x128xi32, #tpu.memory_space<hbm>> -> memref<1x10x8x128xi32, #tpu.memory_space<hbm>>
      %dma_start3A_1013 = tpu.memref_squeeze %dma_start3A_1012 : memref<1x10x8x128xi32, #tpu.memory_space<hbm>> -> memref<10x8x128xi32, #tpu.memory_space<hbm>>
      tpu.enqueue_dma source(%dma_start3A_1013 : memref<10x8x128xi32, #tpu.memory_space<hbm>>) target(%arg7 : memref<10x8x128xi32, #tpu.memory_space<vmem>>) target_semaphore(%run_scoped3A : memref<!tpu.dma_semaphore, #tpu.memory_space<semaphore_mem>>)
      %dma_wait3A_1014 = arith.constant 0 : i32
      %dma_wait3A_1015 = arith.constant 0 : i32
      %dma_wait3A_1016 = arith.constant 0 : i32
      %dma_wait3A_1017 = tpu.memref_slice %arg4[%add3A, %dma_wait3A_1014, %dma_wait3A_1015, %dma_wait3A_1016] : memref<32x10x8x128xi32, #tpu.memory_space<hbm>> -> memref<1x10x8x128xi32, #tpu.memory_space<hbm>>
      %dma_wait3A_1018 = tpu.memref_squeeze %dma_wait3A_1017 : memref<1x10x8x128xi32, #tpu.memory_space<hbm>> -> memref<10x8x128xi32, #tpu.memory_space<hbm>>
      %dma_wait3A_1019 = arith.constant 0 : i32
      %dma_wait3A_1020 = arith.constant 0 : i32
      %dma_wait3A_1021 = arith.constant 0 : i32
      %dma_wait3A_1022 = tpu.memref_slice %arg4[%add3A, %dma_wait3A_1019, %dma_wait3A_1020, %dma_wait3A_1021] : memref<32x10x8x128xi32, #tpu.memory_space<hbm>> -> memref<1x10x8x128xi32, #tpu.memory_space<hbm>>
      %dma_wait3A_1023 = tpu.memref_squeeze %dma_wait3A_1022 : memref<1x10x8x128xi32, #tpu.memory_space<hbm>> -> memref<10x8x128xi32, #tpu.memory_space<hbm>>
      tpu.wait_dma2 semaphore(%run_scoped3A : memref<!tpu.dma_semaphore, #tpu.memory_space<semaphore_mem>>) src(%dma_wait3A_1023 : memref<10x8x128xi32, #tpu.memory_space<hbm>>) dst(%arg7 : memref<10x8x128xi32, #tpu.memory_space<vmem>>)
      tpu.yield
    }) : () -> ()
    %iota3A = tpu.iota {dimensions = array<i32: 0>} : vector<16xi32>
    %add3A_13 = arith.constant 10112 : i32
    %add3A_14 = vector.broadcast %add3A_13 : i32 to vector<16xi32>
    %add3A_15 = arith.addi %add3A_14, %iota3A : vector<16xi32>
    %swap3A = arith.constant 10 : i32
    %swap3A_16 = arith.constant 0 : i32
    %swap3A_17 = arith.index_cast %swap3A : i32 to index
    %swap3A_18 = arith.index_cast %swap3A_16 : i32 to index
    %swap3A_19 = arith.constant 0 : index
    %swap3A_20 = tpu.vector_load %arg6[%swap3A_17, %swap3A_18, %swap3A_19] {strides = array<i32>} : memref<11x8x128xi32, #tpu.memory_space<vmem>>, vector<1x1x16xi32>,
    %swap3A_21 = vector.shape_cast %swap3A_20 : vector<1x1x16xi32> to vector<16xi32>
    %swap3A_22 = vector.shape_cast %add3A_15 : vector<16xi32> to vector<1x1x16xi32>
    tpu.vector_store %arg6[%swap3A_17, %swap3A_18, %swap3A_19], %swap3A_22 {strides = array<i32>} : memref<11x8x128xi32, #tpu.memory_space<vmem>>, vector<1x1x16xi32>,
    %add3A_23 = arith.constant 10128 : i32
    %add3A_24 = vector.broadcast %add3A_23 : i32 to vector<16xi32>
    %add3A_25 = arith.addi %add3A_24, %iota3A : vector<16xi32>
    %swap3A_26 = arith.constant 10 : i32
    %swap3A_27 = arith.constant 0 : i32
    %swap3A_28 = arith.index_cast %swap3A_26 : i32 to index
    %swap3A_29 = arith.index_cast %swap3A_27 : i32 to index
    %swap3A_30 = arith.constant 16 : index
    %swap3A_31 = tpu.vector_load %arg6[%swap3A_28, %swap3A_29, %swap3A_30] {strides = array<i32>} : memref<11x8x128xi32, #tpu.memory_space<vmem>>, vector<1x1x16xi32>,
    %swap3A_32 = vector.shape_cast %swap3A_31 : vector<1x1x16xi32> to vector<16xi32>
    %swap3A_33 = vector.shape_cast %add3A_25 : vector<16xi32> to vector<1x1x16xi32>
    tpu.vector_store %arg6[%swap3A_28, %swap3A_29, %swap3A_30], %swap3A_33 {strides = array<i32>} : memref<11x8x128xi32, #tpu.memory_space<vmem>>, vector<1x1x16xi32>,
    %add3A_34 = arith.constant 10144 : i32
    %add3A_35 = vector.broadcast %add3A_34 : i32 to vector<16xi32>
    %add3A_36 = arith.addi %add3A_35, %iota3A : vector<16xi32>
    %swap3A_37 = arith.constant 10 : i32
    %swap3A_38 = arith.constant 0 : i32
    %swap3A_39 = arith.index_cast %swap3A_37 : i32 to index
    %swap3A_40 = arith.index_cast %swap3A_38 : i32 to index
    %swap3A_41 = arith.constant 32 : index
    %swap3A_42 = tpu.vector_load %arg6[%swap3A_39, %swap3A_40, %swap3A_41] {strides = array<i32>} : memref<11x8x128xi32, #tpu.memory_space<vmem>>, vector<1x1x16xi32>,
    %swap3A_43 = vector.shape_cast %swap3A_42 : vector<1x1x16xi32> to vector<16xi32>
    %swap3A_44 = vector.shape_cast %add3A_36 : vector<16xi32> to vector<1x1x16xi32>
    tpu.vector_store %arg6[%swap3A_39, %swap3A_40, %swap3A_41], %swap3A_44 {strides = array<i32>} : memref<11x8x128xi32, #tpu.memory_space<vmem>>, vector<1x1x16xi32>,
    %add3A_45 = arith.constant 10160 : i32
    %add3A_46 = vector.broadcast %add3A_45 : i32 to vector<16xi32>
    %add3A_47 = arith.addi %add3A_46, %iota3A : vector<16xi32>
    %swap3A_48 = arith.constant 10 : i32
    %swap3A_49 = arith.constant 0 : i32
    %swap3A_50 = arith.index_cast %swap3A_48 : i32 to index
    %swap3A_51 = arith.index_cast %swap3A_49 : i32 to index
    %swap3A_52 = arith.constant 48 : index
    %swap3A_53 = tpu.vector_load %arg6[%swap3A_50, %swap3A_51, %swap3A_52] {strides = array<i32>} : memref<11x8x128xi32, #tpu.memory_space<vmem>>, vector<1x1x16xi32>,
    %swap3A_54 = vector.shape_cast %swap3A_53 : vector<1x1x16xi32> to vector<16xi32>
    %swap3A_55 = vector.shape_cast %add3A_47 : vector<16xi32> to vector<1x1x16xi32>
    tpu.vector_store %arg6[%swap3A_50, %swap3A_51, %swap3A_52], %swap3A_55 {strides = array<i32>} : memref<11x8x128xi32, #tpu.memory_space<vmem>>, vector<1x1x16xi32>,
    %add3A_56 = arith.constant 10176 : i32
    %add3A_57 = vector.broadcast %add3A_56 : i32 to vector<16xi32>
    %add3A_58 = arith.addi %add3A_57, %iota3A : vector<16xi32>
    %swap3A_59 = arith.constant 10 : i32
    %swap3A_60 = arith.constant 0 : i32
    %swap3A_61 = arith.index_cast %swap3A_59 : i32 to index
    %swap3A_62 = arith.index_cast %swap3A_60 : i32 to index
    %swap3A_63 = arith.constant 64 : index
    %swap3A_64 = tpu.vector_load %arg6[%swap3A_61, %swap3A_62, %swap3A_63] {strides = array<i32>} : memref<11x8x128xi32, #tpu.memory_space<vmem>>, vector<1x1x16xi32>,
    %swap3A_65 = vector.shape_cast %swap3A_64 : vector<1x1x16xi32> to vector<16xi32>
    %swap3A_66 = vector.shape_cast %add3A_58 : vector<16xi32> to vector<1x1x16xi32>
    tpu.vector_store %arg6[%swap3A_61, %swap3A_62, %swap3A_63], %swap3A_66 {strides = array<i32>} : memref<11x8x128xi32, #tpu.memory_space<vmem>>, vector<1x1x16xi32>,
    %add3A_67 = arith.constant 10192 : i32
    %add3A_68 = vector.broadcast %add3A_67 : i32 to vector<16xi32>
    %add3A_69 = arith.addi %add3A_68, %iota3A : vector<16xi32>
    %swap3A_70 = arith.constant 10 : i32
    %swap3A_71 = arith.constant 0 : i32
    %swap3A_72 = arith.index_cast %swap3A_70 : i32 to index
    %swap3A_73 = arith.index_cast %swap3A_71 : i32 to index
    %swap3A_74 = arith.constant 80 : index
    %swap3A_75 = tpu.vector_load %arg6[%swap3A_72, %swap3A_73, %swap3A_74] {strides = array<i32>} : memref<11x8x128xi32, #tpu.memory_space<vmem>>, vector<1x1x16xi32>,
    %swap3A_76 = vector.shape_cast %swap3A_75 : vector<1x1x16xi32> to vector<16xi32>
    %swap3A_77 = vector.shape_cast %add3A_69 : vector<16xi32> to vector<1x1x16xi32>
    tpu.vector_store %arg6[%swap3A_72, %swap3A_73, %swap3A_74], %swap3A_77 {strides = array<i32>} : memref<11x8x128xi32, #tpu.memory_space<vmem>>, vector<1x1x16xi32>,
    %add3A_78 = arith.constant 10208 : i32
    %add3A_79 = vector.broadcast %add3A_78 : i32 to vector<16xi32>
    %add3A_80 = arith.addi %add3A_79, %iota3A : vector<16xi32>
    %swap3A_81 = arith.constant 10 : i32
    %swap3A_82 = arith.constant 0 : i32
    %swap3A_83 = arith.index_cast %swap3A_81 : i32 to index
    %swap3A_84 = arith.index_cast %swap3A_82 : i32 to index
    %swap3A_85 = arith.constant 96 : index
    %swap3A_86 = tpu.vector_load %arg6[%swap3A_83, %swap3A_84, %swap3A_85] {strides = array<i32>} : memref<11x8x128xi32, #tpu.memory_space<vmem>>, vector<1x1x16xi32>,
    %swap3A_87 = vector.shape_cast %swap3A_86 : vector<1x1x16xi32> to vector<16xi32>
    %swap3A_88 = vector.shape_cast %add3A_80 : vector<16xi32> to vector<1x1x16xi32>
    tpu.vector_store %arg6[%swap3A_83, %swap3A_84, %swap3A_85], %swap3A_88 {strides = array<i32>} : memref<11x8x128xi32, #tpu.memory_space<vmem>>, vector<1x1x16xi32>,
    %add3A_89 = arith.constant 10224 : i32
    %add3A_90 = vector.broadcast %add3A_89 : i32 to vector<16xi32>
    %add3A_91 = arith.addi %add3A_90, %iota3A : vector<16xi32>
    %swap3A_92 = arith.constant 10 : i32
    %swap3A_93 = arith.constant 0 : i32
    %swap3A_94 = arith.index_cast %swap3A_92 : i32 to index
    %swap3A_95 = arith.index_cast %swap3A_93 : i32 to index
    %swap3A_96 = arith.constant 112 : index
    %swap3A_97 = tpu.vector_load %arg6[%swap3A_94, %swap3A_95, %swap3A_96] {strides = array<i32>} : memref<11x8x128xi32, #tpu.memory_space<vmem>>, vector<1x1x16xi32>,
    %swap3A_98 = vector.shape_cast %swap3A_97 : vector<1x1x16xi32> to vector<16xi32>
    %swap3A_99 = vector.shape_cast %add3A_91 : vector<16xi32> to vector<1x1x16xi32>
    tpu.vector_store %arg6[%swap3A_94, %swap3A_95, %swap3A_96], %swap3A_99 {strides = array<i32>} : memref<11x8x128xi32, #tpu.memory_space<vmem>>, vector<1x1x16xi32>,
    %add3A_100 = arith.constant 10112 : i32
    %add3A_101 = vector.broadcast %add3A_100 : i32 to vector<16xi32>
    %add3A_102 = arith.addi %add3A_101, %iota3A : vector<16xi32>
    %swap3A_103 = arith.constant 10 : i32
    %swap3A_104 = arith.constant 1 : i32
    %swap3A_105 = arith.index_cast %swap3A_103 : i32 to index
    %swap3A_106 = arith.index_cast %swap3A_104 : i32 to index
    %swap3A_107 = arith.constant 0 : index
    %swap3A_108 = tpu.vector_load %arg6[%swap3A_105, %swap3A_106, %swap3A_107] {strides = array<i32>} : memref<11x8x128xi32, #tpu.memory_space<vmem>>, vector<1x1x16xi32>,
    %swap3A_109 = vector.shape_cast %swap3A_108 : vector<1x1x16xi32> to vector<16xi32>
    %swap3A_110 = vector.shape_cast %add3A_102 : vector<16xi32> to vector<1x1x16xi32>
    tpu.vector_store %arg6[%swap3A_105, %swap3A_106, %swap3A_107], %swap3A_110 {strides = array<i32>} : memref<11x8x128xi32, #tpu.memory_space<vmem>>, vector<1x1x16xi32>,
    %add3A_111 = arith.constant 10128 : i32
    %add3A_112 = vector.broadcast %add3A_111 : i32 to vector<16xi32>
    %add3A_113 = arith.addi %add3A_112, %iota3A : vector<16xi32>
    %swap3A_114 = arith.constant 10 : i32
    %swap3A_115 = arith.constant 1 : i32
    %swap3A_116 = arith.index_cast %swap3A_114 : i32 to index
    %swap3A_117 = arith.index_cast %swap3A_115 : i32 to index
    %swap3A_118 = arith.constant 16 : index
    %swap3A_119 = tpu.vector_load %arg6[%swap3A_116, %swap3A_117, %swap3A_118] {strides = array<i32>} : memref<11x8x128xi32, #tpu.memory_space<vmem>>, vector<1x1x16xi32>,
    %swap3A_120 = vector.shape_cast %swap3A_119 : vector<1x1x16xi32> to vector<16xi32>
    %swap3A_121 = vector.shape_cast %add3A_113 : vector<16xi32> to vector<1x1x16xi32>
    tpu.vector_store %arg6[%swap3A_116, %swap3A_117, %swap3A_118], %swap3A_121 {strides = array<i32>} : memref<11x8x128xi32, #tpu.memory_space<vmem>>, vector<1x1x16xi32>,
    %add3A_122 = arith.constant 10144 : i32
    %add3A_123 = vector.broadcast %add3A_122 : i32 to vector<16xi32>
    %add3A_124 = arith.addi %add3A_123, %iota3A : vector<16xi32>
    %swap3A_125 = arith.constant 10 : i32
    %swap3A_126 = arith.constant 1 : i32
    %swap3A_127 = arith.index_cast %swap3A_125 : i32 to index
    %swap3A_128 = arith.index_cast %swap3A_126 : i32 to index
    %swap3A_129 = arith.constant 32 : index
    %swap3A_130 = tpu.vector_load %arg6[%swap3A_127, %swap3A_128, %swap3A_129] {strides = array<i32>} : memref<11x8x128xi32, #tpu.memory_space<vmem>>, vector<1x1x16xi32>,
    %swap3A_131 = vector.shape_cast %swap3A_130 : vector<1x1x16xi32> to vector<16xi32>
    %swap3A_132 = vector.shape_cast %add3A_124 : vector<16xi32> to vector<1x1x16xi32>
    tpu.vector_store %arg6[%swap3A_127, %swap3A_128, %swap3A_129], %swap3A_132 {strides = array<i32>} : memref<11x8x128xi32, #tpu.memory_space<vmem>>, vector<1x1x16xi32>,
    %add3A_133 = arith.constant 10160 : i32
    %add3A_134 = vector.broadcast %add3A_133 : i32 to vector<16xi32>
    %add3A_135 = arith.addi %add3A_134, %iota3A : vector<16xi32>
    %swap3A_136 = arith.constant 10 : i32
    %swap3A_137 = arith.constant 1 : i32
    %swap3A_138 = arith.index_cast %swap3A_136 : i32 to index
    %swap3A_139 = arith.index_cast %swap3A_137 : i32 to index
    %swap3A_140 = arith.constant 48 : index
    %swap3A_141 = tpu.vector_load %arg6[%swap3A_138, %swap3A_139, %swap3A_140] {strides = array<i32>} : memref<11x8x128xi32, #tpu.memory_space<vmem>>, vector<1x1x16xi32>,
    %swap3A_142 = vector.shape_cast %swap3A_141 : vector<1x1x16xi32> to vector<16xi32>
    %swap3A_143 = vector.shape_cast %add3A_135 : vector<16xi32> to vector<1x1x16xi32>
    tpu.vector_store %arg6[%swap3A_138, %swap3A_139, %swap3A_140], %swap3A_143 {strides = array<i32>} : memref<11x8x128xi32, #tpu.memory_space<vmem>>, vector<1x1x16xi32>,
    %add3A_144 = arith.constant 10176 : i32
    %add3A_145 = vector.broadcast %add3A_144 : i32 to vector<16xi32>
    %add3A_146 = arith.addi %add3A_145, %iota3A : vector<16xi32>
    %swap3A_147 = arith.constant 10 : i32
    %swap3A_148 = arith.constant 1 : i32
    %swap3A_149 = arith.index_cast %swap3A_147 : i32 to index
    %swap3A_150 = arith.index_cast %swap3A_148 : i32 to index
    %swap3A_151 = arith.constant 64 : index
    %swap3A_152 = tpu.vector_load %arg6[%swap3A_149, %swap3A_150, %swap3A_151] {strides = array<i32>} : memref<11x8x128xi32, #tpu.memory_space<vmem>>, vector<1x1x16xi32>,
    %swap3A_153 = vector.shape_cast %swap3A_152 : vector<1x1x16xi32> to vector<16xi32>
    %swap3A_154 = vector.shape_cast %add3A_146 : vector<16xi32> to vector<1x1x16xi32>
    tpu.vector_store %arg6[%swap3A_149, %swap3A_150, %swap3A_151], %swap3A_154 {strides = array<i32>} : memref<11x8x128xi32, #tpu.memory_space<vmem>>, vector<1x1x16xi32>,
    %add3A_155 = arith.constant 10192 : i32
    %add3A_156 = vector.broadcast %add3A_155 : i32 to vector<16xi32>
    %add3A_157 = arith.addi %add3A_156, %iota3A : vector<16xi32>
    %swap3A_158 = arith.constant 10 : i32
    %swap3A_159 = arith.constant 1 : i32
    %swap3A_160 = arith.index_cast %swap3A_158 : i32 to index
    %swap3A_161 = arith.index_cast %swap3A_159 : i32 to index
    %swap3A_162 = arith.constant 80 : index
    %swap3A_163 = tpu.vector_load %arg6[%swap3A_160, %swap3A_161, %swap3A_162] {strides = array<i32>} : memref<11x8x128xi32, #tpu.memory_space<vmem>>, vector<1x1x16xi32>,
    %swap3A_164 = vector.shape_cast %swap3A_163 : vector<1x1x16xi32> to vector<16xi32>
    %swap3A_165 = vector.shape_cast %add3A_157 : vector<16xi32> to vector<1x1x16xi32>
    tpu.vector_store %arg6[%swap3A_160, %swap3A_161, %swap3A_162], %swap3A_165 {strides = array<i32>} : memref<11x8x128xi32, #tpu.memory_space<vmem>>, vector<1x1x16xi32>,
    %add3A_166 = arith.constant 10208 : i32
    %add3A_167 = vector.broadcast %add3A_166 : i32 to vector<16xi32>
    %add3A_168 = arith.addi %add3A_167, %iota3A : vector<16xi32>
    %swap3A_169 = arith.constant 10 : i32
    %swap3A_170 = arith.constant 1 : i32
    %swap3A_171 = arith.index_cast %swap3A_169 : i32 to index
    %swap3A_172 = arith.index_cast %swap3A_170 : i32 to index
    %swap3A_173 = arith.constant 96 : index
    %swap3A_174 = tpu.vector_load %arg6[%swap3A_171, %swap3A_172, %swap3A_173] {strides = array<i32>} : memref<11x8x128xi32, #tpu.memory_space<vmem>>, vector<1x1x16xi32>,
    %swap3A_175 = vector.shape_cast %swap3A_174 : vector<1x1x16xi32> to vector<16xi32>
    %swap3A_176 = vector.shape_cast %add3A_168 : vector<16xi32> to vector<1x1x16xi32>
    tpu.vector_store %arg6[%swap3A_171, %swap3A_172, %swap3A_173], %swap3A_176 {strides = array<i32>} : memref<11x8x128xi32, #tpu.memory_space<vmem>>, vector<1x1x16xi32>,
    %add3A_177 = arith.constant 10224 : i32
    %add3A_178 = vector.broadcast %add3A_177 : i32 to vector<16xi32>
    %add3A_179 = arith.addi %add3A_178, %iota3A : vector<16xi32>
    %swap3A_180 = arith.constant 10 : i32
    %swap3A_181 = arith.constant 1 : i32
    %swap3A_182 = arith.index_cast %swap3A_180 : i32 to index
    %swap3A_183 = arith.index_cast %swap3A_181 : i32 to index
    %swap3A_184 = arith.constant 112 : index
    %swap3A_185 = tpu.vector_load %arg6[%swap3A_182, %swap3A_183, %swap3A_184] {strides = array<i32>} : memref<11x8x128xi32, #tpu.memory_space<vmem>>, vector<1x1x16xi32>,
    %swap3A_186 = vector.shape_cast %swap3A_185 : vector<1x1x16xi32> to vector<16xi32>
    %swap3A_187 = vector.shape_cast %add3A_179 : vector<16xi32> to vector<1x1x16xi32>
    tpu.vector_store %arg6[%swap3A_182, %swap3A_183, %swap3A_184], %swap3A_187 {strides = array<i32>} : memref<11x8x128xi32, #tpu.memory_space<vmem>>, vector<1x1x16xi32>,
    %add3A_188 = arith.constant 10112 : i32
    %add3A_189 = vector.broadcast %add3A_188 : i32 to vector<16xi32>
    %add3A_190 = arith.addi %add3A_189, %iota3A : vector<16xi32>
    %swap3A_191 = arith.constant 10 : i32
    %swap3A_192 = arith.constant 2 : i32
    %swap3A_193 = arith.index_cast %swap3A_191 : i32 to index
    %swap3A_194 = arith.index_cast %swap3A_192 : i32 to index
    %swap3A_195 = arith.constant 0 : index
    %swap3A_196 = tpu.vector_load %arg6[%swap3A_193, %swap3A_194, %swap3A_195] {strides = array<i32>} : memref<11x8x128xi32, #tpu.memory_space<vmem>>, vector<1x1x16xi32>,
    %swap3A_197 = vector.shape_cast %swap3A_196 : vector<1x1x16xi32> to vector<16xi32>
    %swap3A_198 = vector.shape_cast %add3A_190 : vector<16xi32> to vector<1x1x16xi32>
    tpu.vector_store %arg6[%swap3A_193, %swap3A_194, %swap3A_195], %swap3A_198 {strides = array<i32>} : memref<11x8x128xi32, #tpu.memory_space<vmem>>, vector<1x1x16xi32>,
    %add3A_199 = arith.constant 10128 : i32
    %add3A_200 = vector.broadcast %add3A_199 : i32 to vector<16xi32>
    %add3A_201 = arith.addi %add3A_200, %iota3A : vector<16xi32>
    %swap3A_202 = arith.constant 10 : i32
    %swap3A_203 = arith.constant 2 : i32
    %swap3A_204 = arith.index_cast %swap3A_202 : i32 to index
    %swap3A_205 = arith.index_cast %swap3A_203 : i32 to index
    %swap3A_206 = arith.constant 16 : index
    %swap3A_207 = tpu.vector_load %arg6[%swap3A_204, %swap3A_205, %swap3A_206] {strides = array<i32>} : memref<11x8x128xi32, #tpu.memory_space<vmem>>, vector<1x1x16xi32>,
    %swap3A_208 = vector.shape_cast %swap3A_207 : vector<1x1x16xi32> to vector<16xi32>
    %swap3A_209 = vector.shape_cast %add3A_201 : vector<16xi32> to vector<1x1x16xi32>
    tpu.vector_store %arg6[%swap3A_204, %swap3A_205, %swap3A_206], %swap3A_209 {strides = array<i32>} : memref<11x8x128xi32, #tpu.memory_space<vmem>>, vector<1x1x16xi32>,
    %add3A_210 = arith.constant 10144 : i32
    %add3A_211 = vector.broadcast %add3A_210 : i32 to vector<16xi32>
    %add3A_212 = arith.addi %add3A_211, %iota3A : vector<16xi32>
    %swap3A_213 = arith.constant 10 : i32
    %swap3A_214 = arith.constant 2 : i32
    %swap3A_215 = arith.index_cast %swap3A_213 : i32 to index
    %swap3A_216 = arith.index_cast %swap3A_214 : i32 to index
    %swap3A_217 = arith.constant 32 : index
    %swap3A_218 = tpu.vector_load %arg6[%swap3A_215, %swap3A_216, %swap3A_217] {strides = array<i32>} : memref<11x8x128xi32, #tpu.memory_space<vmem>>, vector<1x1x16xi32>,
    %swap3A_219 = vector.shape_cast %swap3A_218 : vector<1x1x16xi32> to vector<16xi32>
    %swap3A_220 = vector.shape_cast %add3A_212 : vector<16xi32> to vector<1x1x16xi32>
    tpu.vector_store %arg6[%swap3A_215, %swap3A_216, %swap3A_217], %swap3A_220 {strides = array<i32>} : memref<11x8x128xi32, #tpu.memory_space<vmem>>, vector<1x1x16xi32>,
    %add3A_221 = arith.constant 10160 : i32
    %add3A_222 = vector.broadcast %add3A_221 : i32 to vector<16xi32>
    %add3A_223 = arith.addi %add3A_222, %iota3A : vector<16xi32>
    %swap3A_224 = arith.constant 10 : i32
    %swap3A_225 = arith.constant 2 : i32
    %swap3A_226 = arith.index_cast %swap3A_224 : i32 to index
    %swap3A_227 = arith.index_cast %swap3A_225 : i32 to index
    %swap3A_228 = arith.constant 48 : index
    %swap3A_229 = tpu.vector_load %arg6[%swap3A_226, %swap3A_227, %swap3A_228] {strides = array<i32>} : memref<11x8x128xi32, #tpu.memory_space<vmem>>, vector<1x1x16xi32>,
    %swap3A_230 = vector.shape_cast %swap3A_229 : vector<1x1x16xi32> to vector<16xi32>
    %swap3A_231 = vector.shape_cast %add3A_223 : vector<16xi32> to vector<1x1x16xi32>
    tpu.vector_store %arg6[%swap3A_226, %swap3A_227, %swap3A_228], %swap3A_231 {strides = array<i32>} : memref<11x8x128xi32, #tpu.memory_space<vmem>>, vector<1x1x16xi32>,
    %add3A_232 = arith.constant 10176 : i32
    %add3A_233 = vector.broadcast %add3A_232 : i32 to vector<16xi32>
    %add3A_234 = arith.addi %add3A_233, %iota3A : vector<16xi32>
    %swap3A_235 = arith.constant 10 : i32
    %swap3A_236 = arith.constant 2 : i32
    %swap3A_237 = arith.index_cast %swap3A_235 : i32 to index
    %swap3A_238 = arith.index_cast %swap3A_236 : i32 to index
    %swap3A_239 = arith.constant 64 : index
    %swap3A_240 = tpu.vector_load %arg6[%swap3A_237, %swap3A_238, %swap3A_239] {strides = array<i32>} : memref<11x8x128xi32, #tpu.memory_space<vmem>>, vector<1x1x16xi32>,
    %swap3A_241 = vector.shape_cast %swap3A_240 : vector<1x1x16xi32> to vector<16xi32>
    %swap3A_242 = vector.shape_cast %add3A_234 : vector<16xi32> to vector<1x1x16xi32>
    tpu.vector_store %arg6[%swap3A_237, %swap3A_238, %swap3A_239], %swap3A_242 {strides = array<i32>} : memref<11x8x128xi32, #tpu.memory_space<vmem>>, vector<1x1x16xi32>,
    %add3A_243 = arith.constant 10192 : i32
    %add3A_244 = vector.broadcast %add3A_243 : i32 to vector<16xi32>
    %add3A_245 = arith.addi %add3A_244, %iota3A : vector<16xi32>
    %swap3A_246 = arith.constant 10 : i32
    %swap3A_247 = arith.constant 2 : i32
    %swap3A_248 = arith.index_cast %swap3A_246 : i32 to index
    %swap3A_249 = arith.index_cast %swap3A_247 : i32 to index
    %swap3A_250 = arith.constant 80 : index
    %swap3A_251 = tpu.vector_load %arg6[%swap3A_248, %swap3A_249, %swap3A_250] {strides = array<i32>} : memref<11x8x128xi32, #tpu.memory_space<vmem>>, vector<1x1x16xi32>,
    %swap3A_252 = vector.shape_cast %swap3A_251 : vector<1x1x16xi32> to vector<16xi32>
    %swap3A_253 = vector.shape_cast %add3A_245 : vector<16xi32> to vector<1x1x16xi32>
    tpu.vector_store %arg6[%swap3A_248, %swap3A_249, %swap3A_250], %swap3A_253 {strides = array<i32>} : memref<11x8x128xi32, #tpu.memory_space<vmem>>, vector<1x1x16xi32>,
    %add3A_254 = arith.constant 10208 : i32
    %add3A_255 = vector.broadcast %add3A_254 : i32 to vector<16xi32>
    %add3A_256 = arith.addi %add3A_255, %iota3A : vector<16xi32>
    %swap3A_257 = arith.constant 10 : i32
    %swap3A_258 = arith.constant 2 : i32
    %swap3A_259 = arith.index_cast %swap3A_257 : i32 to index
    %swap3A_260 = arith.index_cast %swap3A_258 : i32 to index
    %swap3A_261 = arith.constant 96 : index
    %swap3A_262 = tpu.vector_load %arg6[%swap3A_259, %swap3A_260, %swap3A_261] {strides = array<i32>} : memref<11x8x128xi32, #tpu.memory_space<vmem>>, vector<1x1x16xi32>,
    %swap3A_263 = vector.shape_cast %swap3A_262 : vector<1x1x16xi32> to vector<16xi32>
    %swap3A_264 = vector.shape_cast %add3A_256 : vector<16xi32> to vector<1x1x16xi32>
    tpu.vector_store %arg6[%swap3A_259, %swap3A_260, %swap3A_261], %swap3A_264 {strides = array<i32>} : memref<11x8x128xi32, #tpu.memory_space<vmem>>, vector<1x1x16xi32>,
    %add3A_265 = arith.constant 10224 : i32
    %add3A_266 = vector.broadcast %add3A_265 : i32 to vector<16xi32>
    %add3A_267 = arith.addi %add3A_266, %iota3A : vector<16xi32>
    %swap3A_268 = arith.constant 10 : i32
    %swap3A_269 = arith.constant 2 : i32
    %swap3A_270 = arith.index_cast %swap3A_268 : i32 to index
    %swap3A_271 = arith.index_cast %swap3A_269 : i32 to index
    %swap3A_272 = arith.constant 112 : index
    %swap3A_273 = tpu.vector_load %arg6[%swap3A_270, %swap3A_271, %swap3A_272] {strides = array<i32>} : memref<11x8x128xi32, #tpu.memory_space<vmem>>, vector<1x1x16xi32>,
    %swap3A_274 = vector.shape_cast %swap3A_273 : vector<1x1x16xi32> to vector<16xi32>
    %swap3A_275 = vector.shape_cast %add3A_267 : vector<16xi32> to vector<1x1x16xi32>
    tpu.vector_store %arg6[%swap3A_270, %swap3A_271, %swap3A_272], %swap3A_275 {strides = array<i32>} : memref<11x8x128xi32, #tpu.memory_space<vmem>>, vector<1x1x16xi32>,
    %add3A_276 = arith.constant 10112 : i32
    %add3A_277 = vector.broadcast %add3A_276 : i32 to vector<16xi32>
    %add3A_278 = arith.addi %add3A_277, %iota3A : vector<16xi32>
    %swap3A_279 = arith.constant 10 : i32
    %swap3A_280 = arith.constant 3 : i32
    %swap3A_281 = arith.index_cast %swap3A_279 : i32 to index
    %swap3A_282 = arith.index_cast %swap3A_280 : i32 to index
    %swap3A_283 = arith.constant 0 : index
    %swap3A_284 = tpu.vector_load %arg6[%swap3A_281, %swap3A_282, %swap3A_283] {strides = array<i32>} : memref<11x8x128xi32, #tpu.memory_space<vmem>>, vector<1x1x16xi32>,
    %swap3A_285 = vector.shape_cast %swap3A_284 : vector<1x1x16xi32> to vector<16xi32>
    %swap3A_286 = vector.shape_cast %add3A_278 : vector<16xi32> to vector<1x1x16xi32>
    tpu.vector_store %arg6[%swap3A_281, %swap3A_282, %swap3A_283], %swap3A_286 {strides = array<i32>} : memref<11x8x128xi32, #tpu.memory_space<vmem>>, vector<1x1x16xi32>,
    %add3A_287 = arith.constant 10128 : i32
    %add3A_288 = vector.broadcast %add3A_287 : i32 to vector<16xi32>
    %add3A_289 = arith.addi %add3A_288, %iota3A : vector<16xi32>
    %swap3A_290 = arith.constant 10 : i32
    %swap3A_291 = arith.constant 3 : i32
    %swap3A_292 = arith.index_cast %swap3A_290 : i32 to index
    %swap3A_293 = arith.index_cast %swap3A_291 : i32 to index
    %swap3A_294 = arith.constant 16 : index
    %swap3A_295 = tpu.vector_load %arg6[%swap3A_292, %swap3A_293, %swap3A_294] {strides = array<i32>} : memref<11x8x128xi32, #tpu.memory_space<vmem>>, vector<1x1x16xi32>,
    %swap3A_296 = vector.shape_cast %swap3A_295 : vector<1x1x16xi32> to vector<16xi32>
    %swap3A_297 = vector.shape_cast %add3A_289 : vector<16xi32> to vector<1x1x16xi32>
    tpu.vector_store %arg6[%swap3A_292, %swap3A_293, %swap3A_294], %swap3A_297 {strides = array<i32>} : memref<11x8x128xi32, #tpu.memory_space<vmem>>, vector<1x1x16xi32>,
    %add3A_298 = arith.constant 10144 : i32
    %add3A_299 = vector.broadcast %add3A_298 : i32 to vector<16xi32>
    %add3A_300 = arith.addi %add3A_299, %iota3A : vector<16xi32>
    %swap3A_301 = arith.constant 10 : i32
    %swap3A_302 = arith.constant 3 : i32
    %swap3A_303 = arith.index_cast %swap3A_301 : i32 to index
    %swap3A_304 = arith.index_cast %swap3A_302 : i32 to index
    %swap3A_305 = arith.constant 32 : index
    %swap3A_306 = tpu.vector_load %arg6[%swap3A_303, %swap3A_304, %swap3A_305] {strides = array<i32>} : memref<11x8x128xi32, #tpu.memory_space<vmem>>, vector<1x1x16xi32>,
    %swap3A_307 = vector.shape_cast %swap3A_306 : vector<1x1x16xi32> to vector<16xi32>
    %swap3A_308 = vector.shape_cast %add3A_300 : vector<16xi32> to vector<1x1x16xi32>
    tpu.vector_store %arg6[%swap3A_303, %swap3A_304, %swap3A_305], %swap3A_308 {strides = array<i32>} : memref<11x8x128xi32, #tpu.memory_space<vmem>>, vector<1x1x16xi32>,
    %add3A_309 = arith.constant 10160 : i32
    %add3A_310 = vector.broadcast %add3A_309 : i32 to vector<16xi32>
    %add3A_311 = arith.addi %add3A_310, %iota3A : vector<16xi32>
    %swap3A_312 = arith.constant 10 : i32
    %swap3A_313 = arith.constant 3 : i32
    %swap3A_314 = arith.index_cast %swap3A_312 : i32 to index
    %swap3A_315 = arith.index_cast %swap3A_313 : i32 to index
    %swap3A_316 = arith.constant 48 : index
    %swap3A_317 = tpu.vector_load %arg6[%swap3A_314, %swap3A_315, %swap3A_316] {strides = array<i32>} : memref<11x8x128xi32, #tpu.memory_space<vmem>>, vector<1x1x16xi32>,
    %swap3A_318 = vector.shape_cast %swap3A_317 : vector<1x1x16xi32> to vector<16xi32>
    %swap3A_319 = vector.shape_cast %add3A_311 : vector<16xi32> to vector<1x1x16xi32>
    tpu.vector_store %arg6[%swap3A_314, %swap3A_315, %swap3A_316], %swap3A_319 {strides = array<i32>} : memref<11x8x128xi32, #tpu.memory_space<vmem>>, vector<1x1x16xi32>,
    %add3A_320 = arith.constant 10176 : i32
    %add3A_321 = vector.broadcast %add3A_320 : i32 to vector<16xi32>
    %add3A_322 = arith.addi %add3A_321, %iota3A : vector<16xi32>
    %swap3A_323 = arith.constant 10 : i32
    %swap3A_324 = arith.constant 3 : i32
    %swap3A_325 = arith.index_cast %swap3A_323 : i32 to index
    %swap3A_326 = arith.index_cast %swap3A_324 : i32 to index
    %swap3A_327 = arith.constant 64 : index
    %swap3A_328 = tpu.vector_load %arg6[%swap3A_325, %swap3A_326, %swap3A_327] {strides = array<i32>} : memref<11x8x128xi32, #tpu.memory_space<vmem>>, vector<1x1x16xi32>,
    %swap3A_329 = vector.shape_cast %swap3A_328 : vector<1x1x16xi32> to vector<16xi32>
    %swap3A_330 = vector.shape_cast %add3A_322 : vector<16xi32> to vector<1x1x16xi32>
    tpu.vector_store %arg6[%swap3A_325, %swap3A_326, %swap3A_327], %swap3A_330 {strides = array<i32>} : memref<11x8x128xi32, #tpu.memory_space<vmem>>, vector<1x1x16xi32>,
    %add3A_331 = arith.constant 10192 : i32
    %add3A_332 = vector.broadcast %add3A_331 : i32 to vector<16xi32>
    %add3A_333 = arith.addi %add3A_332, %iota3A : vector<16xi32>
    %swap3A_334 = arith.constant 10 : i32
    %swap3A_335 = arith.constant 3 : i32
    %swap3A_336 = arith.index_cast %swap3A_334 : i32 to index
    %swap3A_337 = arith.index_cast %swap3A_335 : i32 to index
    %swap3A_338 = arith.constant 80 : index
    %swap3A_339 = tpu.vector_load %arg6[%swap3A_336, %swap3A_337, %swap3A_338] {strides = array<i32>} : memref<11x8x128xi32, #tpu.memory_space<vmem>>, vector<1x1x16xi32>,
    %swap3A_340 = vector.shape_cast %swap3A_339 : vector<1x1x16xi32> to vector<16xi32>
    %swap3A_341 = vector.shape_cast %add3A_333 : vector<16xi32> to vector<1x1x16xi32>
    tpu.vector_store %arg6[%swap3A_336, %swap3A_337, %swap3A_338], %swap3A_341 {strides = array<i32>} : memref<11x8x128xi32, #tpu.memory_space<vmem>>, vector<1x1x16xi32>,
    %add3A_342 = arith.constant 10208 : i32
    %add3A_343 = vector.broadcast %add3A_342 : i32 to vector<16xi32>
    %add3A_344 = arith.addi %add3A_343, %iota3A : vector<16xi32>
    %swap3A_345 = arith.constant 10 : i32
    %swap3A_346 = arith.constant 3 : i32
    %swap3A_347 = arith.index_cast %swap3A_345 : i32 to index
    %swap3A_348 = arith.index_cast %swap3A_346 : i32 to index
    %swap3A_349 = arith.constant 96 : index
    %swap3A_350 = tpu.vector_load %arg6[%swap3A_347, %swap3A_348, %swap3A_349] {strides = array<i32>} : memref<11x8x128xi32, #tpu.memory_space<vmem>>, vector<1x1x16xi32>,
    %swap3A_351 = vector.shape_cast %swap3A_350 : vector<1x1x16xi32> to vector<16xi32>
    %swap3A_352 = vector.shape_cast %add3A_344 : vector<16xi32> to vector<1x1x16xi32>
    tpu.vector_store %arg6[%swap3A_347, %swap3A_348, %swap3A_349], %swap3A_352 {strides = array<i32>} : memref<11x8x128xi32, #tpu.memory_space<vmem>>, vector<1x1x16xi32>,
    %add3A_353 = arith.constant 10224 : i32
    %add3A_354 = vector.broadcast %add3A_353 : i32 to vector<16xi32>
    %add3A_355 = arith.addi %add3A_354, %iota3A : vector<16xi32>
    %swap3A_356 = arith.constant 10 : i32
    %swap3A_357 = arith.constant 3 : i32
    %swap3A_358 = arith.index_cast %swap3A_356 : i32 to index
    %swap3A_359 = arith.index_cast %swap3A_357 : i32 to index
    %swap3A_360 = arith.constant 112 : index
    %swap3A_361 = tpu.vector_load %arg6[%swap3A_358, %swap3A_359, %swap3A_360] {strides = array<i32>} : memref<11x8x128xi32, #tpu.memory_space<vmem>>, vector<1x1x16xi32>,
    %swap3A_362 = vector.shape_cast %swap3A_361 : vector<1x1x16xi32> to vector<16xi32>
    %swap3A_363 = vector.shape_cast %add3A_355 : vector<16xi32> to vector<1x1x16xi32>
    tpu.vector_store %arg6[%swap3A_358, %swap3A_359, %swap3A_360], %swap3A_363 {strides = array<i32>} : memref<11x8x128xi32, #tpu.memory_space<vmem>>, vector<1x1x16xi32>,
    %add3A_364 = arith.constant 10112 : i32
    %add3A_365 = vector.broadcast %add3A_364 : i32 to vector<16xi32>
    %add3A_366 = arith.addi %add3A_365, %iota3A : vector<16xi32>
    %swap3A_367 = arith.constant 10 : i32
    %swap3A_368 = arith.constant 4 : i32
    %swap3A_369 = arith.index_cast %swap3A_367 : i32 to index
    %swap3A_370 = arith.index_cast %swap3A_368 : i32 to index
    %swap3A_371 = arith.constant 0 : index
    %swap3A_372 = tpu.vector_load %arg6[%swap3A_369, %swap3A_370, %swap3A_371] {strides = array<i32>} : memref<11x8x128xi32, #tpu.memory_space<vmem>>, vector<1x1x16xi32>,
    %swap3A_373 = vector.shape_cast %swap3A_372 : vector<1x1x16xi32> to vector<16xi32>
    %swap3A_374 = vector.shape_cast %add3A_366 : vector<16xi32> to vector<1x1x16xi32>
    tpu.vector_store %arg6[%swap3A_369, %swap3A_370, %swap3A_371], %swap3A_374 {strides = array<i32>} : memref<11x8x128xi32, #tpu.memory_space<vmem>>, vector<1x1x16xi32>,
    %add3A_375 = arith.constant 10128 : i32
    %add3A_376 = vector.broadcast %add3A_375 : i32 to vector<16xi32>
    %add3A_377 = arith.addi %add3A_376, %iota3A : vector<16xi32>
    %swap3A_378 = arith.constant 10 : i32
    %swap3A_379 = arith.constant 4 : i32
    %swap3A_380 = arith.index_cast %swap3A_378 : i32 to index
    %swap3A_381 = arith.index_cast %swap3A_379 : i32 to index
    %swap3A_382 = arith.constant 16 : index
    %swap3A_383 = tpu.vector_load %arg6[%swap3A_380, %swap3A_381, %swap3A_382] {strides = array<i32>} : memref<11x8x128xi32, #tpu.memory_space<vmem>>, vector<1x1x16xi32>,
    %swap3A_384 = vector.shape_cast %swap3A_383 : vector<1x1x16xi32> to vector<16xi32>
    %swap3A_385 = vector.shape_cast %add3A_377 : vector<16xi32> to vector<1x1x16xi32>
    tpu.vector_store %arg6[%swap3A_380, %swap3A_381, %swap3A_382], %swap3A_385 {strides = array<i32>} : memref<11x8x128xi32, #tpu.memory_space<vmem>>, vector<1x1x16xi32>,
    %add3A_386 = arith.constant 10144 : i32
    %add3A_387 = vector.broadcast %add3A_386 : i32 to vector<16xi32>
    %add3A_388 = arith.addi %add3A_387, %iota3A : vector<16xi32>
    %swap3A_389 = arith.constant 10 : i32
    %swap3A_390 = arith.constant 4 : i32
    %swap3A_391 = arith.index_cast %swap3A_389 : i32 to index
    %swap3A_392 = arith.index_cast %swap3A_390 : i32 to index
    %swap3A_393 = arith.constant 32 : index
    %swap3A_394 = tpu.vector_load %arg6[%swap3A_391, %swap3A_392, %swap3A_393] {strides = array<i32>} : memref<11x8x128xi32, #tpu.memory_space<vmem>>, vector<1x1x16xi32>,
    %swap3A_395 = vector.shape_cast %swap3A_394 : vector<1x1x16xi32> to vector<16xi32>
    %swap3A_396 = vector.shape_cast %add3A_388 : vector<16xi32> to vector<1x1x16xi32>
    tpu.vector_store %arg6[%swap3A_391, %swap3A_392, %swap3A_393], %swap3A_396 {strides = array<i32>} : memref<11x8x128xi32, #tpu.memory_space<vmem>>, vector<1x1x16xi32>,
    %add3A_397 = arith.constant 10160 : i32
    %add3A_398 = vector.broadcast %add3A_397 : i32 to vector<16xi32>
    %add3A_399 = arith.addi %add3A_398, %iota3A : vector<16xi32>
    %swap3A_400 = arith.constant 10 : i32
    %swap3A_401 = arith.constant 4 : i32
    %swap3A_402 = arith.index_cast %swap3A_400 : i32 to index
    %swap3A_403 = arith.index_cast %swap3A_401 : i32 to index
    %swap3A_404 = arith.constant 48 : index
    %swap3A_405 = tpu.vector_load %arg6[%swap3A_402, %swap3A_403, %swap3A_404] {strides = array<i32>} : memref<11x8x128xi32, #tpu.memory_space<vmem>>, vector<1x1x16xi32>,
    %swap3A_406 = vector.shape_cast %swap3A_405 : vector<1x1x16xi32> to vector<16xi32>
    %swap3A_407 = vector.shape_cast %add3A_399 : vector<16xi32> to vector<1x1x16xi32>
    tpu.vector_store %arg6[%swap3A_402, %swap3A_403, %swap3A_404], %swap3A_407 {strides = array<i32>} : memref<11x8x128xi32, #tpu.memory_space<vmem>>, vector<1x1x16xi32>,
    %add3A_408 = arith.constant 10176 : i32
    %add3A_409 = vector.broadcast %add3A_408 : i32 to vector<16xi32>
    %add3A_410 = arith.addi %add3A_409, %iota3A : vector<16xi32>
    %swap3A_411 = arith.constant 10 : i32
    %swap3A_412 = arith.constant 4 : i32
    %swap3A_413 = arith.index_cast %swap3A_411 : i32 to index
    %swap3A_414 = arith.index_cast %swap3A_412 : i32 to index
    %swap3A_415 = arith.constant 64 : index
    %swap3A_416 = tpu.vector_load %arg6[%swap3A_413, %swap3A_414, %swap3A_415] {strides = array<i32>} : memref<11x8x128xi32, #tpu.memory_space<vmem>>, vector<1x1x16xi32>,
    %swap3A_417 = vector.shape_cast %swap3A_416 : vector<1x1x16xi32> to vector<16xi32>
    %swap3A_418 = vector.shape_cast %add3A_410 : vector<16xi32> to vector<1x1x16xi32>
    tpu.vector_store %arg6[%swap3A_413, %swap3A_414, %swap3A_415], %swap3A_418 {strides = array<i32>} : memref<11x8x128xi32, #tpu.memory_space<vmem>>, vector<1x1x16xi32>,
    %add3A_419 = arith.constant 10192 : i32
    %add3A_420 = vector.broadcast %add3A_419 : i32 to vector<16xi32>
    %add3A_421 = arith.addi %add3A_420, %iota3A : vector<16xi32>
    %swap3A_422 = arith.constant 10 : i32
    %swap3A_423 = arith.constant 4 : i32
    %swap3A_424 = arith.index_cast %swap3A_422 : i32 to index
    %swap3A_425 = arith.index_cast %swap3A_423 : i32 to index
    %swap3A_426 = arith.constant 80 : index
    %swap3A_427 = tpu.vector_load %arg6[%swap3A_424, %swap3A_425, %swap3A_426] {strides = array<i32>} : memref<11x8x128xi32, #tpu.memory_space<vmem>>, vector<1x1x16xi32>,
    %swap3A_428 = vector.shape_cast %swap3A_427 : vector<1x1x16xi32> to vector<16xi32>
    %swap3A_429 = vector.shape_cast %add3A_421 : vector<16xi32> to vector<1x1x16xi32>
    tpu.vector_store %arg6[%swap3A_424, %swap3A_425, %swap3A_426], %swap3A_429 {strides = array<i32>} : memref<11x8x128xi32, #tpu.memory_space<vmem>>, vector<1x1x16xi32>,
    %add3A_430 = arith.constant 10208 : i32
    %add3A_431 = vector.broadcast %add3A_430 : i32 to vector<16xi32>
    %add3A_432 = arith.addi %add3A_431, %iota3A : vector<16xi32>
    %swap3A_433 = arith.constant 10 : i32
    %swap3A_434 = arith.constant 4 : i32
    %swap3A_435 = arith.index_cast %swap3A_433 : i32 to index
    %swap3A_436 = arith.index_cast %swap3A_434 : i32 to index
    %swap3A_437 = arith.constant 96 : index
    %swap3A_438 = tpu.vector_load %arg6[%swap3A_435, %swap3A_436, %swap3A_437] {strides = array<i32>} : memref<11x8x128xi32, #tpu.memory_space<vmem>>, vector<1x1x16xi32>,
    %swap3A_439 = vector.shape_cast %swap3A_438 : vector<1x1x16xi32> to vector<16xi32>
    %swap3A_440 = vector.shape_cast %add3A_432 : vector<16xi32> to vector<1x1x16xi32>
    tpu.vector_store %arg6[%swap3A_435, %swap3A_436, %swap3A_437], %swap3A_440 {strides = array<i32>} : memref<11x8x128xi32, #tpu.memory_space<vmem>>, vector<1x1x16xi32>,
    %add3A_441 = arith.constant 10224 : i32
    %add3A_442 = vector.broadcast %add3A_441 : i32 to vector<16xi32>
    %add3A_443 = arith.addi %add3A_442, %iota3A : vector<16xi32>
    %swap3A_444 = arith.constant 10 : i32
    %swap3A_445 = arith.constant 4 : i32
    %swap3A_446 = arith.index_cast %swap3A_444 : i32 to index
    %swap3A_447 = arith.index_cast %swap3A_445 : i32 to index
    %swap3A_448 = arith.constant 112 : index
    %swap3A_449 = tpu.vector_load %arg6[%swap3A_446, %swap3A_447, %swap3A_448] {strides = array<i32>} : memref<11x8x128xi32, #tpu.memory_space<vmem>>, vector<1x1x16xi32>,
    %swap3A_450 = vector.shape_cast %swap3A_449 : vector<1x1x16xi32> to vector<16xi32>
    %swap3A_451 = vector.shape_cast %add3A_443 : vector<16xi32> to vector<1x1x16xi32>
    tpu.vector_store %arg6[%swap3A_446, %swap3A_447, %swap3A_448], %swap3A_451 {strides = array<i32>} : memref<11x8x128xi32, #tpu.memory_space<vmem>>, vector<1x1x16xi32>,
    %add3A_452 = arith.constant 10112 : i32
    %add3A_453 = vector.broadcast %add3A_452 : i32 to vector<16xi32>
    %add3A_454 = arith.addi %add3A_453, %iota3A : vector<16xi32>
    %swap3A_455 = arith.constant 10 : i32
    %swap3A_456 = arith.constant 5 : i32
    %swap3A_457 = arith.index_cast %swap3A_455 : i32 to index
    %swap3A_458 = arith.index_cast %swap3A_456 : i32 to index
    %swap3A_459 = arith.constant 0 : index
    %swap3A_460 = tpu.vector_load %arg6[%swap3A_457, %swap3A_458, %swap3A_459] {strides = array<i32>} : memref<11x8x128xi32, #tpu.memory_space<vmem>>, vector<1x1x16xi32>,
    %swap3A_461 = vector.shape_cast %swap3A_460 : vector<1x1x16xi32> to vector<16xi32>
    %swap3A_462 = vector.shape_cast %add3A_454 : vector<16xi32> to vector<1x1x16xi32>
    tpu.vector_store %arg6[%swap3A_457, %swap3A_458, %swap3A_459], %swap3A_462 {strides = array<i32>} : memref<11x8x128xi32, #tpu.memory_space<vmem>>, vector<1x1x16xi32>,
    %add3A_463 = arith.constant 10128 : i32
    %add3A_464 = vector.broadcast %add3A_463 : i32 to vector<16xi32>
    %add3A_465 = arith.addi %add3A_464, %iota3A : vector<16xi32>
    %swap3A_466 = arith.constant 10 : i32
    %swap3A_467 = arith.constant 5 : i32
    %swap3A_468 = arith.index_cast %swap3A_466 : i32 to index
    %swap3A_469 = arith.index_cast %swap3A_467 : i32 to index
    %swap3A_470 = arith.constant 16 : index
    %swap3A_471 = tpu.vector_load %arg6[%swap3A_468, %swap3A_469, %swap3A_470] {strides = array<i32>} : memref<11x8x128xi32, #tpu.memory_space<vmem>>, vector<1x1x16xi32>,
    %swap3A_472 = vector.shape_cast %swap3A_471 : vector<1x1x16xi32> to vector<16xi32>
    %swap3A_473 = vector.shape_cast %add3A_465 : vector<16xi32> to vector<1x1x16xi32>
    tpu.vector_store %arg6[%swap3A_468, %swap3A_469, %swap3A_470], %swap3A_473 {strides = array<i32>} : memref<11x8x128xi32, #tpu.memory_space<vmem>>, vector<1x1x16xi32>,
    %add3A_474 = arith.constant 10144 : i32
    %add3A_475 = vector.broadcast %add3A_474 : i32 to vector<16xi32>
    %add3A_476 = arith.addi %add3A_475, %iota3A : vector<16xi32>
    %swap3A_477 = arith.constant 10 : i32
    %swap3A_478 = arith.constant 5 : i32
    %swap3A_479 = arith.index_cast %swap3A_477 : i32 to index
    %swap3A_480 = arith.index_cast %swap3A_478 : i32 to index
    %swap3A_481 = arith.constant 32 : index
    %swap3A_482 = tpu.vector_load %arg6[%swap3A_479, %swap3A_480, %swap3A_481] {strides = array<i32>} : memref<11x8x128xi32, #tpu.memory_space<vmem>>, vector<1x1x16xi32>,
    %swap3A_483 = vector.shape_cast %swap3A_482 : vector<1x1x16xi32> to vector<16xi32>
    %swap3A_484 = vector.shape_cast %add3A_476 : vector<16xi32> to vector<1x1x16xi32>
    tpu.vector_store %arg6[%swap3A_479, %swap3A_480, %swap3A_481], %swap3A_484 {strides = array<i32>} : memref<11x8x128xi32, #tpu.memory_space<vmem>>, vector<1x1x16xi32>,
    %add3A_485 = arith.constant 10160 : i32
    %add3A_486 = vector.broadcast %add3A_485 : i32 to vector<16xi32>
    %add3A_487 = arith.addi %add3A_486, %iota3A : vector<16xi32>
    %swap3A_488 = arith.constant 10 : i32
    %swap3A_489 = arith.constant 5 : i32
    %swap3A_490 = arith.index_cast %swap3A_488 : i32 to index
    %swap3A_491 = arith.index_cast %swap3A_489 : i32 to index
    %swap3A_492 = arith.constant 48 : index
    %swap3A_493 = tpu.vector_load %arg6[%swap3A_490, %swap3A_491, %swap3A_492] {strides = array<i32>} : memref<11x8x128xi32, #tpu.memory_space<vmem>>, vector<1x1x16xi32>,
    %swap3A_494 = vector.shape_cast %swap3A_493 : vector<1x1x16xi32> to vector<16xi32>
    %swap3A_495 = vector.shape_cast %add3A_487 : vector<16xi32> to vector<1x1x16xi32>
    tpu.vector_store %arg6[%swap3A_490, %swap3A_491, %swap3A_492], %swap3A_495 {strides = array<i32>} : memref<11x8x128xi32, #tpu.memory_space<vmem>>, vector<1x1x16xi32>,
    %add3A_496 = arith.constant 10176 : i32
    %add3A_497 = vector.broadcast %add3A_496 : i32 to vector<16xi32>
    %add3A_498 = arith.addi %add3A_497, %iota3A : vector<16xi32>
    %swap3A_499 = arith.constant 10 : i32
    %swap3A_500 = arith.constant 5 : i32
    %swap3A_501 = arith.index_cast %swap3A_499 : i32 to index
    %swap3A_502 = arith.index_cast %swap3A_500 : i32 to index
    %swap3A_503 = arith.constant 64 : index
    %swap3A_504 = tpu.vector_load %arg6[%swap3A_501, %swap3A_502, %swap3A_503] {strides = array<i32>} : memref<11x8x128xi32, #tpu.memory_space<vmem>>, vector<1x1x16xi32>,
    %swap3A_505 = vector.shape_cast %swap3A_504 : vector<1x1x16xi32> to vector<16xi32>
    %swap3A_506 = vector.shape_cast %add3A_498 : vector<16xi32> to vector<1x1x16xi32>
    tpu.vector_store %arg6[%swap3A_501, %swap3A_502, %swap3A_503], %swap3A_506 {strides = array<i32>} : memref<11x8x128xi32, #tpu.memory_space<vmem>>, vector<1x1x16xi32>,
    %add3A_507 = arith.constant 10192 : i32
    %add3A_508 = vector.broadcast %add3A_507 : i32 to vector<16xi32>
    %add3A_509 = arith.addi %add3A_508, %iota3A : vector<16xi32>
    %swap3A_510 = arith.constant 10 : i32
    %swap3A_511 = arith.constant 5 : i32
    %swap3A_512 = arith.index_cast %swap3A_510 : i32 to index
    %swap3A_513 = arith.index_cast %swap3A_511 : i32 to index
    %swap3A_514 = arith.constant 80 : index
    %swap3A_515 = tpu.vector_load %arg6[%swap3A_512, %swap3A_513, %swap3A_514] {strides = array<i32>} : memref<11x8x128xi32, #tpu.memory_space<vmem>>, vector<1x1x16xi32>,
    %swap3A_516 = vector.shape_cast %swap3A_515 : vector<1x1x16xi32> to vector<16xi32>
    %swap3A_517 = vector.shape_cast %add3A_509 : vector<16xi32> to vector<1x1x16xi32>
    tpu.vector_store %arg6[%swap3A_512, %swap3A_513, %swap3A_514], %swap3A_517 {strides = array<i32>} : memref<11x8x128xi32, #tpu.memory_space<vmem>>, vector<1x1x16xi32>,
    %add3A_518 = arith.constant 10208 : i32
    %add3A_519 = vector.broadcast %add3A_518 : i32 to vector<16xi32>
    %add3A_520 = arith.addi %add3A_519, %iota3A : vector<16xi32>
    %swap3A_521 = arith.constant 10 : i32
    %swap3A_522 = arith.constant 5 : i32
    %swap3A_523 = arith.index_cast %swap3A_521 : i32 to index
    %swap3A_524 = arith.index_cast %swap3A_522 : i32 to index
    %swap3A_525 = arith.constant 96 : index
    %swap3A_526 = tpu.vector_load %arg6[%swap3A_523, %swap3A_524, %swap3A_525] {strides = array<i32>} : memref<11x8x128xi32, #tpu.memory_space<vmem>>, vector<1x1x16xi32>,
    %swap3A_527 = vector.shape_cast %swap3A_526 : vector<1x1x16xi32> to vector<16xi32>
    %swap3A_528 = vector.shape_cast %add3A_520 : vector<16xi32> to vector<1x1x16xi32>
    tpu.vector_store %arg6[%swap3A_523, %swap3A_524, %swap3A_525], %swap3A_528 {strides = array<i32>} : memref<11x8x128xi32, #tpu.memory_space<vmem>>, vector<1x1x16xi32>,
    %add3A_529 = arith.constant 10224 : i32
    %add3A_530 = vector.broadcast %add3A_529 : i32 to vector<16xi32>
    %add3A_531 = arith.addi %add3A_530, %iota3A : vector<16xi32>
    %swap3A_532 = arith.constant 10 : i32
    %swap3A_533 = arith.constant 5 : i32
    %swap3A_534 = arith.index_cast %swap3A_532 : i32 to index
    %swap3A_535 = arith.index_cast %swap3A_533 : i32 to index
    %swap3A_536 = arith.constant 112 : index
    %swap3A_537 = tpu.vector_load %arg6[%swap3A_534, %swap3A_535, %swap3A_536] {strides = array<i32>} : memref<11x8x128xi32, #tpu.memory_space<vmem>>, vector<1x1x16xi32>,
    %swap3A_538 = vector.shape_cast %swap3A_537 : vector<1x1x16xi32> to vector<16xi32>
    %swap3A_539 = vector.shape_cast %add3A_531 : vector<16xi32> to vector<1x1x16xi32>
    tpu.vector_store %arg6[%swap3A_534, %swap3A_535, %swap3A_536], %swap3A_539 {strides = array<i32>} : memref<11x8x128xi32, #tpu.memory_space<vmem>>, vector<1x1x16xi32>,
    %add3A_540 = arith.constant 10112 : i32
    %add3A_541 = vector.broadcast %add3A_540 : i32 to vector<16xi32>
    %add3A_542 = arith.addi %add3A_541, %iota3A : vector<16xi32>
    %swap3A_543 = arith.constant 10 : i32
    %swap3A_544 = arith.constant 6 : i32
    %swap3A_545 = arith.index_cast %swap3A_543 : i32 to index
    %swap3A_546 = arith.index_cast %swap3A_544 : i32 to index
    %swap3A_547 = arith.constant 0 : index
    %swap3A_548 = tpu.vector_load %arg6[%swap3A_545, %swap3A_546, %swap3A_547] {strides = array<i32>} : memref<11x8x128xi32, #tpu.memory_space<vmem>>, vector<1x1x16xi32>,
    %swap3A_549 = vector.shape_cast %swap3A_548 : vector<1x1x16xi32> to vector<16xi32>
    %swap3A_550 = vector.shape_cast %add3A_542 : vector<16xi32> to vector<1x1x16xi32>
    tpu.vector_store %arg6[%swap3A_545, %swap3A_546, %swap3A_547], %swap3A_550 {strides = array<i32>} : memref<11x8x128xi32, #tpu.memory_space<vmem>>, vector<1x1x16xi32>,
    %add3A_551 = arith.constant 10128 : i32
    %add3A_552 = vector.broadcast %add3A_551 : i32 to vector<16xi32>
    %add3A_553 = arith.addi %add3A_552, %iota3A : vector<16xi32>
    %swap3A_554 = arith.constant 10 : i32
    %swap3A_555 = arith.constant 6 : i32
    %swap3A_556 = arith.index_cast %swap3A_554 : i32 to index
    %swap3A_557 = arith.index_cast %swap3A_555 : i32 to index
    %swap3A_558 = arith.constant 16 : index
    %swap3A_559 = tpu.vector_load %arg6[%swap3A_556, %swap3A_557, %swap3A_558] {strides = array<i32>} : memref<11x8x128xi32, #tpu.memory_space<vmem>>, vector<1x1x16xi32>,
    %swap3A_560 = vector.shape_cast %swap3A_559 : vector<1x1x16xi32> to vector<16xi32>
    %swap3A_561 = vector.shape_cast %add3A_553 : vector<16xi32> to vector<1x1x16xi32>
    tpu.vector_store %arg6[%swap3A_556, %swap3A_557, %swap3A_558], %swap3A_561 {strides = array<i32>} : memref<11x8x128xi32, #tpu.memory_space<vmem>>, vector<1x1x16xi32>,
    %add3A_562 = arith.constant 10144 : i32
    %add3A_563 = vector.broadcast %add3A_562 : i32 to vector<16xi32>
    %add3A_564 = arith.addi %add3A_563, %iota3A : vector<16xi32>
    %swap3A_565 = arith.constant 10 : i32
    %swap3A_566 = arith.constant 6 : i32
    %swap3A_567 = arith.index_cast %swap3A_565 : i32 to index
    %swap3A_568 = arith.index_cast %swap3A_566 : i32 to index
    %swap3A_569 = arith.constant 32 : index
    %swap3A_570 = tpu.vector_load %arg6[%swap3A_567, %swap3A_568, %swap3A_569] {strides = array<i32>} : memref<11x8x128xi32, #tpu.memory_space<vmem>>, vector<1x1x16xi32>,
    %swap3A_571 = vector.shape_cast %swap3A_570 : vector<1x1x16xi32> to vector<16xi32>
    %swap3A_572 = vector.shape_cast %add3A_564 : vector<16xi32> to vector<1x1x16xi32>
    tpu.vector_store %arg6[%swap3A_567, %swap3A_568, %swap3A_569], %swap3A_572 {strides = array<i32>} : memref<11x8x128xi32, #tpu.memory_space<vmem>>, vector<1x1x16xi32>,
    %add3A_573 = arith.constant 10160 : i32
    %add3A_574 = vector.broadcast %add3A_573 : i32 to vector<16xi32>
    %add3A_575 = arith.addi %add3A_574, %iota3A : vector<16xi32>
    %swap3A_576 = arith.constant 10 : i32
    %swap3A_577 = arith.constant 6 : i32
    %swap3A_578 = arith.index_cast %swap3A_576 : i32 to index
    %swap3A_579 = arith.index_cast %swap3A_577 : i32 to index
    %swap3A_580 = arith.constant 48 : index
    %swap3A_581 = tpu.vector_load %arg6[%swap3A_578, %swap3A_579, %swap3A_580] {strides = array<i32>} : memref<11x8x128xi32, #tpu.memory_space<vmem>>, vector<1x1x16xi32>,
    %swap3A_582 = vector.shape_cast %swap3A_581 : vector<1x1x16xi32> to vector<16xi32>
    %swap3A_583 = vector.shape_cast %add3A_575 : vector<16xi32> to vector<1x1x16xi32>
    tpu.vector_store %arg6[%swap3A_578, %swap3A_579, %swap3A_580], %swap3A_583 {strides = array<i32>} : memref<11x8x128xi32, #tpu.memory_space<vmem>>, vector<1x1x16xi32>,
    %add3A_584 = arith.constant 10176 : i32
    %add3A_585 = vector.broadcast %add3A_584 : i32 to vector<16xi32>
    %add3A_586 = arith.addi %add3A_585, %iota3A : vector<16xi32>
    %swap3A_587 = arith.constant 10 : i32
    %swap3A_588 = arith.constant 6 : i32
    %swap3A_589 = arith.index_cast %swap3A_587 : i32 to index
    %swap3A_590 = arith.index_cast %swap3A_588 : i32 to index
    %swap3A_591 = arith.constant 64 : index
    %swap3A_592 = tpu.vector_load %arg6[%swap3A_589, %swap3A_590, %swap3A_591] {strides = array<i32>} : memref<11x8x128xi32, #tpu.memory_space<vmem>>, vector<1x1x16xi32>,
    %swap3A_593 = vector.shape_cast %swap3A_592 : vector<1x1x16xi32> to vector<16xi32>
    %swap3A_594 = vector.shape_cast %add3A_586 : vector<16xi32> to vector<1x1x16xi32>
    tpu.vector_store %arg6[%swap3A_589, %swap3A_590, %swap3A_591], %swap3A_594 {strides = array<i32>} : memref<11x8x128xi32, #tpu.memory_space<vmem>>, vector<1x1x16xi32>,
    %add3A_595 = arith.constant 10192 : i32
    %add3A_596 = vector.broadcast %add3A_595 : i32 to vector<16xi32>
    %add3A_597 = arith.addi %add3A_596, %iota3A : vector<16xi32>
    %swap3A_598 = arith.constant 10 : i32
    %swap3A_599 = arith.constant 6 : i32
    %swap3A_600 = arith.index_cast %swap3A_598 : i32 to index
    %swap3A_601 = arith.index_cast %swap3A_599 : i32 to index
    %swap3A_602 = arith.constant 80 : index
    %swap3A_603 = tpu.vector_load %arg6[%swap3A_600, %swap3A_601, %swap3A_602] {strides = array<i32>} : memref<11x8x128xi32, #tpu.memory_space<vmem>>, vector<1x1x16xi32>,
    %swap3A_604 = vector.shape_cast %swap3A_603 : vector<1x1x16xi32> to vector<16xi32>
    %swap3A_605 = vector.shape_cast %add3A_597 : vector<16xi32> to vector<1x1x16xi32>
    tpu.vector_store %arg6[%swap3A_600, %swap3A_601, %swap3A_602], %swap3A_605 {strides = array<i32>} : memref<11x8x128xi32, #tpu.memory_space<vmem>>, vector<1x1x16xi32>,
    %add3A_606 = arith.constant 10208 : i32
    %add3A_607 = vector.broadcast %add3A_606 : i32 to vector<16xi32>
    %add3A_608 = arith.addi %add3A_607, %iota3A : vector<16xi32>
    %swap3A_609 = arith.constant 10 : i32
    %swap3A_610 = arith.constant 6 : i32
    %swap3A_611 = arith.index_cast %swap3A_609 : i32 to index
    %swap3A_612 = arith.index_cast %swap3A_610 : i32 to index
    %swap3A_613 = arith.constant 96 : index
    %swap3A_614 = tpu.vector_load %arg6[%swap3A_611, %swap3A_612, %swap3A_613] {strides = array<i32>} : memref<11x8x128xi32, #tpu.memory_space<vmem>>, vector<1x1x16xi32>,
    %swap3A_615 = vector.shape_cast %swap3A_614 : vector<1x1x16xi32> to vector<16xi32>
    %swap3A_616 = vector.shape_cast %add3A_608 : vector<16xi32> to vector<1x1x16xi32>
    tpu.vector_store %arg6[%swap3A_611, %swap3A_612, %swap3A_613], %swap3A_616 {strides = array<i32>} : memref<11x8x128xi32, #tpu.memory_space<vmem>>, vector<1x1x16xi32>,
    %add3A_617 = arith.constant 10224 : i32
    %add3A_618 = vector.broadcast %add3A_617 : i32 to vector<16xi32>
    %add3A_619 = arith.addi %add3A_618, %iota3A : vector<16xi32>
    %swap3A_620 = arith.constant 10 : i32
    %swap3A_621 = arith.constant 6 : i32
    %swap3A_622 = arith.index_cast %swap3A_620 : i32 to index
    %swap3A_623 = arith.index_cast %swap3A_621 : i32 to index
    %swap3A_624 = arith.constant 112 : index
    %swap3A_625 = tpu.vector_load %arg6[%swap3A_622, %swap3A_623, %swap3A_624] {strides = array<i32>} : memref<11x8x128xi32, #tpu.memory_space<vmem>>, vector<1x1x16xi32>,
    %swap3A_626 = vector.shape_cast %swap3A_625 : vector<1x1x16xi32> to vector<16xi32>
    %swap3A_627 = vector.shape_cast %add3A_619 : vector<16xi32> to vector<1x1x16xi32>
    tpu.vector_store %arg6[%swap3A_622, %swap3A_623, %swap3A_624], %swap3A_627 {strides = array<i32>} : memref<11x8x128xi32, #tpu.memory_space<vmem>>, vector<1x1x16xi32>,
    %add3A_628 = arith.constant 10112 : i32
    %add3A_629 = vector.broadcast %add3A_628 : i32 to vector<16xi32>
    %add3A_630 = arith.addi %add3A_629, %iota3A : vector<16xi32>
    %swap3A_631 = arith.constant 10 : i32
    %swap3A_632 = arith.constant 7 : i32
    %swap3A_633 = arith.index_cast %swap3A_631 : i32 to index
    %swap3A_634 = arith.index_cast %swap3A_632 : i32 to index
    %swap3A_635 = arith.constant 0 : index
    %swap3A_636 = tpu.vector_load %arg6[%swap3A_633, %swap3A_634, %swap3A_635] {strides = array<i32>} : memref<11x8x128xi32, #tpu.memory_space<vmem>>, vector<1x1x16xi32>,
    %swap3A_637 = vector.shape_cast %swap3A_636 : vector<1x1x16xi32> to vector<16xi32>
    %swap3A_638 = vector.shape_cast %add3A_630 : vector<16xi32> to vector<1x1x16xi32>
    tpu.vector_store %arg6[%swap3A_633, %swap3A_634, %swap3A_635], %swap3A_638 {strides = array<i32>} : memref<11x8x128xi32, #tpu.memory_space<vmem>>, vector<1x1x16xi32>,
    %add3A_639 = arith.constant 10128 : i32
    %add3A_640 = vector.broadcast %add3A_639 : i32 to vector<16xi32>
    %add3A_641 = arith.addi %add3A_640, %iota3A : vector<16xi32>
    %swap3A_642 = arith.constant 10 : i32
    %swap3A_643 = arith.constant 7 : i32
    %swap3A_644 = arith.index_cast %swap3A_642 : i32 to index
    %swap3A_645 = arith.index_cast %swap3A_643 : i32 to index
    %swap3A_646 = arith.constant 16 : index
    %swap3A_647 = tpu.vector_load %arg6[%swap3A_644, %swap3A_645, %swap3A_646] {strides = array<i32>} : memref<11x8x128xi32, #tpu.memory_space<vmem>>, vector<1x1x16xi32>,
    %swap3A_648 = vector.shape_cast %swap3A_647 : vector<1x1x16xi32> to vector<16xi32>
    %swap3A_649 = vector.shape_cast %add3A_641 : vector<16xi32> to vector<1x1x16xi32>
    tpu.vector_store %arg6[%swap3A_644, %swap3A_645, %swap3A_646], %swap3A_649 {strides = array<i32>} : memref<11x8x128xi32, #tpu.memory_space<vmem>>, vector<1x1x16xi32>,
    %add3A_650 = arith.constant 10144 : i32
    %add3A_651 = vector.broadcast %add3A_650 : i32 to vector<16xi32>
    %add3A_652 = arith.addi %add3A_651, %iota3A : vector<16xi32>
    %swap3A_653 = arith.constant 10 : i32
    %swap3A_654 = arith.constant 7 : i32
    %swap3A_655 = arith.index_cast %swap3A_653 : i32 to index
    %swap3A_656 = arith.index_cast %swap3A_654 : i32 to index
    %swap3A_657 = arith.constant 32 : index
    %swap3A_658 = tpu.vector_load %arg6[%swap3A_655, %swap3A_656, %swap3A_657] {strides = array<i32>} : memref<11x8x128xi32, #tpu.memory_space<vmem>>, vector<1x1x16xi32>,
    %swap3A_659 = vector.shape_cast %swap3A_658 : vector<1x1x16xi32> to vector<16xi32>
    %swap3A_660 = vector.shape_cast %add3A_652 : vector<16xi32> to vector<1x1x16xi32>
    tpu.vector_store %arg6[%swap3A_655, %swap3A_656, %swap3A_657], %swap3A_660 {strides = array<i32>} : memref<11x8x128xi32, #tpu.memory_space<vmem>>, vector<1x1x16xi32>,
    %add3A_661 = arith.constant 10160 : i32
    %add3A_662 = vector.broadcast %add3A_661 : i32 to vector<16xi32>
    %add3A_663 = arith.addi %add3A_662, %iota3A : vector<16xi32>
    %swap3A_664 = arith.constant 10 : i32
    %swap3A_665 = arith.constant 7 : i32
    %swap3A_666 = arith.index_cast %swap3A_664 : i32 to index
    %swap3A_667 = arith.index_cast %swap3A_665 : i32 to index
    %swap3A_668 = arith.constant 48 : index
    %swap3A_669 = tpu.vector_load %arg6[%swap3A_666, %swap3A_667, %swap3A_668] {strides = array<i32>} : memref<11x8x128xi32, #tpu.memory_space<vmem>>, vector<1x1x16xi32>,
    %swap3A_670 = vector.shape_cast %swap3A_669 : vector<1x1x16xi32> to vector<16xi32>
    %swap3A_671 = vector.shape_cast %add3A_663 : vector<16xi32> to vector<1x1x16xi32>
    tpu.vector_store %arg6[%swap3A_666, %swap3A_667, %swap3A_668], %swap3A_671 {strides = array<i32>} : memref<11x8x128xi32, #tpu.memory_space<vmem>>, vector<1x1x16xi32>,
    %add3A_672 = arith.constant 10176 : i32
    %add3A_673 = vector.broadcast %add3A_672 : i32 to vector<16xi32>
    %add3A_674 = arith.addi %add3A_673, %iota3A : vector<16xi32>
    %swap3A_675 = arith.constant 10 : i32
    %swap3A_676 = arith.constant 7 : i32
    %swap3A_677 = arith.index_cast %swap3A_675 : i32 to index
    %swap3A_678 = arith.index_cast %swap3A_676 : i32 to index
    %swap3A_679 = arith.constant 64 : index
    %swap3A_680 = tpu.vector_load %arg6[%swap3A_677, %swap3A_678, %swap3A_679] {strides = array<i32>} : memref<11x8x128xi32, #tpu.memory_space<vmem>>, vector<1x1x16xi32>,
    %swap3A_681 = vector.shape_cast %swap3A_680 : vector<1x1x16xi32> to vector<16xi32>
    %swap3A_682 = vector.shape_cast %add3A_674 : vector<16xi32> to vector<1x1x16xi32>
    tpu.vector_store %arg6[%swap3A_677, %swap3A_678, %swap3A_679], %swap3A_682 {strides = array<i32>} : memref<11x8x128xi32, #tpu.memory_space<vmem>>, vector<1x1x16xi32>,
    %add3A_683 = arith.constant 10192 : i32
    %add3A_684 = vector.broadcast %add3A_683 : i32 to vector<16xi32>
    %add3A_685 = arith.addi %add3A_684, %iota3A : vector<16xi32>
    %swap3A_686 = arith.constant 10 : i32
    %swap3A_687 = arith.constant 7 : i32
    %swap3A_688 = arith.index_cast %swap3A_686 : i32 to index
    %swap3A_689 = arith.index_cast %swap3A_687 : i32 to index
    %swap3A_690 = arith.constant 80 : index
    %swap3A_691 = tpu.vector_load %arg6[%swap3A_688, %swap3A_689, %swap3A_690] {strides = array<i32>} : memref<11x8x128xi32, #tpu.memory_space<vmem>>, vector<1x1x16xi32>,
    %swap3A_692 = vector.shape_cast %swap3A_691 : vector<1x1x16xi32> to vector<16xi32>
    %swap3A_693 = vector.shape_cast %add3A_685 : vector<16xi32> to vector<1x1x16xi32>
    tpu.vector_store %arg6[%swap3A_688, %swap3A_689, %swap3A_690], %swap3A_693 {strides = array<i32>} : memref<11x8x128xi32, #tpu.memory_space<vmem>>, vector<1x1x16xi32>,
    %add3A_694 = arith.constant 10208 : i32
    %add3A_695 = vector.broadcast %add3A_694 : i32 to vector<16xi32>
    %add3A_696 = arith.addi %add3A_695, %iota3A : vector<16xi32>
    %swap3A_697 = arith.constant 10 : i32
    %swap3A_698 = arith.constant 7 : i32
    %swap3A_699 = arith.index_cast %swap3A_697 : i32 to index
    %swap3A_700 = arith.index_cast %swap3A_698 : i32 to index
    %swap3A_701 = arith.constant 96 : index
    %swap3A_702 = tpu.vector_load %arg6[%swap3A_699, %swap3A_700, %swap3A_701] {strides = array<i32>} : memref<11x8x128xi32, #tpu.memory_space<vmem>>, vector<1x1x16xi32>,
    %swap3A_703 = vector.shape_cast %swap3A_702 : vector<1x1x16xi32> to vector<16xi32>
    %swap3A_704 = vector.shape_cast %add3A_696 : vector<16xi32> to vector<1x1x16xi32>
    tpu.vector_store %arg6[%swap3A_699, %swap3A_700, %swap3A_701], %swap3A_704 {strides = array<i32>} : memref<11x8x128xi32, #tpu.memory_space<vmem>>, vector<1x1x16xi32>,
    %add3A_705 = arith.constant 10224 : i32
    %add3A_706 = vector.broadcast %add3A_705 : i32 to vector<16xi32>
    %add3A_707 = arith.addi %add3A_706, %iota3A : vector<16xi32>
    %swap3A_708 = arith.constant 10 : i32
    %swap3A_709 = arith.constant 7 : i32
    %swap3A_710 = arith.index_cast %swap3A_708 : i32 to index
    %swap3A_711 = arith.index_cast %swap3A_709 : i32 to index
    %swap3A_712 = arith.constant 112 : index
    %swap3A_713 = tpu.vector_load %arg6[%swap3A_710, %swap3A_711, %swap3A_712] {strides = array<i32>} : memref<11x8x128xi32, #tpu.memory_space<vmem>>, vector<1x1x16xi32>,
    %swap3A_714 = vector.shape_cast %swap3A_713 : vector<1x1x16xi32> to vector<16xi32>
    %swap3A_715 = vector.shape_cast %add3A_707 : vector<16xi32> to vector<1x1x16xi32>
    tpu.vector_store %arg6[%swap3A_710, %swap3A_711, %swap3A_712], %swap3A_715 {strides = array<i32>} : memref<11x8x128xi32, #tpu.memory_space<vmem>>, vector<1x1x16xi32>,
    %mul3A_716 = arith.constant 640 : i32
    %mul3A_717 = arith.muli %arg1, %mul3A_716 : i32
    %mul3A_718 = arith.constant 640 : i32
    %mul3A_719 = arith.muli %arg1, %mul3A_718 : i32
    "tpu.region"() ({
      %run_scoped3A = tpu.sem_alloc : memref<!tpu.dma_semaphore, #tpu.memory_space<semaphore_mem>>
      %dma_start3A_1004 = arith.constant 0 : i32
      %dma_start3A_1005 = tpu.memref_slice %arg11[%mul3A_719, %dma_start3A_1004] : memref<10240x64xf32, #tpu.memory_space<vmem_shared>> -> memref<640x64xf32, #tpu.memory_space<vmem_shared>>
      %dma_start3A_1006 = arith.constant 0 : i32
      %dma_start3A_1007 = tpu.memref_slice %arg2[%mul3A_717, %dma_start3A_1006] : memref<10240x64xf32, #tpu.memory_space<hbm>> -> memref<640x64xf32, #tpu.memory_space<hbm>>
      tpu.enqueue_dma source(%dma_start3A_1007 : memref<640x64xf32, #tpu.memory_space<hbm>>) target(%dma_start3A_1005 : memref<640x64xf32, #tpu.memory_space<vmem_shared>>) target_semaphore(%run_scoped3A : memref<!tpu.dma_semaphore, #tpu.memory_space<semaphore_mem>>)
      %dma_wait3A_1008 = arith.constant 0 : i32
      %dma_wait3A_1009 = tpu.memref_slice %arg11[%mul3A_719, %dma_wait3A_1008] : memref<10240x64xf32, #tpu.memory_space<vmem_shared>> -> memref<640x64xf32, #tpu.memory_space<vmem_shared>>
      %dma_wait3A_1010 = arith.constant 0 : i32
      %dma_wait3A_1011 = tpu.memref_slice %arg2[%mul3A_717, %dma_wait3A_1010] : memref<10240x64xf32, #tpu.memory_space<hbm>> -> memref<640x64xf32, #tpu.memory_space<hbm>>
      tpu.wait_dma2 semaphore(%run_scoped3A : memref<!tpu.dma_semaphore, #tpu.memory_space<semaphore_mem>>) src(%dma_wait3A_1011 : memref<640x64xf32, #tpu.memory_space<hbm>>) dst(%dma_wait3A_1009 : memref<640x64xf32, #tpu.memory_space<vmem_shared>>)
      tpu.yield
    }) : () -> ()
    %barrier3A = arith.constant 0 : index
    tpu.barrier barrier_id(%barrier3A)
    %dma_start3A = arith.constant 0 : i32
    %dma_start3A_720 = arith.constant 0 : i32
    %dma_start3A_721 = arith.constant 0 : i32
    %dma_start3A_722 = tpu.memref_slice %arg6[%dma_start3A, %dma_start3A_720, %dma_start3A_721] : memref<11x8x128xi32, #tpu.memory_space<vmem>> -> memref<1x1x128xi32, #tpu.memory_space<vmem>>
    %dma_start3A_723 = tpu.memref_squeeze %dma_start3A_722 : memref<1x1x128xi32, #tpu.memory_space<vmem>> -> memref<128xi32, #tpu.memory_space<vmem>>
    %dma_start3A_724 = arith.constant 0 : i32
    %dma_start3A_725 = arith.constant 0 : i32
    %dma_start3A_726 = tpu.memref_slice %arg11[%dma_start3A_724, %dma_start3A_725] : memref<10240x64xf32, #tpu.memory_space<vmem_shared>> -> memref<10240x64xf32, #tpu.memory_space<vmem_shared>>
    tpu.enqueue_indirect_dma source(%dma_start3A_726 : memref<10240x64xf32, #tpu.memory_space<vmem_shared>>) target(%arg8 : memref<128x64xf32, #tpu.memory_space<vmem>>) offsets(%dma_start3A_723 : memref<128xi32, #tpu.memory_space<vmem>>) semaphore(%arg12 : memref<!tpu.dma_semaphore, #tpu.memory_space<semaphore_mem>>)
    %dma_wait3A = arith.constant 0 : i32
    %dma_wait3A_727 = arith.constant 0 : i32
    %dma_wait3A_728 = arith.constant 0 : i32
    %dma_wait3A_729 = tpu.memref_slice %arg6[%dma_wait3A, %dma_wait3A_727, %dma_wait3A_728] : memref<11x8x128xi32, #tpu.memory_space<vmem>> -> memref<1x1x128xi32, #tpu.memory_space<vmem>>
    %dma_wait3A_730 = tpu.memref_squeeze %dma_wait3A_729 : memref<1x1x128xi32, #tpu.memory_space<vmem>> -> memref<128xi32, #tpu.memory_space<vmem>>
    %dma_wait3A_731 = arith.constant 0 : i32
    %dma_wait3A_732 = arith.constant 0 : i32
    %dma_wait3A_733 = tpu.memref_slice %arg11[%dma_wait3A_731, %dma_wait3A_732] : memref<10240x64xf32, #tpu.memory_space<vmem_shared>> -> memref<10240x64xf32, #tpu.memory_space<vmem_shared>>
    tpu.wait_indirect_dma semaphore(%arg12 : memref<!tpu.dma_semaphore, #tpu.memory_space<semaphore_mem>>) src(%dma_wait3A_733 : memref<10240x64xf32, #tpu.memory_space<vmem_shared>>) dst(%arg8 : memref<128x64xf32, #tpu.memory_space<vmem>>)
    %dma_start3A_734 = arith.constant 0 : i32
    %dma_start3A_735 = arith.constant 0 : i32
    %dma_start3A_736 = arith.constant 0 : i32
    %dma_start3A_737 = tpu.memref_slice %arg7[%dma_start3A_734, %dma_start3A_735, %dma_start3A_736] : memref<10x8x128xi32, #tpu.memory_space<vmem>> -> memref<1x1x128xi32, #tpu.memory_space<vmem>>
    %dma_start3A_738 = tpu.memref_squeeze %dma_start3A_737 : memref<1x1x128xi32, #tpu.memory_space<vmem>> -> memref<128xi32, #tpu.memory_space<vmem>>
    %dma_start3A_739 = arith.constant 0 : i32
    %dma_start3A_740 = arith.constant 0 : i32
    %dma_start3A_741 = tpu.memref_slice %arg10[%dma_start3A_739, %dma_start3A_740] : memref<10240x64xf32, #tpu.memory_space<vmem_shared>> -> memref<10240x64xf32, #tpu.memory_space<vmem_shared>>
    tpu.enqueue_indirect_dma source(%arg8 : memref<128x64xf32, #tpu.memory_space<vmem>>) target(%dma_start3A_741 : memref<10240x64xf32, #tpu.memory_space<vmem_shared>>) offsets(%dma_start3A_738 : memref<128xi32, #tpu.memory_space<vmem>>) semaphore(%arg14 : memref<!tpu.dma_semaphore, #tpu.memory_space<semaphore_mem>>) {add = true}
    %dma_start3A_742 = arith.constant 0 : i32
    %dma_start3A_743 = arith.constant 1 : i32
    %dma_start3A_744 = arith.constant 0 : i32
    %dma_start3A_745 = tpu.memref_slice %arg6[%dma_start3A_742, %dma_start3A_743, %dma_start3A_744] : memref<11x8x128xi32, #tpu.memory_space<vmem>> -> memref<1x1x128xi32, #tpu.memory_space<vmem>>
    %dma_start3A_746 = tpu.memref_squeeze %dma_start3A_745 : memref<1x1x128xi32, #tpu.memory_space<vmem>> -> memref<128xi32, #tpu.memory_space<vmem>>
    %dma_start3A_747 = arith.constant 0 : i32
    %dma_start3A_748 = arith.constant 0 : i32
    %dma_start3A_749 = tpu.memref_slice %arg11[%dma_start3A_747, %dma_start3A_748] : memref<10240x64xf32, #tpu.memory_space<vmem_shared>> -> memref<10240x64xf32, #tpu.memory_space<vmem_shared>>
    tpu.enqueue_indirect_dma source(%dma_start3A_749 : memref<10240x64xf32, #tpu.memory_space<vmem_shared>>) target(%arg9 : memref<128x64xf32, #tpu.memory_space<vmem>>) offsets(%dma_start3A_746 : memref<128xi32, #tpu.memory_space<vmem>>) semaphore(%arg13 : memref<!tpu.dma_semaphore, #tpu.memory_space<semaphore_mem>>)
    %dma_wait3A_750 = arith.constant 0 : i32
    %dma_wait3A_751 = arith.constant 1 : i32
    %dma_wait3A_752 = arith.constant 0 : i32
    %dma_wait3A_753 = tpu.memref_slice %arg6[%dma_wait3A_750, %dma_wait3A_751, %dma_wait3A_752] : memref<11x8x128xi32, #tpu.memory_space<vmem>> -> memref<1x1x128xi32, #tpu.memory_space<vmem>>
    %dma_wait3A_754 = tpu.memref_squeeze %dma_wait3A_753 : memref<1x1x128xi32, #tpu.memory_space<vmem>> -> memref<128xi32, #tpu.memory_space<vmem>>
    %dma_wait3A_755 = arith.constant 0 : i32
    %dma_wait3A_756 = arith.constant 0 : i32
    %dma_wait3A_757 = tpu.memref_slice %arg11[%dma_wait3A_755, %dma_wait3A_756] : memref<10240x64xf32, #tpu.memory_space<vmem_shared>> -> memref<10240x64xf32, #tpu.memory_space<vmem_shared>>
    tpu.wait_indirect_dma semaphore(%arg13 : memref<!tpu.dma_semaphore, #tpu.memory_space<semaphore_mem>>) src(%dma_wait3A_757 : memref<10240x64xf32, #tpu.memory_space<vmem_shared>>) dst(%arg9 : memref<128x64xf32, #tpu.memory_space<vmem>>)
    %dma_start3A_758 = arith.constant 0 : i32
    %dma_start3A_759 = arith.constant 1 : i32
    %dma_start3A_760 = arith.constant 0 : i32
    %dma_start3A_761 = tpu.memref_slice %arg7[%dma_start3A_758, %dma_start3A_759, %dma_start3A_760] : memref<10x8x128xi32, #tpu.memory_space<vmem>> -> memref<1x1x128xi32, #tpu.memory_space<vmem>>
    %dma_start3A_762 = tpu.memref_squeeze %dma_start3A_761 : memref<1x1x128xi32, #tpu.memory_space<vmem>> -> memref<128xi32, #tpu.memory_space<vmem>>
    %dma_start3A_763 = arith.constant 0 : i32
    %dma_start3A_764 = arith.constant 0 : i32
    %dma_start3A_765 = tpu.memref_slice %arg10[%dma_start3A_763, %dma_start3A_764] : memref<10240x64xf32, #tpu.memory_space<vmem_shared>> -> memref<10240x64xf32, #tpu.memory_space<vmem_shared>>
    tpu.enqueue_indirect_dma source(%arg9 : memref<128x64xf32, #tpu.memory_space<vmem>>) target(%dma_start3A_765 : memref<10240x64xf32, #tpu.memory_space<vmem_shared>>) offsets(%dma_start3A_762 : memref<128xi32, #tpu.memory_space<vmem>>) semaphore(%arg15 : memref<!tpu.dma_semaphore, #tpu.memory_space<semaphore_mem>>) {add = true}
    %dma_wait3A_766 = arith.constant 0 : i32
    %dma_wait3A_767 = arith.constant 1 : i32
    %dma_wait3A_768 = arith.constant 0 : i32
    %dma_wait3A_769 = tpu.memref_slice %arg7[%dma_wait3A_766, %dma_wait3A_767, %dma_wait3A_768] : memref<10x8x128xi32, #tpu.memory_space<vmem>> -> memref<1x1x128xi32, #tpu.memory_space<vmem>>
    %dma_wait3A_770 = tpu.memref_squeeze %dma_wait3A_769 : memref<1x1x128xi32, #tpu.memory_space<vmem>> -> memref<128xi32, #tpu.memory_space<vmem>>
    %dma_wait3A_771 = arith.constant 0 : i32
    %dma_wait3A_772 = arith.constant 0 : i32
    %dma_wait3A_773 = tpu.memref_slice %arg10[%dma_wait3A_771, %dma_wait3A_772] : memref<10240x64xf32, #tpu.memory_space<vmem_shared>> -> memref<10240x64xf32, #tpu.memory_space<vmem_shared>>
    tpu.wait_indirect_dma semaphore(%arg14 : memref<!tpu.dma_semaphore, #tpu.memory_space<semaphore_mem>>) src(%arg8 : memref<128x64xf32, #tpu.memory_space<vmem>>) dst(%dma_wait3A_773 : memref<10240x64xf32, #tpu.memory_space<vmem_shared>>)
    %dma_start3A_774 = arith.constant 0 : i32
    %dma_start3A_775 = arith.constant 2 : i32
    %dma_start3A_776 = arith.constant 0 : i32
    %dma_start3A_777 = tpu.memref_slice %arg6[%dma_start3A_774, %dma_start3A_775, %dma_start3A_776] : memref<11x8x128xi32, #tpu.memory_space<vmem>> -> memref<1x1x128xi32, #tpu.memory_space<vmem>>
    %dma_start3A_778 = tpu.memref_squeeze %dma_start3A_777 : memref<1x1x128xi32, #tpu.memory_space<vmem>> -> memref<128xi32, #tpu.memory_space<vmem>>
    %dma_start3A_779 = arith.constant 0 : i32
    %dma_start3A_780 = arith.constant 0 : i32
    %dma_start3A_781 = tpu.memref_slice %arg11[%dma_start3A_779, %dma_start3A_780] : memref<10240x64xf32, #tpu.memory_space<vmem_shared>> -> memref<10240x64xf32, #tpu.memory_space<vmem_shared>>
    tpu.enqueue_indirect_dma source(%dma_start3A_781 : memref<10240x64xf32, #tpu.memory_space<vmem_shared>>) target(%arg8 : memref<128x64xf32, #tpu.memory_space<vmem>>) offsets(%dma_start3A_778 : memref<128xi32, #tpu.memory_space<vmem>>) semaphore(%arg12 : memref<!tpu.dma_semaphore, #tpu.memory_space<semaphore_mem>>)
    %dma_wait3A_782 = arith.constant 0 : i32
    %dma_wait3A_783 = arith.constant 2 : i32
    %dma_wait3A_784 = arith.constant 0 : i32
    %dma_wait3A_785 = tpu.memref_slice %arg6[%dma_wait3A_782, %dma_wait3A_783, %dma_wait3A_784] : memref<11x8x128xi32, #tpu.memory_space<vmem>> -> memref<1x1x128xi32, #tpu.memory_space<vmem>>
    %dma_wait3A_786 = tpu.memref_squeeze %dma_wait3A_785 : memref<1x1x128xi32, #tpu.memory_space<vmem>> -> memref<128xi32, #tpu.memory_space<vmem>>
    %dma_wait3A_787 = arith.constant 0 : i32
    %dma_wait3A_788 = arith.constant 0 : i32
    %dma_wait3A_789 = tpu.memref_slice %arg11[%dma_wait3A_787, %dma_wait3A_788] : memref<10240x64xf32, #tpu.memory_space<vmem_shared>> -> memref<10240x64xf32, #tpu.memory_space<vmem_shared>>
    tpu.wait_indirect_dma semaphore(%arg12 : memref<!tpu.dma_semaphore, #tpu.memory_space<semaphore_mem>>) src(%dma_wait3A_789 : memref<10240x64xf32, #tpu.memory_space<vmem_shared>>) dst(%arg8 : memref<128x64xf32, #tpu.memory_space<vmem>>)
    %dma_start3A_790 = arith.constant 0 : i32
    %dma_start3A_791 = arith.constant 2 : i32
    %dma_start3A_792 = arith.constant 0 : i32
    %dma_start3A_793 = tpu.memref_slice %arg7[%dma_start3A_790, %dma_start3A_791, %dma_start3A_792] : memref<10x8x128xi32, #tpu.memory_space<vmem>> -> memref<1x1x128xi32, #tpu.memory_space<vmem>>
    %dma_start3A_794 = tpu.memref_squeeze %dma_start3A_793 : memref<1x1x128xi32, #tpu.memory_space<vmem>> -> memref<128xi32, #tpu.memory_space<vmem>>
    %dma_start3A_795 = arith.constant 0 : i32
    %dma_start3A_796 = arith.constant 0 : i32
    %dma_start3A_797 = tpu.memref_slice %arg10[%dma_start3A_795, %dma_start3A_796] : memref<10240x64xf32, #tpu.memory_space<vmem_shared>> -> memref<10240x64xf32, #tpu.memory_space<vmem_shared>>
    tpu.enqueue_indirect_dma source(%arg8 : memref<128x64xf32, #tpu.memory_space<vmem>>) target(%dma_start3A_797 : memref<10240x64xf32, #tpu.memory_space<vmem_shared>>) offsets(%dma_start3A_794 : memref<128xi32, #tpu.memory_space<vmem>>) semaphore(%arg14 : memref<!tpu.dma_semaphore, #tpu.memory_space<semaphore_mem>>) {add = true}
    %dma_wait3A_798 = arith.constant 0 : i32
    %dma_wait3A_799 = arith.constant 2 : i32
    %dma_wait3A_800 = arith.constant 0 : i32
    %dma_wait3A_801 = tpu.memref_slice %arg7[%dma_wait3A_798, %dma_wait3A_799, %dma_wait3A_800] : memref<10x8x128xi32, #tpu.memory_space<vmem>> -> memref<1x1x128xi32, #tpu.memory_space<vmem>>
    %dma_wait3A_802 = tpu.memref_squeeze %dma_wait3A_801 : memref<1x1x128xi32, #tpu.memory_space<vmem>> -> memref<128xi32, #tpu.memory_space<vmem>>
    %dma_wait3A_803 = arith.constant 0 : i32
    %dma_wait3A_804 = arith.constant 0 : i32
    %dma_wait3A_805 = tpu.memref_slice %arg10[%dma_wait3A_803, %dma_wait3A_804] : memref<10240x64xf32, #tpu.memory_space<vmem_shared>> -> memref<10240x64xf32, #tpu.memory_space<vmem_shared>>
    tpu.wait_indirect_dma semaphore(%arg15 : memref<!tpu.dma_semaphore, #tpu.memory_space<semaphore_mem>>) src(%arg9 : memref<128x64xf32, #tpu.memory_space<vmem>>) dst(%dma_wait3A_805 : memref<10240x64xf32, #tpu.memory_space<vmem_shared>>)
    %dma_start3A_806 = arith.constant 0 : i32
    %dma_start3A_807 = arith.constant 3 : i32
    %dma_start3A_808 = arith.constant 0 : i32
    %dma_start3A_809 = tpu.memref_slice %arg6[%dma_start3A_806, %dma_start3A_807, %dma_start3A_808] : memref<11x8x128xi32, #tpu.memory_space<vmem>> -> memref<1x1x128xi32, #tpu.memory_space<vmem>>
    %dma_start3A_810 = tpu.memref_squeeze %dma_start3A_809 : memref<1x1x128xi32, #tpu.memory_space<vmem>> -> memref<128xi32, #tpu.memory_space<vmem>>
    %dma_start3A_811 = arith.constant 0 : i32
    %dma_start3A_812 = arith.constant 0 : i32
    %dma_start3A_813 = tpu.memref_slice %arg11[%dma_start3A_811, %dma_start3A_812] : memref<10240x64xf32, #tpu.memory_space<vmem_shared>> -> memref<10240x64xf32, #tpu.memory_space<vmem_shared>>
    tpu.enqueue_indirect_dma source(%dma_start3A_813 : memref<10240x64xf32, #tpu.memory_space<vmem_shared>>) target(%arg9 : memref<128x64xf32, #tpu.memory_space<vmem>>) offsets(%dma_start3A_810 : memref<128xi32, #tpu.memory_space<vmem>>) semaphore(%arg13 : memref<!tpu.dma_semaphore, #tpu.memory_space<semaphore_mem>>)
    %dma_wait3A_814 = arith.constant 0 : i32
    %dma_wait3A_815 = arith.constant 3 : i32
    %dma_wait3A_816 = arith.constant 0 : i32
    %dma_wait3A_817 = tpu.memref_slice %arg6[%dma_wait3A_814, %dma_wait3A_815, %dma_wait3A_816] : memref<11x8x128xi32, #tpu.memory_space<vmem>> -> memref<1x1x128xi32, #tpu.memory_space<vmem>>
    %dma_wait3A_818 = tpu.memref_squeeze %dma_wait3A_817 : memref<1x1x128xi32, #tpu.memory_space<vmem>> -> memref<128xi32, #tpu.memory_space<vmem>>
    %dma_wait3A_819 = arith.constant 0 : i32
    %dma_wait3A_820 = arith.constant 0 : i32
    %dma_wait3A_821 = tpu.memref_slice %arg11[%dma_wait3A_819, %dma_wait3A_820] : memref<10240x64xf32, #tpu.memory_space<vmem_shared>> -> memref<10240x64xf32, #tpu.memory_space<vmem_shared>>
    tpu.wait_indirect_dma semaphore(%arg13 : memref<!tpu.dma_semaphore, #tpu.memory_space<semaphore_mem>>) src(%dma_wait3A_821 : memref<10240x64xf32, #tpu.memory_space<vmem_shared>>) dst(%arg9 : memref<128x64xf32, #tpu.memory_space<vmem>>)
    %dma_start3A_822 = arith.constant 0 : i32
    %dma_start3A_823 = arith.constant 3 : i32
    %dma_start3A_824 = arith.constant 0 : i32
    %dma_start3A_825 = tpu.memref_slice %arg7[%dma_start3A_822, %dma_start3A_823, %dma_start3A_824] : memref<10x8x128xi32, #tpu.memory_space<vmem>> -> memref<1x1x128xi32, #tpu.memory_space<vmem>>
    %dma_start3A_826 = tpu.memref_squeeze %dma_start3A_825 : memref<1x1x128xi32, #tpu.memory_space<vmem>> -> memref<128xi32, #tpu.memory_space<vmem>>
    %dma_start3A_827 = arith.constant 0 : i32
    %dma_start3A_828 = arith.constant 0 : i32
    %dma_start3A_829 = tpu.memref_slice %arg10[%dma_start3A_827, %dma_start3A_828] : memref<10240x64xf32, #tpu.memory_space<vmem_shared>> -> memref<10240x64xf32, #tpu.memory_space<vmem_shared>>
    tpu.enqueue_indirect_dma source(%arg9 : memref<128x64xf32, #tpu.memory_space<vmem>>) target(%dma_start3A_829 : memref<10240x64xf32, #tpu.memory_space<vmem_shared>>) offsets(%dma_start3A_826 : memref<128xi32, #tpu.memory_space<vmem>>) semaphore(%arg15 : memref<!tpu.dma_semaphore, #tpu.memory_space<semaphore_mem>>) {add = true}
    %dma_wait3A_830 = arith.constant 0 : i32
    %dma_wait3A_831 = arith.constant 3 : i32
    %dma_wait3A_832 = arith.constant 0 : i32
    %dma_wait3A_833 = tpu.memref_slice %arg7[%dma_wait3A_830, %dma_wait3A_831, %dma_wait3A_832] : memref<10x8x128xi32, #tpu.memory_space<vmem>> -> memref<1x1x128xi32, #tpu.memory_space<vmem>>
    %dma_wait3A_834 = tpu.memref_squeeze %dma_wait3A_833 : memref<1x1x128xi32, #tpu.memory_space<vmem>> -> memref<128xi32, #tpu.memory_space<vmem>>
    %dma_wait3A_835 = arith.constant 0 : i32
    %dma_wait3A_836 = arith.constant 0 : i32
    %dma_wait3A_837 = tpu.memref_slice %arg10[%dma_wait3A_835, %dma_wait3A_836] : memref<10240x64xf32, #tpu.memory_space<vmem_shared>> -> memref<10240x64xf32, #tpu.memory_space<vmem_shared>>
    tpu.wait_indirect_dma semaphore(%arg14 : memref<!tpu.dma_semaphore, #tpu.memory_space<semaphore_mem>>) src(%arg8 : memref<128x64xf32, #tpu.memory_space<vmem>>) dst(%dma_wait3A_837 : memref<10240x64xf32, #tpu.memory_space<vmem_shared>>)
    %dma_start3A_838 = arith.constant 0 : i32
    %dma_start3A_839 = arith.constant 4 : i32
    %dma_start3A_840 = arith.constant 0 : i32
    %dma_start3A_841 = tpu.memref_slice %arg6[%dma_start3A_838, %dma_start3A_839, %dma_start3A_840] : memref<11x8x128xi32, #tpu.memory_space<vmem>> -> memref<1x1x128xi32, #tpu.memory_space<vmem>>
    %dma_start3A_842 = tpu.memref_squeeze %dma_start3A_841 : memref<1x1x128xi32, #tpu.memory_space<vmem>> -> memref<128xi32, #tpu.memory_space<vmem>>
    %dma_start3A_843 = arith.constant 0 : i32
    %dma_start3A_844 = arith.constant 0 : i32
    %dma_start3A_845 = tpu.memref_slice %arg11[%dma_start3A_843, %dma_start3A_844] : memref<10240x64xf32, #tpu.memory_space<vmem_shared>> -> memref<10240x64xf32, #tpu.memory_space<vmem_shared>>
    tpu.enqueue_indirect_dma source(%dma_start3A_845 : memref<10240x64xf32, #tpu.memory_space<vmem_shared>>) target(%arg8 : memref<128x64xf32, #tpu.memory_space<vmem>>) offsets(%dma_start3A_842 : memref<128xi32, #tpu.memory_space<vmem>>) semaphore(%arg12 : memref<!tpu.dma_semaphore, #tpu.memory_space<semaphore_mem>>)
    %dma_wait3A_846 = arith.constant 0 : i32
    %dma_wait3A_847 = arith.constant 4 : i32
    %dma_wait3A_848 = arith.constant 0 : i32
    %dma_wait3A_849 = tpu.memref_slice %arg6[%dma_wait3A_846, %dma_wait3A_847, %dma_wait3A_848] : memref<11x8x128xi32, #tpu.memory_space<vmem>> -> memref<1x1x128xi32, #tpu.memory_space<vmem>>
    %dma_wait3A_850 = tpu.memref_squeeze %dma_wait3A_849 : memref<1x1x128xi32, #tpu.memory_space<vmem>> -> memref<128xi32, #tpu.memory_space<vmem>>
    %dma_wait3A_851 = arith.constant 0 : i32
    %dma_wait3A_852 = arith.constant 0 : i32
    %dma_wait3A_853 = tpu.memref_slice %arg11[%dma_wait3A_851, %dma_wait3A_852] : memref<10240x64xf32, #tpu.memory_space<vmem_shared>> -> memref<10240x64xf32, #tpu.memory_space<vmem_shared>>
    tpu.wait_indirect_dma semaphore(%arg12 : memref<!tpu.dma_semaphore, #tpu.memory_space<semaphore_mem>>) src(%dma_wait3A_853 : memref<10240x64xf32, #tpu.memory_space<vmem_shared>>) dst(%arg8 : memref<128x64xf32, #tpu.memory_space<vmem>>)
    %dma_start3A_854 = arith.constant 0 : i32
    %dma_start3A_855 = arith.constant 4 : i32
    %dma_start3A_856 = arith.constant 0 : i32
    %dma_start3A_857 = tpu.memref_slice %arg7[%dma_start3A_854, %dma_start3A_855, %dma_start3A_856] : memref<10x8x128xi32, #tpu.memory_space<vmem>> -> memref<1x1x128xi32, #tpu.memory_space<vmem>>
    %dma_start3A_858 = tpu.memref_squeeze %dma_start3A_857 : memref<1x1x128xi32, #tpu.memory_space<vmem>> -> memref<128xi32, #tpu.memory_space<vmem>>
    %dma_start3A_859 = arith.constant 0 : i32
    %dma_start3A_860 = arith.constant 0 : i32
    %dma_start3A_861 = tpu.memref_slice %arg10[%dma_start3A_859, %dma_start3A_860] : memref<10240x64xf32, #tpu.memory_space<vmem_shared>> -> memref<10240x64xf32, #tpu.memory_space<vmem_shared>>
    tpu.enqueue_indirect_dma source(%arg8 : memref<128x64xf32, #tpu.memory_space<vmem>>) target(%dma_start3A_861 : memref<10240x64xf32, #tpu.memory_space<vmem_shared>>) offsets(%dma_start3A_858 : memref<128xi32, #tpu.memory_space<vmem>>) semaphore(%arg14 : memref<!tpu.dma_semaphore, #tpu.memory_space<semaphore_mem>>) {add = true}
    %dma_wait3A_862 = arith.constant 0 : i32
    %dma_wait3A_863 = arith.constant 4 : i32
    %dma_wait3A_864 = arith.constant 0 : i32
    %dma_wait3A_865 = tpu.memref_slice %arg7[%dma_wait3A_862, %dma_wait3A_863, %dma_wait3A_864] : memref<10x8x128xi32, #tpu.memory_space<vmem>> -> memref<1x1x128xi32, #tpu.memory_space<vmem>>
    %dma_wait3A_866 = tpu.memref_squeeze %dma_wait3A_865 : memref<1x1x128xi32, #tpu.memory_space<vmem>> -> memref<128xi32, #tpu.memory_space<vmem>>
    %dma_wait3A_867 = arith.constant 0 : i32
    %dma_wait3A_868 = arith.constant 0 : i32
    %dma_wait3A_869 = tpu.memref_slice %arg10[%dma_wait3A_867, %dma_wait3A_868] : memref<10240x64xf32, #tpu.memory_space<vmem_shared>> -> memref<10240x64xf32, #tpu.memory_space<vmem_shared>>
    tpu.wait_indirect_dma semaphore(%arg15 : memref<!tpu.dma_semaphore, #tpu.memory_space<semaphore_mem>>) src(%arg9 : memref<128x64xf32, #tpu.memory_space<vmem>>) dst(%dma_wait3A_869 : memref<10240x64xf32, #tpu.memory_space<vmem_shared>>)
    %dma_start3A_870 = arith.constant 0 : i32
    %dma_start3A_871 = arith.constant 5 : i32
    %dma_start3A_872 = arith.constant 0 : i32
    %dma_start3A_873 = tpu.memref_slice %arg6[%dma_start3A_870, %dma_start3A_871, %dma_start3A_872] : memref<11x8x128xi32, #tpu.memory_space<vmem>> -> memref<1x1x128xi32, #tpu.memory_space<vmem>>
    %dma_start3A_874 = tpu.memref_squeeze %dma_start3A_873 : memref<1x1x128xi32, #tpu.memory_space<vmem>> -> memref<128xi32, #tpu.memory_space<vmem>>
    %dma_start3A_875 = arith.constant 0 : i32
    %dma_start3A_876 = arith.constant 0 : i32
    %dma_start3A_877 = tpu.memref_slice %arg11[%dma_start3A_875, %dma_start3A_876] : memref<10240x64xf32, #tpu.memory_space<vmem_shared>> -> memref<10240x64xf32, #tpu.memory_space<vmem_shared>>
    tpu.enqueue_indirect_dma source(%dma_start3A_877 : memref<10240x64xf32, #tpu.memory_space<vmem_shared>>) target(%arg9 : memref<128x64xf32, #tpu.memory_space<vmem>>) offsets(%dma_start3A_874 : memref<128xi32, #tpu.memory_space<vmem>>) semaphore(%arg13 : memref<!tpu.dma_semaphore, #tpu.memory_space<semaphore_mem>>)
    %dma_wait3A_878 = arith.constant 0 : i32
    %dma_wait3A_879 = arith.constant 5 : i32
    %dma_wait3A_880 = arith.constant 0 : i32
    %dma_wait3A_881 = tpu.memref_slice %arg6[%dma_wait3A_878, %dma_wait3A_879, %dma_wait3A_880] : memref<11x8x128xi32, #tpu.memory_space<vmem>> -> memref<1x1x128xi32, #tpu.memory_space<vmem>>
    %dma_wait3A_882 = tpu.memref_squeeze %dma_wait3A_881 : memref<1x1x128xi32, #tpu.memory_space<vmem>> -> memref<128xi32, #tpu.memory_space<vmem>>
    %dma_wait3A_883 = arith.constant 0 : i32
    %dma_wait3A_884 = arith.constant 0 : i32
    %dma_wait3A_885 = tpu.memref_slice %arg11[%dma_wait3A_883, %dma_wait3A_884] : memref<10240x64xf32, #tpu.memory_space<vmem_shared>> -> memref<10240x64xf32, #tpu.memory_space<vmem_shared>>
    tpu.wait_indirect_dma semaphore(%arg13 : memref<!tpu.dma_semaphore, #tpu.memory_space<semaphore_mem>>) src(%dma_wait3A_885 : memref<10240x64xf32, #tpu.memory_space<vmem_shared>>) dst(%arg9 : memref<128x64xf32, #tpu.memory_space<vmem>>)
    %dma_start3A_886 = arith.constant 0 : i32
    %dma_start3A_887 = arith.constant 5 : i32
    %dma_start3A_888 = arith.constant 0 : i32
    %dma_start3A_889 = tpu.memref_slice %arg7[%dma_start3A_886, %dma_start3A_887, %dma_start3A_888] : memref<10x8x128xi32, #tpu.memory_space<vmem>> -> memref<1x1x128xi32, #tpu.memory_space<vmem>>
    %dma_start3A_890 = tpu.memref_squeeze %dma_start3A_889 : memref<1x1x128xi32, #tpu.memory_space<vmem>> -> memref<128xi32, #tpu.memory_space<vmem>>
    %dma_start3A_891 = arith.constant 0 : i32
    %dma_start3A_892 = arith.constant 0 : i32
    %dma_start3A_893 = tpu.memref_slice %arg10[%dma_start3A_891, %dma_start3A_892] : memref<10240x64xf32, #tpu.memory_space<vmem_shared>> -> memref<10240x64xf32, #tpu.memory_space<vmem_shared>>
    tpu.enqueue_indirect_dma source(%arg9 : memref<128x64xf32, #tpu.memory_space<vmem>>) target(%dma_start3A_893 : memref<10240x64xf32, #tpu.memory_space<vmem_shared>>) offsets(%dma_start3A_890 : memref<128xi32, #tpu.memory_space<vmem>>) semaphore(%arg15 : memref<!tpu.dma_semaphore, #tpu.memory_space<semaphore_mem>>) {add = true}
    %dma_wait3A_894 = arith.constant 0 : i32
    %dma_wait3A_895 = arith.constant 5 : i32
    %dma_wait3A_896 = arith.constant 0 : i32
    %dma_wait3A_897 = tpu.memref_slice %arg7[%dma_wait3A_894, %dma_wait3A_895, %dma_wait3A_896] : memref<10x8x128xi32, #tpu.memory_space<vmem>> -> memref<1x1x128xi32, #tpu.memory_space<vmem>>
    %dma_wait3A_898 = tpu.memref_squeeze %dma_wait3A_897 : memref<1x1x128xi32, #tpu.memory_space<vmem>> -> memref<128xi32, #tpu.memory_space<vmem>>
    %dma_wait3A_899 = arith.constant 0 : i32
    %dma_wait3A_900 = arith.constant 0 : i32
    %dma_wait3A_901 = tpu.memref_slice %arg10[%dma_wait3A_899, %dma_wait3A_900] : memref<10240x64xf32, #tpu.memory_space<vmem_shared>> -> memref<10240x64xf32, #tpu.memory_space<vmem_shared>>
    tpu.wait_indirect_dma semaphore(%arg14 : memref<!tpu.dma_semaphore, #tpu.memory_space<semaphore_mem>>) src(%arg8 : memref<128x64xf32, #tpu.memory_space<vmem>>) dst(%dma_wait3A_901 : memref<10240x64xf32, #tpu.memory_space<vmem_shared>>)
    %dma_start3A_902 = arith.constant 0 : i32
    %dma_start3A_903 = arith.constant 6 : i32
    %dma_start3A_904 = arith.constant 0 : i32
    %dma_start3A_905 = tpu.memref_slice %arg6[%dma_start3A_902, %dma_start3A_903, %dma_start3A_904] : memref<11x8x128xi32, #tpu.memory_space<vmem>> -> memref<1x1x128xi32, #tpu.memory_space<vmem>>
    %dma_start3A_906 = tpu.memref_squeeze %dma_start3A_905 : memref<1x1x128xi32, #tpu.memory_space<vmem>> -> memref<128xi32, #tpu.memory_space<vmem>>
    %dma_start3A_907 = arith.constant 0 : i32
    %dma_start3A_908 = arith.constant 0 : i32
    %dma_start3A_909 = tpu.memref_slice %arg11[%dma_start3A_907, %dma_start3A_908] : memref<10240x64xf32, #tpu.memory_space<vmem_shared>> -> memref<10240x64xf32, #tpu.memory_space<vmem_shared>>
    tpu.enqueue_indirect_dma source(%dma_start3A_909 : memref<10240x64xf32, #tpu.memory_space<vmem_shared>>) target(%arg8 : memref<128x64xf32, #tpu.memory_space<vmem>>) offsets(%dma_start3A_906 : memref<128xi32, #tpu.memory_space<vmem>>) semaphore(%arg12 : memref<!tpu.dma_semaphore, #tpu.memory_space<semaphore_mem>>)
    %dma_wait3A_910 = arith.constant 0 : i32
    %dma_wait3A_911 = arith.constant 6 : i32
    %dma_wait3A_912 = arith.constant 0 : i32
    %dma_wait3A_913 = tpu.memref_slice %arg6[%dma_wait3A_910, %dma_wait3A_911, %dma_wait3A_912] : memref<11x8x128xi32, #tpu.memory_space<vmem>> -> memref<1x1x128xi32, #tpu.memory_space<vmem>>
    %dma_wait3A_914 = tpu.memref_squeeze %dma_wait3A_913 : memref<1x1x128xi32, #tpu.memory_space<vmem>> -> memref<128xi32, #tpu.memory_space<vmem>>
    %dma_wait3A_915 = arith.constant 0 : i32
    %dma_wait3A_916 = arith.constant 0 : i32
    %dma_wait3A_917 = tpu.memref_slice %arg11[%dma_wait3A_915, %dma_wait3A_916] : memref<10240x64xf32, #tpu.memory_space<vmem_shared>> -> memref<10240x64xf32, #tpu.memory_space<vmem_shared>>
    tpu.wait_indirect_dma semaphore(%arg12 : memref<!tpu.dma_semaphore, #tpu.memory_space<semaphore_mem>>) src(%dma_wait3A_917 : memref<10240x64xf32, #tpu.memory_space<vmem_shared>>) dst(%arg8 : memref<128x64xf32, #tpu.memory_space<vmem>>)
    %dma_start3A_918 = arith.constant 0 : i32
    %dma_start3A_919 = arith.constant 6 : i32
    %dma_start3A_920 = arith.constant 0 : i32
    %dma_start3A_921 = tpu.memref_slice %arg7[%dma_start3A_918, %dma_start3A_919, %dma_start3A_920] : memref<10x8x128xi32, #tpu.memory_space<vmem>> -> memref<1x1x128xi32, #tpu.memory_space<vmem>>
    %dma_start3A_922 = tpu.memref_squeeze %dma_start3A_921 : memref<1x1x128xi32, #tpu.memory_space<vmem>> -> memref<128xi32, #tpu.memory_space<vmem>>
    %dma_start3A_923 = arith.constant 0 : i32
    %dma_start3A_924 = arith.constant 0 : i32
    %dma_start3A_925 = tpu.memref_slice %arg10[%dma_start3A_923, %dma_start3A_924] : memref<10240x64xf32, #tpu.memory_space<vmem_shared>> -> memref<10240x64xf32, #tpu.memory_space<vmem_shared>>
    tpu.enqueue_indirect_dma source(%arg8 : memref<128x64xf32, #tpu.memory_space<vmem>>) target(%dma_start3A_925 : memref<10240x64xf32, #tpu.memory_space<vmem_shared>>) offsets(%dma_start3A_922 : memref<128xi32, #tpu.memory_space<vmem>>) semaphore(%arg14 : memref<!tpu.dma_semaphore, #tpu.memory_space<semaphore_mem>>) {add = true}
    %dma_wait3A_926 = arith.constant 0 : i32
    %dma_wait3A_927 = arith.constant 6 : i32
    %dma_wait3A_928 = arith.constant 0 : i32
    %dma_wait3A_929 = tpu.memref_slice %arg7[%dma_wait3A_926, %dma_wait3A_927, %dma_wait3A_928] : memref<10x8x128xi32, #tpu.memory_space<vmem>> -> memref<1x1x128xi32, #tpu.memory_space<vmem>>
    %dma_wait3A_930 = tpu.memref_squeeze %dma_wait3A_929 : memref<1x1x128xi32, #tpu.memory_space<vmem>> -> memref<128xi32, #tpu.memory_space<vmem>>
    %dma_wait3A_931 = arith.constant 0 : i32
    %dma_wait3A_932 = arith.constant 0 : i32
    %dma_wait3A_933 = tpu.memref_slice %arg10[%dma_wait3A_931, %dma_wait3A_932] : memref<10240x64xf32, #tpu.memory_space<vmem_shared>> -> memref<10240x64xf32, #tpu.memory_space<vmem_shared>>
    tpu.wait_indirect_dma semaphore(%arg15 : memref<!tpu.dma_semaphore, #tpu.memory_space<semaphore_mem>>) src(%arg9 : memref<128x64xf32, #tpu.memory_space<vmem>>) dst(%dma_wait3A_933 : memref<10240x64xf32, #tpu.memory_space<vmem_shared>>)
    %dma_start3A_934 = arith.constant 0 : i32
    %dma_start3A_935 = arith.constant 7 : i32
    %dma_start3A_936 = arith.constant 0 : i32
    %dma_start3A_937 = tpu.memref_slice %arg6[%dma_start3A_934, %dma_start3A_935, %dma_start3A_936] : memref<11x8x128xi32, #tpu.memory_space<vmem>> -> memref<1x1x128xi32, #tpu.memory_space<vmem>>
    %dma_start3A_938 = tpu.memref_squeeze %dma_start3A_937 : memref<1x1x128xi32, #tpu.memory_space<vmem>> -> memref<128xi32, #tpu.memory_space<vmem>>
    %dma_start3A_939 = arith.constant 0 : i32
    %dma_start3A_940 = arith.constant 0 : i32
    %dma_start3A_941 = tpu.memref_slice %arg11[%dma_start3A_939, %dma_start3A_940] : memref<10240x64xf32, #tpu.memory_space<vmem_shared>> -> memref<10240x64xf32, #tpu.memory_space<vmem_shared>>
    tpu.enqueue_indirect_dma source(%dma_start3A_941 : memref<10240x64xf32, #tpu.memory_space<vmem_shared>>) target(%arg9 : memref<128x64xf32, #tpu.memory_space<vmem>>) offsets(%dma_start3A_938 : memref<128xi32, #tpu.memory_space<vmem>>) semaphore(%arg13 : memref<!tpu.dma_semaphore, #tpu.memory_space<semaphore_mem>>)
    %dma_wait3A_942 = arith.constant 0 : i32
    %dma_wait3A_943 = arith.constant 7 : i32
    %dma_wait3A_944 = arith.constant 0 : i32
    %dma_wait3A_945 = tpu.memref_slice %arg6[%dma_wait3A_942, %dma_wait3A_943, %dma_wait3A_944] : memref<11x8x128xi32, #tpu.memory_space<vmem>> -> memref<1x1x128xi32, #tpu.memory_space<vmem>>
    %dma_wait3A_946 = tpu.memref_squeeze %dma_wait3A_945 : memref<1x1x128xi32, #tpu.memory_space<vmem>> -> memref<128xi32, #tpu.memory_space<vmem>>
    %dma_wait3A_947 = arith.constant 0 : i32
    %dma_wait3A_948 = arith.constant 0 : i32
    %dma_wait3A_949 = tpu.memref_slice %arg11[%dma_wait3A_947, %dma_wait3A_948] : memref<10240x64xf32, #tpu.memory_space<vmem_shared>> -> memref<10240x64xf32, #tpu.memory_space<vmem_shared>>
    tpu.wait_indirect_dma semaphore(%arg13 : memref<!tpu.dma_semaphore, #tpu.memory_space<semaphore_mem>>) src(%dma_wait3A_949 : memref<10240x64xf32, #tpu.memory_space<vmem_shared>>) dst(%arg9 : memref<128x64xf32, #tpu.memory_space<vmem>>)
    %dma_start3A_950 = arith.constant 0 : i32
    %dma_start3A_951 = arith.constant 7 : i32
    %dma_start3A_952 = arith.constant 0 : i32
    %dma_start3A_953 = tpu.memref_slice %arg7[%dma_start3A_950, %dma_start3A_951, %dma_start3A_952] : memref<10x8x128xi32, #tpu.memory_space<vmem>> -> memref<1x1x128xi32, #tpu.memory_space<vmem>>
    %dma_start3A_954 = tpu.memref_squeeze %dma_start3A_953 : memref<1x1x128xi32, #tpu.memory_space<vmem>> -> memref<128xi32, #tpu.memory_space<vmem>>
    %dma_start3A_955 = arith.constant 0 : i32
    %dma_start3A_956 = arith.constant 0 : i32
    %dma_start3A_957 = tpu.memref_slice %arg10[%dma_start3A_955, %dma_start3A_956] : memref<10240x64xf32, #tpu.memory_space<vmem_shared>> -> memref<10240x64xf32, #tpu.memory_space<vmem_shared>>
    tpu.enqueue_indirect_dma source(%arg9 : memref<128x64xf32, #tpu.memory_space<vmem>>) target(%dma_start3A_957 : memref<10240x64xf32, #tpu.memory_space<vmem_shared>>) offsets(%dma_start3A_954 : memref<128xi32, #tpu.memory_space<vmem>>) semaphore(%arg15 : memref<!tpu.dma_semaphore, #tpu.memory_space<semaphore_mem>>) {add = true}
    %dma_wait3A_958 = arith.constant 0 : i32
    %dma_wait3A_959 = arith.constant 7 : i32
    %dma_wait3A_960 = arith.constant 0 : i32
    %dma_wait3A_961 = tpu.memref_slice %arg7[%dma_wait3A_958, %dma_wait3A_959, %dma_wait3A_960] : memref<10x8x128xi32, #tpu.memory_space<vmem>> -> memref<1x1x128xi32, #tpu.memory_space<vmem>>
    %dma_wait3A_962 = tpu.memref_squeeze %dma_wait3A_961 : memref<1x1x128xi32, #tpu.memory_space<vmem>> -> memref<128xi32, #tpu.memory_space<vmem>>
    %dma_wait3A_963 = arith.constant 0 : i32
    %dma_wait3A_964 = arith.constant 0 : i32
    %dma_wait3A_965 = tpu.memref_slice %arg10[%dma_wait3A_963, %dma_wait3A_964] : memref<10240x64xf32, #tpu.memory_space<vmem_shared>> -> memref<10240x64xf32, #tpu.memory_space<vmem_shared>>
    tpu.wait_indirect_dma semaphore(%arg14 : memref<!tpu.dma_semaphore, #tpu.memory_space<semaphore_mem>>) src(%arg8 : memref<128x64xf32, #tpu.memory_space<vmem>>) dst(%dma_wait3A_965 : memref<10240x64xf32, #tpu.memory_space<vmem_shared>>)
    %dma_start3A_966 = arith.constant 1 : i32
    %dma_start3A_967 = arith.constant 0 : i32
    %dma_start3A_968 = arith.constant 0 : i32
    %dma_start3A_969 = tpu.memref_slice %arg6[%dma_start3A_966, %dma_start3A_967, %dma_start3A_968] : memref<11x8x128xi32, #tpu.memory_space<vmem>> -> memref<1x1x128xi32, #tpu.memory_space<vmem>>
    %dma_start3A_970 = tpu.memref_squeeze %dma_start3A_969 : memref<1x1x128xi32, #tpu.memory_space<vmem>> -> memref<128xi32, #tpu.memory_space<vmem>>
    %dma_start3A_971 = arith.constant 0 : i32
    %dma_start3A_972 = arith.constant 0 : i32
    %dma_start3A_973 = tpu.memref_slice %arg11[%dma_start3A_971, %dma_start3A_972] : memref<10240x64xf32, #tpu.memory_space<vmem_shared>> -> memref<10240x64xf32, #tpu.memory_space<vmem_shared>>
    tpu.enqueue_indirect_dma source(%dma_start3A_973 : memref<10240x64xf32, #tpu.memory_space<vmem_shared>>) target(%arg8 : memref<128x64xf32, #tpu.memory_space<vmem>>) offsets(%dma_start3A_970 : memref<128xi32, #tpu.memory_space<vmem>>) semaphore(%arg12 : memref<!tpu.dma_semaphore, #tpu.memory_space<semaphore_mem>>)
    %scan3A_974 = arith.constant 0 : i32
    %scan3A_975 = arith.constant 1 : i32
    %scan3A_976 = arith.constant 9 : i32
    %scan3A_977 = arith.addi %scan3A_975, %scan3A_976 : i32
    %scan3A_978 = arith.constant 1 : i32
    scf.for %scan3A_1004 = %scan3A_975 to %scan3A_977 step %scan3A_978  : i32 {
      %dma_wait3A_1005 = arith.constant 0 : i32
      %dma_wait3A_1006 = arith.constant 0 : i32
      %dma_wait3A_1007 = tpu.memref_slice %arg6[%scan3A_1004, %dma_wait3A_1005, %dma_wait3A_1006] : memref<11x8x128xi32, #tpu.memory_space<vmem>> -> memref<1x1x128xi32, #tpu.memory_space<vmem>>
      %dma_wait3A_1008 = tpu.memref_squeeze %dma_wait3A_1007 : memref<1x1x128xi32, #tpu.memory_space<vmem>> -> memref<128xi32, #tpu.memory_space<vmem>>
      %dma_wait3A_1009 = arith.constant 0 : i32
      %dma_wait3A_1010 = arith.constant 0 : i32
      %dma_wait3A_1011 = tpu.memref_slice %arg11[%dma_wait3A_1009, %dma_wait3A_1010] : memref<10240x64xf32, #tpu.memory_space<vmem_shared>> -> memref<10240x64xf32, #tpu.memory_space<vmem_shared>>
      tpu.wait_indirect_dma semaphore(%arg12 : memref<!tpu.dma_semaphore, #tpu.memory_space<semaphore_mem>>) src(%dma_wait3A_1011 : memref<10240x64xf32, #tpu.memory_space<vmem_shared>>) dst(%arg8 : memref<128x64xf32, #tpu.memory_space<vmem>>)
      %dma_start3A_1012 = arith.constant 0 : i32
      %dma_start3A_1013 = arith.constant 0 : i32
      %dma_start3A_1014 = tpu.memref_slice %arg7[%scan3A_1004, %dma_start3A_1012, %dma_start3A_1013] : memref<10x8x128xi32, #tpu.memory_space<vmem>> -> memref<1x1x128xi32, #tpu.memory_space<vmem>>
      %dma_start3A_1015 = tpu.memref_squeeze %dma_start3A_1014 : memref<1x1x128xi32, #tpu.memory_space<vmem>> -> memref<128xi32, #tpu.memory_space<vmem>>
      %dma_start3A_1016 = arith.constant 0 : i32
      %dma_start3A_1017 = arith.constant 0 : i32
      %dma_start3A_1018 = tpu.memref_slice %arg10[%dma_start3A_1016, %dma_start3A_1017] : memref<10240x64xf32, #tpu.memory_space<vmem_shared>> -> memref<10240x64xf32, #tpu.memory_space<vmem_shared>>
      tpu.enqueue_indirect_dma source(%arg8 : memref<128x64xf32, #tpu.memory_space<vmem>>) target(%dma_start3A_1018 : memref<10240x64xf32, #tpu.memory_space<vmem_shared>>) offsets(%dma_start3A_1015 : memref<128xi32, #tpu.memory_space<vmem>>) semaphore(%arg14 : memref<!tpu.dma_semaphore, #tpu.memory_space<semaphore_mem>>) {add = true}
      %dma_wait3A_1019 = arith.constant 0 : i32
      %dma_wait3A_1020 = arith.constant 0 : i32
      %dma_wait3A_1021 = tpu.memref_slice %arg7[%scan3A_1004, %dma_wait3A_1019, %dma_wait3A_1020] : memref<10x8x128xi32, #tpu.memory_space<vmem>> -> memref<1x1x128xi32, #tpu.memory_space<vmem>>
      %dma_wait3A_1022 = tpu.memref_squeeze %dma_wait3A_1021 : memref<1x1x128xi32, #tpu.memory_space<vmem>> -> memref<128xi32, #tpu.memory_space<vmem>>
      %dma_wait3A_1023 = arith.constant 0 : i32
      %dma_wait3A_1024 = arith.constant 0 : i32
      %dma_wait3A_1025 = tpu.memref_slice %arg10[%dma_wait3A_1023, %dma_wait3A_1024] : memref<10240x64xf32, #tpu.memory_space<vmem_shared>> -> memref<10240x64xf32, #tpu.memory_space<vmem_shared>>
      tpu.wait_indirect_dma semaphore(%arg15 : memref<!tpu.dma_semaphore, #tpu.memory_space<semaphore_mem>>) src(%arg9 : memref<128x64xf32, #tpu.memory_space<vmem>>) dst(%dma_wait3A_1025 : memref<10240x64xf32, #tpu.memory_space<vmem_shared>>)
      %dma_start3A_1026 = arith.constant 1 : i32
      %dma_start3A_1027 = arith.constant 0 : i32
      %dma_start3A_1028 = tpu.memref_slice %arg6[%scan3A_1004, %dma_start3A_1026, %dma_start3A_1027] : memref<11x8x128xi32, #tpu.memory_space<vmem>> -> memref<1x1x128xi32, #tpu.memory_space<vmem>>
      %dma_start3A_1029 = tpu.memref_squeeze %dma_start3A_1028 : memref<1x1x128xi32, #tpu.memory_space<vmem>> -> memref<128xi32, #tpu.memory_space<vmem>>
      %dma_start3A_1030 = arith.constant 0 : i32
      %dma_start3A_1031 = arith.constant 0 : i32
      %dma_start3A_1032 = tpu.memref_slice %arg11[%dma_start3A_1030, %dma_start3A_1031] : memref<10240x64xf32, #tpu.memory_space<vmem_shared>> -> memref<10240x64xf32, #tpu.memory_space<vmem_shared>>
      tpu.enqueue_indirect_dma source(%dma_start3A_1032 : memref<10240x64xf32, #tpu.memory_space<vmem_shared>>) target(%arg9 : memref<128x64xf32, #tpu.memory_space<vmem>>) offsets(%dma_start3A_1029 : memref<128xi32, #tpu.memory_space<vmem>>) semaphore(%arg13 : memref<!tpu.dma_semaphore, #tpu.memory_space<semaphore_mem>>)
      %dma_wait3A_1033 = arith.constant 1 : i32
      %dma_wait3A_1034 = arith.constant 0 : i32
      %dma_wait3A_1035 = tpu.memref_slice %arg6[%scan3A_1004, %dma_wait3A_1033, %dma_wait3A_1034] : memref<11x8x128xi32, #tpu.memory_space<vmem>> -> memref<1x1x128xi32, #tpu.memory_space<vmem>>
      %dma_wait3A_1036 = tpu.memref_squeeze %dma_wait3A_1035 : memref<1x1x128xi32, #tpu.memory_space<vmem>> -> memref<128xi32, #tpu.memory_space<vmem>>
      %dma_wait3A_1037 = arith.constant 0 : i32
      %dma_wait3A_1038 = arith.constant 0 : i32
      %dma_wait3A_1039 = tpu.memref_slice %arg11[%dma_wait3A_1037, %dma_wait3A_1038] : memref<10240x64xf32, #tpu.memory_space<vmem_shared>> -> memref<10240x64xf32, #tpu.memory_space<vmem_shared>>
      tpu.wait_indirect_dma semaphore(%arg13 : memref<!tpu.dma_semaphore, #tpu.memory_space<semaphore_mem>>) src(%dma_wait3A_1039 : memref<10240x64xf32, #tpu.memory_space<vmem_shared>>) dst(%arg9 : memref<128x64xf32, #tpu.memory_space<vmem>>)
      %dma_start3A_1040 = arith.constant 1 : i32
      %dma_start3A_1041 = arith.constant 0 : i32
      %dma_start3A_1042 = tpu.memref_slice %arg7[%scan3A_1004, %dma_start3A_1040, %dma_start3A_1041] : memref<10x8x128xi32, #tpu.memory_space<vmem>> -> memref<1x1x128xi32, #tpu.memory_space<vmem>>
      %dma_start3A_1043 = tpu.memref_squeeze %dma_start3A_1042 : memref<1x1x128xi32, #tpu.memory_space<vmem>> -> memref<128xi32, #tpu.memory_space<vmem>>
      %dma_start3A_1044 = arith.constant 0 : i32
      %dma_start3A_1045 = arith.constant 0 : i32
      %dma_start3A_1046 = tpu.memref_slice %arg10[%dma_start3A_1044, %dma_start3A_1045] : memref<10240x64xf32, #tpu.memory_space<vmem_shared>> -> memref<10240x64xf32, #tpu.memory_space<vmem_shared>>
      tpu.enqueue_indirect_dma source(%arg9 : memref<128x64xf32, #tpu.memory_space<vmem>>) target(%dma_start3A_1046 : memref<10240x64xf32, #tpu.memory_space<vmem_shared>>) offsets(%dma_start3A_1043 : memref<128xi32, #tpu.memory_space<vmem>>) semaphore(%arg15 : memref<!tpu.dma_semaphore, #tpu.memory_space<semaphore_mem>>) {add = true}
      %dma_wait3A_1047 = arith.constant 1 : i32
      %dma_wait3A_1048 = arith.constant 0 : i32
      %dma_wait3A_1049 = tpu.memref_slice %arg7[%scan3A_1004, %dma_wait3A_1047, %dma_wait3A_1048] : memref<10x8x128xi32, #tpu.memory_space<vmem>> -> memref<1x1x128xi32, #tpu.memory_space<vmem>>
      %dma_wait3A_1050 = tpu.memref_squeeze %dma_wait3A_1049 : memref<1x1x128xi32, #tpu.memory_space<vmem>> -> memref<128xi32, #tpu.memory_space<vmem>>
      %dma_wait3A_1051 = arith.constant 0 : i32
      %dma_wait3A_1052 = arith.constant 0 : i32
      %dma_wait3A_1053 = tpu.memref_slice %arg10[%dma_wait3A_1051, %dma_wait3A_1052] : memref<10240x64xf32, #tpu.memory_space<vmem_shared>> -> memref<10240x64xf32, #tpu.memory_space<vmem_shared>>
      tpu.wait_indirect_dma semaphore(%arg14 : memref<!tpu.dma_semaphore, #tpu.memory_space<semaphore_mem>>) src(%arg8 : memref<128x64xf32, #tpu.memory_space<vmem>>) dst(%dma_wait3A_1053 : memref<10240x64xf32, #tpu.memory_space<vmem_shared>>)
      %dma_start3A_1054 = arith.constant 2 : i32
      %dma_start3A_1055 = arith.constant 0 : i32
      %dma_start3A_1056 = tpu.memref_slice %arg6[%scan3A_1004, %dma_start3A_1054, %dma_start3A_1055] : memref<11x8x128xi32, #tpu.memory_space<vmem>> -> memref<1x1x128xi32, #tpu.memory_space<vmem>>
      %dma_start3A_1057 = tpu.memref_squeeze %dma_start3A_1056 : memref<1x1x128xi32, #tpu.memory_space<vmem>> -> memref<128xi32, #tpu.memory_space<vmem>>
      %dma_start3A_1058 = arith.constant 0 : i32
      %dma_start3A_1059 = arith.constant 0 : i32
      %dma_start3A_1060 = tpu.memref_slice %arg11[%dma_start3A_1058, %dma_start3A_1059] : memref<10240x64xf32, #tpu.memory_space<vmem_shared>> -> memref<10240x64xf32, #tpu.memory_space<vmem_shared>>
      tpu.enqueue_indirect_dma source(%dma_start3A_1060 : memref<10240x64xf32, #tpu.memory_space<vmem_shared>>) target(%arg8 : memref<128x64xf32, #tpu.memory_space<vmem>>) offsets(%dma_start3A_1057 : memref<128xi32, #tpu.memory_space<vmem>>) semaphore(%arg12 : memref<!tpu.dma_semaphore, #tpu.memory_space<semaphore_mem>>)
      %dma_wait3A_1061 = arith.constant 2 : i32
      %dma_wait3A_1062 = arith.constant 0 : i32
      %dma_wait3A_1063 = tpu.memref_slice %arg6[%scan3A_1004, %dma_wait3A_1061, %dma_wait3A_1062] : memref<11x8x128xi32, #tpu.memory_space<vmem>> -> memref<1x1x128xi32, #tpu.memory_space<vmem>>
      %dma_wait3A_1064 = tpu.memref_squeeze %dma_wait3A_1063 : memref<1x1x128xi32, #tpu.memory_space<vmem>> -> memref<128xi32, #tpu.memory_space<vmem>>
      %dma_wait3A_1065 = arith.constant 0 : i32
      %dma_wait3A_1066 = arith.constant 0 : i32
      %dma_wait3A_1067 = tpu.memref_slice %arg11[%dma_wait3A_1065, %dma_wait3A_1066] : memref<10240x64xf32, #tpu.memory_space<vmem_shared>> -> memref<10240x64xf32, #tpu.memory_space<vmem_shared>>
      tpu.wait_indirect_dma semaphore(%arg12 : memref<!tpu.dma_semaphore, #tpu.memory_space<semaphore_mem>>) src(%dma_wait3A_1067 : memref<10240x64xf32, #tpu.memory_space<vmem_shared>>) dst(%arg8 : memref<128x64xf32, #tpu.memory_space<vmem>>)
      %dma_start3A_1068 = arith.constant 2 : i32
      %dma_start3A_1069 = arith.constant 0 : i32
      %dma_start3A_1070 = tpu.memref_slice %arg7[%scan3A_1004, %dma_start3A_1068, %dma_start3A_1069] : memref<10x8x128xi32, #tpu.memory_space<vmem>> -> memref<1x1x128xi32, #tpu.memory_space<vmem>>
      %dma_start3A_1071 = tpu.memref_squeeze %dma_start3A_1070 : memref<1x1x128xi32, #tpu.memory_space<vmem>> -> memref<128xi32, #tpu.memory_space<vmem>>
      %dma_start3A_1072 = arith.constant 0 : i32
      %dma_start3A_1073 = arith.constant 0 : i32
      %dma_start3A_1074 = tpu.memref_slice %arg10[%dma_start3A_1072, %dma_start3A_1073] : memref<10240x64xf32, #tpu.memory_space<vmem_shared>> -> memref<10240x64xf32, #tpu.memory_space<vmem_shared>>
      tpu.enqueue_indirect_dma source(%arg8 : memref<128x64xf32, #tpu.memory_space<vmem>>) target(%dma_start3A_1074 : memref<10240x64xf32, #tpu.memory_space<vmem_shared>>) offsets(%dma_start3A_1071 : memref<128xi32, #tpu.memory_space<vmem>>) semaphore(%arg14 : memref<!tpu.dma_semaphore, #tpu.memory_space<semaphore_mem>>) {add = true}
      %dma_wait3A_1075 = arith.constant 2 : i32
      %dma_wait3A_1076 = arith.constant 0 : i32
      %dma_wait3A_1077 = tpu.memref_slice %arg7[%scan3A_1004, %dma_wait3A_1075, %dma_wait3A_1076] : memref<10x8x128xi32, #tpu.memory_space<vmem>> -> memref<1x1x128xi32, #tpu.memory_space<vmem>>
      %dma_wait3A_1078 = tpu.memref_squeeze %dma_wait3A_1077 : memref<1x1x128xi32, #tpu.memory_space<vmem>> -> memref<128xi32, #tpu.memory_space<vmem>>
      %dma_wait3A_1079 = arith.constant 0 : i32
      %dma_wait3A_1080 = arith.constant 0 : i32
      %dma_wait3A_1081 = tpu.memref_slice %arg10[%dma_wait3A_1079, %dma_wait3A_1080] : memref<10240x64xf32, #tpu.memory_space<vmem_shared>> -> memref<10240x64xf32, #tpu.memory_space<vmem_shared>>
      tpu.wait_indirect_dma semaphore(%arg15 : memref<!tpu.dma_semaphore, #tpu.memory_space<semaphore_mem>>) src(%arg9 : memref<128x64xf32, #tpu.memory_space<vmem>>) dst(%dma_wait3A_1081 : memref<10240x64xf32, #tpu.memory_space<vmem_shared>>)
      %dma_start3A_1082 = arith.constant 3 : i32
      %dma_start3A_1083 = arith.constant 0 : i32
      %dma_start3A_1084 = tpu.memref_slice %arg6[%scan3A_1004, %dma_start3A_1082, %dma_start3A_1083] : memref<11x8x128xi32, #tpu.memory_space<vmem>> -> memref<1x1x128xi32, #tpu.memory_space<vmem>>
      %dma_start3A_1085 = tpu.memref_squeeze %dma_start3A_1084 : memref<1x1x128xi32, #tpu.memory_space<vmem>> -> memref<128xi32, #tpu.memory_space<vmem>>
      %dma_start3A_1086 = arith.constant 0 : i32
      %dma_start3A_1087 = arith.constant 0 : i32
      %dma_start3A_1088 = tpu.memref_slice %arg11[%dma_start3A_1086, %dma_start3A_1087] : memref<10240x64xf32, #tpu.memory_space<vmem_shared>> -> memref<10240x64xf32, #tpu.memory_space<vmem_shared>>
      tpu.enqueue_indirect_dma source(%dma_start3A_1088 : memref<10240x64xf32, #tpu.memory_space<vmem_shared>>) target(%arg9 : memref<128x64xf32, #tpu.memory_space<vmem>>) offsets(%dma_start3A_1085 : memref<128xi32, #tpu.memory_space<vmem>>) semaphore(%arg13 : memref<!tpu.dma_semaphore, #tpu.memory_space<semaphore_mem>>)
      %dma_wait3A_1089 = arith.constant 3 : i32
      %dma_wait3A_1090 = arith.constant 0 : i32
      %dma_wait3A_1091 = tpu.memref_slice %arg6[%scan3A_1004, %dma_wait3A_1089, %dma_wait3A_1090] : memref<11x8x128xi32, #tpu.memory_space<vmem>> -> memref<1x1x128xi32, #tpu.memory_space<vmem>>
      %dma_wait3A_1092 = tpu.memref_squeeze %dma_wait3A_1091 : memref<1x1x128xi32, #tpu.memory_space<vmem>> -> memref<128xi32, #tpu.memory_space<vmem>>
      %dma_wait3A_1093 = arith.constant 0 : i32
      %dma_wait3A_1094 = arith.constant 0 : i32
      %dma_wait3A_1095 = tpu.memref_slice %arg11[%dma_wait3A_1093, %dma_wait3A_1094] : memref<10240x64xf32, #tpu.memory_space<vmem_shared>> -> memref<10240x64xf32, #tpu.memory_space<vmem_shared>>
      tpu.wait_indirect_dma semaphore(%arg13 : memref<!tpu.dma_semaphore, #tpu.memory_space<semaphore_mem>>) src(%dma_wait3A_1095 : memref<10240x64xf32, #tpu.memory_space<vmem_shared>>) dst(%arg9 : memref<128x64xf32, #tpu.memory_space<vmem>>)
      %dma_start3A_1096 = arith.constant 3 : i32
      %dma_start3A_1097 = arith.constant 0 : i32
      %dma_start3A_1098 = tpu.memref_slice %arg7[%scan3A_1004, %dma_start3A_1096, %dma_start3A_1097] : memref<10x8x128xi32, #tpu.memory_space<vmem>> -> memref<1x1x128xi32, #tpu.memory_space<vmem>>
      %dma_start3A_1099 = tpu.memref_squeeze %dma_start3A_1098 : memref<1x1x128xi32, #tpu.memory_space<vmem>> -> memref<128xi32, #tpu.memory_space<vmem>>
      %dma_start3A_1100 = arith.constant 0 : i32
      %dma_start3A_1101 = arith.constant 0 : i32
      %dma_start3A_1102 = tpu.memref_slice %arg10[%dma_start3A_1100, %dma_start3A_1101] : memref<10240x64xf32, #tpu.memory_space<vmem_shared>> -> memref<10240x64xf32, #tpu.memory_space<vmem_shared>>
      tpu.enqueue_indirect_dma source(%arg9 : memref<128x64xf32, #tpu.memory_space<vmem>>) target(%dma_start3A_1102 : memref<10240x64xf32, #tpu.memory_space<vmem_shared>>) offsets(%dma_start3A_1099 : memref<128xi32, #tpu.memory_space<vmem>>) semaphore(%arg15 : memref<!tpu.dma_semaphore, #tpu.memory_space<semaphore_mem>>) {add = true}
      %dma_wait3A_1103 = arith.constant 3 : i32
      %dma_wait3A_1104 = arith.constant 0 : i32
      %dma_wait3A_1105 = tpu.memref_slice %arg7[%scan3A_1004, %dma_wait3A_1103, %dma_wait3A_1104] : memref<10x8x128xi32, #tpu.memory_space<vmem>> -> memref<1x1x128xi32, #tpu.memory_space<vmem>>
      %dma_wait3A_1106 = tpu.memref_squeeze %dma_wait3A_1105 : memref<1x1x128xi32, #tpu.memory_space<vmem>> -> memref<128xi32, #tpu.memory_space<vmem>>
      %dma_wait3A_1107 = arith.constant 0 : i32
      %dma_wait3A_1108 = arith.constant 0 : i32
      %dma_wait3A_1109 = tpu.memref_slice %arg10[%dma_wait3A_1107, %dma_wait3A_1108] : memref<10240x64xf32, #tpu.memory_space<vmem_shared>> -> memref<10240x64xf32, #tpu.memory_space<vmem_shared>>
      tpu.wait_indirect_dma semaphore(%arg14 : memref<!tpu.dma_semaphore, #tpu.memory_space<semaphore_mem>>) src(%arg8 : memref<128x64xf32, #tpu.memory_space<vmem>>) dst(%dma_wait3A_1109 : memref<10240x64xf32, #tpu.memory_space<vmem_shared>>)
      %dma_start3A_1110 = arith.constant 4 : i32
      %dma_start3A_1111 = arith.constant 0 : i32
      %dma_start3A_1112 = tpu.memref_slice %arg6[%scan3A_1004, %dma_start3A_1110, %dma_start3A_1111] : memref<11x8x128xi32, #tpu.memory_space<vmem>> -> memref<1x1x128xi32, #tpu.memory_space<vmem>>
      %dma_start3A_1113 = tpu.memref_squeeze %dma_start3A_1112 : memref<1x1x128xi32, #tpu.memory_space<vmem>> -> memref<128xi32, #tpu.memory_space<vmem>>
      %dma_start3A_1114 = arith.constant 0 : i32
      %dma_start3A_1115 = arith.constant 0 : i32
      %dma_start3A_1116 = tpu.memref_slice %arg11[%dma_start3A_1114, %dma_start3A_1115] : memref<10240x64xf32, #tpu.memory_space<vmem_shared>> -> memref<10240x64xf32, #tpu.memory_space<vmem_shared>>
      tpu.enqueue_indirect_dma source(%dma_start3A_1116 : memref<10240x64xf32, #tpu.memory_space<vmem_shared>>) target(%arg8 : memref<128x64xf32, #tpu.memory_space<vmem>>) offsets(%dma_start3A_1113 : memref<128xi32, #tpu.memory_space<vmem>>) semaphore(%arg12 : memref<!tpu.dma_semaphore, #tpu.memory_space<semaphore_mem>>)
      %dma_wait3A_1117 = arith.constant 4 : i32
      %dma_wait3A_1118 = arith.constant 0 : i32
      %dma_wait3A_1119 = tpu.memref_slice %arg6[%scan3A_1004, %dma_wait3A_1117, %dma_wait3A_1118] : memref<11x8x128xi32, #tpu.memory_space<vmem>> -> memref<1x1x128xi32, #tpu.memory_space<vmem>>
      %dma_wait3A_1120 = tpu.memref_squeeze %dma_wait3A_1119 : memref<1x1x128xi32, #tpu.memory_space<vmem>> -> memref<128xi32, #tpu.memory_space<vmem>>
      %dma_wait3A_1121 = arith.constant 0 : i32
      %dma_wait3A_1122 = arith.constant 0 : i32
      %dma_wait3A_1123 = tpu.memref_slice %arg11[%dma_wait3A_1121, %dma_wait3A_1122] : memref<10240x64xf32, #tpu.memory_space<vmem_shared>> -> memref<10240x64xf32, #tpu.memory_space<vmem_shared>>
      tpu.wait_indirect_dma semaphore(%arg12 : memref<!tpu.dma_semaphore, #tpu.memory_space<semaphore_mem>>) src(%dma_wait3A_1123 : memref<10240x64xf32, #tpu.memory_space<vmem_shared>>) dst(%arg8 : memref<128x64xf32, #tpu.memory_space<vmem>>)
      %dma_start3A_1124 = arith.constant 4 : i32
      %dma_start3A_1125 = arith.constant 0 : i32
      %dma_start3A_1126 = tpu.memref_slice %arg7[%scan3A_1004, %dma_start3A_1124, %dma_start3A_1125] : memref<10x8x128xi32, #tpu.memory_space<vmem>> -> memref<1x1x128xi32, #tpu.memory_space<vmem>>
      %dma_start3A_1127 = tpu.memref_squeeze %dma_start3A_1126 : memref<1x1x128xi32, #tpu.memory_space<vmem>> -> memref<128xi32, #tpu.memory_space<vmem>>
      %dma_start3A_1128 = arith.constant 0 : i32
      %dma_start3A_1129 = arith.constant 0 : i32
      %dma_start3A_1130 = tpu.memref_slice %arg10[%dma_start3A_1128, %dma_start3A_1129] : memref<10240x64xf32, #tpu.memory_space<vmem_shared>> -> memref<10240x64xf32, #tpu.memory_space<vmem_shared>>
      tpu.enqueue_indirect_dma source(%arg8 : memref<128x64xf32, #tpu.memory_space<vmem>>) target(%dma_start3A_1130 : memref<10240x64xf32, #tpu.memory_space<vmem_shared>>) offsets(%dma_start3A_1127 : memref<128xi32, #tpu.memory_space<vmem>>) semaphore(%arg14 : memref<!tpu.dma_semaphore, #tpu.memory_space<semaphore_mem>>) {add = true}
      %dma_wait3A_1131 = arith.constant 4 : i32
      %dma_wait3A_1132 = arith.constant 0 : i32
      %dma_wait3A_1133 = tpu.memref_slice %arg7[%scan3A_1004, %dma_wait3A_1131, %dma_wait3A_1132] : memref<10x8x128xi32, #tpu.memory_space<vmem>> -> memref<1x1x128xi32, #tpu.memory_space<vmem>>
      %dma_wait3A_1134 = tpu.memref_squeeze %dma_wait3A_1133 : memref<1x1x128xi32, #tpu.memory_space<vmem>> -> memref<128xi32, #tpu.memory_space<vmem>>
      %dma_wait3A_1135 = arith.constant 0 : i32
      %dma_wait3A_1136 = arith.constant 0 : i32
      %dma_wait3A_1137 = tpu.memref_slice %arg10[%dma_wait3A_1135, %dma_wait3A_1136] : memref<10240x64xf32, #tpu.memory_space<vmem_shared>> -> memref<10240x64xf32, #tpu.memory_space<vmem_shared>>
      tpu.wait_indirect_dma semaphore(%arg15 : memref<!tpu.dma_semaphore, #tpu.memory_space<semaphore_mem>>) src(%arg9 : memref<128x64xf32, #tpu.memory_space<vmem>>) dst(%dma_wait3A_1137 : memref<10240x64xf32, #tpu.memory_space<vmem_shared>>)
      %dma_start3A_1138 = arith.constant 5 : i32
      %dma_start3A_1139 = arith.constant 0 : i32
      %dma_start3A_1140 = tpu.memref_slice %arg6[%scan3A_1004, %dma_start3A_1138, %dma_start3A_1139] : memref<11x8x128xi32, #tpu.memory_space<vmem>> -> memref<1x1x128xi32, #tpu.memory_space<vmem>>
      %dma_start3A_1141 = tpu.memref_squeeze %dma_start3A_1140 : memref<1x1x128xi32, #tpu.memory_space<vmem>> -> memref<128xi32, #tpu.memory_space<vmem>>
      %dma_start3A_1142 = arith.constant 0 : i32
      %dma_start3A_1143 = arith.constant 0 : i32
      %dma_start3A_1144 = tpu.memref_slice %arg11[%dma_start3A_1142, %dma_start3A_1143] : memref<10240x64xf32, #tpu.memory_space<vmem_shared>> -> memref<10240x64xf32, #tpu.memory_space<vmem_shared>>
      tpu.enqueue_indirect_dma source(%dma_start3A_1144 : memref<10240x64xf32, #tpu.memory_space<vmem_shared>>) target(%arg9 : memref<128x64xf32, #tpu.memory_space<vmem>>) offsets(%dma_start3A_1141 : memref<128xi32, #tpu.memory_space<vmem>>) semaphore(%arg13 : memref<!tpu.dma_semaphore, #tpu.memory_space<semaphore_mem>>)
      %dma_wait3A_1145 = arith.constant 5 : i32
      %dma_wait3A_1146 = arith.constant 0 : i32
      %dma_wait3A_1147 = tpu.memref_slice %arg6[%scan3A_1004, %dma_wait3A_1145, %dma_wait3A_1146] : memref<11x8x128xi32, #tpu.memory_space<vmem>> -> memref<1x1x128xi32, #tpu.memory_space<vmem>>
      %dma_wait3A_1148 = tpu.memref_squeeze %dma_wait3A_1147 : memref<1x1x128xi32, #tpu.memory_space<vmem>> -> memref<128xi32, #tpu.memory_space<vmem>>
      %dma_wait3A_1149 = arith.constant 0 : i32
      %dma_wait3A_1150 = arith.constant 0 : i32
      %dma_wait3A_1151 = tpu.memref_slice %arg11[%dma_wait3A_1149, %dma_wait3A_1150] : memref<10240x64xf32, #tpu.memory_space<vmem_shared>> -> memref<10240x64xf32, #tpu.memory_space<vmem_shared>>
      tpu.wait_indirect_dma semaphore(%arg13 : memref<!tpu.dma_semaphore, #tpu.memory_space<semaphore_mem>>) src(%dma_wait3A_1151 : memref<10240x64xf32, #tpu.memory_space<vmem_shared>>) dst(%arg9 : memref<128x64xf32, #tpu.memory_space<vmem>>)
      %dma_start3A_1152 = arith.constant 5 : i32
      %dma_start3A_1153 = arith.constant 0 : i32
      %dma_start3A_1154 = tpu.memref_slice %arg7[%scan3A_1004, %dma_start3A_1152, %dma_start3A_1153] : memref<10x8x128xi32, #tpu.memory_space<vmem>> -> memref<1x1x128xi32, #tpu.memory_space<vmem>>
      %dma_start3A_1155 = tpu.memref_squeeze %dma_start3A_1154 : memref<1x1x128xi32, #tpu.memory_space<vmem>> -> memref<128xi32, #tpu.memory_space<vmem>>
      %dma_start3A_1156 = arith.constant 0 : i32
      %dma_start3A_1157 = arith.constant 0 : i32
      %dma_start3A_1158 = tpu.memref_slice %arg10[%dma_start3A_1156, %dma_start3A_1157] : memref<10240x64xf32, #tpu.memory_space<vmem_shared>> -> memref<10240x64xf32, #tpu.memory_space<vmem_shared>>
      tpu.enqueue_indirect_dma source(%arg9 : memref<128x64xf32, #tpu.memory_space<vmem>>) target(%dma_start3A_1158 : memref<10240x64xf32, #tpu.memory_space<vmem_shared>>) offsets(%dma_start3A_1155 : memref<128xi32, #tpu.memory_space<vmem>>) semaphore(%arg15 : memref<!tpu.dma_semaphore, #tpu.memory_space<semaphore_mem>>) {add = true}
      %dma_wait3A_1159 = arith.constant 5 : i32
      %dma_wait3A_1160 = arith.constant 0 : i32
      %dma_wait3A_1161 = tpu.memref_slice %arg7[%scan3A_1004, %dma_wait3A_1159, %dma_wait3A_1160] : memref<10x8x128xi32, #tpu.memory_space<vmem>> -> memref<1x1x128xi32, #tpu.memory_space<vmem>>
      %dma_wait3A_1162 = tpu.memref_squeeze %dma_wait3A_1161 : memref<1x1x128xi32, #tpu.memory_space<vmem>> -> memref<128xi32, #tpu.memory_space<vmem>>
      %dma_wait3A_1163 = arith.constant 0 : i32
      %dma_wait3A_1164 = arith.constant 0 : i32
      %dma_wait3A_1165 = tpu.memref_slice %arg10[%dma_wait3A_1163, %dma_wait3A_1164] : memref<10240x64xf32, #tpu.memory_space<vmem_shared>> -> memref<10240x64xf32, #tpu.memory_space<vmem_shared>>
      tpu.wait_indirect_dma semaphore(%arg14 : memref<!tpu.dma_semaphore, #tpu.memory_space<semaphore_mem>>) src(%arg8 : memref<128x64xf32, #tpu.memory_space<vmem>>) dst(%dma_wait3A_1165 : memref<10240x64xf32, #tpu.memory_space<vmem_shared>>)
      %dma_start3A_1166 = arith.constant 6 : i32
      %dma_start3A_1167 = arith.constant 0 : i32
      %dma_start3A_1168 = tpu.memref_slice %arg6[%scan3A_1004, %dma_start3A_1166, %dma_start3A_1167] : memref<11x8x128xi32, #tpu.memory_space<vmem>> -> memref<1x1x128xi32, #tpu.memory_space<vmem>>
      %dma_start3A_1169 = tpu.memref_squeeze %dma_start3A_1168 : memref<1x1x128xi32, #tpu.memory_space<vmem>> -> memref<128xi32, #tpu.memory_space<vmem>>
      %dma_start3A_1170 = arith.constant 0 : i32
      %dma_start3A_1171 = arith.constant 0 : i32
      %dma_start3A_1172 = tpu.memref_slice %arg11[%dma_start3A_1170, %dma_start3A_1171] : memref<10240x64xf32, #tpu.memory_space<vmem_shared>> -> memref<10240x64xf32, #tpu.memory_space<vmem_shared>>
      tpu.enqueue_indirect_dma source(%dma_start3A_1172 : memref<10240x64xf32, #tpu.memory_space<vmem_shared>>) target(%arg8 : memref<128x64xf32, #tpu.memory_space<vmem>>) offsets(%dma_start3A_1169 : memref<128xi32, #tpu.memory_space<vmem>>) semaphore(%arg12 : memref<!tpu.dma_semaphore, #tpu.memory_space<semaphore_mem>>)
      %dma_wait3A_1173 = arith.constant 6 : i32
      %dma_wait3A_1174 = arith.constant 0 : i32
      %dma_wait3A_1175 = tpu.memref_slice %arg6[%scan3A_1004, %dma_wait3A_1173, %dma_wait3A_1174] : memref<11x8x128xi32, #tpu.memory_space<vmem>> -> memref<1x1x128xi32, #tpu.memory_space<vmem>>
      %dma_wait3A_1176 = tpu.memref_squeeze %dma_wait3A_1175 : memref<1x1x128xi32, #tpu.memory_space<vmem>> -> memref<128xi32, #tpu.memory_space<vmem>>
      %dma_wait3A_1177 = arith.constant 0 : i32
      %dma_wait3A_1178 = arith.constant 0 : i32
      %dma_wait3A_1179 = tpu.memref_slice %arg11[%dma_wait3A_1177, %dma_wait3A_1178] : memref<10240x64xf32, #tpu.memory_space<vmem_shared>> -> memref<10240x64xf32, #tpu.memory_space<vmem_shared>>
      tpu.wait_indirect_dma semaphore(%arg12 : memref<!tpu.dma_semaphore, #tpu.memory_space<semaphore_mem>>) src(%dma_wait3A_1179 : memref<10240x64xf32, #tpu.memory_space<vmem_shared>>) dst(%arg8 : memref<128x64xf32, #tpu.memory_space<vmem>>)
      %dma_start3A_1180 = arith.constant 6 : i32
      %dma_start3A_1181 = arith.constant 0 : i32
      %dma_start3A_1182 = tpu.memref_slice %arg7[%scan3A_1004, %dma_start3A_1180, %dma_start3A_1181] : memref<10x8x128xi32, #tpu.memory_space<vmem>> -> memref<1x1x128xi32, #tpu.memory_space<vmem>>
      %dma_start3A_1183 = tpu.memref_squeeze %dma_start3A_1182 : memref<1x1x128xi32, #tpu.memory_space<vmem>> -> memref<128xi32, #tpu.memory_space<vmem>>
      %dma_start3A_1184 = arith.constant 0 : i32
      %dma_start3A_1185 = arith.constant 0 : i32
      %dma_start3A_1186 = tpu.memref_slice %arg10[%dma_start3A_1184, %dma_start3A_1185] : memref<10240x64xf32, #tpu.memory_space<vmem_shared>> -> memref<10240x64xf32, #tpu.memory_space<vmem_shared>>
      tpu.enqueue_indirect_dma source(%arg8 : memref<128x64xf32, #tpu.memory_space<vmem>>) target(%dma_start3A_1186 : memref<10240x64xf32, #tpu.memory_space<vmem_shared>>) offsets(%dma_start3A_1183 : memref<128xi32, #tpu.memory_space<vmem>>) semaphore(%arg14 : memref<!tpu.dma_semaphore, #tpu.memory_space<semaphore_mem>>) {add = true}
      %dma_wait3A_1187 = arith.constant 6 : i32
      %dma_wait3A_1188 = arith.constant 0 : i32
      %dma_wait3A_1189 = tpu.memref_slice %arg7[%scan3A_1004, %dma_wait3A_1187, %dma_wait3A_1188] : memref<10x8x128xi32, #tpu.memory_space<vmem>> -> memref<1x1x128xi32, #tpu.memory_space<vmem>>
      %dma_wait3A_1190 = tpu.memref_squeeze %dma_wait3A_1189 : memref<1x1x128xi32, #tpu.memory_space<vmem>> -> memref<128xi32, #tpu.memory_space<vmem>>
      %dma_wait3A_1191 = arith.constant 0 : i32
      %dma_wait3A_1192 = arith.constant 0 : i32
      %dma_wait3A_1193 = tpu.memref_slice %arg10[%dma_wait3A_1191, %dma_wait3A_1192] : memref<10240x64xf32, #tpu.memory_space<vmem_shared>> -> memref<10240x64xf32, #tpu.memory_space<vmem_shared>>
      tpu.wait_indirect_dma semaphore(%arg15 : memref<!tpu.dma_semaphore, #tpu.memory_space<semaphore_mem>>) src(%arg9 : memref<128x64xf32, #tpu.memory_space<vmem>>) dst(%dma_wait3A_1193 : memref<10240x64xf32, #tpu.memory_space<vmem_shared>>)
      %dma_start3A_1194 = arith.constant 7 : i32
      %dma_start3A_1195 = arith.constant 0 : i32
      %dma_start3A_1196 = tpu.memref_slice %arg6[%scan3A_1004, %dma_start3A_1194, %dma_start3A_1195] : memref<11x8x128xi32, #tpu.memory_space<vmem>> -> memref<1x1x128xi32, #tpu.memory_space<vmem>>
      %dma_start3A_1197 = tpu.memref_squeeze %dma_start3A_1196 : memref<1x1x128xi32, #tpu.memory_space<vmem>> -> memref<128xi32, #tpu.memory_space<vmem>>
      %dma_start3A_1198 = arith.constant 0 : i32
      %dma_start3A_1199 = arith.constant 0 : i32
      %dma_start3A_1200 = tpu.memref_slice %arg11[%dma_start3A_1198, %dma_start3A_1199] : memref<10240x64xf32, #tpu.memory_space<vmem_shared>> -> memref<10240x64xf32, #tpu.memory_space<vmem_shared>>
      tpu.enqueue_indirect_dma source(%dma_start3A_1200 : memref<10240x64xf32, #tpu.memory_space<vmem_shared>>) target(%arg9 : memref<128x64xf32, #tpu.memory_space<vmem>>) offsets(%dma_start3A_1197 : memref<128xi32, #tpu.memory_space<vmem>>) semaphore(%arg13 : memref<!tpu.dma_semaphore, #tpu.memory_space<semaphore_mem>>)
      %add3A_1201 = arith.constant 1 : i32
      %add3A_1202 = arith.addi %scan3A_1004, %add3A_1201 : i32
      %dma_wait3A_1203 = arith.constant 7 : i32
      %dma_wait3A_1204 = arith.constant 0 : i32
      %dma_wait3A_1205 = tpu.memref_slice %arg6[%scan3A_1004, %dma_wait3A_1203, %dma_wait3A_1204] : memref<11x8x128xi32, #tpu.memory_space<vmem>> -> memref<1x1x128xi32, #tpu.memory_space<vmem>>
      %dma_wait3A_1206 = tpu.memref_squeeze %dma_wait3A_1205 : memref<1x1x128xi32, #tpu.memory_space<vmem>> -> memref<128xi32, #tpu.memory_space<vmem>>
      %dma_wait3A_1207 = arith.constant 0 : i32
      %dma_wait3A_1208 = arith.constant 0 : i32
      %dma_wait3A_1209 = tpu.memref_slice %arg11[%dma_wait3A_1207, %dma_wait3A_1208] : memref<10240x64xf32, #tpu.memory_space<vmem_shared>> -> memref<10240x64xf32, #tpu.memory_space<vmem_shared>>
      tpu.wait_indirect_dma semaphore(%arg13 : memref<!tpu.dma_semaphore, #tpu.memory_space<semaphore_mem>>) src(%dma_wait3A_1209 : memref<10240x64xf32, #tpu.memory_space<vmem_shared>>) dst(%arg9 : memref<128x64xf32, #tpu.memory_space<vmem>>)
      %dma_start3A_1210 = arith.constant 7 : i32
      %dma_start3A_1211 = arith.constant 0 : i32
      %dma_start3A_1212 = tpu.memref_slice %arg7[%scan3A_1004, %dma_start3A_1210, %dma_start3A_1211] : memref<10x8x128xi32, #tpu.memory_space<vmem>> -> memref<1x1x128xi32, #tpu.memory_space<vmem>>
      %dma_start3A_1213 = tpu.memref_squeeze %dma_start3A_1212 : memref<1x1x128xi32, #tpu.memory_space<vmem>> -> memref<128xi32, #tpu.memory_space<vmem>>
      %dma_start3A_1214 = arith.constant 0 : i32
      %dma_start3A_1215 = arith.constant 0 : i32
      %dma_start3A_1216 = tpu.memref_slice %arg10[%dma_start3A_1214, %dma_start3A_1215] : memref<10240x64xf32, #tpu.memory_space<vmem_shared>> -> memref<10240x64xf32, #tpu.memory_space<vmem_shared>>
      tpu.enqueue_indirect_dma source(%arg9 : memref<128x64xf32, #tpu.memory_space<vmem>>) target(%dma_start3A_1216 : memref<10240x64xf32, #tpu.memory_space<vmem_shared>>) offsets(%dma_start3A_1213 : memref<128xi32, #tpu.memory_space<vmem>>) semaphore(%arg15 : memref<!tpu.dma_semaphore, #tpu.memory_space<semaphore_mem>>) {add = true}
      %dma_wait3A_1217 = arith.constant 7 : i32
      %dma_wait3A_1218 = arith.constant 0 : i32
      %dma_wait3A_1219 = tpu.memref_slice %arg7[%scan3A_1004, %dma_wait3A_1217, %dma_wait3A_1218] : memref<10x8x128xi32, #tpu.memory_space<vmem>> -> memref<1x1x128xi32, #tpu.memory_space<vmem>>
      %dma_wait3A_1220 = tpu.memref_squeeze %dma_wait3A_1219 : memref<1x1x128xi32, #tpu.memory_space<vmem>> -> memref<128xi32, #tpu.memory_space<vmem>>
      %dma_wait3A_1221 = arith.constant 0 : i32
      %dma_wait3A_1222 = arith.constant 0 : i32
      %dma_wait3A_1223 = tpu.memref_slice %arg10[%dma_wait3A_1221, %dma_wait3A_1222] : memref<10240x64xf32, #tpu.memory_space<vmem_shared>> -> memref<10240x64xf32, #tpu.memory_space<vmem_shared>>
      tpu.wait_indirect_dma semaphore(%arg14 : memref<!tpu.dma_semaphore, #tpu.memory_space<semaphore_mem>>) src(%arg8 : memref<128x64xf32, #tpu.memory_space<vmem>>) dst(%dma_wait3A_1223 : memref<10240x64xf32, #tpu.memory_space<vmem_shared>>)
      %dma_start3A_1224 = arith.constant 0 : i32
      %dma_start3A_1225 = arith.constant 0 : i32
      %dma_start3A_1226 = tpu.memref_slice %arg6[%add3A_1202, %dma_start3A_1224, %dma_start3A_1225] : memref<11x8x128xi32, #tpu.memory_space<vmem>> -> memref<1x1x128xi32, #tpu.memory_space<vmem>>
      %dma_start3A_1227 = tpu.memref_squeeze %dma_start3A_1226 : memref<1x1x128xi32, #tpu.memory_space<vmem>> -> memref<128xi32, #tpu.memory_space<vmem>>
      %dma_start3A_1228 = arith.constant 0 : i32
      %dma_start3A_1229 = arith.constant 0 : i32
      %dma_start3A_1230 = tpu.memref_slice %arg11[%dma_start3A_1228, %dma_start3A_1229] : memref<10240x64xf32, #tpu.memory_space<vmem_shared>> -> memref<10240x64xf32, #tpu.memory_space<vmem_shared>>
      tpu.enqueue_indirect_dma source(%dma_start3A_1230 : memref<10240x64xf32, #tpu.memory_space<vmem_shared>>) target(%arg8 : memref<128x64xf32, #tpu.memory_space<vmem>>) offsets(%dma_start3A_1227 : memref<128xi32, #tpu.memory_space<vmem>>) semaphore(%arg12 : memref<!tpu.dma_semaphore, #tpu.memory_space<semaphore_mem>>)
    }
    %scan3A_979 = arith.constant 9 : i32
    %dma_wait3A_980 = arith.constant 10 : i32
    %dma_wait3A_981 = arith.constant 0 : i32
    %dma_wait3A_982 = arith.constant 0 : i32
    %dma_wait3A_983 = tpu.memref_slice %arg6[%dma_wait3A_980, %dma_wait3A_981, %dma_wait3A_982] : memref<11x8x128xi32, #tpu.memory_space<vmem>> -> memref<1x1x128xi32, #tpu.memory_space<vmem>>
    %dma_wait3A_984 = tpu.memref_squeeze %dma_wait3A_983 : memref<1x1x128xi32, #tpu.memory_space<vmem>> -> memref<128xi32, #tpu.memory_space<vmem>>
    %dma_wait3A_985 = arith.constant 0 : i32
    %dma_wait3A_986 = arith.constant 0 : i32
    %dma_wait3A_987 = tpu.memref_slice %arg11[%dma_wait3A_985, %dma_wait3A_986] : memref<10240x64xf32, #tpu.memory_space<vmem_shared>> -> memref<10240x64xf32, #tpu.memory_space<vmem_shared>>
    tpu.wait_indirect_dma semaphore(%arg12 : memref<!tpu.dma_semaphore, #tpu.memory_space<semaphore_mem>>) src(%dma_wait3A_987 : memref<10240x64xf32, #tpu.memory_space<vmem_shared>>) dst(%arg8 : memref<128x64xf32, #tpu.memory_space<vmem>>)
    %dma_wait3A_988 = arith.constant 0 : i32
    %dma_wait3A_989 = arith.constant 0 : i32
    %dma_wait3A_990 = arith.constant 0 : i32
    %dma_wait3A_991 = tpu.memref_slice %arg7[%dma_wait3A_988, %dma_wait3A_989, %dma_wait3A_990] : memref<10x8x128xi32, #tpu.memory_space<vmem>> -> memref<1x1x128xi32, #tpu.memory_space<vmem>>
    %dma_wait3A_992 = tpu.memref_squeeze %dma_wait3A_991 : memref<1x1x128xi32, #tpu.memory_space<vmem>> -> memref<128xi32, #tpu.memory_space<vmem>>
    %dma_wait3A_993 = arith.constant 0 : i32
    %dma_wait3A_994 = arith.constant 0 : i32
    %dma_wait3A_995 = tpu.memref_slice %arg10[%dma_wait3A_993, %dma_wait3A_994] : memref<10240x64xf32, #tpu.memory_space<vmem_shared>> -> memref<10240x64xf32, #tpu.memory_space<vmem_shared>>
    tpu.wait_indirect_dma semaphore(%arg15 : memref<!tpu.dma_semaphore, #tpu.memory_space<semaphore_mem>>) src(%arg9 : memref<128x64xf32, #tpu.memory_space<vmem>>) dst(%dma_wait3A_995 : memref<10240x64xf32, #tpu.memory_space<vmem_shared>>)
    %barrier3A_996 = arith.constant 0 : index
    tpu.barrier barrier_id(%barrier3A_996)
    %mul3A_997 = arith.constant 640 : i32
    %mul3A_998 = arith.muli %arg1, %mul3A_997 : i32
    %mul3A_999 = arith.constant 10240 : i32
    %mul3A_1000 = arith.muli %arg0, %mul3A_999 : i32
    %mul3A_1001 = arith.constant 640 : i32
    %mul3A_1002 = arith.muli %arg1, %mul3A_1001 : i32
    %add3A_1003 = arith.addi %mul3A_1000, %mul3A_1002 : i32
    "tpu.region"() ({
      %run_scoped3A = tpu.sem_alloc : memref<!tpu.dma_semaphore, #tpu.memory_space<semaphore_mem>>
      %dma_start3A_1004 = arith.constant 0 : i32
      %dma_start3A_1005 = tpu.memref_slice %arg5[%add3A_1003, %dma_start3A_1004] : memref<20480x64xf32, #tpu.memory_space<hbm>> -> memref<640x64xf32, #tpu.memory_space<hbm>>
      %dma_start3A_1006 = arith.constant 0 : i32
      %dma_start3A_1007 = tpu.memref_slice %arg10[%mul3A_998, %dma_start3A_1006] : memref<10240x64xf32, #tpu.memory_space<vmem_shared>> -> memref<640x64xf32, #tpu.memory_space<vmem_shared>>
      tpu.enqueue_dma source(%dma_start3A_1007 : memref<640x64xf32, #tpu.memory_space<vmem_shared>>) target(%dma_start3A_1005 : memref<640x64xf32, #tpu.memory_space<hbm>>) target_semaphore(%run_scoped3A : memref<!tpu.dma_semaphore, #tpu.memory_space<semaphore_mem>>)
      %dma_wait3A_1008 = arith.constant 0 : i32
      %dma_wait3A_1009 = tpu.memref_slice %arg5[%add3A_1003, %dma_wait3A_1008] : memref<20480x64xf32, #tpu.memory_space<hbm>> -> memref<640x64xf32, #tpu.memory_space<hbm>>
      %dma_wait3A_1010 = arith.constant 0 : i32
      %dma_wait3A_1011 = tpu.memref_slice %arg10[%mul3A_998, %dma_wait3A_1010] : memref<10240x64xf32, #tpu.memory_space<vmem_shared>> -> memref<640x64xf32, #tpu.memory_space<vmem_shared>>
      tpu.wait_dma2 semaphore(%run_scoped3A : memref<!tpu.dma_semaphore, #tpu.memory_space<semaphore_mem>>) src(%dma_wait3A_1011 : memref<640x64xf32, #tpu.memory_space<vmem_shared>>) dst(%dma_wait3A_1009 : memref<640x64xf32, #tpu.memory_space<hbm>>)
      tpu.yield
    }) : () -> ()
    return
  }
}

module attributes {stable_mosaic.version = 14 : i64} {
  func.func @_tc1b_body(%arg0: memref<10000x64xf32, #tpu.memory_space<vmem>>, %arg1: memref<20480x16xf32, #tpu.memory_space<vmem>>, %arg2: memref<10240x64xf32, #tpu.memory_space<vmem>>) attributes {dimension_semantics = [], scalar_prefetch = 0 : i64, scratch_operands = 0 : i64, tpu.core_type = #tpu.core_type<tc>} {
    %get3A = arith.constant 0 : index
    %get3A_0 = arith.constant 0 : index
    %get3A_1 = vector.load %arg1[%get3A, %get3A_0] : memref<20480x16xf32, #tpu.memory_space<vmem>>, vector<20480x16xf32>
    %slice3A = vector.extract_strided_slice %get3A_1 {offsets = [0, 0], sizes = [10000, 1], strides = [1, 1]} : vector<20480x16xf32> to vector<10000x1xf32>
    %slice3A_2 = vector.extract_strided_slice %get3A_1 {offsets = [10240, 0], sizes = [10000, 1], strides = [1, 1]} : vector<20480x16xf32> to vector<10000x1xf32>
    %add3A = arith.addf %slice3A, %slice3A_2 : vector<10000x1xf32>
    %gt3A = arith.constant 0.000000e+00 : f32
    %gt3A_3 = vector.broadcast %gt3A : f32 to vector<10000x1xf32>
    %gt3A_4 = arith.cmpf ogt, %add3A, %gt3A_3 : vector<10000x1xf32>
    %rsqrt3A = math.rsqrt %add3A : vector<10000x1xf32>
    %jit3A = arith.constant 0.000000e+00 : f32
    %broadcast_in_dim3A = vector.broadcast %jit3A : f32 to vector<10000x1xf32>
    %select_n3A = arith.select %gt3A_4, %rsqrt3A, %broadcast_in_dim3A : vector<10000x1xi1>, vector<10000x1xf32>
    %get3A_5 = arith.constant 0 : index
    %get3A_6 = arith.constant 0 : index
    %get3A_7 = vector.load %arg0[%get3A_5, %get3A_6] : memref<10000x64xf32, #tpu.memory_space<vmem>>, vector<10000x64xf32>
    %mul3A = vector.broadcast %select_n3A : vector<10000x1xf32> to vector<10000x64xf32>
    %mul3A_8 = arith.mulf %mul3A, %get3A_7 : vector<10000x64xf32>
    %swap3A = arith.constant 0 : index
    %swap3A_9 = arith.constant 0 : index
    %swap3A_10 = vector.load %arg2[%swap3A, %swap3A_9] : memref<10240x64xf32, #tpu.memory_space<vmem>>, vector<10000x64xf32>
    tpu.vector_store %arg2[%swap3A, %swap3A_9], %mul3A_8 {strides = array<i32>} : memref<10240x64xf32, #tpu.memory_space<vmem>>, vector<10000x64xf32>,
    %broadcast_in_dim3A_11 = arith.constant 0.000000e+00 : f32
    %broadcast_in_dim3A_12 = vector.broadcast %broadcast_in_dim3A_11 : f32 to vector<240x64xf32>
    %swap3A_13 = arith.constant 10000 : index
    %swap3A_14 = arith.constant 0 : index
    %swap3A_15 = vector.load %arg2[%swap3A_13, %swap3A_14] : memref<10240x64xf32, #tpu.memory_space<vmem>>, vector<240x64xf32>
    tpu.vector_store %arg2[%swap3A_13, %swap3A_14], %broadcast_in_dim3A_12 {strides = array<i32>} : memref<10240x64xf32, #tpu.memory_space<vmem>>, vector<240x64xf32>,
    return
  }
}

module attributes {stable_mosaic.version = 14 : i64} {
  func.func @_tc1a_body(%arg0: memref<10000x128xf32, #tpu.memory_space<vmem>>, %arg1: memref<128x64xf32, #tpu.memory_space<vmem>>, %arg2: memref<128x64xf32, #tpu.memory_space<vmem>>, %arg3: memref<10000x64xf32, #tpu.memory_space<vmem>>, %arg4: memref<10000x64xf32, #tpu.memory_space<vmem>>) attributes {dimension_semantics = [], scalar_prefetch = 0 : i64, scratch_operands = 0 : i64, tpu.core_type = #tpu.core_type<tc>} {
    %get3A = arith.constant 0 : index
    %get3A_0 = arith.constant 0 : index
    %get3A_1 = vector.load %arg0[%get3A, %get3A_0] : memref<10000x128xf32, #tpu.memory_space<vmem>>, vector<10000x128xf32>
    %get3A_2 = arith.constant 0 : index
    %get3A_3 = arith.constant 0 : index
    %get3A_4 = vector.load %arg1[%get3A_2, %get3A_3] : memref<128x64xf32, #tpu.memory_space<vmem>>, vector<128x64xf32>
    %dot_general3A = arith.constant dense<0.000000e+00> : vector<10000x64xf32>
    %dot_general3A_5 = tpu.matmul %get3A_1, %get3A_4, %dot_general3A {dimension_numbers = #tpu.dot_dimension_numbers<[1], [0], [0], [1], [0, 0, 1, 1], [], []>, transpose_lhs_hint = false} : vector<10000x128xf32>, vector<128x64xf32>, vector<10000x64xf32> -> vector<10000x64xf32>
    %swap3A = arith.constant 0 : index
    %swap3A_6 = arith.constant 0 : index
    %swap3A_7 = vector.load %arg3[%swap3A, %swap3A_6] : memref<10000x64xf32, #tpu.memory_space<vmem>>, vector<10000x64xf32>
    tpu.vector_store %arg3[%swap3A, %swap3A_6], %dot_general3A_5 {strides = array<i32>} : memref<10000x64xf32, #tpu.memory_space<vmem>>, vector<10000x64xf32>,
    %get3A_8 = arith.constant 0 : index
    %get3A_9 = arith.constant 0 : index
    %get3A_10 = vector.load %arg2[%get3A_8, %get3A_9] : memref<128x64xf32, #tpu.memory_space<vmem>>, vector<128x64xf32>
    %dot_general3A_11 = arith.constant dense<0.000000e+00> : vector<10000x64xf32>
    %dot_general3A_12 = tpu.matmul %get3A_1, %get3A_10, %dot_general3A_11 {dimension_numbers = #tpu.dot_dimension_numbers<[1], [0], [0], [1], [0, 0, 1, 1], [], []>, transpose_lhs_hint = false} : vector<10000x128xf32>, vector<128x64xf32>, vector<10000x64xf32> -> vector<10000x64xf32>
    %swap3A_13 = arith.constant 0 : index
    %swap3A_14 = arith.constant 0 : index
    %swap3A_15 = vector.load %arg4[%swap3A_13, %swap3A_14] : memref<10000x64xf32, #tpu.memory_space<vmem>>, vector<10000x64xf32>
    tpu.vector_store %arg4[%swap3A_13, %swap3A_14], %dot_general3A_12 {strides = array<i32>} : memref<10000x64xf32, #tpu.memory_space<vmem>>, vector<10000x64xf32>,
    return
  }
}

module attributes {stable_mosaic.version = 14 : i64} {
  func.func @_tc2_body(%arg0: memref<10000x64xf32, #tpu.memory_space<vmem>>, %arg1: memref<20480x64xf32, #tpu.memory_space<vmem>>, %arg2: memref<20480x16xf32, #tpu.memory_space<vmem>>, %arg3: memref<1x64xf32, #tpu.memory_space<vmem>>, %arg4: memref<64x64xf32, #tpu.memory_space<vmem>>, %arg5: memref<64x64xf32, #tpu.memory_space<vmem>>, %arg6: memref<10000x64xf32, #tpu.memory_space<vmem>>, %arg7: memref<10240x64xf32, #tpu.memory_space<vmem>>) attributes {dimension_semantics = [], scalar_prefetch = 0 : i64, scratch_operands = 0 : i64, tpu.core_type = #tpu.core_type<tc>} {
    %get3A = arith.constant 0 : index
    %get3A_0 = arith.constant 0 : index
    %get3A_1 = vector.load %arg2[%get3A, %get3A_0] : memref<20480x16xf32, #tpu.memory_space<vmem>>, vector<20480x16xf32>
    %slice3A = vector.extract_strided_slice %get3A_1 {offsets = [0, 0], sizes = [10000, 1], strides = [1, 1]} : vector<20480x16xf32> to vector<10000x1xf32>
    %slice3A_2 = vector.extract_strided_slice %get3A_1 {offsets = [10240, 0], sizes = [10000, 1], strides = [1, 1]} : vector<20480x16xf32> to vector<10000x1xf32>
    %add3A = arith.addf %slice3A, %slice3A_2 : vector<10000x1xf32>
    %gt3A = arith.constant 0.000000e+00 : f32
    %gt3A_3 = vector.broadcast %gt3A : f32 to vector<10000x1xf32>
    %gt3A_4 = arith.cmpf ogt, %add3A, %gt3A_3 : vector<10000x1xf32>
    %rsqrt3A = math.rsqrt %add3A : vector<10000x1xf32>
    %jit3A = arith.constant 0.000000e+00 : f32
    %broadcast_in_dim3A = vector.broadcast %jit3A : f32 to vector<10000x1xf32>
    %select_n3A = arith.select %gt3A_4, %rsqrt3A, %broadcast_in_dim3A : vector<10000x1xi1>, vector<10000x1xf32>
    %get3A_5 = arith.constant 0 : index
    %get3A_6 = arith.constant 0 : index
    %get3A_7 = vector.load %arg1[%get3A_5, %get3A_6] : memref<20480x64xf32, #tpu.memory_space<vmem>>, vector<20480x64xf32>
    %slice3A_8 = vector.extract_strided_slice %get3A_7 {offsets = [0, 0], sizes = [10000, 64], strides = [1, 1]} : vector<20480x64xf32> to vector<10000x64xf32>
    %slice3A_9 = vector.extract_strided_slice %get3A_7 {offsets = [10240, 0], sizes = [10000, 64], strides = [1, 1]} : vector<20480x64xf32> to vector<10000x64xf32>
    %add3A_10 = arith.addf %slice3A_8, %slice3A_9 : vector<10000x64xf32>
    %mul3A = vector.broadcast %select_n3A : vector<10000x1xf32> to vector<10000x64xf32>
    %mul3A_11 = arith.mulf %mul3A, %add3A_10 : vector<10000x64xf32>
    %get3A_12 = arith.constant 0 : index
    %get3A_13 = arith.constant 0 : index
    %get3A_14 = vector.load %arg0[%get3A_12, %get3A_13] : memref<10000x64xf32, #tpu.memory_space<vmem>>, vector<10000x64xf32>
    %sub3A = arith.subf %get3A_14, %mul3A_11 : vector<10000x64xf32>
    %get3A_15 = arith.constant 0 : index
    %get3A_16 = arith.constant 0 : index
    %get3A_17 = vector.load %arg3[%get3A_15, %get3A_16] : memref<1x64xf32, #tpu.memory_space<vmem>>, vector<1x64xf32>
    %add3A_18 = vector.broadcast %get3A_17 : vector<1x64xf32> to vector<10000x64xf32>
    %add3A_19 = arith.addf %sub3A, %add3A_18 : vector<10000x64xf32>
    %max3A = arith.constant 0.000000e+00 : f32
    %max3A_20 = vector.broadcast %max3A : f32 to vector<10000x64xf32>
    %max3A_21 = arith.maximumf %add3A_19, %max3A_20 : vector<10000x64xf32>
    %get3A_22 = arith.constant 0 : index
    %get3A_23 = arith.constant 0 : index
    %get3A_24 = vector.load %arg4[%get3A_22, %get3A_23] : memref<64x64xf32, #tpu.memory_space<vmem>>, vector<64x64xf32>
    %dot_general3A = arith.constant dense<0.000000e+00> : vector<10000x64xf32>
    %dot_general3A_25 = tpu.matmul %max3A_21, %get3A_24, %dot_general3A {dimension_numbers = #tpu.dot_dimension_numbers<[1], [0], [0], [1], [0, 0, 1, 1], [], []>, transpose_lhs_hint = false} : vector<10000x64xf32>, vector<64x64xf32>, vector<10000x64xf32> -> vector<10000x64xf32>
    %swap3A = arith.constant 0 : index
    %swap3A_26 = arith.constant 0 : index
    %swap3A_27 = vector.load %arg6[%swap3A, %swap3A_26] : memref<10000x64xf32, #tpu.memory_space<vmem>>, vector<10000x64xf32>
    tpu.vector_store %arg6[%swap3A, %swap3A_26], %dot_general3A_25 {strides = array<i32>} : memref<10000x64xf32, #tpu.memory_space<vmem>>, vector<10000x64xf32>,
    %get3A_28 = arith.constant 0 : index
    %get3A_29 = arith.constant 0 : index
    %get3A_30 = vector.load %arg5[%get3A_28, %get3A_29] : memref<64x64xf32, #tpu.memory_space<vmem>>, vector<64x64xf32>
    %dot_general3A_31 = arith.constant dense<0.000000e+00> : vector<10000x64xf32>
    %dot_general3A_32 = tpu.matmul %max3A_21, %get3A_30, %dot_general3A_31 {dimension_numbers = #tpu.dot_dimension_numbers<[1], [0], [0], [1], [0, 0, 1, 1], [], []>, transpose_lhs_hint = false} : vector<10000x64xf32>, vector<64x64xf32>, vector<10000x64xf32> -> vector<10000x64xf32>
    %mul3A_33 = vector.broadcast %select_n3A : vector<10000x1xf32> to vector<10000x64xf32>
    %mul3A_34 = arith.mulf %mul3A_33, %dot_general3A_32 : vector<10000x64xf32>
    %swap3A_35 = arith.constant 0 : index
    %swap3A_36 = arith.constant 0 : index
    %swap3A_37 = vector.load %arg7[%swap3A_35, %swap3A_36] : memref<10240x64xf32, #tpu.memory_space<vmem>>, vector<10000x64xf32>
    tpu.vector_store %arg7[%swap3A_35, %swap3A_36], %mul3A_34 {strides = array<i32>} : memref<10240x64xf32, #tpu.memory_space<vmem>>, vector<10000x64xf32>,
    %broadcast_in_dim3A_38 = arith.constant 0.000000e+00 : f32
    %broadcast_in_dim3A_39 = vector.broadcast %broadcast_in_dim3A_38 : f32 to vector<240x64xf32>
    %swap3A_40 = arith.constant 10000 : index
    %swap3A_41 = arith.constant 0 : index
    %swap3A_42 = vector.load %arg7[%swap3A_40, %swap3A_41] : memref<10240x64xf32, #tpu.memory_space<vmem>>, vector<240x64xf32>
    tpu.vector_store %arg7[%swap3A_40, %swap3A_41], %broadcast_in_dim3A_39 {strides = array<i32>} : memref<10240x64xf32, #tpu.memory_space<vmem>>, vector<240x64xf32>,
    return
  }
}

module attributes {stable_mosaic.version = 14 : i64} {
  func.func @_tc3_body(%arg0: memref<10000x64xf32, #tpu.memory_space<vmem>>, %arg1: memref<20480x64xf32, #tpu.memory_space<vmem>>, %arg2: memref<20480x16xf32, #tpu.memory_space<vmem>>, %arg3: memref<1x64xf32, #tpu.memory_space<vmem>>, %arg4: memref<10000x64xf32, #tpu.memory_space<vmem>>) attributes {dimension_semantics = [], scalar_prefetch = 0 : i64, scratch_operands = 0 : i64, tpu.core_type = #tpu.core_type<tc>} {
    %get3A = arith.constant 0 : index
    %get3A_0 = arith.constant 0 : index
    %get3A_1 = vector.load %arg2[%get3A, %get3A_0] : memref<20480x16xf32, #tpu.memory_space<vmem>>, vector<20480x16xf32>
    %slice3A = vector.extract_strided_slice %get3A_1 {offsets = [0, 0], sizes = [10000, 1], strides = [1, 1]} : vector<20480x16xf32> to vector<10000x1xf32>
    %slice3A_2 = vector.extract_strided_slice %get3A_1 {offsets = [10240, 0], sizes = [10000, 1], strides = [1, 1]} : vector<20480x16xf32> to vector<10000x1xf32>
    %add3A = arith.addf %slice3A, %slice3A_2 : vector<10000x1xf32>
    %gt3A = arith.constant 0.000000e+00 : f32
    %gt3A_3 = vector.broadcast %gt3A : f32 to vector<10000x1xf32>
    %gt3A_4 = arith.cmpf ogt, %add3A, %gt3A_3 : vector<10000x1xf32>
    %rsqrt3A = math.rsqrt %add3A : vector<10000x1xf32>
    %jit3A = arith.constant 0.000000e+00 : f32
    %broadcast_in_dim3A = vector.broadcast %jit3A : f32 to vector<10000x1xf32>
    %select_n3A = arith.select %gt3A_4, %rsqrt3A, %broadcast_in_dim3A : vector<10000x1xi1>, vector<10000x1xf32>
    %get3A_5 = arith.constant 0 : index
    %get3A_6 = arith.constant 0 : index
    %get3A_7 = vector.load %arg0[%get3A_5, %get3A_6] : memref<10000x64xf32, #tpu.memory_space<vmem>>, vector<10000x64xf32>
    %get3A_8 = arith.constant 0 : index
    %get3A_9 = arith.constant 0 : index
    %get3A_10 = vector.load %arg1[%get3A_8, %get3A_9] : memref<20480x64xf32, #tpu.memory_space<vmem>>, vector<20480x64xf32>
    %slice3A_11 = vector.extract_strided_slice %get3A_10 {offsets = [0, 0], sizes = [10000, 64], strides = [1, 1]} : vector<20480x64xf32> to vector<10000x64xf32>
    %slice3A_12 = vector.extract_strided_slice %get3A_10 {offsets = [10240, 0], sizes = [10000, 64], strides = [1, 1]} : vector<20480x64xf32> to vector<10000x64xf32>
    %add3A_13 = arith.addf %slice3A_11, %slice3A_12 : vector<10000x64xf32>
    %mul3A = vector.broadcast %select_n3A : vector<10000x1xf32> to vector<10000x64xf32>
    %mul3A_14 = arith.mulf %mul3A, %add3A_13 : vector<10000x64xf32>
    %sub3A = arith.subf %get3A_7, %mul3A_14 : vector<10000x64xf32>
    %get3A_15 = arith.constant 0 : index
    %get3A_16 = arith.constant 0 : index
    %get3A_17 = vector.load %arg3[%get3A_15, %get3A_16] : memref<1x64xf32, #tpu.memory_space<vmem>>, vector<1x64xf32>
    %add3A_18 = vector.broadcast %get3A_17 : vector<1x64xf32> to vector<10000x64xf32>
    %add3A_19 = arith.addf %sub3A, %add3A_18 : vector<10000x64xf32>
    %reduce_max3A = arith.constant dense<0xFF800000> : vector<10000xf32>
    %reduce_max3A_20 = vector.multi_reduction <maximumf>, %add3A_19, %reduce_max3A [1] : vector<10000x64xf32> to vector<10000xf32>
    %broadcast_in_dim3A_21 = vector.shape_cast %reduce_max3A_20 : vector<10000xf32> to vector<10000x1xf32>
    %sub3A_22 = vector.broadcast %broadcast_in_dim3A_21 : vector<10000x1xf32> to vector<10000x64xf32>
    %sub3A_23 = arith.subf %add3A_19, %sub3A_22 : vector<10000x64xf32>
    %exp3A = math.exp %sub3A_23 : vector<10000x64xf32>
    %sub3A_24 = vector.broadcast %broadcast_in_dim3A_21 : vector<10000x1xf32> to vector<10000x64xf32>
    %sub3A_25 = arith.subf %add3A_19, %sub3A_24 : vector<10000x64xf32>
    %reduce_sum3A = arith.constant dense<0.000000e+00> : vector<10000xf32>
    %reduce_sum3A_26 = vector.multi_reduction <add>, %exp3A, %reduce_sum3A [1] : vector<10000x64xf32> to vector<10000xf32>
    %broadcast_in_dim3A_27 = vector.shape_cast %reduce_sum3A_26 : vector<10000xf32> to vector<10000x1xf32>
    %log3A = math.log %broadcast_in_dim3A_27 : vector<10000x1xf32>
    %sub3A_28 = vector.broadcast %log3A : vector<10000x1xf32> to vector<10000x64xf32>
    %sub3A_29 = arith.subf %sub3A_25, %sub3A_28 : vector<10000x64xf32>
    %swap3A = arith.constant 0 : index
    %swap3A_30 = arith.constant 0 : index
    %swap3A_31 = vector.load %arg4[%swap3A, %swap3A_30] : memref<10000x64xf32, #tpu.memory_space<vmem>>, vector<10000x64xf32>
    tpu.vector_store %arg4[%swap3A, %swap3A_30], %sub3A_29 {strides = array<i32>} : memref<10000x64xf32, #tpu.memory_space<vmem>>, vector<10000x64xf32>,
    return
  }
}

</mosaic_0001>

<sc_bundles>
// kernel: kernel.12.cloned.1.call-start
scs
__scs_entry_jumppad:
0x0: {  	(pc) =	sbr.rel $0x88, $3  }
0x1: {  	(tag) =	ssettag $0x0;
	lr =	simm.s32 $0x1  }
0x2: {  	[smem:$0x3F9B] =	sst lr;
	_ =	strace $0xD0000000  }
0x3: {  	_ = 	snop  }
0x4: {  	_ = 	snop  }
0x5: {  	_ = 	snop  }
0x6: {  	_ = 	snop  }
0x7: {  	_ = 	snop  }
__scs_overlays_trampoline_lowered:
0x8: {  	[smem:$0x3FAA] =	sst s0  }
0x9: {  	[smem:$0x3FAB] =	sst s1  }
0xa: {  	[smem:$0x3FAC] =	sst s2  }
0xb: {  	[smem:$0x3FAD] =	sst s3  }
0xc: {  	[smem:$0x3FAE] =	sst s4  }
0xd: {  	[smem:$0x3FAF] =	sst s5  }
0xe: {  	[smem:$0x3FB0] =	sst s6  }
0xf: {  	[smem:$0x3FB1] =	sst s7  }
0x10: {  	[smem:$0x3FB2] =	sst s8  }
0x11: {  	[smem:$0x3FB3] =	sst s9;
	s0 =	simm.s32 @!p0 $0x0  }
0x12: {  	s1 =	sld [smem:$0x3F99];
	s0 =	simm.s32 @p0 $0x1  }
0x13: {  	[smem:$0x3FB4] =	sst s0;
	s0 =	simm.s32 @!p1 $0x0  }
0x14: {  	s2 =	sld [smem:$0x3F98];
	s0 =	simm.s32 @p1 $0x1  }
0x15: {  	[smem:$0x3FB5] =	sst s0;
	s0 =	simm.s32 @!p2 $0x0  }
0x16: {  	s3 =	sld [smem:$0x3FDB];
	s0 =	simm.s32 @p2 $0x1  }
0x17: {  	s4 =	simm.s32 $0x1BF5;
	[smem:$0x3FB7] =	sst s0  }
0x18: {  	s0 =	sld [smem:$0x3F9A];
	_ =	swait.ge [sflag:s4], $0x0  }
0x19: {  	s7 =	sld [smem:$0x3F9B]  }
0x1a: {  	s8 =	sadd.s32 $0xFFFFE003, lr  }
0x1b: {  	s9 =	sadd.s32 $0xFFFFFEF7, lr;
	s5 =	simm.s32 $0xFFFFFFFF;
	p2 =	slt.u32 s8, $0xFFFFF086  }
0x1c: {  	p1 =	slt.u32 s9, $0xF7A;
	s5 =	simm.s32 @!p2 $0x0  }
0x1d: {  	s5 =	simm.s32 @p1 $0x1;
	p0 =	seq.s32 s7, s2  }
0x1e: {  	s7 =	smul.u32 @!p0 $0xF7A, s2;
	p2 =	seq.s32 @!p0 s5, $0x0  }
0x1f: {  	s9 =	smul.u32 $0xF7A, s1;
	s8 =	simm.s32 @!p0 $0x1BF5;
	p2 =	por !p2, p0  }
0x20: {  	[sflag:s8] =	ssyncset.s32 @!p0 $0xFFFFF086;
	s6 =	sadd.s32 @!p0 s3, s7;
	s7 =	simm.s32 @!p0 $0x108  }
0x21: {  	s3 =	sadd.s32 s3, s9;
	s6 =	sadd.s32 @!p0 $0x88, s6;
	s7 =	simm.s32 @p2 $0x1082  }
0x22: {  	[simem:s7], [sflag:s8] =	dma.local @!p0 [hbm:s6], $0xF7A  }
0x23: {  	s9 =	sor.u32 $0xD0000000, s2;
	s6 =	simm.s32 $0x108;
	_ =	swait.ge @!p0 [sflag:s8], $0x0  }
0x24: {  	s3 =	sadd.s32 $0x88, s3;
	s6 =	simm.s32 @!p1 $0x1082;
	[sflag:s4] =	ssyncset.s32 $0xFFFFF086  }
0x25: {  	[simem:s6], [sflag:s4] =	dma.local [hbm:s3], $0xF7A  }
0x26: {  	[smem:$0x3F9B] =	sst s1;
	(tag) =	ssettag s2;
	_ =	strace s9  }
0x27: {  	s1 =	sld [smem:$0x3FAB]  }
0x28: {  	s2 =	sld [smem:$0x3FAC]  }
0x29: {  	s4 =	sld [smem:$0x3FAE]  }
0x2a: {  	p0 =	seq.s32 s5, $0x0;
	s5 =	sld [smem:$0x3FAF]  }
0x2b: {  	s6 =	sld [smem:$0x3FB0]  }
0x2c: {  	s7 =	sld [smem:$0x3FB1]  }
0x2d: {  	s3 =	simm.s32 $0x108;
	s8 =	sld [smem:$0x3FB2]  }
0x2e: {  	s3 =	simm.s32 @!p0 $0x1082;
	s9 =	sld [smem:$0x3FB3]  }
0x2f: {  	lr =	sadd.s32 s0, s3;
	s0 =	sld [smem:$0x3FAA]  }
0x30: {  	s3 =	sld [smem:$0x3FAD]  }
0x31: {  	[smem:$0x3FB6] =	sst s10  }
0x32: {  	s10 =	sld [smem:$0x3FB4];
	_ =	sdelay $0x3  }
0x33: {  	p0 =	seq.s32 s10, $0x1;
	s10 =	sld [smem:$0x3FB6];
	_ =	sdelay $0x3  }
0x34: {  	[smem:$0x3FB6] =	sst s10  }
0x35: {  	s10 =	sld [smem:$0x3FB5];
	_ =	sdelay $0x3  }
0x36: {  	p1 =	seq.s32 s10, $0x1;
	s10 =	sld [smem:$0x3FB6];
	_ =	sdelay $0x3  }
0x37: {  	[smem:$0x3FB6] =	sst s10  }
0x38: {  	s10 =	sld [smem:$0x3FB7]  }
0x39: {  	_ = 	snop;
	(pc) =	sbr.ind lr, $3  }
0x3a: {  	_ = 	snop  }
0x3b: {  	_ = 	snop  }
0x3c: {  	p2 =	seq.s32 s10, $0x1;
	s10 =	sld [smem:$0x3FB6]  }
0x3d: {  	_ =	shalt  }
0x3e: {  	_ =	shalt  }
0x3f: {  	_ =	shalt  }
0x40: {  	_ =	shalt  }
0x41: {  	_ =	shalt  }
0x42: {  	_ =	shalt  }
0x43: {  	_ =	shalt  }
0x44: {  	_ =	shalt  }
0x45: {  	_ =	shalt  }
0x46: {  	_ =	shalt  }
0x47: {  	_ =	shalt  }
0x48: {  	_ =	shalt  }
0x49: {  	_ =	shalt  }
0x4a: {  	_ =	shalt  }
0x4b: {  	_ =	shalt  }
0x4c: {  	_ =	shalt  }
0x4d: {  	_ =	shalt  }
0x4e: {  	_ =	shalt  }
0x4f: {  	_ =	shalt  }
0x50: {  	_ =	shalt  }
0x51: {  	_ =	shalt  }
0x52: {  	_ =	shalt  }
0x53: {  	_ =	shalt  }
0x54: {  	_ =	shalt  }
0x55: {  	_ =	shalt  }
0x56: {  	_ =	shalt  }
0x57: {  	_ =	shalt  }
0x58: {  	_ =	shalt  }
0x59: {  	_ =	shalt  }
0x5a: {  	_ =	shalt  }
0x5b: {  	_ =	shalt  }
0x5c: {  	_ =	shalt  }
0x5d: {  	_ =	shalt  }
0x5e: {  	_ =	shalt  }
0x5f: {  	_ =	shalt  }
0x60: {  	_ =	shalt  }
0x61: {  	_ =	shalt  }
0x62: {  	_ =	shalt  }
0x63: {  	_ =	shalt  }
0x64: {  	_ =	shalt  }
0x65: {  	_ =	shalt  }
0x66: {  	_ =	shalt  }
0x67: {  	_ =	shalt  }
0x68: {  	_ =	shalt  }
0x69: {  	_ =	shalt  }
0x6a: {  	_ =	shalt  }
0x6b: {  	_ =	shalt  }
0x6c: {  	_ =	shalt  }
0x6d: {  	_ =	shalt  }
0x6e: {  	_ =	shalt  }
0x6f: {  	_ =	shalt  }
0x70: {  	_ =	shalt  }
0x71: {  	_ =	shalt  }
0x72: {  	_ =	shalt  }
0x73: {  	_ =	shalt  }
0x74: {  	_ =	shalt  }
0x75: {  	_ =	shalt  }
0x76: {  	_ =	shalt  }
0x77: {  	_ =	shalt  }
0x78: {  	_ =	shalt  }
0x79: {  	_ =	shalt  }
0x7a: {  	_ =	shalt  }
0x7b: {  	_ =	shalt  }
0x7c: {  	_ =	shalt  }
0x7d: {  	_ =	shalt  }
0x7e: {  	_ =	shalt  }
0x7f: {  	_ =	shalt  }
0x80: {  	_ =	shalt  }
0x81: {  	_ =	shalt  }
0x82: {  	_ =	shalt  }
0x83: {  	_ =	shalt  }
0x84: {  	_ =	shalt  }
0x85: {  	_ =	shalt  }
0x86: {  	_ =	shalt  }
0x87: {  	_ =	shalt  }
.Lfunc_end0:
.L_simem_size_0:
called_computation.1_lowered:
.L_overlay_start_0:
0x88: {  	s2 =	sld [smem:$0x3FD9]  }
0x89: {  	s3 =	sld [smem:$0x3FFE];
	_ =	sdelay $0x1  }
0x8a: {  	s1 =	srdreg.scid  }
0x8b: {  	s0 =	sand.u32 $0x1, s1  }
0x8c: {  	s17 =	sshll.u32 s0, $0xA;
	s2 =	sadd.s32 s3, s2  }
0x8d: {  	s2 =	sadd.s32 s2, s17  }
0x8e: {  	[smem:$0x3FC2] =	sst s2  }
0x8f: {  	_ = 	snop  }
0x90: {  	s2 =	sld [smem:$0x3FD0];
	(tm) =	ssettm $0x1  }
0x91: {  	s18 =	sld [smem:$0x3FFB];
	_ =	sdelay $0x3  }
0x92: {  	_ =	strace s18  }
0x93: {  	s3 =	sld [smem:$0x3FFC];
	_ =	sdelay $0x3  }
0x94: {  	_ =	strace s3  }
0x95: {  	s3 =	sld [smem:$0x3FFD];
	_ =	sdelay $0x3  }
0x96: {  	_ =	strace s3  }
0x97: {  	_ =	strace $0x8FFFFFFF  }
0x98: {  	s19 =	sld [smem:$0x3FDB];
	_ =	sdelay $0x1  }
0x99: {  	s4 =	simm.s32 $_scs_section_size  }
0x9a: {  	s5 =	simm.s32 $_size__tile_overlayer_lowered;
	s6 =	simm.s32 $_tile_overlayer_lowered  }
0x9b: {  	s22 =	simm.s32 $0x1BFF;
	s21 =	sshll.u32 s6, $0x1;
	s3 =	sadd.s32 s4, s19  }
0x9c: {  	s7 =	simm.s32 $0x0;
	s20 =	sshll.u32 s5, $0x1;
	s5 =	sadd.s32 s21, s3  }
0x9d: {  	[timem:s7], [sflag:s22] =	dma.local [hbm:s5], s20  }
0x9e: {  	_ =	swait.ge [sflag:s22], s20  }
0x9f: {  	s4 =	ssub.s32 $0x0, s20;
	[sflag:s22] =	ssyncset.done $0x0  }
0xa0: {  	[sflag:s22] =	ssyncadd.s32 s4;
	_ =	sdelay $0x1  }
0xa1: {  	s23 =	simm.s32 $0x1B8B  }
0xa2: {  	_ =	swait.ge [sflag:s23], $0x1  }
0xa3: {  	[sflag:s23] =	ssyncset.done $0x0  }
0xa4: {  	s25 =	simm.s32 $0x1B8E;
	s24 =	sld [smem:$0x3FFE];
	[sflag:s23] =	ssyncadd.s32 $0xFFFFFFFF  }
0xa5: {  	s26 =	simm.s32 $execute0_lowered;
	[smem:$0x3FD2] =	sst s25  }
0xa6: {  	s5 =	sshll.u32 s26, $0x1;
	_ =	strace $0x80000049;
	[dreg:$0x1] =	wrdreg $0xFFFFFFFF  }
0xa7: {  	s28 =	simm.s32 $_size_execute0_lowered;
	s3 =	sadd.s32 s3, s5;
	[dreg:$0x0] =	wrdreg $0x0  }
0xa8: {  	s5 =	sshll.u32 s28, $0x1;
	[dreg:$0x2] =	wrdreg s3  }
0xa9: {  	[dreg:$0x3] =	wrdreg s5  }
0xaa: {  	[dreg:$0x4] =	wrdreg $0xC0  }
0xab: {  	_ =	task [dreg:s7], $0x5FFFF  }
0xac: {  	[dreg:$0x1] =	wrdreg $0xFFFFFFFF  }
0xad: {  	[dreg:$0x0] =	wrdreg $0x60  }
0xae: {  	[dreg:$0x2] =	wrdreg s24  }
0xaf: {  	[dreg:$0x3] =	wrdreg s2  }
0xb0: {  	[dreg:$0x4] =	wrdreg $0x94000  }
0xb1: {  	[dreg:$0x5] =	wrdreg $0x134000  }
0xb2: {  	[dreg:$0x6] =	wrdreg $0x9  }
0xb3: {  	_ =	task.clear_ibuf [dreg:s7], $0x7FFFF;
	_ =	strace $0x90000049  }
0xb4: {  	s29 =	simm.s32 $0x9;
	_ =	strace $0x8000004B  }
0xb5: {  	_ =	swait.ge [sflag:s29], $0x1  }
0xb6: {  	[sflag:s29] =	ssyncadd.s32 $0xFFFFFFFF  }
0xb7: {  	_ =	strace $0x9000004B  }
0xb8: {  	_ =	sfence  }
0xb9: {  	s30 =	sld [smem:$0x0];
	_ =	sdelay $0x2  }
0xba: {  	s31 =	sshll.u32 s1, $0xD;
	s1 =	sshrl.u32 s1, $0x2  }
0xbb: {  	s3 =	sand.u32 $0x4000, s31;
	s1 =	sadd.s32 s1, s30  }
0xbc: {  	s0 =	sor.u32 s3, s0;
	s1 =	sshll.u32 s1, $0x11  }
0xbd: {  	s0 =	sor.u32 s1, s0  }
0xbe: {  	s0 =	sadd.s32 $0x8F2B, s0  }
0xbf: {  	[sflag:s0] =	ssyncadd.remote.s32 $0x1  }
0xc0: {  	_ =	sfence.sel $0xFFFF  }
0xc1: {  	[dreg:$0x0] =	wrdreg $0xFFFFFFFF;
	(pc) =	sbr.abs _section_cstart, $3  }
0xc2: {  	[dreg:$0x1] =	wrdreg $0xFFFFFFFF  }
0xc3: {  	_ =	task.clear_ibuf [dreg:s7], $0x2FFFF;
	_ =	strace $0x9FFFFFFF  }
0xc4: {  	(tm) =	ssettm $0x7FFFFFFF  }
0xc5: {  	_ =	shalt  }
tec
execute0_lowered:
.L_overlay_start_1:
0x0: {  	(tag) =	ssettag $0x1  }
0x1: {  	s0 =	rddreg [dreg:$0x0]  }
0x2: {  	s7 =	rddreg [dreg:$0x1]  }
0x3: {  	s1 =	srdreg.scid;
	s2 =	rddreg [dreg:$0x2]  }
0x4: {  	s17 =	stileid.u32;
	s3 =	rddreg [dreg:$0x3]  }
0x5: {  	s15 =	simm.s32 $0x5400;
	s16 =	simm.s32 $0x5;
	s20 =	simm.s32 $0x80  }
0x6: {  	s21 =	simm.s32 $0x1;
	s22 =	simm.s32 $0x7400;
	s10 =	smul.u32 $0xA000, s17  }
0x7: {  	s30 =	simm.s32 $0x4;
	s28 =	simm.s32 $0x400;
	s23 =	smul.u32 $0x1400, s17  }
0x8: {  	s1 =	sand.u32 $0x1, s1;
	s24 =	smul.u32 $0x28000, s17;
	s31 =	sshll.u32 s17, $0x6  }
0x9: {  	s4 =	sshll.u32 s1, $0x4;
	s9 =	smul.u32 $0x14000, s1;
	s1 =	ssub.s32 $0x2, s1  }
0xa: {  	s18 =	sor.u32 $0x1C05, s31;
	s5 =	sor.u32 s17, s4;
	s4 =	simm.s32 $0x0  }
0xb: {  	s6 =	sshrl.u32 s10, $0x3;
	s25 =	sshrl.u32 s1, $0x1;
	s26 =	sshrl.u32 s24, $0x2  }
0xc: {  	s19 =	sadd.s32 s10, s3;
	s29 =	sadd.s32 s10, s2;
	s17 =	simm.s32 $0x2C00  }
0xd: {  	s24 =	simm.s32 $0x2F80;
	s8 =	smul.u32 $0x500, s5;
	[smem:$0x7FF] =	sst s4  }
0xe: {  	s11 =	sadd.s32 s6, s0;
	s5 =	sadd.s32 s23, s9;
	s1 =	ssub.s32 s1, s25  }
0xf: {  	s19 =	sshrl.u32 s19, $0x3;
	s23 =	simm.s32 $0x2;
	s25 =	sshrl.u32 s29, $0x3  }
0x10: {  	_ =	strace $0x8000004A;
	s10 =	smax.u32 s1, $0x1;
	s12 =	sadd.s32 s8, s0  }
0x11: {  	v8 =	vlaneseq.u32;
	s0 =	sadd.s32 s5, s0;
	s5 =	sadd.s32 s26, s2;
	s7 =	sadd.s32 s7, s8  }
0x12: {  	v0 =	vimm.f32 $0.0e+00;
	v1 =	vor.u32 $0x2780, v8;
	v2 =	vor.u32 $0x2790, v8;
	s8 =	sadd.s32 $0x5C200, s11;
	s26 =	simm.s32 $0x3;
	s6 =	sadd.s32 $0x2200, s12  }
0x13: {  	v3 =	vor.u32 $0x27A0, v8;
	v4 =	vor.u32 $0x27B0, v8;
	v5 =	vor.u32 $0x27C0, v8;
	s9 =	sadd.s32 $0x70200, s0;
	s11 =	sadd.s32 $0x2000, s5;
	s12 =	sadd.s32 $0x4000, s5  }
0x14: {  	v6 =	vor.u32 $0x27D0, v8;
	v7 =	vor.u32 $0x27E0, v8;
	v8 =	vor.u32 $0x27F0, v8;
	s13 =	sadd.s32 $0x6000, s5;
	s14 =	sadd.s32 $0x8000, s5;
	s0 =	simm.s32 $0x380  }
.LBB2_1:
0x15: {  	s31 =	simm.s32 $0x100;
	s29 =	simm.s32 $0x0  }
.LBB2_2:
0x16: {  	p0 =	sne.s32 s31, $0x7F00;
	[tilespmem:s29+$0x5430] =	vst v0;
	s1 =	smov.u32 s31;
	s31 =	sadd.s32 $0x100, s31  }
.Ltmp0:
0x17: {  	[tilespmem:s29+$0x5420] =	vst v0;
	(pc) =	sbr.rel @p0 .LBB2_2-.Ltmp0, $3  }
0x18: {  	[tilespmem:s29+$0x5400] =	vst v0  }
0x19: {  	[tilespmem:s29+$0x5410] =	vst v0;
	_ =	sdelay $0x1  }
0x1a: {  	s29 =	sshra.s32 s1, $0x2  }
0x1b: {  	[tilespmem:s29+$0x5430] =	vst v0  }
0x1c: {  	[tilespmem:s29+$0x5420] =	vst v0  }
0x1d: {  	[tilespmem:s29+$0x5400] =	vst v0  }
0x1e: {  	[tilespmem:s29+$0x5410] =	vst v0  }
0x1f: {  	[spmem:s5] =	stream.linear.scatter [tilespmem:s15], [sflag:$0x5], $0x2000, $0x38;
	[tilespmem:$0x1D400] =	vst v63  }
0x20: {  	_ =	swait.ge [sflag:s16], $0x2000  }
0x21: {  	[sflag:s16] =	ssyncset.done $0x0  }
0x22: {  	[sflag:s16] =	ssyncadd.s32 $0xFFFFE000  }
0x23: {  	[spmem:s11] =	stream.linear.scatter [tilespmem:s15], [sflag:$0x5], $0x2000, $0x38;
	[tilespmem:$0x1D400] =	vst v63  }
0x24: {  	_ =	swait.ge [sflag:s16], $0x2000  }
0x25: {  	[sflag:s16] =	ssyncset.done $0x0  }
0x26: {  	[sflag:s16] =	ssyncadd.s32 $0xFFFFE000  }
0x27: {  	[spmem:s12] =	stream.linear.scatter [tilespmem:s15], [sflag:$0x5], $0x2000, $0x38;
	[tilespmem:$0x1D400] =	vst v63  }
0x28: {  	_ =	swait.ge [sflag:s16], $0x2000  }
0x29: {  	[sflag:s16] =	ssyncset.done $0x0  }
0x2a: {  	[sflag:s16] =	ssyncadd.s32 $0xFFFFE000  }
0x2b: {  	[spmem:s13] =	stream.linear.scatter [tilespmem:s15], [sflag:$0x5], $0x2000, $0x38;
	[tilespmem:$0x1D400] =	vst v63  }
0x2c: {  	_ =	swait.ge [sflag:s16], $0x2000  }
0x2d: {  	[sflag:s16] =	ssyncset.done $0x0  }
0x2e: {  	[sflag:s16] =	ssyncadd.s32 $0xFFFFE000  }
0x2f: {  	[spmem:s14] =	stream.linear.scatter [tilespmem:s15], [sflag:$0x5], $0x2000, $0x38;
	[tilespmem:$0x1D400] =	vst v63  }
0x30: {  	_ =	swait.ge [sflag:s16], $0x2000  }
0x31: {  	[sflag:s16] =	ssyncset.done $0x0  }
0x32: {  	s29 =	simm.s32 $0x0;
	[sflag:s16] =	ssyncadd.s32 $0xFFFFE000  }
0x33: {  	[tilespmem:s29], [sflag:$0x5] =	stream.linear.gather [hbm4b:s6+s29], $0x2800, $0x38;
	[tilespmem:$0x1D400] =	vst v63  }
0x34: {  	_ =	swait.ge [sflag:s16], $0x2800  }
0x35: {  	[sflag:s16] =	ssyncset.done $0x0  }
0x36: {  	[sflag:s16] =	ssyncadd.s32 $0xFFFFD800  }
0x37: {  	[tilespmem:s17], [sflag:$0x5] =	stream.linear.gather [hbm4b:s7+s29], $0x2800, $0x38;
	[tilespmem:$0x1D400] =	vst v63  }
0x38: {  	_ =	swait.ge [sflag:s16], $0x2800  }
0x39: {  	[sflag:s16] =	ssyncset.done $0x0  }
0x3a: {  	[sflag:s16] =	ssyncadd.s32 $0xFFFFD800  }
0x3b: {  	[tilespmem:$0x2800] =	vst v1  }
0x3c: {  	[tilespmem:$0x2810] =	vst v2  }
0x3d: {  	[tilespmem:$0x2820] =	vst v3  }
0x3e: {  	[tilespmem:$0x2830] =	vst v4  }
0x3f: {  	[tilespmem:$0x2840] =	vst v5  }
0x40: {  	[tilespmem:$0x2850] =	vst v6  }
0x41: {  	[tilespmem:$0x2860] =	vst v7  }
0x42: {  	[tilespmem:$0x2870] =	vst v8  }
0x43: {  	[tilespmem:$0x2880] =	vst v1  }
0x44: {  	[tilespmem:$0x2890] =	vst v2  }
0x45: {  	[tilespmem:$0x28A0] =	vst v3  }
0x46: {  	[tilespmem:$0x28B0] =	vst v4  }
0x47: {  	[tilespmem:$0x28C0] =	vst v5  }
0x48: {  	[tilespmem:$0x28D0] =	vst v6  }
0x49: {  	[tilespmem:$0x28E0] =	vst v7  }
0x4a: {  	[tilespmem:$0x28F0] =	vst v8  }
0x4b: {  	[tilespmem:$0x2900] =	vst v1  }
0x4c: {  	[tilespmem:$0x2910] =	vst v2  }
0x4d: {  	[tilespmem:$0x2920] =	vst v3  }
0x4e: {  	[tilespmem:$0x2930] =	vst v4  }
0x4f: {  	[tilespmem:$0x2940] =	vst v5  }
0x50: {  	[tilespmem:$0x2950] =	vst v6  }
0x51: {  	[tilespmem:$0x2960] =	vst v7  }
0x52: {  	[tilespmem:$0x2970] =	vst v8  }
0x53: {  	[tilespmem:$0x2980] =	vst v1  }
0x54: {  	[tilespmem:$0x2990] =	vst v2  }
0x55: {  	[tilespmem:$0x29A0] =	vst v3  }
0x56: {  	[tilespmem:$0x29B0] =	vst v4  }
0x57: {  	[tilespmem:$0x29C0] =	vst v5  }
0x58: {  	[tilespmem:$0x29D0] =	vst v6  }
0x59: {  	[tilespmem:$0x29E0] =	vst v7  }
0x5a: {  	[tilespmem:$0x29F0] =	vst v8  }
0x5b: {  	[tilespmem:$0x2A00] =	vst v1  }
0x5c: {  	[tilespmem:$0x2A10] =	vst v2  }
0x5d: {  	[tilespmem:$0x2A20] =	vst v3  }
0x5e: {  	[tilespmem:$0x2A30] =	vst v4  }
0x5f: {  	[tilespmem:$0x2A40] =	vst v5  }
0x60: {  	[tilespmem:$0x2A50] =	vst v6  }
0x61: {  	[tilespmem:$0x2A60] =	vst v7  }
0x62: {  	[tilespmem:$0x2A70] =	vst v8  }
0x63: {  	[tilespmem:$0x2A80] =	vst v1  }
0x64: {  	[tilespmem:$0x2A90] =	vst v2  }
0x65: {  	[tilespmem:$0x2AA0] =	vst v3  }
0x66: {  	[tilespmem:$0x2AB0] =	vst v4  }
0x67: {  	[tilespmem:$0x2AC0] =	vst v5  }
0x68: {  	[tilespmem:$0x2AD0] =	vst v6  }
0x69: {  	[tilespmem:$0x2AE0] =	vst v7  }
0x6a: {  	[tilespmem:$0x2AF0] =	vst v8  }
0x6b: {  	[tilespmem:$0x2B00] =	vst v1  }
0x6c: {  	[tilespmem:$0x2B10] =	vst v2  }
0x6d: {  	[tilespmem:$0x2B20] =	vst v3  }
0x6e: {  	[tilespmem:$0x2B30] =	vst v4  }
0x6f: {  	[tilespmem:$0x2B40] =	vst v5  }
0x70: {  	[tilespmem:$0x2B50] =	vst v6  }
0x71: {  	[tilespmem:$0x2B60] =	vst v7  }
0x72: {  	[tilespmem:$0x2B70] =	vst v8  }
0x73: {  	[tilespmem:$0x2B80] =	vst v1  }
0x74: {  	[tilespmem:$0x2B90] =	vst v2  }
0x75: {  	[tilespmem:$0x2BA0] =	vst v3  }
0x76: {  	[tilespmem:$0x2BB0] =	vst v4  }
0x77: {  	[tilespmem:$0x2BC0] =	vst v5  }
0x78: {  	[tilespmem:$0x2BD0] =	vst v6  }
0x79: {  	[tilespmem:$0x2BE0] =	vst v7  }
0x7a: {  	[tilespmem:$0x2BF0] =	vst v8  }
0x7b: {  	[spmem:s19], [sflag:s18] =	dma.local [hbm:s8], $0x1400  }
0x7c: {  	_ =	swait.ge [sflag:s16], $0x1400  }
0x7d: {  	[sflag:s16] =	ssyncset.done $0x0  }
0x7e: {  	[sflag:s16] =	ssyncadd.s32 $0xFFFFEC00  }
0x7f: {  	[bflag:$0x0] =	sbarrier.arrive $0xFFFF  }
0x80: {  	[tilespmem:s15], [sflag:$0x1] =	stream.indirect.gather [spmem:s3], $0x40, s29, s20, $0xb8;
	[tilespmem:$0x1D400] =	vst v63  }
0x81: {  	_ =	swait.ge [sflag:s21], $0x2000  }
0x82: {  	[sflag:s21] =	ssyncset.done $0x0  }
0x83: {  	[sflag:s21] =	ssyncadd.s32 $0xFFFFE000  }
0x84: {  	[spmem:s2] =	stream.indirect.scatter.add.f32 [tilespmem:s15], [sflag:$0x3], $0x40, s17, s20, $0xb8;
	[tilespmem:$0x1D400] =	vst v63  }
0x85: {  	_ = 	snop  }
0x86: {  	[tilespmem:s22], [sflag:$0x2] =	stream.indirect.gather [spmem:s3], $0x40, s20, s20, $0xb8;
	[tilespmem:$0x1D400] =	vst v63  }
0x87: {  	_ =	swait.ge [sflag:s23], $0x2000  }
0x88: {  	[sflag:s23] =	ssyncset.done $0x0  }
0x89: {  	s1 =	simm.s32 $0x2C80;
	[sflag:s23] =	ssyncadd.s32 $0xFFFFE000  }
0x8a: {  	[spmem:s2] =	stream.indirect.scatter.add.f32 [tilespmem:s22], [sflag:$0x4], $0x40, s1, s20, $0xb8;
	[tilespmem:$0x1D400] =	vst v63  }
0x8b: {  	_ =	swait.ge [sflag:s26], $0x2000  }
0x8c: {  	[sflag:s26] =	ssyncset.done $0x0  }
0x8d: {  	s1 =	simm.s32 $0x100;
	[sflag:s26] =	ssyncadd.s32 $0xFFFFE000  }
0x8e: {  	[tilespmem:s15], [sflag:$0x1] =	stream.indirect.gather [spmem:s3], $0x40, s1, s20, $0xb8;
	[tilespmem:$0x1D400] =	vst v63  }
0x8f: {  	_ =	swait.ge [sflag:s21], $0x2000  }
0x90: {  	[sflag:s21] =	ssyncset.done $0x0  }
0x91: {  	s1 =	simm.s32 $0x2D00;
	[sflag:s21] =	ssyncadd.s32 $0xFFFFE000  }
0x92: {  	[spmem:s2] =	stream.indirect.scatter.add.f32 [tilespmem:s15], [sflag:$0x3], $0x40, s1, s20, $0xb8;
	[tilespmem:$0x1D400] =	vst v63  }
0x93: {  	_ =	swait.ge [sflag:s30], $0x2000  }
0x94: {  	[sflag:s30] =	ssyncset.done $0x0  }
0x95: {  	s1 =	simm.s32 $0x180;
	[sflag:s30] =	ssyncadd.s32 $0xFFFFE000  }
0x96: {  	[tilespmem:s22], [sflag:$0x2] =	stream.indirect.gather [spmem:s3], $0x40, s1, s20, $0xb8;
	[tilespmem:$0x1D400] =	vst v63  }
0x97: {  	_ =	swait.ge [sflag:s23], $0x2000  }
0x98: {  	[sflag:s23] =	ssyncset.done $0x0  }
0x99: {  	s1 =	simm.s32 $0x2D80;
	[sflag:s23] =	ssyncadd.s32 $0xFFFFE000  }
0x9a: {  	[spmem:s2] =	stream.indirect.scatter.add.f32 [tilespmem:s22], [sflag:$0x4], $0x40, s1, s20, $0xb8;
	[tilespmem:$0x1D400] =	vst v63  }
0x9b: {  	_ =	swait.ge [sflag:s26], $0x2000  }
0x9c: {  	[sflag:s26] =	ssyncset.done $0x0  }
0x9d: {  	s1 =	simm.s32 $0x200;
	[sflag:s26] =	ssyncadd.s32 $0xFFFFE000  }
0x9e: {  	[tilespmem:s15], [sflag:$0x1] =	stream.indirect.gather [spmem:s3], $0x40, s1, s20, $0xb8;
	[tilespmem:$0x1D400] =	vst v63  }
0x9f: {  	_ =	swait.ge [sflag:s21], $0x2000  }
0xa0: {  	[sflag:s21] =	ssyncset.done $0x0  }
0xa1: {  	s1 =	simm.s32 $0x2E00;
	[sflag:s21] =	ssyncadd.s32 $0xFFFFE000  }
0xa2: {  	[spmem:s2] =	stream.indirect.scatter.add.f32 [tilespmem:s15], [sflag:$0x3], $0x40, s1, s20, $0xb8;
	[tilespmem:$0x1D400] =	vst v63  }
0xa3: {  	_ =	swait.ge [sflag:s30], $0x2000  }
0xa4: {  	[sflag:s30] =	ssyncset.done $0x0  }
0xa5: {  	s1 =	simm.s32 $0x280;
	[sflag:s30] =	ssyncadd.s32 $0xFFFFE000  }
0xa6: {  	[tilespmem:s22], [sflag:$0x2] =	stream.indirect.gather [spmem:s3], $0x40, s1, s20, $0xb8;
	[tilespmem:$0x1D400] =	vst v63  }
0xa7: {  	_ =	swait.ge [sflag:s23], $0x2000  }
0xa8: {  	[sflag:s23] =	ssyncset.done $0x0  }
0xa9: {  	s1 =	simm.s32 $0x2E80;
	[sflag:s23] =	ssyncadd.s32 $0xFFFFE000  }
0xaa: {  	[spmem:s2] =	stream.indirect.scatter.add.f32 [tilespmem:s22], [sflag:$0x4], $0x40, s1, s20, $0xb8;
	[tilespmem:$0x1D400] =	vst v63  }
0xab: {  	_ =	swait.ge [sflag:s26], $0x2000  }
0xac: {  	[sflag:s26] =	ssyncset.done $0x0  }
0xad: {  	s1 =	simm.s32 $0x300;
	[sflag:s26] =	ssyncadd.s32 $0xFFFFE000  }
0xae: {  	[tilespmem:s15], [sflag:$0x1] =	stream.indirect.gather [spmem:s3], $0x40, s1, s20, $0xb8;
	[tilespmem:$0x1D400] =	vst v63  }
0xaf: {  	_ =	swait.ge [sflag:s21], $0x2000  }
0xb0: {  	[sflag:s21] =	ssyncset.done $0x0  }
0xb1: {  	s1 =	simm.s32 $0x2F00;
	[sflag:s21] =	ssyncadd.s32 $0xFFFFE000  }
0xb2: {  	[spmem:s2] =	stream.indirect.scatter.add.f32 [tilespmem:s15], [sflag:$0x3], $0x40, s1, s20, $0xb8;
	[tilespmem:$0x1D400] =	vst v63  }
0xb3: {  	_ =	swait.ge [sflag:s30], $0x2000  }
0xb4: {  	[sflag:s30] =	ssyncset.done $0x0  }
0xb5: {  	[sflag:s30] =	ssyncadd.s32 $0xFFFFE000  }
0xb6: {  	[tilespmem:s22], [sflag:$0x2] =	stream.indirect.gather [spmem:s3], $0x40, s0, s20, $0xb8;
	[tilespmem:$0x1D400] =	vst v63  }
0xb7: {  	_ =	swait.ge [sflag:s23], $0x2000  }
0xb8: {  	[sflag:s23] =	ssyncset.done $0x0  }
0xb9: {  	[sflag:s23] =	ssyncadd.s32 $0xFFFFE000  }
0xba: {  	[spmem:s2] =	stream.indirect.scatter.add.f32 [tilespmem:s22], [sflag:$0x4], $0x40, s24, s20, $0xb8;
	[tilespmem:$0x1D400] =	vst v63  }
0xbb: {  	_ =	swait.ge [sflag:s26], $0x2000  }
0xbc: {  	[sflag:s26] =	ssyncset.done $0x0  }
0xbd: {  	[sflag:s26] =	ssyncadd.s32 $0xFFFFE000  }
0xbe: {  	[tilespmem:s15], [sflag:$0x1] =	stream.indirect.gather [spmem:s3], $0x40, s28, s20, $0xb8;
	[tilespmem:$0x1D400] =	vst v63  }
0xbf: {  	_ =	swait.ge [sflag:s21], $0x2000  }
0xc0: {  	[sflag:s21] =	ssyncset.done $0x0  }
0xc1: {  	s1 =	simm.s32 $0x3000;
	[sflag:s21] =	ssyncadd.s32 $0xFFFFE000  }
0xc2: {  	[spmem:s2] =	stream.indirect.scatter.add.f32 [tilespmem:s15], [sflag:$0x3], $0x40, s1, s20, $0xb8;
	[tilespmem:$0x1D400] =	vst v63  }
0xc3: {  	_ =	swait.ge [sflag:s30], $0x2000  }
0xc4: {  	[sflag:s30] =	ssyncset.done $0x0  }
0xc5: {  	s1 =	simm.s32 $0x480;
	[sflag:s30] =	ssyncadd.s32 $0xFFFFE000  }
0xc6: {  	[tilespmem:s22], [sflag:$0x2] =	stream.indirect.gather [spmem:s3], $0x40, s1, s20, $0xb8;
	[tilespmem:$0x1D400] =	vst v63  }
0xc7: {  	_ =	swait.ge [sflag:s23], $0x2000  }
0xc8: {  	[sflag:s23] =	ssyncset.done $0x0  }
0xc9: {  	s1 =	simm.s32 $0x3080;
	[sflag:s23] =	ssyncadd.s32 $0xFFFFE000  }
0xca: {  	[spmem:s2] =	stream.indirect.scatter.add.f32 [tilespmem:s22], [sflag:$0x4], $0x40, s1, s20, $0xb8;
	[tilespmem:$0x1D400] =	vst v63  }
0xcb: {  	_ =	swait.ge [sflag:s26], $0x2000  }
0xcc: {  	[sflag:s26] =	ssyncset.done $0x0  }
0xcd: {  	s1 =	simm.s32 $0x500;
	[sflag:s26] =	ssyncadd.s32 $0xFFFFE000  }
0xce: {  	[tilespmem:s15], [sflag:$0x1] =	stream.indirect.gather [spmem:s3], $0x40, s1, s20, $0xb8;
	[tilespmem:$0x1D400] =	vst v63  }
0xcf: {  	_ =	swait.ge [sflag:s21], $0x2000  }
0xd0: {  	[sflag:s21] =	ssyncset.done $0x0  }
0xd1: {  	s1 =	simm.s32 $0x3100;
	[sflag:s21] =	ssyncadd.s32 $0xFFFFE000  }
0xd2: {  	[spmem:s2] =	stream.indirect.scatter.add.f32 [tilespmem:s15], [sflag:$0x3], $0x40, s1, s20, $0xb8;
	[tilespmem:$0x1D400] =	vst v63  }
0xd3: {  	_ =	swait.ge [sflag:s30], $0x2000  }
0xd4: {  	[sflag:s30] =	ssyncset.done $0x0  }
0xd5: {  	s1 =	simm.s32 $0x580;
	[sflag:s30] =	ssyncadd.s32 $0xFFFFE000  }
0xd6: {  	[tilespmem:s22], [sflag:$0x2] =	stream.indirect.gather [spmem:s3], $0x40, s1, s20, $0xb8;
	[tilespmem:$0x1D400] =	vst v63  }
0xd7: {  	_ =	swait.ge [sflag:s23], $0x2000  }
0xd8: {  	[sflag:s23] =	ssyncset.done $0x0  }
0xd9: {  	s1 =	simm.s32 $0x3180;
	[sflag:s23] =	ssyncadd.s32 $0xFFFFE000  }
0xda: {  	[spmem:s2] =	stream.indirect.scatter.add.f32 [tilespmem:s22], [sflag:$0x4], $0x40, s1, s20, $0xb8;
	[tilespmem:$0x1D400] =	vst v63  }
0xdb: {  	_ =	swait.ge [sflag:s26], $0x2000  }
0xdc: {  	[sflag:s26] =	ssyncset.done $0x0  }
0xdd: {  	s1 =	simm.s32 $0x600;
	[sflag:s26] =	ssyncadd.s32 $0xFFFFE000  }
0xde: {  	[tilespmem:s15], [sflag:$0x1] =	stream.indirect.gather [spmem:s3], $0x40, s1, s20, $0xb8;
	[tilespmem:$0x1D400] =	vst v63  }
0xdf: {  	_ =	swait.ge [sflag:s21], $0x2000  }
0xe0: {  	[sflag:s21] =	ssyncset.done $0x0  }
0xe1: {  	s1 =	simm.s32 $0x3200;
	[sflag:s21] =	ssyncadd.s32 $0xFFFFE000  }
0xe2: {  	[spmem:s2] =	stream.indirect.scatter.add.f32 [tilespmem:s15], [sflag:$0x3], $0x40, s1, s20, $0xb8;
	[tilespmem:$0x1D400] =	vst v63  }
0xe3: {  	_ =	swait.ge [sflag:s30], $0x2000  }
0xe4: {  	[sflag:s30] =	ssyncset.done $0x0  }
0xe5: {  	s1 =	simm.s32 $0x680;
	[sflag:s30] =	ssyncadd.s32 $0xFFFFE000  }
0xe6: {  	[tilespmem:s22], [sflag:$0x2] =	stream.indirect.gather [spmem:s3], $0x40, s1, s20, $0xb8;
	[tilespmem:$0x1D400] =	vst v63  }
0xe7: {  	_ =	swait.ge [sflag:s23], $0x2000  }
0xe8: {  	[sflag:s23] =	ssyncset.done $0x0  }
0xe9: {  	s1 =	simm.s32 $0x3280;
	[sflag:s23] =	ssyncadd.s32 $0xFFFFE000  }
0xea: {  	[spmem:s2] =	stream.indirect.scatter.add.f32 [tilespmem:s22], [sflag:$0x4], $0x40, s1, s20, $0xb8;
	[tilespmem:$0x1D400] =	vst v63  }
0xeb: {  	_ =	swait.ge [sflag:s26], $0x2000  }
0xec: {  	[sflag:s26] =	ssyncset.done $0x0  }
0xed: {  	s1 =	simm.s32 $0x700;
	[sflag:s26] =	ssyncadd.s32 $0xFFFFE000  }
0xee: {  	[tilespmem:s15], [sflag:$0x1] =	stream.indirect.gather [spmem:s3], $0x40, s1, s20, $0xb8;
	[tilespmem:$0x1D400] =	vst v63  }
0xef: {  	_ =	swait.ge [sflag:s21], $0x2000  }
0xf0: {  	[sflag:s21] =	ssyncset.done $0x0  }
0xf1: {  	s1 =	simm.s32 $0x3300;
	[sflag:s21] =	ssyncadd.s32 $0xFFFFE000  }
0xf2: {  	[spmem:s2] =	stream.indirect.scatter.add.f32 [tilespmem:s15], [sflag:$0x3], $0x40, s1, s20, $0xb8;
	[tilespmem:$0x1D400] =	vst v63  }
0xf3: {  	_ =	swait.ge [sflag:s30], $0x2000  }
0xf4: {  	[sflag:s30] =	ssyncset.done $0x0  }
0xf5: {  	s1 =	simm.s32 $0x780;
	[sflag:s30] =	ssyncadd.s32 $0xFFFFE000  }
0xf6: {  	[tilespmem:s22], [sflag:$0x2] =	stream.indirect.gather [spmem:s3], $0x40, s1, s20, $0xb8;
	[tilespmem:$0x1D400] =	vst v63  }
0xf7: {  	_ =	swait.ge [sflag:s23], $0x2000  }
0xf8: {  	[sflag:s23] =	ssyncset.done $0x0  }
0xf9: {  	s1 =	simm.s32 $0x3380;
	[sflag:s23] =	ssyncadd.s32 $0xFFFFE000  }
0xfa: {  	[spmem:s2] =	stream.indirect.scatter.add.f32 [tilespmem:s22], [sflag:$0x4], $0x40, s1, s20, $0xb8;
	[tilespmem:$0x1D400] =	vst v63  }
0xfb: {  	_ =	swait.ge [sflag:s26], $0x2000  }
0xfc: {  	[sflag:s26] =	ssyncset.done $0x0  }
0xfd: {  	s31 =	simm.s32 $0x800;
	s29 =	simm.s32 $0x1000;
	[sflag:s26] =	ssyncadd.s32 $0xFFFFE000  }
.LBB2_4:
0xfe: {  	[tilespmem:s15], [sflag:$0x1] =	stream.indirect.gather [spmem:s3], $0x40, s31, s20, $0xb8;
	[tilespmem:$0x1D400] =	vst v63  }
0xff: {  	s1 =	smov.u32 s29  }
0x100: {  	p0 =	sne.s32 s29, $0x8000;
	s29 =	sadd.s32 $0x1000, s29;
	_ =	swait.ge [sflag:s21], $0x2000  }
0x101: {  	s31 =	sshra.s32 s1, $0x2;
	[sflag:s21] =	ssyncset.done $0x0  }
0x102: {  	s1 =	sadd.s32 $0x3000, s31;
	[sflag:s21] =	ssyncadd.s32 $0xFFFFE000  }
0x103: {  	[spmem:s2] =	stream.indirect.scatter.add.f32 [tilespmem:s15], [sflag:$0x3], $0x40, s1, s20, $0xb8;
	[tilespmem:$0x1D400] =	vst v63  }
0x104: {  	_ =	swait.ge [sflag:s30], $0x2000  }
0x105: {  	[sflag:s30] =	ssyncset.done $0x0  }
0x106: {  	s1 =	sadd.s32 $0x480, s31;
	[sflag:s30] =	ssyncadd.s32 $0xFFFFE000  }
0x107: {  	[tilespmem:s22], [sflag:$0x2] =	stream.indirect.gather [spmem:s3], $0x40, s1, s20, $0xb8;
	[tilespmem:$0x1D400] =	vst v63  }
0x108: {  	_ =	swait.ge [sflag:s23], $0x2000  }
0x109: {  	[sflag:s23] =	ssyncset.done $0x0  }
0x10a: {  	s1 =	sadd.s32 $0x3080, s31;
	[sflag:s23] =	ssyncadd.s32 $0xFFFFE000  }
0x10b: {  	[spmem:s2] =	stream.indirect.scatter.add.f32 [tilespmem:s22], [sflag:$0x4], $0x40, s1, s20, $0xb8;
	[tilespmem:$0x1D400] =	vst v63  }
0x10c: {  	_ =	swait.ge [sflag:s26], $0x2000  }
0x10d: {  	[sflag:s26] =	ssyncset.done $0x0  }
0x10e: {  	s1 =	sadd.s32 $0x500, s31;
	[sflag:s26] =	ssyncadd.s32 $0xFFFFE000  }
0x10f: {  	[tilespmem:s15], [sflag:$0x1] =	stream.indirect.gather [spmem:s3], $0x40, s1, s20, $0xb8;
	[tilespmem:$0x1D400] =	vst v63  }
0x110: {  	_ =	swait.ge [sflag:s21], $0x2000  }
0x111: {  	[sflag:s21] =	ssyncset.done $0x0  }
0x112: {  	s1 =	sadd.s32 $0x3100, s31;
	[sflag:s21] =	ssyncadd.s32 $0xFFFFE000  }
0x113: {  	[spmem:s2] =	stream.indirect.scatter.add.f32 [tilespmem:s15], [sflag:$0x3], $0x40, s1, s20, $0xb8;
	[tilespmem:$0x1D400] =	vst v63  }
0x114: {  	_ =	swait.ge [sflag:s30], $0x2000  }
0x115: {  	[sflag:s30] =	ssyncset.done $0x0  }
0x116: {  	s1 =	sadd.s32 $0x580, s31;
	[sflag:s30] =	ssyncadd.s32 $0xFFFFE000  }
0x117: {  	[tilespmem:s22], [sflag:$0x2] =	stream.indirect.gather [spmem:s3], $0x40, s1, s20, $0xb8;
	[tilespmem:$0x1D400] =	vst v63  }
0x118: {  	_ =	swait.ge [sflag:s23], $0x2000  }
0x119: {  	[sflag:s23] =	ssyncset.done $0x0  }
0x11a: {  	s1 =	sadd.s32 $0x3180, s31;
	[sflag:s23] =	ssyncadd.s32 $0xFFFFE000  }
0x11b: {  	[spmem:s2] =	stream.indirect.scatter.add.f32 [tilespmem:s22], [sflag:$0x4], $0x40, s1, s20, $0xb8;
	[tilespmem:$0x1D400] =	vst v63  }
0x11c: {  	_ =	swait.ge [sflag:s26], $0x2000  }
0x11d: {  	[sflag:s26] =	ssyncset.done $0x0  }
0x11e: {  	s1 =	sadd.s32 $0x600, s31;
	[sflag:s26] =	ssyncadd.s32 $0xFFFFE000  }
0x11f: {  	[tilespmem:s15], [sflag:$0x1] =	stream.indirect.gather [spmem:s3], $0x40, s1, s20, $0xb8;
	[tilespmem:$0x1D400] =	vst v63  }
0x120: {  	_ =	swait.ge [sflag:s21], $0x2000  }
0x121: {  	[sflag:s21] =	ssyncset.done $0x0  }
0x122: {  	s1 =	sadd.s32 $0x3200, s31;
	[sflag:s21] =	ssyncadd.s32 $0xFFFFE000  }
0x123: {  	[spmem:s2] =	stream.indirect.scatter.add.f32 [tilespmem:s15], [sflag:$0x3], $0x40, s1, s20, $0xb8;
	[tilespmem:$0x1D400] =	vst v63  }
0x124: {  	_ =	swait.ge [sflag:s30], $0x2000  }
0x125: {  	[sflag:s30] =	ssyncset.done $0x0  }
0x126: {  	s1 =	sadd.s32 $0x680, s31;
	[sflag:s30] =	ssyncadd.s32 $0xFFFFE000  }
0x127: {  	[tilespmem:s22], [sflag:$0x2] =	stream.indirect.gather [spmem:s3], $0x40, s1, s20, $0xb8;
	[tilespmem:$0x1D400] =	vst v63  }
0x128: {  	_ =	swait.ge [sflag:s23], $0x2000  }
0x129: {  	[sflag:s23] =	ssyncset.done $0x0  }
0x12a: {  	s1 =	sadd.s32 $0x3280, s31;
	[sflag:s23] =	ssyncadd.s32 $0xFFFFE000  }
0x12b: {  	[spmem:s2] =	stream.indirect.scatter.add.f32 [tilespmem:s22], [sflag:$0x4], $0x40, s1, s20, $0xb8;
	[tilespmem:$0x1D400] =	vst v63  }
0x12c: {  	_ =	swait.ge [sflag:s26], $0x2000  }
0x12d: {  	[sflag:s26] =	ssyncset.done $0x0  }
0x12e: {  	s1 =	sadd.s32 $0x700, s31;
	[sflag:s26] =	ssyncadd.s32 $0xFFFFE000  }
0x12f: {  	[tilespmem:s15], [sflag:$0x1] =	stream.indirect.gather [spmem:s3], $0x40, s1, s20, $0xb8;
	[tilespmem:$0x1D400] =	vst v63  }
0x130: {  	_ =	swait.ge [sflag:s21], $0x2000  }
0x131: {  	[sflag:s21] =	ssyncset.done $0x0  }
0x132: {  	s1 =	sadd.s32 $0x3300, s31;
	[sflag:s21] =	ssyncadd.s32 $0xFFFFE000  }
0x133: {  	[spmem:s2] =	stream.indirect.scatter.add.f32 [tilespmem:s15], [sflag:$0x3], $0x40, s1, s20, $0xb8;
	[tilespmem:$0x1D400] =	vst v63  }
0x134: {  	_ =	swait.ge [sflag:s30], $0x2000  }
0x135: {  	[sflag:s30] =	ssyncset.done $0x0  }
0x136: {  	s1 =	sadd.s32 $0x780, s31;
	[sflag:s30] =	ssyncadd.s32 $0xFFFFE000  }
0x137: {  	[tilespmem:s22], [sflag:$0x2] =	stream.indirect.gather [spmem:s3], $0x40, s1, s20, $0xb8;
	[tilespmem:$0x1D400] =	vst v63  }
0x138: {  	_ =	swait.ge [sflag:s23], $0x2000  }
0x139: {  	[sflag:s23] =	ssyncset.done $0x0  }
.Ltmp1:
0x13a: {  	s1 =	sadd.s32 $0x3380, s31;
	[sflag:s23] =	ssyncadd.s32 $0xFFFFE000;
	(pc) =	sbr.rel @p0 .LBB2_4-.Ltmp1, $4  }
0x13b: {  	[spmem:s2] =	stream.indirect.scatter.add.f32 [tilespmem:s22], [sflag:$0x4], $0x40, s1, s20, $0xb8;
	[tilespmem:$0x1D400] =	vst v63  }
0x13c: {  	_ =	swait.ge [sflag:s26], $0x2000  }
0x13d: {  	[sflag:s26] =	ssyncset.done $0x0  }
0x13e: {  	s31 =	sadd.s32 $0x800, s31;
	[sflag:s26] =	ssyncadd.s32 $0xFFFFE000  }
0x13f: {  	[tilespmem:s15], [sflag:$0x1] =	stream.indirect.gather [spmem:s3], $0x40, s31, s20, $0xb8;
	[tilespmem:$0x1D400] =	vst v63  }
0x140: {  	_ =	swait.ge [sflag:s21], $0x2000  }
0x141: {  	[sflag:s21] =	ssyncset.done $0x0  }
0x142: {  	[sflag:s21] =	ssyncadd.s32 $0xFFFFE000  }
0x143: {  	_ =	swait.ge [sflag:s30], $0x2000  }
0x144: {  	s4 =	sadd.s32 $0x1, s4;
	[sflag:s30] =	ssyncset.done $0x0  }
0x145: {  	p0 =	sne.s32 s4, s10;
	[sflag:s30] =	ssyncadd.s32 $0xFFFFE000  }
.Ltmp2:
0x146: {  	[bflag:$0x0] =	sbarrier.arrive $0xFFFF;
	(pc) =	sbr.rel @p0 .LBB2_1-.Ltmp2, $4  }
0x147: {  	[hbm:s9], [sflag:s18] =	dma.local [spmem:s25], $0x1400  }
0x148: {  	_ =	swait.ge [sflag:s16], $0x1400  }
0x149: {  	[sflag:s16] =	ssyncset.done $0x0  }
0x14a: {  	[sflag:s16] =	ssyncadd.s32 $0xFFFFEC00  }
0x14b: {  	_ =	sfence.sel $0x180000  }
0x14c: {  	[bflag:$0x0] =	sbarrier.arrive $0xFFFF  }
0x14d: {  	_ =	strace $0x9000004A  }
0x14e: {  	s0 =	stileid.u32;
	[bflag:$0x2] =	sbarrier.arrive $0xFFFF  }
0x14f: {  	p0 =	sne.s32 s0, $0x0;
	s0 =	rddreg [dreg:$0x4]  }
0x150: {  	s0 =	sadd.s32 @!p0 $0x100000, s0  }
0x151: {  	[sflag:s0] =	ssyncadd.tile.s32 @!p0 $0x1;
	_ =	shalt  }
.Lfunc_end2:
_tile_overlayer_lowered:
.L_overlay_start_2:
0x152: {  	(tag) =	ssettag $0x2  }
0x153: {  	s0 =	rddreg [dreg:$0x0];
	s2 =	stileid.u32  }
0x154: {  	s1 =	rddreg [dreg:$0x1];
	p0 =	sne.s32 s2, $0x0  }
0x155: {  	s3 =	rddreg [dreg:$0x2];
	[bflag:$0x3] =	sbarrier.arrive $0xFFFF;
	s2 =	simm.s32 @!p0 $0x1C05  }
0x156: {  	[timem:s3], [sflag:s2] =	dma.local @!p0 [hbm:s0], s1  }
0x157: {  	s0 =	simm.s32 @!p0 $0x5  }
0x158: {  	_ =	swait.ge @!p0 [sflag:s0], s1  }
0x159: {  	s1 =	ssub.s32 @!p0 $0x0, s1;
	[sflag:s0] =	ssyncset.done @!p0 $0x0  }
0x15a: {  	[sflag:s0] =	ssyncadd.s32 @!p0 s1  }
0x15b: {  	[bflag:$0x3] =	sbarrier.arrive $0xFFFF  }
0x15c: {  	_ =	shalt  }

// kernel: kernel.15.cloned.1.call-start
scs
__scs_entry_jumppad:
0x0: {  	(pc) =	sbr.rel $0x88, $3  }
0x1: {  	(tag) =	ssettag $0x0;
	lr =	simm.s32 $0x1  }
0x2: {  	[smem:$0x3F9B] =	sst lr;
	_ =	strace $0xD0000000  }
0x3: {  	_ = 	snop  }
0x4: {  	_ = 	snop  }
0x5: {  	_ = 	snop  }
0x6: {  	_ = 	snop  }
0x7: {  	_ = 	snop  }
__scs_overlays_trampoline_lowered:
0x8: {  	[smem:$0x3FAA] =	sst s0  }
0x9: {  	[smem:$0x3FAB] =	sst s1  }
0xa: {  	[smem:$0x3FAC] =	sst s2  }
0xb: {  	[smem:$0x3FAD] =	sst s3  }
0xc: {  	[smem:$0x3FAE] =	sst s4  }
0xd: {  	[smem:$0x3FAF] =	sst s5  }
0xe: {  	[smem:$0x3FB0] =	sst s6  }
0xf: {  	[smem:$0x3FB1] =	sst s7  }
0x10: {  	[smem:$0x3FB2] =	sst s8  }
0x11: {  	[smem:$0x3FB3] =	sst s9;
	s0 =	simm.s32 @!p0 $0x0  }
0x12: {  	s1 =	sld [smem:$0x3F99];
	s0 =	simm.s32 @p0 $0x1  }
0x13: {  	[smem:$0x3FB4] =	sst s0;
	s0 =	simm.s32 @!p1 $0x0  }
0x14: {  	s2 =	sld [smem:$0x3F98];
	s0 =	simm.s32 @p1 $0x1  }
0x15: {  	[smem:$0x3FB5] =	sst s0;
	s0 =	simm.s32 @!p2 $0x0  }
0x16: {  	s3 =	sld [smem:$0x3FDB];
	s0 =	simm.s32 @p2 $0x1  }
0x17: {  	s4 =	simm.s32 $0x1BF5;
	[smem:$0x3FB7] =	sst s0  }
0x18: {  	s0 =	sld [smem:$0x3F9A];
	_ =	swait.ge [sflag:s4], $0x0  }
0x19: {  	s7 =	sld [smem:$0x3F9B]  }
0x1a: {  	s8 =	sadd.s32 $0xFFFFE003, lr  }
0x1b: {  	s9 =	sadd.s32 $0xFFFFFEF7, lr;
	s5 =	simm.s32 $0xFFFFFFFF;
	p2 =	slt.u32 s8, $0xFFFFF086  }
0x1c: {  	p1 =	slt.u32 s9, $0xF7A;
	s5 =	simm.s32 @!p2 $0x0  }
0x1d: {  	s5 =	simm.s32 @p1 $0x1;
	p0 =	seq.s32 s7, s2  }
0x1e: {  	s7 =	smul.u32 @!p0 $0xF7A, s2;
	p2 =	seq.s32 @!p0 s5, $0x0  }
0x1f: {  	s9 =	smul.u32 $0xF7A, s1;
	s8 =	simm.s32 @!p0 $0x1BF5;
	p2 =	por !p2, p0  }
0x20: {  	[sflag:s8] =	ssyncset.s32 @!p0 $0xFFFFF086;
	s6 =	sadd.s32 @!p0 s3, s7;
	s7 =	simm.s32 @!p0 $0x108  }
0x21: {  	s3 =	sadd.s32 s3, s9;
	s6 =	sadd.s32 @!p0 $0x88, s6;
	s7 =	simm.s32 @p2 $0x1082  }
0x22: {  	[simem:s7], [sflag:s8] =	dma.local @!p0 [hbm:s6], $0xF7A  }
0x23: {  	s9 =	sor.u32 $0xD0000000, s2;
	s6 =	simm.s32 $0x108;
	_ =	swait.ge @!p0 [sflag:s8], $0x0  }
0x24: {  	s3 =	sadd.s32 $0x88, s3;
	s6 =	simm.s32 @!p1 $0x1082;
	[sflag:s4] =	ssyncset.s32 $0xFFFFF086  }
0x25: {  	[simem:s6], [sflag:s4] =	dma.local [hbm:s3], $0xF7A  }
0x26: {  	[smem:$0x3F9B] =	sst s1;
	(tag) =	ssettag s2;
	_ =	strace s9  }
0x27: {  	s1 =	sld [smem:$0x3FAB]  }
0x28: {  	s2 =	sld [smem:$0x3FAC]  }
0x29: {  	s4 =	sld [smem:$0x3FAE]  }
0x2a: {  	p0 =	seq.s32 s5, $0x0;
	s5 =	sld [smem:$0x3FAF]  }
0x2b: {  	s6 =	sld [smem:$0x3FB0]  }
0x2c: {  	s7 =	sld [smem:$0x3FB1]  }
0x2d: {  	s3 =	simm.s32 $0x108;
	s8 =	sld [smem:$0x3FB2]  }
0x2e: {  	s3 =	simm.s32 @!p0 $0x1082;
	s9 =	sld [smem:$0x3FB3]  }
0x2f: {  	lr =	sadd.s32 s0, s3;
	s0 =	sld [smem:$0x3FAA]  }
0x30: {  	s3 =	sld [smem:$0x3FAD]  }
0x31: {  	[smem:$0x3FB6] =	sst s10  }
0x32: {  	s10 =	sld [smem:$0x3FB4];
	_ =	sdelay $0x3  }
0x33: {  	p0 =	seq.s32 s10, $0x1;
	s10 =	sld [smem:$0x3FB6];
	_ =	sdelay $0x3  }
0x34: {  	[smem:$0x3FB6] =	sst s10  }
0x35: {  	s10 =	sld [smem:$0x3FB5];
	_ =	sdelay $0x3  }
0x36: {  	p1 =	seq.s32 s10, $0x1;
	s10 =	sld [smem:$0x3FB6];
	_ =	sdelay $0x3  }
0x37: {  	[smem:$0x3FB6] =	sst s10  }
0x38: {  	s10 =	sld [smem:$0x3FB7]  }
0x39: {  	_ = 	snop;
	(pc) =	sbr.ind lr, $3  }
0x3a: {  	_ = 	snop  }
0x3b: {  	_ = 	snop  }
0x3c: {  	p2 =	seq.s32 s10, $0x1;
	s10 =	sld [smem:$0x3FB6]  }
0x3d: {  	_ =	shalt  }
0x3e: {  	_ =	shalt  }
0x3f: {  	_ =	shalt  }
0x40: {  	_ =	shalt  }
0x41: {  	_ =	shalt  }
0x42: {  	_ =	shalt  }
0x43: {  	_ =	shalt  }
0x44: {  	_ =	shalt  }
0x45: {  	_ =	shalt  }
0x46: {  	_ =	shalt  }
0x47: {  	_ =	shalt  }
0x48: {  	_ =	shalt  }
0x49: {  	_ =	shalt  }
0x4a: {  	_ =	shalt  }
0x4b: {  	_ =	shalt  }
0x4c: {  	_ =	shalt  }
0x4d: {  	_ =	shalt  }
0x4e: {  	_ =	shalt  }
0x4f: {  	_ =	shalt  }
0x50: {  	_ =	shalt  }
0x51: {  	_ =	shalt  }
0x52: {  	_ =	shalt  }
0x53: {  	_ =	shalt  }
0x54: {  	_ =	shalt  }
0x55: {  	_ =	shalt  }
0x56: {  	_ =	shalt  }
0x57: {  	_ =	shalt  }
0x58: {  	_ =	shalt  }
0x59: {  	_ =	shalt  }
0x5a: {  	_ =	shalt  }
0x5b: {  	_ =	shalt  }
0x5c: {  	_ =	shalt  }
0x5d: {  	_ =	shalt  }
0x5e: {  	_ =	shalt  }
0x5f: {  	_ =	shalt  }
0x60: {  	_ =	shalt  }
0x61: {  	_ =	shalt  }
0x62: {  	_ =	shalt  }
0x63: {  	_ =	shalt  }
0x64: {  	_ =	shalt  }
0x65: {  	_ =	shalt  }
0x66: {  	_ =	shalt  }
0x67: {  	_ =	shalt  }
0x68: {  	_ =	shalt  }
0x69: {  	_ =	shalt  }
0x6a: {  	_ =	shalt  }
0x6b: {  	_ =	shalt  }
0x6c: {  	_ =	shalt  }
0x6d: {  	_ =	shalt  }
0x6e: {  	_ =	shalt  }
0x6f: {  	_ =	shalt  }
0x70: {  	_ =	shalt  }
0x71: {  	_ =	shalt  }
0x72: {  	_ =	shalt  }
0x73: {  	_ =	shalt  }
0x74: {  	_ =	shalt  }
0x75: {  	_ =	shalt  }
0x76: {  	_ =	shalt  }
0x77: {  	_ =	shalt  }
0x78: {  	_ =	shalt  }
0x79: {  	_ =	shalt  }
0x7a: {  	_ =	shalt  }
0x7b: {  	_ =	shalt  }
0x7c: {  	_ =	shalt  }
0x7d: {  	_ =	shalt  }
0x7e: {  	_ =	shalt  }
0x7f: {  	_ =	shalt  }
0x80: {  	_ =	shalt  }
0x81: {  	_ =	shalt  }
0x82: {  	_ =	shalt  }
0x83: {  	_ =	shalt  }
0x84: {  	_ =	shalt  }
0x85: {  	_ =	shalt  }
0x86: {  	_ =	shalt  }
0x87: {  	_ =	shalt  }
.Lfunc_end0:
.L_simem_size_0:
called_computation.2_lowered:
.L_overlay_start_0:
0x88: {  	s2 =	sld [smem:$0x3FD9]  }
0x89: {  	s3 =	sld [smem:$0x3FFE];
	_ =	sdelay $0x1  }
0x8a: {  	s1 =	srdreg.scid  }
0x8b: {  	s0 =	sand.u32 $0x1, s1  }
0x8c: {  	s17 =	sshll.u32 s0, $0xA;
	s2 =	sadd.s32 s3, s2  }
0x8d: {  	s2 =	sadd.s32 s2, s17  }
0x8e: {  	[smem:$0x3FC2] =	sst s2  }
0x8f: {  	_ = 	snop  }
0x90: {  	s2 =	sld [smem:$0x3FD0];
	(tm) =	ssettm $0x1  }
0x91: {  	s18 =	sld [smem:$0x3FFB];
	_ =	sdelay $0x3  }
0x92: {  	_ =	strace s18  }
0x93: {  	s3 =	sld [smem:$0x3FFC];
	_ =	sdelay $0x3  }
0x94: {  	_ =	strace s3  }
0x95: {  	s3 =	sld [smem:$0x3FFD];
	_ =	sdelay $0x3  }
0x96: {  	_ =	strace s3  }
0x97: {  	_ =	strace $0x8FFFFFFF  }
0x98: {  	s19 =	sld [smem:$0x3FDB];
	_ =	sdelay $0x1  }
0x99: {  	s4 =	simm.s32 $_scs_section_size  }
0x9a: {  	s5 =	simm.s32 $_size__tile_overlayer_lowered;
	s6 =	simm.s32 $_tile_overlayer_lowered  }
0x9b: {  	s22 =	simm.s32 $0x1BFF;
	s21 =	sshll.u32 s6, $0x1;
	s3 =	sadd.s32 s4, s19  }
0x9c: {  	s7 =	simm.s32 $0x0;
	s20 =	sshll.u32 s5, $0x1;
	s5 =	sadd.s32 s21, s3  }
0x9d: {  	[timem:s7], [sflag:s22] =	dma.local [hbm:s5], s20  }
0x9e: {  	_ =	swait.ge [sflag:s22], s20  }
0x9f: {  	s4 =	ssub.s32 $0x0, s20;
	[sflag:s22] =	ssyncset.done $0x0  }
0xa0: {  	[sflag:s22] =	ssyncadd.s32 s4;
	_ =	sdelay $0x1  }
0xa1: {  	s23 =	simm.s32 $0x1B8B  }
0xa2: {  	_ =	swait.ge [sflag:s23], $0x1  }
0xa3: {  	[sflag:s23] =	ssyncset.done $0x0  }
0xa4: {  	s25 =	simm.s32 $0x1B8E;
	s24 =	sld [smem:$0x3FFE];
	[sflag:s23] =	ssyncadd.s32 $0xFFFFFFFF  }
0xa5: {  	s26 =	simm.s32 $execute0_lowered;
	[smem:$0x3FD2] =	sst s25  }
0xa6: {  	s5 =	sshll.u32 s26, $0x1;
	_ =	strace $0x8000004C;
	[dreg:$0x1] =	wrdreg $0xFFFFFFFF  }
0xa7: {  	s28 =	simm.s32 $_size_execute0_lowered;
	s3 =	sadd.s32 s3, s5;
	[dreg:$0x0] =	wrdreg $0x0  }
0xa8: {  	s5 =	sshll.u32 s28, $0x1;
	[dreg:$0x2] =	wrdreg s3  }
0xa9: {  	[dreg:$0x3] =	wrdreg s5  }
0xaa: {  	[dreg:$0x4] =	wrdreg $0xC0  }
0xab: {  	_ =	task [dreg:s7], $0x5FFFF  }
0xac: {  	[dreg:$0x1] =	wrdreg $0xFFFFFFFF  }
0xad: {  	[dreg:$0x0] =	wrdreg $0x60  }
0xae: {  	[dreg:$0x2] =	wrdreg s24  }
0xaf: {  	[dreg:$0x3] =	wrdreg s2  }
0xb0: {  	[dreg:$0x4] =	wrdreg $0x94000  }
0xb1: {  	[dreg:$0x5] =	wrdreg $0x134000  }
0xb2: {  	[dreg:$0x6] =	wrdreg $0x9  }
0xb3: {  	_ =	task.clear_ibuf [dreg:s7], $0x7FFFF;
	_ =	strace $0x9000004C  }
0xb4: {  	s29 =	simm.s32 $0x9;
	_ =	strace $0x8000004E  }
0xb5: {  	_ =	swait.ge [sflag:s29], $0x1  }
0xb6: {  	[sflag:s29] =	ssyncadd.s32 $0xFFFFFFFF  }
0xb7: {  	_ =	strace $0x9000004E  }
0xb8: {  	_ =	sfence  }
0xb9: {  	s30 =	sld [smem:$0x0];
	_ =	sdelay $0x2  }
0xba: {  	s31 =	sshll.u32 s1, $0xD;
	s1 =	sshrl.u32 s1, $0x2  }
0xbb: {  	s3 =	sand.u32 $0x4000, s31;
	s1 =	sadd.s32 s1, s30  }
0xbc: {  	s0 =	sor.u32 s3, s0;
	s1 =	sshll.u32 s1, $0x11  }
0xbd: {  	s0 =	sor.u32 s1, s0  }
0xbe: {  	s0 =	sadd.s32 $0x8F2B, s0  }
0xbf: {  	[sflag:s0] =	ssyncadd.remote.s32 $0x1  }
0xc0: {  	_ =	sfence.sel $0xFFFF  }
0xc1: {  	[dreg:$0x0] =	wrdreg $0xFFFFFFFF;
	(pc) =	sbr.abs _section_cstart, $3  }
0xc2: {  	[dreg:$0x1] =	wrdreg $0xFFFFFFFF  }
0xc3: {  	_ =	task.clear_ibuf [dreg:s7], $0x2FFFF;
	_ =	strace $0x9FFFFFFF  }
0xc4: {  	(tm) =	ssettm $0x7FFFFFFF  }
0xc5: {  	_ =	shalt  }
tec
execute0_lowered:
.L_overlay_start_1:
0x0: {  	(tag) =	ssettag $0x1  }
0x1: {  	s0 =	rddreg [dreg:$0x0]  }
0x2: {  	s7 =	rddreg [dreg:$0x1]  }
0x3: {  	s1 =	srdreg.scid;
	s2 =	rddreg [dreg:$0x2]  }
0x4: {  	s17 =	stileid.u32;
	s3 =	rddreg [dreg:$0x3]  }
0x5: {  	s15 =	simm.s32 $0x5400;
	s16 =	simm.s32 $0x5;
	s20 =	simm.s32 $0x80  }
0x6: {  	s21 =	simm.s32 $0x1;
	s22 =	simm.s32 $0x7400;
	s10 =	smul.u32 $0xA000, s17  }
0x7: {  	s30 =	simm.s32 $0x4;
	s28 =	simm.s32 $0x400;
	s23 =	smul.u32 $0x1400, s17  }
0x8: {  	s1 =	sand.u32 $0x1, s1;
	s24 =	smul.u32 $0x28000, s17;
	s31 =	sshll.u32 s17, $0x6  }
0x9: {  	s4 =	sshll.u32 s1, $0x4;
	s9 =	smul.u32 $0x14000, s1;
	s1 =	ssub.s32 $0x2, s1  }
0xa: {  	s18 =	sor.u32 $0x1C05, s31;
	s5 =	sor.u32 s17, s4;
	s4 =	simm.s32 $0x0  }
0xb: {  	s6 =	sshrl.u32 s10, $0x3;
	s25 =	sshrl.u32 s1, $0x1;
	s26 =	sshrl.u32 s24, $0x2  }
0xc: {  	s19 =	sadd.s32 s10, s3;
	s29 =	sadd.s32 s10, s2;
	s17 =	simm.s32 $0x2C00  }
0xd: {  	s24 =	simm.s32 $0x2F80;
	s8 =	smul.u32 $0x500, s5;
	[smem:$0x7FF] =	sst s4  }
0xe: {  	s11 =	sadd.s32 s6, s0;
	s5 =	sadd.s32 s23, s9;
	s1 =	ssub.s32 s1, s25  }
0xf: {  	s19 =	sshrl.u32 s19, $0x3;
	s23 =	simm.s32 $0x2;
	s25 =	sshrl.u32 s29, $0x3  }
0x10: {  	_ =	strace $0x8000004D;
	s10 =	smax.u32 s1, $0x1;
	s12 =	sadd.s32 s8, s0  }
0x11: {  	v8 =	vlaneseq.u32;
	s0 =	sadd.s32 s5, s0;
	s5 =	sadd.s32 s26, s2;
	s7 =	sadd.s32 s7, s8  }
0x12: {  	v0 =	vimm.f32 $0.0e+00;
	v1 =	vor.u32 $0x2780, v8;
	v2 =	vor.u32 $0x2790, v8;
	s8 =	sadd.s32 $0x5C200, s11;
	s26 =	simm.s32 $0x3;
	s6 =	sadd.s32 $0x2200, s12  }
0x13: {  	v3 =	vor.u32 $0x27A0, v8;
	v4 =	vor.u32 $0x27B0, v8;
	v5 =	vor.u32 $0x27C0, v8;
	s9 =	sadd.s32 $0x70200, s0;
	s11 =	sadd.s32 $0x2000, s5;
	s12 =	sadd.s32 $0x4000, s5  }
0x14: {  	v6 =	vor.u32 $0x27D0, v8;
	v7 =	vor.u32 $0x27E0, v8;
	v8 =	vor.u32 $0x27F0, v8;
	s13 =	sadd.s32 $0x6000, s5;
	s14 =	sadd.s32 $0x8000, s5;
	s0 =	simm.s32 $0x380  }
.LBB2_1:
0x15: {  	s31 =	simm.s32 $0x100;
	s29 =	simm.s32 $0x0  }
.LBB2_2:
0x16: {  	p0 =	sne.s32 s31, $0x7F00;
	[tilespmem:s29+$0x5430] =	vst v0;
	s1 =	smov.u32 s31;
	s31 =	sadd.s32 $0x100, s31  }
.Ltmp0:
0x17: {  	[tilespmem:s29+$0x5420] =	vst v0;
	(pc) =	sbr.rel @p0 .LBB2_2-.Ltmp0, $3  }
0x18: {  	[tilespmem:s29+$0x5400] =	vst v0  }
0x19: {  	[tilespmem:s29+$0x5410] =	vst v0;
	_ =	sdelay $0x1  }
0x1a: {  	s29 =	sshra.s32 s1, $0x2  }
0x1b: {  	[tilespmem:s29+$0x5430] =	vst v0  }
0x1c: {  	[tilespmem:s29+$0x5420] =	vst v0  }
0x1d: {  	[tilespmem:s29+$0x5400] =	vst v0  }
0x1e: {  	[tilespmem:s29+$0x5410] =	vst v0  }
0x1f: {  	[spmem:s5] =	stream.linear.scatter [tilespmem:s15], [sflag:$0x5], $0x2000, $0x38;
	[tilespmem:$0x1D400] =	vst v63  }
0x20: {  	_ =	swait.ge [sflag:s16], $0x2000  }
0x21: {  	[sflag:s16] =	ssyncset.done $0x0  }
0x22: {  	[sflag:s16] =	ssyncadd.s32 $0xFFFFE000  }
0x23: {  	[spmem:s11] =	stream.linear.scatter [tilespmem:s15], [sflag:$0x5], $0x2000, $0x38;
	[tilespmem:$0x1D400] =	vst v63  }
0x24: {  	_ =	swait.ge [sflag:s16], $0x2000  }
0x25: {  	[sflag:s16] =	ssyncset.done $0x0  }
0x26: {  	[sflag:s16] =	ssyncadd.s32 $0xFFFFE000  }
0x27: {  	[spmem:s12] =	stream.linear.scatter [tilespmem:s15], [sflag:$0x5], $0x2000, $0x38;
	[tilespmem:$0x1D400] =	vst v63  }
0x28: {  	_ =	swait.ge [sflag:s16], $0x2000  }
0x29: {  	[sflag:s16] =	ssyncset.done $0x0  }
0x2a: {  	[sflag:s16] =	ssyncadd.s32 $0xFFFFE000  }
0x2b: {  	[spmem:s13] =	stream.linear.scatter [tilespmem:s15], [sflag:$0x5], $0x2000, $0x38;
	[tilespmem:$0x1D400] =	vst v63  }
0x2c: {  	_ =	swait.ge [sflag:s16], $0x2000  }
0x2d: {  	[sflag:s16] =	ssyncset.done $0x0  }
0x2e: {  	[sflag:s16] =	ssyncadd.s32 $0xFFFFE000  }
0x2f: {  	[spmem:s14] =	stream.linear.scatter [tilespmem:s15], [sflag:$0x5], $0x2000, $0x38;
	[tilespmem:$0x1D400] =	vst v63  }
0x30: {  	_ =	swait.ge [sflag:s16], $0x2000  }
0x31: {  	[sflag:s16] =	ssyncset.done $0x0  }
0x32: {  	s29 =	simm.s32 $0x0;
	[sflag:s16] =	ssyncadd.s32 $0xFFFFE000  }
0x33: {  	[tilespmem:s29], [sflag:$0x5] =	stream.linear.gather [hbm4b:s6+s29], $0x2800, $0x38;
	[tilespmem:$0x1D400] =	vst v63  }
0x34: {  	_ =	swait.ge [sflag:s16], $0x2800  }
0x35: {  	[sflag:s16] =	ssyncset.done $0x0  }
0x36: {  	[sflag:s16] =	ssyncadd.s32 $0xFFFFD800  }
0x37: {  	[tilespmem:s17], [sflag:$0x5] =	stream.linear.gather [hbm4b:s7+s29], $0x2800, $0x38;
	[tilespmem:$0x1D400] =	vst v63  }
0x38: {  	_ =	swait.ge [sflag:s16], $0x2800  }
0x39: {  	[sflag:s16] =	ssyncset.done $0x0  }
0x3a: {  	[sflag:s16] =	ssyncadd.s32 $0xFFFFD800  }
0x3b: {  	[tilespmem:$0x2800] =	vst v1  }
0x3c: {  	[tilespmem:$0x2810] =	vst v2  }
0x3d: {  	[tilespmem:$0x2820] =	vst v3  }
0x3e: {  	[tilespmem:$0x2830] =	vst v4  }
0x3f: {  	[tilespmem:$0x2840] =	vst v5  }
0x40: {  	[tilespmem:$0x2850] =	vst v6  }
0x41: {  	[tilespmem:$0x2860] =	vst v7  }
0x42: {  	[tilespmem:$0x2870] =	vst v8  }
0x43: {  	[tilespmem:$0x2880] =	vst v1  }
0x44: {  	[tilespmem:$0x2890] =	vst v2  }
0x45: {  	[tilespmem:$0x28A0] =	vst v3  }
0x46: {  	[tilespmem:$0x28B0] =	vst v4  }
0x47: {  	[tilespmem:$0x28C0] =	vst v5  }
0x48: {  	[tilespmem:$0x28D0] =	vst v6  }
0x49: {  	[tilespmem:$0x28E0] =	vst v7  }
0x4a: {  	[tilespmem:$0x28F0] =	vst v8  }
0x4b: {  	[tilespmem:$0x2900] =	vst v1  }
0x4c: {  	[tilespmem:$0x2910] =	vst v2  }
0x4d: {  	[tilespmem:$0x2920] =	vst v3  }
0x4e: {  	[tilespmem:$0x2930] =	vst v4  }
0x4f: {  	[tilespmem:$0x2940] =	vst v5  }
0x50: {  	[tilespmem:$0x2950] =	vst v6  }
0x51: {  	[tilespmem:$0x2960] =	vst v7  }
0x52: {  	[tilespmem:$0x2970] =	vst v8  }
0x53: {  	[tilespmem:$0x2980] =	vst v1  }
0x54: {  	[tilespmem:$0x2990] =	vst v2  }
0x55: {  	[tilespmem:$0x29A0] =	vst v3  }
0x56: {  	[tilespmem:$0x29B0] =	vst v4  }
0x57: {  	[tilespmem:$0x29C0] =	vst v5  }
0x58: {  	[tilespmem:$0x29D0] =	vst v6  }
0x59: {  	[tilespmem:$0x29E0] =	vst v7  }
0x5a: {  	[tilespmem:$0x29F0] =	vst v8  }
0x5b: {  	[tilespmem:$0x2A00] =	vst v1  }
0x5c: {  	[tilespmem:$0x2A10] =	vst v2  }
0x5d: {  	[tilespmem:$0x2A20] =	vst v3  }
0x5e: {  	[tilespmem:$0x2A30] =	vst v4  }
0x5f: {  	[tilespmem:$0x2A40] =	vst v5  }
0x60: {  	[tilespmem:$0x2A50] =	vst v6  }
0x61: {  	[tilespmem:$0x2A60] =	vst v7  }
0x62: {  	[tilespmem:$0x2A70] =	vst v8  }
0x63: {  	[tilespmem:$0x2A80] =	vst v1  }
0x64: {  	[tilespmem:$0x2A90] =	vst v2  }
0x65: {  	[tilespmem:$0x2AA0] =	vst v3  }
0x66: {  	[tilespmem:$0x2AB0] =	vst v4  }
0x67: {  	[tilespmem:$0x2AC0] =	vst v5  }
0x68: {  	[tilespmem:$0x2AD0] =	vst v6  }
0x69: {  	[tilespmem:$0x2AE0] =	vst v7  }
0x6a: {  	[tilespmem:$0x2AF0] =	vst v8  }
0x6b: {  	[tilespmem:$0x2B00] =	vst v1  }
0x6c: {  	[tilespmem:$0x2B10] =	vst v2  }
0x6d: {  	[tilespmem:$0x2B20] =	vst v3  }
0x6e: {  	[tilespmem:$0x2B30] =	vst v4  }
0x6f: {  	[tilespmem:$0x2B40] =	vst v5  }
0x70: {  	[tilespmem:$0x2B50] =	vst v6  }
0x71: {  	[tilespmem:$0x2B60] =	vst v7  }
0x72: {  	[tilespmem:$0x2B70] =	vst v8  }
0x73: {  	[tilespmem:$0x2B80] =	vst v1  }
0x74: {  	[tilespmem:$0x2B90] =	vst v2  }
0x75: {  	[tilespmem:$0x2BA0] =	vst v3  }
0x76: {  	[tilespmem:$0x2BB0] =	vst v4  }
0x77: {  	[tilespmem:$0x2BC0] =	vst v5  }
0x78: {  	[tilespmem:$0x2BD0] =	vst v6  }
0x79: {  	[tilespmem:$0x2BE0] =	vst v7  }
0x7a: {  	[tilespmem:$0x2BF0] =	vst v8  }
0x7b: {  	[spmem:s19], [sflag:s18] =	dma.local [hbm:s8], $0x1400  }
0x7c: {  	_ =	swait.ge [sflag:s16], $0x1400  }
0x7d: {  	[sflag:s16] =	ssyncset.done $0x0  }
0x7e: {  	[sflag:s16] =	ssyncadd.s32 $0xFFFFEC00  }
0x7f: {  	[bflag:$0x0] =	sbarrier.arrive $0xFFFF  }
0x80: {  	[tilespmem:s15], [sflag:$0x1] =	stream.indirect.gather [spmem:s3], $0x40, s29, s20, $0xb8;
	[tilespmem:$0x1D400] =	vst v63  }
0x81: {  	_ =	swait.ge [sflag:s21], $0x2000  }
0x82: {  	[sflag:s21] =	ssyncset.done $0x0  }
0x83: {  	[sflag:s21] =	ssyncadd.s32 $0xFFFFE000  }
0x84: {  	[spmem:s2] =	stream.indirect.scatter.add.f32 [tilespmem:s15], [sflag:$0x3], $0x40, s17, s20, $0xb8;
	[tilespmem:$0x1D400] =	vst v63  }
0x85: {  	_ = 	snop  }
0x86: {  	[tilespmem:s22], [sflag:$0x2] =	stream.indirect.gather [spmem:s3], $0x40, s20, s20, $0xb8;
	[tilespmem:$0x1D400] =	vst v63  }
0x87: {  	_ =	swait.ge [sflag:s23], $0x2000  }
0x88: {  	[sflag:s23] =	ssyncset.done $0x0  }
0x89: {  	s1 =	simm.s32 $0x2C80;
	[sflag:s23] =	ssyncadd.s32 $0xFFFFE000  }
0x8a: {  	[spmem:s2] =	stream.indirect.scatter.add.f32 [tilespmem:s22], [sflag:$0x4], $0x40, s1, s20, $0xb8;
	[tilespmem:$0x1D400] =	vst v63  }
0x8b: {  	_ =	swait.ge [sflag:s26], $0x2000  }
0x8c: {  	[sflag:s26] =	ssyncset.done $0x0  }
0x8d: {  	s1 =	simm.s32 $0x100;
	[sflag:s26] =	ssyncadd.s32 $0xFFFFE000  }
0x8e: {  	[tilespmem:s15], [sflag:$0x1] =	stream.indirect.gather [spmem:s3], $0x40, s1, s20, $0xb8;
	[tilespmem:$0x1D400] =	vst v63  }
0x8f: {  	_ =	swait.ge [sflag:s21], $0x2000  }
0x90: {  	[sflag:s21] =	ssyncset.done $0x0  }
0x91: {  	s1 =	simm.s32 $0x2D00;
	[sflag:s21] =	ssyncadd.s32 $0xFFFFE000  }
0x92: {  	[spmem:s2] =	stream.indirect.scatter.add.f32 [tilespmem:s15], [sflag:$0x3], $0x40, s1, s20, $0xb8;
	[tilespmem:$0x1D400] =	vst v63  }
0x93: {  	_ =	swait.ge [sflag:s30], $0x2000  }
0x94: {  	[sflag:s30] =	ssyncset.done $0x0  }
0x95: {  	s1 =	simm.s32 $0x180;
	[sflag:s30] =	ssyncadd.s32 $0xFFFFE000  }
0x96: {  	[tilespmem:s22], [sflag:$0x2] =	stream.indirect.gather [spmem:s3], $0x40, s1, s20, $0xb8;
	[tilespmem:$0x1D400] =	vst v63  }
0x97: {  	_ =	swait.ge [sflag:s23], $0x2000  }
0x98: {  	[sflag:s23] =	ssyncset.done $0x0  }
0x99: {  	s1 =	simm.s32 $0x2D80;
	[sflag:s23] =	ssyncadd.s32 $0xFFFFE000  }
0x9a: {  	[spmem:s2] =	stream.indirect.scatter.add.f32 [tilespmem:s22], [sflag:$0x4], $0x40, s1, s20, $0xb8;
	[tilespmem:$0x1D400] =	vst v63  }
0x9b: {  	_ =	swait.ge [sflag:s26], $0x2000  }
0x9c: {  	[sflag:s26] =	ssyncset.done $0x0  }
0x9d: {  	s1 =	simm.s32 $0x200;
	[sflag:s26] =	ssyncadd.s32 $0xFFFFE000  }
0x9e: {  	[tilespmem:s15], [sflag:$0x1] =	stream.indirect.gather [spmem:s3], $0x40, s1, s20, $0xb8;
	[tilespmem:$0x1D400] =	vst v63  }
0x9f: {  	_ =	swait.ge [sflag:s21], $0x2000  }
0xa0: {  	[sflag:s21] =	ssyncset.done $0x0  }
0xa1: {  	s1 =	simm.s32 $0x2E00;
	[sflag:s21] =	ssyncadd.s32 $0xFFFFE000  }
0xa2: {  	[spmem:s2] =	stream.indirect.scatter.add.f32 [tilespmem:s15], [sflag:$0x3], $0x40, s1, s20, $0xb8;
	[tilespmem:$0x1D400] =	vst v63  }
0xa3: {  	_ =	swait.ge [sflag:s30], $0x2000  }
0xa4: {  	[sflag:s30] =	ssyncset.done $0x0  }
0xa5: {  	s1 =	simm.s32 $0x280;
	[sflag:s30] =	ssyncadd.s32 $0xFFFFE000  }
0xa6: {  	[tilespmem:s22], [sflag:$0x2] =	stream.indirect.gather [spmem:s3], $0x40, s1, s20, $0xb8;
	[tilespmem:$0x1D400] =	vst v63  }
0xa7: {  	_ =	swait.ge [sflag:s23], $0x2000  }
0xa8: {  	[sflag:s23] =	ssyncset.done $0x0  }
0xa9: {  	s1 =	simm.s32 $0x2E80;
	[sflag:s23] =	ssyncadd.s32 $0xFFFFE000  }
0xaa: {  	[spmem:s2] =	stream.indirect.scatter.add.f32 [tilespmem:s22], [sflag:$0x4], $0x40, s1, s20, $0xb8;
	[tilespmem:$0x1D400] =	vst v63  }
0xab: {  	_ =	swait.ge [sflag:s26], $0x2000  }
0xac: {  	[sflag:s26] =	ssyncset.done $0x0  }
0xad: {  	s1 =	simm.s32 $0x300;
	[sflag:s26] =	ssyncadd.s32 $0xFFFFE000  }
0xae: {  	[tilespmem:s15], [sflag:$0x1] =	stream.indirect.gather [spmem:s3], $0x40, s1, s20, $0xb8;
	[tilespmem:$0x1D400] =	vst v63  }
0xaf: {  	_ =	swait.ge [sflag:s21], $0x2000  }
0xb0: {  	[sflag:s21] =	ssyncset.done $0x0  }
0xb1: {  	s1 =	simm.s32 $0x2F00;
	[sflag:s21] =	ssyncadd.s32 $0xFFFFE000  }
0xb2: {  	[spmem:s2] =	stream.indirect.scatter.add.f32 [tilespmem:s15], [sflag:$0x3], $0x40, s1, s20, $0xb8;
	[tilespmem:$0x1D400] =	vst v63  }
0xb3: {  	_ =	swait.ge [sflag:s30], $0x2000  }
0xb4: {  	[sflag:s30] =	ssyncset.done $0x0  }
0xb5: {  	[sflag:s30] =	ssyncadd.s32 $0xFFFFE000  }
0xb6: {  	[tilespmem:s22], [sflag:$0x2] =	stream.indirect.gather [spmem:s3], $0x40, s0, s20, $0xb8;
	[tilespmem:$0x1D400] =	vst v63  }
0xb7: {  	_ =	swait.ge [sflag:s23], $0x2000  }
0xb8: {  	[sflag:s23] =	ssyncset.done $0x0  }
0xb9: {  	[sflag:s23] =	ssyncadd.s32 $0xFFFFE000  }
0xba: {  	[spmem:s2] =	stream.indirect.scatter.add.f32 [tilespmem:s22], [sflag:$0x4], $0x40, s24, s20, $0xb8;
	[tilespmem:$0x1D400] =	vst v63  }
0xbb: {  	_ =	swait.ge [sflag:s26], $0x2000  }
0xbc: {  	[sflag:s26] =	ssyncset.done $0x0  }
0xbd: {  	[sflag:s26] =	ssyncadd.s32 $0xFFFFE000  }
0xbe: {  	[tilespmem:s15], [sflag:$0x1] =	stream.indirect.gather [spmem:s3], $0x40, s28, s20, $0xb8;
	[tilespmem:$0x1D400] =	vst v63  }
0xbf: {  	_ =	swait.ge [sflag:s21], $0x2000  }
0xc0: {  	[sflag:s21] =	ssyncset.done $0x0  }
0xc1: {  	s1 =	simm.s32 $0x3000;
	[sflag:s21] =	ssyncadd.s32 $0xFFFFE000  }
0xc2: {  	[spmem:s2] =	stream.indirect.scatter.add.f32 [tilespmem:s15], [sflag:$0x3], $0x40, s1, s20, $0xb8;
	[tilespmem:$0x1D400] =	vst v63  }
0xc3: {  	_ =	swait.ge [sflag:s30], $0x2000  }
0xc4: {  	[sflag:s30] =	ssyncset.done $0x0  }
0xc5: {  	s1 =	simm.s32 $0x480;
	[sflag:s30] =	ssyncadd.s32 $0xFFFFE000  }
0xc6: {  	[tilespmem:s22], [sflag:$0x2] =	stream.indirect.gather [spmem:s3], $0x40, s1, s20, $0xb8;
	[tilespmem:$0x1D400] =	vst v63  }
0xc7: {  	_ =	swait.ge [sflag:s23], $0x2000  }
0xc8: {  	[sflag:s23] =	ssyncset.done $0x0  }
0xc9: {  	s1 =	simm.s32 $0x3080;
	[sflag:s23] =	ssyncadd.s32 $0xFFFFE000  }
0xca: {  	[spmem:s2] =	stream.indirect.scatter.add.f32 [tilespmem:s22], [sflag:$0x4], $0x40, s1, s20, $0xb8;
	[tilespmem:$0x1D400] =	vst v63  }
0xcb: {  	_ =	swait.ge [sflag:s26], $0x2000  }
0xcc: {  	[sflag:s26] =	ssyncset.done $0x0  }
0xcd: {  	s1 =	simm.s32 $0x500;
	[sflag:s26] =	ssyncadd.s32 $0xFFFFE000  }
0xce: {  	[tilespmem:s15], [sflag:$0x1] =	stream.indirect.gather [spmem:s3], $0x40, s1, s20, $0xb8;
	[tilespmem:$0x1D400] =	vst v63  }
0xcf: {  	_ =	swait.ge [sflag:s21], $0x2000  }
0xd0: {  	[sflag:s21] =	ssyncset.done $0x0  }
0xd1: {  	s1 =	simm.s32 $0x3100;
	[sflag:s21] =	ssyncadd.s32 $0xFFFFE000  }
0xd2: {  	[spmem:s2] =	stream.indirect.scatter.add.f32 [tilespmem:s15], [sflag:$0x3], $0x40, s1, s20, $0xb8;
	[tilespmem:$0x1D400] =	vst v63  }
0xd3: {  	_ =	swait.ge [sflag:s30], $0x2000  }
0xd4: {  	[sflag:s30] =	ssyncset.done $0x0  }
0xd5: {  	s1 =	simm.s32 $0x580;
	[sflag:s30] =	ssyncadd.s32 $0xFFFFE000  }
0xd6: {  	[tilespmem:s22], [sflag:$0x2] =	stream.indirect.gather [spmem:s3], $0x40, s1, s20, $0xb8;
	[tilespmem:$0x1D400] =	vst v63  }
0xd7: {  	_ =	swait.ge [sflag:s23], $0x2000  }
0xd8: {  	[sflag:s23] =	ssyncset.done $0x0  }
0xd9: {  	s1 =	simm.s32 $0x3180;
	[sflag:s23] =	ssyncadd.s32 $0xFFFFE000  }
0xda: {  	[spmem:s2] =	stream.indirect.scatter.add.f32 [tilespmem:s22], [sflag:$0x4], $0x40, s1, s20, $0xb8;
	[tilespmem:$0x1D400] =	vst v63  }
0xdb: {  	_ =	swait.ge [sflag:s26], $0x2000  }
0xdc: {  	[sflag:s26] =	ssyncset.done $0x0  }
0xdd: {  	s1 =	simm.s32 $0x600;
	[sflag:s26] =	ssyncadd.s32 $0xFFFFE000  }
0xde: {  	[tilespmem:s15], [sflag:$0x1] =	stream.indirect.gather [spmem:s3], $0x40, s1, s20, $0xb8;
	[tilespmem:$0x1D400] =	vst v63  }
0xdf: {  	_ =	swait.ge [sflag:s21], $0x2000  }
0xe0: {  	[sflag:s21] =	ssyncset.done $0x0  }
0xe1: {  	s1 =	simm.s32 $0x3200;
	[sflag:s21] =	ssyncadd.s32 $0xFFFFE000  }
0xe2: {  	[spmem:s2] =	stream.indirect.scatter.add.f32 [tilespmem:s15], [sflag:$0x3], $0x40, s1, s20, $0xb8;
	[tilespmem:$0x1D400] =	vst v63  }
0xe3: {  	_ =	swait.ge [sflag:s30], $0x2000  }
0xe4: {  	[sflag:s30] =	ssyncset.done $0x0  }
0xe5: {  	s1 =	simm.s32 $0x680;
	[sflag:s30] =	ssyncadd.s32 $0xFFFFE000  }
0xe6: {  	[tilespmem:s22], [sflag:$0x2] =	stream.indirect.gather [spmem:s3], $0x40, s1, s20, $0xb8;
	[tilespmem:$0x1D400] =	vst v63  }
0xe7: {  	_ =	swait.ge [sflag:s23], $0x2000  }
0xe8: {  	[sflag:s23] =	ssyncset.done $0x0  }
0xe9: {  	s1 =	simm.s32 $0x3280;
	[sflag:s23] =	ssyncadd.s32 $0xFFFFE000  }
0xea: {  	[spmem:s2] =	stream.indirect.scatter.add.f32 [tilespmem:s22], [sflag:$0x4], $0x40, s1, s20, $0xb8;
	[tilespmem:$0x1D400] =	vst v63  }
0xeb: {  	_ =	swait.ge [sflag:s26], $0x2000  }
0xec: {  	[sflag:s26] =	ssyncset.done $0x0  }
0xed: {  	s1 =	simm.s32 $0x700;
	[sflag:s26] =	ssyncadd.s32 $0xFFFFE000  }
0xee: {  	[tilespmem:s15], [sflag:$0x1] =	stream.indirect.gather [spmem:s3], $0x40, s1, s20, $0xb8;
	[tilespmem:$0x1D400] =	vst v63  }
0xef: {  	_ =	swait.ge [sflag:s21], $0x2000  }
0xf0: {  	[sflag:s21] =	ssyncset.done $0x0  }
0xf1: {  	s1 =	simm.s32 $0x3300;
	[sflag:s21] =	ssyncadd.s32 $0xFFFFE000  }
0xf2: {  	[spmem:s2] =	stream.indirect.scatter.add.f32 [tilespmem:s15], [sflag:$0x3], $0x40, s1, s20, $0xb8;
	[tilespmem:$0x1D400] =	vst v63  }
0xf3: {  	_ =	swait.ge [sflag:s30], $0x2000  }
0xf4: {  	[sflag:s30] =	ssyncset.done $0x0  }
0xf5: {  	s1 =	simm.s32 $0x780;
	[sflag:s30] =	ssyncadd.s32 $0xFFFFE000  }
0xf6: {  	[tilespmem:s22], [sflag:$0x2] =	stream.indirect.gather [spmem:s3], $0x40, s1, s20, $0xb8;
	[tilespmem:$0x1D400] =	vst v63  }
0xf7: {  	_ =	swait.ge [sflag:s23], $0x2000  }
0xf8: {  	[sflag:s23] =	ssyncset.done $0x0  }
0xf9: {  	s1 =	simm.s32 $0x3380;
	[sflag:s23] =	ssyncadd.s32 $0xFFFFE000  }
0xfa: {  	[spmem:s2] =	stream.indirect.scatter.add.f32 [tilespmem:s22], [sflag:$0x4], $0x40, s1, s20, $0xb8;
	[tilespmem:$0x1D400] =	vst v63  }
0xfb: {  	_ =	swait.ge [sflag:s26], $0x2000  }
0xfc: {  	[sflag:s26] =	ssyncset.done $0x0  }
0xfd: {  	s31 =	simm.s32 $0x800;
	s29 =	simm.s32 $0x1000;
	[sflag:s26] =	ssyncadd.s32 $0xFFFFE000  }
.LBB2_4:
0xfe: {  	[tilespmem:s15], [sflag:$0x1] =	stream.indirect.gather [spmem:s3], $0x40, s31, s20, $0xb8;
	[tilespmem:$0x1D400] =	vst v63  }
0xff: {  	s1 =	smov.u32 s29  }
0x100: {  	p0 =	sne.s32 s29, $0x8000;
	s29 =	sadd.s32 $0x1000, s29;
	_ =	swait.ge [sflag:s21], $0x2000  }
0x101: {  	s31 =	sshra.s32 s1, $0x2;
	[sflag:s21] =	ssyncset.done $0x0  }
0x102: {  	s1 =	sadd.s32 $0x3000, s31;
	[sflag:s21] =	ssyncadd.s32 $0xFFFFE000  }
0x103: {  	[spmem:s2] =	stream.indirect.scatter.add.f32 [tilespmem:s15], [sflag:$0x3], $0x40, s1, s20, $0xb8;
	[tilespmem:$0x1D400] =	vst v63  }
0x104: {  	_ =	swait.ge [sflag:s30], $0x2000  }
0x105: {  	[sflag:s30] =	ssyncset.done $0x0  }
0x106: {  	s1 =	sadd.s32 $0x480, s31;
	[sflag:s30] =	ssyncadd.s32 $0xFFFFE000  }
0x107: {  	[tilespmem:s22], [sflag:$0x2] =	stream.indirect.gather [spmem:s3], $0x40, s1, s20, $0xb8;
	[tilespmem:$0x1D400] =	vst v63  }
0x108: {  	_ =	swait.ge [sflag:s23], $0x2000  }
0x109: {  	[sflag:s23] =	ssyncset.done $0x0  }
0x10a: {  	s1 =	sadd.s32 $0x3080, s31;
	[sflag:s23] =	ssyncadd.s32 $0xFFFFE000  }
0x10b: {  	[spmem:s2] =	stream.indirect.scatter.add.f32 [tilespmem:s22], [sflag:$0x4], $0x40, s1, s20, $0xb8;
	[tilespmem:$0x1D400] =	vst v63  }
0x10c: {  	_ =	swait.ge [sflag:s26], $0x2000  }
0x10d: {  	[sflag:s26] =	ssyncset.done $0x0  }
0x10e: {  	s1 =	sadd.s32 $0x500, s31;
	[sflag:s26] =	ssyncadd.s32 $0xFFFFE000  }
0x10f: {  	[tilespmem:s15], [sflag:$0x1] =	stream.indirect.gather [spmem:s3], $0x40, s1, s20, $0xb8;
	[tilespmem:$0x1D400] =	vst v63  }
0x110: {  	_ =	swait.ge [sflag:s21], $0x2000  }
0x111: {  	[sflag:s21] =	ssyncset.done $0x0  }
0x112: {  	s1 =	sadd.s32 $0x3100, s31;
	[sflag:s21] =	ssyncadd.s32 $0xFFFFE000  }
0x113: {  	[spmem:s2] =	stream.indirect.scatter.add.f32 [tilespmem:s15], [sflag:$0x3], $0x40, s1, s20, $0xb8;
	[tilespmem:$0x1D400] =	vst v63  }
0x114: {  	_ =	swait.ge [sflag:s30], $0x2000  }
0x115: {  	[sflag:s30] =	ssyncset.done $0x0  }
0x116: {  	s1 =	sadd.s32 $0x580, s31;
	[sflag:s30] =	ssyncadd.s32 $0xFFFFE000  }
0x117: {  	[tilespmem:s22], [sflag:$0x2] =	stream.indirect.gather [spmem:s3], $0x40, s1, s20, $0xb8;
	[tilespmem:$0x1D400] =	vst v63  }
0x118: {  	_ =	swait.ge [sflag:s23], $0x2000  }
0x119: {  	[sflag:s23] =	ssyncset.done $0x0  }
0x11a: {  	s1 =	sadd.s32 $0x3180, s31;
	[sflag:s23] =	ssyncadd.s32 $0xFFFFE000  }
0x11b: {  	[spmem:s2] =	stream.indirect.scatter.add.f32 [tilespmem:s22], [sflag:$0x4], $0x40, s1, s20, $0xb8;
	[tilespmem:$0x1D400] =	vst v63  }
0x11c: {  	_ =	swait.ge [sflag:s26], $0x2000  }
0x11d: {  	[sflag:s26] =	ssyncset.done $0x0  }
0x11e: {  	s1 =	sadd.s32 $0x600, s31;
	[sflag:s26] =	ssyncadd.s32 $0xFFFFE000  }
0x11f: {  	[tilespmem:s15], [sflag:$0x1] =	stream.indirect.gather [spmem:s3], $0x40, s1, s20, $0xb8;
	[tilespmem:$0x1D400] =	vst v63  }
0x120: {  	_ =	swait.ge [sflag:s21], $0x2000  }
0x121: {  	[sflag:s21] =	ssyncset.done $0x0  }
0x122: {  	s1 =	sadd.s32 $0x3200, s31;
	[sflag:s21] =	ssyncadd.s32 $0xFFFFE000  }
0x123: {  	[spmem:s2] =	stream.indirect.scatter.add.f32 [tilespmem:s15], [sflag:$0x3], $0x40, s1, s20, $0xb8;
	[tilespmem:$0x1D400] =	vst v63  }
0x124: {  	_ =	swait.ge [sflag:s30], $0x2000  }
0x125: {  	[sflag:s30] =	ssyncset.done $0x0  }
0x126: {  	s1 =	sadd.s32 $0x680, s31;
	[sflag:s30] =	ssyncadd.s32 $0xFFFFE000  }
0x127: {  	[tilespmem:s22], [sflag:$0x2] =	stream.indirect.gather [spmem:s3], $0x40, s1, s20, $0xb8;
	[tilespmem:$0x1D400] =	vst v63  }
0x128: {  	_ =	swait.ge [sflag:s23], $0x2000  }
0x129: {  	[sflag:s23] =	ssyncset.done $0x0  }
0x12a: {  	s1 =	sadd.s32 $0x3280, s31;
	[sflag:s23] =	ssyncadd.s32 $0xFFFFE000  }
0x12b: {  	[spmem:s2] =	stream.indirect.scatter.add.f32 [tilespmem:s22], [sflag:$0x4], $0x40, s1, s20, $0xb8;
	[tilespmem:$0x1D400] =	vst v63  }
0x12c: {  	_ =	swait.ge [sflag:s26], $0x2000  }
0x12d: {  	[sflag:s26] =	ssyncset.done $0x0  }
0x12e: {  	s1 =	sadd.s32 $0x700, s31;
	[sflag:s26] =	ssyncadd.s32 $0xFFFFE000  }
0x12f: {  	[tilespmem:s15], [sflag:$0x1] =	stream.indirect.gather [spmem:s3], $0x40, s1, s20, $0xb8;
	[tilespmem:$0x1D400] =	vst v63  }
0x130: {  	_ =	swait.ge [sflag:s21], $0x2000  }
0x131: {  	[sflag:s21] =	ssyncset.done $0x0  }
0x132: {  	s1 =	sadd.s32 $0x3300, s31;
	[sflag:s21] =	ssyncadd.s32 $0xFFFFE000  }
0x133: {  	[spmem:s2] =	stream.indirect.scatter.add.f32 [tilespmem:s15], [sflag:$0x3], $0x40, s1, s20, $0xb8;
	[tilespmem:$0x1D400] =	vst v63  }
0x134: {  	_ =	swait.ge [sflag:s30], $0x2000  }
0x135: {  	[sflag:s30] =	ssyncset.done $0x0  }
0x136: {  	s1 =	sadd.s32 $0x780, s31;
	[sflag:s30] =	ssyncadd.s32 $0xFFFFE000  }
0x137: {  	[tilespmem:s22], [sflag:$0x2] =	stream.indirect.gather [spmem:s3], $0x40, s1, s20, $0xb8;
	[tilespmem:$0x1D400] =	vst v63  }
0x138: {  	_ =	swait.ge [sflag:s23], $0x2000  }
0x139: {  	[sflag:s23] =	ssyncset.done $0x0  }
.Ltmp1:
0x13a: {  	s1 =	sadd.s32 $0x3380, s31;
	[sflag:s23] =	ssyncadd.s32 $0xFFFFE000;
	(pc) =	sbr.rel @p0 .LBB2_4-.Ltmp1, $4  }
0x13b: {  	[spmem:s2] =	stream.indirect.scatter.add.f32 [tilespmem:s22], [sflag:$0x4], $0x40, s1, s20, $0xb8;
	[tilespmem:$0x1D400] =	vst v63  }
0x13c: {  	_ =	swait.ge [sflag:s26], $0x2000  }
0x13d: {  	[sflag:s26] =	ssyncset.done $0x0  }
0x13e: {  	s31 =	sadd.s32 $0x800, s31;
	[sflag:s26] =	ssyncadd.s32 $0xFFFFE000  }
0x13f: {  	[tilespmem:s15], [sflag:$0x1] =	stream.indirect.gather [spmem:s3], $0x40, s31, s20, $0xb8;
	[tilespmem:$0x1D400] =	vst v63  }
0x140: {  	_ =	swait.ge [sflag:s21], $0x2000  }
0x141: {  	[sflag:s21] =	ssyncset.done $0x0  }
0x142: {  	[sflag:s21] =	ssyncadd.s32 $0xFFFFE000  }
0x143: {  	_ =	swait.ge [sflag:s30], $0x2000  }
0x144: {  	s4 =	sadd.s32 $0x1, s4;
	[sflag:s30] =	ssyncset.done $0x0  }
0x145: {  	p0 =	sne.s32 s4, s10;
	[sflag:s30] =	ssyncadd.s32 $0xFFFFE000  }
.Ltmp2:
0x146: {  	[bflag:$0x0] =	sbarrier.arrive $0xFFFF;
	(pc) =	sbr.rel @p0 .LBB2_1-.Ltmp2, $4  }
0x147: {  	[hbm:s9], [sflag:s18] =	dma.local [spmem:s25], $0x1400  }
0x148: {  	_ =	swait.ge [sflag:s16], $0x1400  }
0x149: {  	[sflag:s16] =	ssyncset.done $0x0  }
0x14a: {  	[sflag:s16] =	ssyncadd.s32 $0xFFFFEC00  }
0x14b: {  	_ =	sfence.sel $0x180000  }
0x14c: {  	[bflag:$0x0] =	sbarrier.arrive $0xFFFF  }
0x14d: {  	_ =	strace $0x9000004D  }
0x14e: {  	s0 =	stileid.u32;
	[bflag:$0x2] =	sbarrier.arrive $0xFFFF  }
0x14f: {  	p0 =	sne.s32 s0, $0x0;
	s0 =	rddreg [dreg:$0x4]  }
0x150: {  	s0 =	sadd.s32 @!p0 $0x100000, s0  }
0x151: {  	[sflag:s0] =	ssyncadd.tile.s32 @!p0 $0x1;
	_ =	shalt  }
.Lfunc_end2:
_tile_overlayer_lowered:
.L_overlay_start_2:
0x152: {  	(tag) =	ssettag $0x2  }
0x153: {  	s0 =	rddreg [dreg:$0x0];
	s2 =	stileid.u32  }
0x154: {  	s1 =	rddreg [dreg:$0x1];
	p0 =	sne.s32 s2, $0x0  }
0x155: {  	s3 =	rddreg [dreg:$0x2];
	[bflag:$0x3] =	sbarrier.arrive $0xFFFF;
	s2 =	simm.s32 @!p0 $0x1C05  }
0x156: {  	[timem:s3], [sflag:s2] =	dma.local @!p0 [hbm:s0], s1  }
0x157: {  	s0 =	simm.s32 @!p0 $0x5  }
0x158: {  	_ =	swait.ge @!p0 [sflag:s0], s1  }
0x159: {  	s1 =	ssub.s32 @!p0 $0x0, s1;
	[sflag:s0] =	ssyncset.done @!p0 $0x0  }
0x15a: {  	[sflag:s0] =	ssyncadd.s32 @!p0 s1  }
0x15b: {  	[bflag:$0x3] =	sbarrier.arrive $0xFFFF  }
0x15c: {  	_ =	shalt  }

// kernel: kernel.9.cloned.1.call-start
scs
__scs_entry_jumppad:
0x0: {  	(pc) =	sbr.rel $0x88, $3  }
0x1: {  	(tag) =	ssettag $0x0;
	lr =	simm.s32 $0x1  }
0x2: {  	[smem:$0x3F9B] =	sst lr;
	_ =	strace $0xD0000000  }
0x3: {  	_ = 	snop  }
0x4: {  	_ = 	snop  }
0x5: {  	_ = 	snop  }
0x6: {  	_ = 	snop  }
0x7: {  	_ = 	snop  }
__scs_overlays_trampoline_lowered:
0x8: {  	[smem:$0x3FAA] =	sst s0  }
0x9: {  	[smem:$0x3FAB] =	sst s1  }
0xa: {  	[smem:$0x3FAC] =	sst s2  }
0xb: {  	[smem:$0x3FAD] =	sst s3  }
0xc: {  	[smem:$0x3FAE] =	sst s4  }
0xd: {  	[smem:$0x3FAF] =	sst s5  }
0xe: {  	[smem:$0x3FB0] =	sst s6  }
0xf: {  	[smem:$0x3FB1] =	sst s7  }
0x10: {  	[smem:$0x3FB2] =	sst s8  }
0x11: {  	[smem:$0x3FB3] =	sst s9;
	s0 =	simm.s32 @!p0 $0x0  }
0x12: {  	s1 =	sld [smem:$0x3F99];
	s0 =	simm.s32 @p0 $0x1  }
0x13: {  	[smem:$0x3FB4] =	sst s0;
	s0 =	simm.s32 @!p1 $0x0  }
0x14: {  	s2 =	sld [smem:$0x3F98];
	s0 =	simm.s32 @p1 $0x1  }
0x15: {  	[smem:$0x3FB5] =	sst s0;
	s0 =	simm.s32 @!p2 $0x0  }
0x16: {  	s3 =	sld [smem:$0x3FDB];
	s0 =	simm.s32 @p2 $0x1  }
0x17: {  	s4 =	simm.s32 $0x1BF5;
	[smem:$0x3FB7] =	sst s0  }
0x18: {  	s0 =	sld [smem:$0x3F9A];
	_ =	swait.ge [sflag:s4], $0x0  }
0x19: {  	s7 =	sld [smem:$0x3F9B]  }
0x1a: {  	s8 =	sadd.s32 $0xFFFFE003, lr  }
0x1b: {  	s9 =	sadd.s32 $0xFFFFFEF7, lr;
	s5 =	simm.s32 $0xFFFFFFFF;
	p2 =	slt.u32 s8, $0xFFFFF086  }
0x1c: {  	p1 =	slt.u32 s9, $0xF7A;
	s5 =	simm.s32 @!p2 $0x0  }
0x1d: {  	s5 =	simm.s32 @p1 $0x1;
	p0 =	seq.s32 s7, s2  }
0x1e: {  	s7 =	smul.u32 @!p0 $0xF7A, s2;
	p2 =	seq.s32 @!p0 s5, $0x0  }
0x1f: {  	s9 =	smul.u32 $0xF7A, s1;
	s8 =	simm.s32 @!p0 $0x1BF5;
	p2 =	por !p2, p0  }
0x20: {  	[sflag:s8] =	ssyncset.s32 @!p0 $0xFFFFF086;
	s6 =	sadd.s32 @!p0 s3, s7;
	s7 =	simm.s32 @!p0 $0x108  }
0x21: {  	s3 =	sadd.s32 s3, s9;
	s6 =	sadd.s32 @!p0 $0x88, s6;
	s7 =	simm.s32 @p2 $0x1082  }
0x22: {  	[simem:s7], [sflag:s8] =	dma.local @!p0 [hbm:s6], $0xF7A  }
0x23: {  	s9 =	sor.u32 $0xD0000000, s2;
	s6 =	simm.s32 $0x108;
	_ =	swait.ge @!p0 [sflag:s8], $0x0  }
0x24: {  	s3 =	sadd.s32 $0x88, s3;
	s6 =	simm.s32 @!p1 $0x1082;
	[sflag:s4] =	ssyncset.s32 $0xFFFFF086  }
0x25: {  	[simem:s6], [sflag:s4] =	dma.local [hbm:s3], $0xF7A  }
0x26: {  	[smem:$0x3F9B] =	sst s1;
	(tag) =	ssettag s2;
	_ =	strace s9  }
0x27: {  	s1 =	sld [smem:$0x3FAB]  }
0x28: {  	s2 =	sld [smem:$0x3FAC]  }
0x29: {  	s4 =	sld [smem:$0x3FAE]  }
0x2a: {  	p0 =	seq.s32 s5, $0x0;
	s5 =	sld [smem:$0x3FAF]  }
0x2b: {  	s6 =	sld [smem:$0x3FB0]  }
0x2c: {  	s7 =	sld [smem:$0x3FB1]  }
0x2d: {  	s3 =	simm.s32 $0x108;
	s8 =	sld [smem:$0x3FB2]  }
0x2e: {  	s3 =	simm.s32 @!p0 $0x1082;
	s9 =	sld [smem:$0x3FB3]  }
0x2f: {  	lr =	sadd.s32 s0, s3;
	s0 =	sld [smem:$0x3FAA]  }
0x30: {  	s3 =	sld [smem:$0x3FAD]  }
0x31: {  	[smem:$0x3FB6] =	sst s10  }
0x32: {  	s10 =	sld [smem:$0x3FB4];
	_ =	sdelay $0x3  }
0x33: {  	p0 =	seq.s32 s10, $0x1;
	s10 =	sld [smem:$0x3FB6];
	_ =	sdelay $0x3  }
0x34: {  	[smem:$0x3FB6] =	sst s10  }
0x35: {  	s10 =	sld [smem:$0x3FB5];
	_ =	sdelay $0x3  }
0x36: {  	p1 =	seq.s32 s10, $0x1;
	s10 =	sld [smem:$0x3FB6];
	_ =	sdelay $0x3  }
0x37: {  	[smem:$0x3FB6] =	sst s10  }
0x38: {  	s10 =	sld [smem:$0x3FB7]  }
0x39: {  	_ = 	snop;
	(pc) =	sbr.ind lr, $3  }
0x3a: {  	_ = 	snop  }
0x3b: {  	_ = 	snop  }
0x3c: {  	p2 =	seq.s32 s10, $0x1;
	s10 =	sld [smem:$0x3FB6]  }
0x3d: {  	_ =	shalt  }
0x3e: {  	_ =	shalt  }
0x3f: {  	_ =	shalt  }
0x40: {  	_ =	shalt  }
0x41: {  	_ =	shalt  }
0x42: {  	_ =	shalt  }
0x43: {  	_ =	shalt  }
0x44: {  	_ =	shalt  }
0x45: {  	_ =	shalt  }
0x46: {  	_ =	shalt  }
0x47: {  	_ =	shalt  }
0x48: {  	_ =	shalt  }
0x49: {  	_ =	shalt  }
0x4a: {  	_ =	shalt  }
0x4b: {  	_ =	shalt  }
0x4c: {  	_ =	shalt  }
0x4d: {  	_ =	shalt  }
0x4e: {  	_ =	shalt  }
0x4f: {  	_ =	shalt  }
0x50: {  	_ =	shalt  }
0x51: {  	_ =	shalt  }
0x52: {  	_ =	shalt  }
0x53: {  	_ =	shalt  }
0x54: {  	_ =	shalt  }
0x55: {  	_ =	shalt  }
0x56: {  	_ =	shalt  }
0x57: {  	_ =	shalt  }
0x58: {  	_ =	shalt  }
0x59: {  	_ =	shalt  }
0x5a: {  	_ =	shalt  }
0x5b: {  	_ =	shalt  }
0x5c: {  	_ =	shalt  }
0x5d: {  	_ =	shalt  }
0x5e: {  	_ =	shalt  }
0x5f: {  	_ =	shalt  }
0x60: {  	_ =	shalt  }
0x61: {  	_ =	shalt  }
0x62: {  	_ =	shalt  }
0x63: {  	_ =	shalt  }
0x64: {  	_ =	shalt  }
0x65: {  	_ =	shalt  }
0x66: {  	_ =	shalt  }
0x67: {  	_ =	shalt  }
0x68: {  	_ =	shalt  }
0x69: {  	_ =	shalt  }
0x6a: {  	_ =	shalt  }
0x6b: {  	_ =	shalt  }
0x6c: {  	_ =	shalt  }
0x6d: {  	_ =	shalt  }
0x6e: {  	_ =	shalt  }
0x6f: {  	_ =	shalt  }
0x70: {  	_ =	shalt  }
0x71: {  	_ =	shalt  }
0x72: {  	_ =	shalt  }
0x73: {  	_ =	shalt  }
0x74: {  	_ =	shalt  }
0x75: {  	_ =	shalt  }
0x76: {  	_ =	shalt  }
0x77: {  	_ =	shalt  }
0x78: {  	_ =	shalt  }
0x79: {  	_ =	shalt  }
0x7a: {  	_ =	shalt  }
0x7b: {  	_ =	shalt  }
0x7c: {  	_ =	shalt  }
0x7d: {  	_ =	shalt  }
0x7e: {  	_ =	shalt  }
0x7f: {  	_ =	shalt  }
0x80: {  	_ =	shalt  }
0x81: {  	_ =	shalt  }
0x82: {  	_ =	shalt  }
0x83: {  	_ =	shalt  }
0x84: {  	_ =	shalt  }
0x85: {  	_ =	shalt  }
0x86: {  	_ =	shalt  }
0x87: {  	_ =	shalt  }
.Lfunc_end0:
.L_simem_size_0:
called_computation_lowered:
.L_overlay_start_0:
0x88: {  	s2 =	sld [smem:$0x3FD9]  }
0x89: {  	s3 =	sld [smem:$0x3FFE];
	_ =	sdelay $0x1  }
0x8a: {  	s1 =	srdreg.scid  }
0x8b: {  	s0 =	sand.u32 $0x1, s1  }
0x8c: {  	s16 =	sshll.u32 s0, $0xA;
	s2 =	sadd.s32 s3, s2  }
0x8d: {  	s2 =	sadd.s32 s2, s16  }
0x8e: {  	[smem:$0x3FC2] =	sst s2  }
0x8f: {  	_ = 	snop  }
0x90: {  	(tm) =	ssettm $0x1  }
0x91: {  	s17 =	sld [smem:$0x3FFB];
	_ =	sdelay $0x3  }
0x92: {  	_ =	strace s17  }
0x93: {  	s2 =	sld [smem:$0x3FFC];
	_ =	sdelay $0x3  }
0x94: {  	_ =	strace s2  }
0x95: {  	s2 =	sld [smem:$0x3FFD];
	_ =	sdelay $0x3  }
0x96: {  	_ =	strace s2  }
0x97: {  	_ =	strace $0x8FFFFFFF  }
0x98: {  	s18 =	sld [smem:$0x3FDB];
	_ =	sdelay $0x1  }
0x99: {  	s19 =	simm.s32 $_scs_section_size  }
0x9a: {  	s4 =	simm.s32 $_size__tile_overlayer_lowered;
	s5 =	simm.s32 $_tile_overlayer_lowered  }
0x9b: {  	s22 =	simm.s32 $0x1BFF;
	s21 =	sshll.u32 s5, $0x1;
	s2 =	sadd.s32 s19, s18  }
0x9c: {  	s6 =	simm.s32 $0x0;
	s20 =	sshll.u32 s4, $0x1;
	s4 =	sadd.s32 s21, s2  }
0x9d: {  	[timem:s6], [sflag:s22] =	dma.local [hbm:s4], s20  }
0x9e: {  	_ =	swait.ge [sflag:s22], s20  }
0x9f: {  	s3 =	ssub.s32 $0x0, s20;
	[sflag:s22] =	ssyncset.done $0x0  }
0xa0: {  	[sflag:s22] =	ssyncadd.s32 s3;
	_ =	sdelay $0x1  }
0xa1: {  	s23 =	simm.s32 $0x1B8B  }
0xa2: {  	_ =	swait.ge [sflag:s23], $0x1  }
0xa3: {  	[sflag:s23] =	ssyncset.done $0x0  }
0xa4: {  	s25 =	simm.s32 $0x1B8E;
	s24 =	sld [smem:$0x3FFE];
	[sflag:s23] =	ssyncadd.s32 $0xFFFFFFFF  }
0xa5: {  	s26 =	simm.s32 $execute0_lowered;
	[smem:$0x3FD2] =	sst s25  }
0xa6: {  	s4 =	sshll.u32 s26, $0x1;
	_ =	strace $0x80000046;
	[dreg:$0x1] =	wrdreg $0xFFFFFFFF  }
0xa7: {  	s28 =	simm.s32 $_size_execute0_lowered;
	s2 =	sadd.s32 s2, s4;
	[dreg:$0x0] =	wrdreg $0x0  }
0xa8: {  	s4 =	sshll.u32 s28, $0x1;
	[dreg:$0x2] =	wrdreg s2  }
0xa9: {  	[dreg:$0x3] =	wrdreg s4  }
0xaa: {  	[dreg:$0x4] =	wrdreg $0xC0  }
0xab: {  	_ =	task [dreg:s6], $0x5FFFF  }
0xac: {  	[dreg:$0x1] =	wrdreg $0xFFFFFFFF  }
0xad: {  	[dreg:$0x0] =	wrdreg $0x60  }
0xae: {  	[dreg:$0x2] =	wrdreg s24  }
0xaf: {  	[dreg:$0x3] =	wrdreg $0x38000  }
0xb0: {  	[dreg:$0x4] =	wrdreg $0x9  }
0xb1: {  	_ =	task.clear_ibuf [dreg:s6], $0x5FFFF;
	_ =	strace $0x90000046  }
0xb2: {  	s29 =	simm.s32 $0x9;
	_ =	strace $0x80000048  }
0xb3: {  	_ =	swait.ge [sflag:s29], $0x1  }
0xb4: {  	[sflag:s29] =	ssyncadd.s32 $0xFFFFFFFF  }
0xb5: {  	_ =	strace $0x90000048  }
0xb6: {  	_ =	sfence  }
0xb7: {  	s30 =	sld [smem:$0x0];
	_ =	sdelay $0x2  }
0xb8: {  	s31 =	sshll.u32 s1, $0xD;
	s1 =	sshrl.u32 s1, $0x2  }
0xb9: {  	s3 =	sand.u32 $0x4000, s31;
	s1 =	sadd.s32 s1, s30  }
0xba: {  	s0 =	sor.u32 s3, s0;
	s1 =	sshll.u32 s1, $0x11  }
0xbb: {  	s0 =	sor.u32 s1, s0  }
0xbc: {  	s0 =	sadd.s32 $0x8F2B, s0  }
0xbd: {  	[sflag:s0] =	ssyncadd.remote.s32 $0x1  }
0xbe: {  	_ =	sfence.sel $0xFFFF  }
0xbf: {  	[dreg:$0x0] =	wrdreg $0xFFFFFFFF;
	(pc) =	sbr.abs _section_cstart, $3  }
0xc0: {  	[dreg:$0x1] =	wrdreg $0xFFFFFFFF  }
0xc1: {  	_ =	task.clear_ibuf [dreg:s6], $0x2FFFF;
	_ =	strace $0x9FFFFFFF  }
0xc2: {  	(tm) =	ssettm $0x7FFFFFFF  }
0xc3: {  	_ =	shalt  }
tec
execute0_lowered:
.L_overlay_start_1:
0x0: {  	(tag) =	ssettag $0x1  }
0x1: {  	s5 =	rddreg [dreg:$0x0]  }
0x2: {  	s0 =	srdreg.scid;
	s2 =	rddreg [dreg:$0x1];
	s3 =	simm.s32 $0x0  }
0x3: {  	s12 =	simm.s32 $0x3000;
	s13 =	simm.s32 $0x1;
	s4 =	sand.u32 $0x1, s0  }
0x4: {  	s14 =	simm.s32 $0x80;
	s0 =	stileid.u32;
	s7 =	smul.u32 $0x5000, s4  }
0x5: {  	s15 =	simm.s32 $0x2800;
	[smem:$0x7FF] =	sst s3;
	s8 =	smul.u32 $0x500, s0  }
0x6: {  	s1 =	sshll.u32 s4, $0x4;
	s4 =	ssub.s32 $0x2, s4;
	s9 =	smul.u32 $0xA000, s0  }
0x7: {  	s16 =	sshll.u32 s0, $0x6;
	s1 =	sor.u32 s0, s1;
	s30 =	sshrl.u32 s4, $0x1  }
0x8: {  	s16 =	sor.u32 $0x1C01, s16;
	s6 =	smul.u32 $0x500, s1;
	s1 =	rddreg [dreg:$0x2]  }
0x9: {  	_ =	strace $0x80000047;
	s7 =	sadd.s32 s8, s7;
	s31 =	sshrl.u32 s9, $0x2  }
0xa: {  	s8 =	ssub.s32 s4, s30;
	s7 =	sadd.s32 s7, s5;
	s4 =	sadd.s32 s31, s2  }
0xb: {  	s6 =	sadd.s32 s6, s5;
	s9 =	sadd.s32 $0x1000, s4;
	s10 =	sadd.s32 $0x1800, s4  }
0xc: {  	v0 =	vimm.f32 $0.0e+00;
	vm0 =	vcmask $0x300;
	s11 =	sadd.s32 $0x2000, s4;
	s17 =	sshrl.u32 s4, $0x3;
	s5 =	sadd.s32 $0x2200, s6  }
0xd: {  	v1 =	vsel vm0, $0x3F800000, v0;
	s6 =	sadd.s32 $0xC200, s7;
	s7 =	smax.u32 s8, $0x1;
	s8 =	sadd.s32 $0x800, s4  }
.LBB2_1:
0xe: {  	s18 =	simm.s32 $0x0  }
.LBB2_2:
0xf: {  	p0 =	sne.s32 s18, $0x1FC0  }
.Ltmp0:
0x10: {  	_ = 	snop;
	(pc) =	sbr.rel @p0 .LBB2_2-.Ltmp0, $3  }
0x11: {  	_ =	sdelay $0x1  }
0x12: {  	s19 =	sshra.s32 s18, $0x2  }
0x13: {  	s18 =	sadd.s32 $0x40, s18;
	[tilespmem:s19+$0x2800] =	vst v1  }
0x14: {  	s18 =	simm.s32 $0x40;
	s19 =	simm.s32 $0x0  }
.LBB2_4:
0x15: {  	p0 =	sne.s32 s18, $0x1FC0;
	[tilespmem:s19+$0x3000] =	vst v0;
	s19 =	smov.u32 s18;
	s18 =	sadd.s32 $0x40, s18  }
.Ltmp1:
0x16: {  	(pc) =	sbr.rel @p0 .LBB2_4-.Ltmp1, $2  }
0x17: {  	_ =	sdelay $0x2  }
0x18: {  	s19 =	sshra.s32 s19, $0x2  }
0x19: {  	[tilespmem:s19+$0x3000] =	vst v0  }
0x1a: {  	[spmem:s4] =	stream.linear.scatter [tilespmem:s12], [sflag:$0x1], $0x800, $0x38;
	[tilespmem:$0x6000] =	vst v63  }
0x1b: {  	_ =	swait.ge [sflag:s13], $0x800  }
0x1c: {  	[sflag:s13] =	ssyncset.done $0x0  }
0x1d: {  	[sflag:s13] =	ssyncadd.s32 $0xFFFFF800  }
0x1e: {  	[spmem:s8] =	stream.linear.scatter [tilespmem:s12], [sflag:$0x1], $0x800, $0x38;
	[tilespmem:$0x6000] =	vst v63  }
0x1f: {  	_ =	swait.ge [sflag:s13], $0x800  }
0x20: {  	[sflag:s13] =	ssyncset.done $0x0  }
0x21: {  	[sflag:s13] =	ssyncadd.s32 $0xFFFFF800  }
0x22: {  	[spmem:s9] =	stream.linear.scatter [tilespmem:s12], [sflag:$0x1], $0x800, $0x38;
	[tilespmem:$0x6000] =	vst v63  }
0x23: {  	_ =	swait.ge [sflag:s13], $0x800  }
0x24: {  	[sflag:s13] =	ssyncset.done $0x0  }
0x25: {  	[sflag:s13] =	ssyncadd.s32 $0xFFFFF800  }
0x26: {  	[spmem:s10] =	stream.linear.scatter [tilespmem:s12], [sflag:$0x1], $0x800, $0x38;
	[tilespmem:$0x6000] =	vst v63  }
0x27: {  	_ =	swait.ge [sflag:s13], $0x800  }
0x28: {  	[sflag:s13] =	ssyncset.done $0x0  }
0x29: {  	[sflag:s13] =	ssyncadd.s32 $0xFFFFF800  }
0x2a: {  	[spmem:s11] =	stream.linear.scatter [tilespmem:s12], [sflag:$0x1], $0x800, $0x38;
	[tilespmem:$0x6000] =	vst v63  }
0x2b: {  	_ =	swait.ge [sflag:s13], $0x800  }
0x2c: {  	[sflag:s13] =	ssyncset.done $0x0  }
0x2d: {  	s18 =	simm.s32 $0x0;
	[sflag:s13] =	ssyncadd.s32 $0xFFFFF800  }
0x2e: {  	[tilespmem:s18], [sflag:$0x1] =	stream.linear.gather [hbm4b:s5+s18], $0x2800, $0x38;
	[tilespmem:$0x6000] =	vst v63  }
0x2f: {  	_ =	swait.ge [sflag:s13], $0x2800  }
0x30: {  	[sflag:s13] =	ssyncset.done $0x0  }
0x31: {  	[sflag:s13] =	ssyncadd.s32 $0xFFFFD800  }
0x32: {  	s23 =	simm.s32 $0x0;
	[bflag:$0x0] =	sbarrier.arrive $0xFFFF  }
0x33: {  	[spmem:s2] =	stream.indirect.scatter.add.f32 [tilespmem:s15], [sflag:$0x1], $0x10, s23, s14, $0xb8;
	[tilespmem:$0x6000] =	vst v63  }
0x34: {  	_ =	swait.ge [sflag:s13], $0x800  }
0x35: {  	[sflag:s13] =	ssyncset.done $0x0  }
0x36: {  	s24 =	simm.s32 $0x80;
	[sflag:s13] =	ssyncadd.s32 $0xFFFFF800  }
0x37: {  	[spmem:s2] =	stream.indirect.scatter.add.f32 [tilespmem:s15], [sflag:$0x1], $0x10, s24, s14, $0xb8;
	[tilespmem:$0x6000] =	vst v63  }
0x38: {  	_ =	swait.ge [sflag:s13], $0x800  }
0x39: {  	[sflag:s13] =	ssyncset.done $0x0  }
0x3a: {  	s25 =	simm.s32 $0x100;
	[sflag:s13] =	ssyncadd.s32 $0xFFFFF800  }
0x3b: {  	[spmem:s2] =	stream.indirect.scatter.add.f32 [tilespmem:s15], [sflag:$0x1], $0x10, s25, s14, $0xb8;
	[tilespmem:$0x6000] =	vst v63  }
0x3c: {  	_ =	swait.ge [sflag:s13], $0x800  }
0x3d: {  	[sflag:s13] =	ssyncset.done $0x0  }
0x3e: {  	s26 =	simm.s32 $0x180;
	[sflag:s13] =	ssyncadd.s32 $0xFFFFF800  }
0x3f: {  	[spmem:s2] =	stream.indirect.scatter.add.f32 [tilespmem:s15], [sflag:$0x1], $0x10, s26, s14, $0xb8;
	[tilespmem:$0x6000] =	vst v63  }
0x40: {  	_ =	swait.ge [sflag:s13], $0x800  }
0x41: {  	[sflag:s13] =	ssyncset.done $0x0  }
0x42: {  	s28 =	simm.s32 $0x200;
	[sflag:s13] =	ssyncadd.s32 $0xFFFFF800  }
0x43: {  	[spmem:s2] =	stream.indirect.scatter.add.f32 [tilespmem:s15], [sflag:$0x1], $0x10, s28, s14, $0xb8;
	[tilespmem:$0x6000] =	vst v63  }
0x44: {  	_ =	swait.ge [sflag:s13], $0x800  }
0x45: {  	[sflag:s13] =	ssyncset.done $0x0  }
0x46: {  	s29 =	simm.s32 $0x280;
	[sflag:s13] =	ssyncadd.s32 $0xFFFFF800  }
0x47: {  	[spmem:s2] =	stream.indirect.scatter.add.f32 [tilespmem:s15], [sflag:$0x1], $0x10, s29, s14, $0xb8;
	[tilespmem:$0x6000] =	vst v63  }
0x48: {  	_ =	swait.ge [sflag:s13], $0x800  }
0x49: {  	[sflag:s13] =	ssyncset.done $0x0  }
0x4a: {  	s30 =	simm.s32 $0x300;
	[sflag:s13] =	ssyncadd.s32 $0xFFFFF800  }
0x4b: {  	[spmem:s2] =	stream.indirect.scatter.add.f32 [tilespmem:s15], [sflag:$0x1], $0x10, s30, s14, $0xb8;
	[tilespmem:$0x6000] =	vst v63  }
0x4c: {  	_ =	swait.ge [sflag:s13], $0x800  }
0x4d: {  	[sflag:s13] =	ssyncset.done $0x0  }
0x4e: {  	s31 =	simm.s32 $0x380;
	[sflag:s13] =	ssyncadd.s32 $0xFFFFF800  }
0x4f: {  	[spmem:s2] =	stream.indirect.scatter.add.f32 [tilespmem:s15], [sflag:$0x1], $0x10, s31, s14, $0xb8;
	[tilespmem:$0x6000] =	vst v63  }
0x50: {  	_ =	swait.ge [sflag:s13], $0x800  }
0x51: {  	s21 =	simm.s32 $0x2000;
	s18 =	simm.s32 $0x1000;
	[sflag:s13] =	ssyncset.done $0x0  }
.LBB2_6:
0x52: {  	s20 =	sshra.s32 s18, $0x2  }
0x53: {  	[sflag:s13] =	ssyncadd.s32 $0xFFFFF800;
	s18 =	smov.u32 s21;
	s19 =	sadd.s32 $0x1000, s21  }
0x54: {  	[spmem:s2] =	stream.indirect.scatter.add.f32 [tilespmem:s15], [sflag:$0x1], $0x10, s20, s14, $0xb8;
	[tilespmem:$0x6000] =	vst v63  }
0x55: {  	p0 =	sne.s32 s21, $0x9000;
	_ =	swait.ge [sflag:s13], $0x800  }
0x56: {  	[sflag:s13] =	ssyncset.done $0x0  }
0x57: {  	s21 =	sadd.s32 $0x80, s20;
	[sflag:s13] =	ssyncadd.s32 $0xFFFFF800  }
0x58: {  	[spmem:s2] =	stream.indirect.scatter.add.f32 [tilespmem:s15], [sflag:$0x1], $0x10, s21, s14, $0xb8;
	[tilespmem:$0x6000] =	vst v63  }
0x59: {  	_ =	swait.ge [sflag:s13], $0x800  }
0x5a: {  	[sflag:s13] =	ssyncset.done $0x0  }
0x5b: {  	s21 =	sadd.s32 $0x100, s20;
	[sflag:s13] =	ssyncadd.s32 $0xFFFFF800  }
0x5c: {  	[spmem:s2] =	stream.indirect.scatter.add.f32 [tilespmem:s15], [sflag:$0x1], $0x10, s21, s14, $0xb8;
	[tilespmem:$0x6000] =	vst v63  }
0x5d: {  	_ =	swait.ge [sflag:s13], $0x800  }
0x5e: {  	[sflag:s13] =	ssyncset.done $0x0  }
0x5f: {  	s21 =	sadd.s32 $0x180, s20;
	[sflag:s13] =	ssyncadd.s32 $0xFFFFF800  }
0x60: {  	[spmem:s2] =	stream.indirect.scatter.add.f32 [tilespmem:s15], [sflag:$0x1], $0x10, s21, s14, $0xb8;
	[tilespmem:$0x6000] =	vst v63  }
0x61: {  	_ =	swait.ge [sflag:s13], $0x800  }
0x62: {  	[sflag:s13] =	ssyncset.done $0x0  }
0x63: {  	s21 =	sadd.s32 $0x200, s20;
	[sflag:s13] =	ssyncadd.s32 $0xFFFFF800  }
0x64: {  	[spmem:s2] =	stream.indirect.scatter.add.f32 [tilespmem:s15], [sflag:$0x1], $0x10, s21, s14, $0xb8;
	[tilespmem:$0x6000] =	vst v63  }
0x65: {  	_ =	swait.ge [sflag:s13], $0x800  }
0x66: {  	[sflag:s13] =	ssyncset.done $0x0  }
0x67: {  	s21 =	sadd.s32 $0x280, s20;
	[sflag:s13] =	ssyncadd.s32 $0xFFFFF800  }
0x68: {  	[spmem:s2] =	stream.indirect.scatter.add.f32 [tilespmem:s15], [sflag:$0x1], $0x10, s21, s14, $0xb8;
	[tilespmem:$0x6000] =	vst v63  }
0x69: {  	_ =	swait.ge [sflag:s13], $0x800  }
0x6a: {  	[sflag:s13] =	ssyncset.done $0x0  }
0x6b: {  	s21 =	sadd.s32 $0x300, s20;
	[sflag:s13] =	ssyncadd.s32 $0xFFFFF800  }
0x6c: {  	[spmem:s2] =	stream.indirect.scatter.add.f32 [tilespmem:s15], [sflag:$0x1], $0x10, s21, s14, $0xb8;
	[tilespmem:$0x6000] =	vst v63  }
0x6d: {  	_ =	swait.ge [sflag:s13], $0x800  }
.Ltmp2:
0x6e: {  	[sflag:s13] =	ssyncset.done $0x0;
	(pc) =	sbr.rel @p0 .LBB2_6-.Ltmp2, $4  }
0x6f: {  	s20 =	sadd.s32 $0x380, s20;
	[sflag:s13] =	ssyncadd.s32 $0xFFFFF800  }
0x70: {  	[spmem:s2] =	stream.indirect.scatter.add.f32 [tilespmem:s15], [sflag:$0x1], $0x10, s20, s14, $0xb8;
	[tilespmem:$0x6000] =	vst v63  }
0x71: {  	_ =	swait.ge [sflag:s13], $0x800  }
0x72: {  	s21 =	smov.u32 s19;
	[sflag:s13] =	ssyncset.done $0x0  }
0x73: {  	s18 =	sshra.s32 s18, $0x2;
	[sflag:s13] =	ssyncadd.s32 $0xFFFFF800  }
0x74: {  	[spmem:s2] =	stream.indirect.scatter.add.f32 [tilespmem:s15], [sflag:$0x1], $0x10, s18, s14, $0xb8;
	[tilespmem:$0x6000] =	vst v63  }
0x75: {  	_ =	swait.ge [sflag:s13], $0x800  }
0x76: {  	[sflag:s13] =	ssyncset.done $0x0  }
0x77: {  	s19 =	sadd.s32 $0x80, s18;
	[sflag:s13] =	ssyncadd.s32 $0xFFFFF800  }
0x78: {  	[spmem:s2] =	stream.indirect.scatter.add.f32 [tilespmem:s15], [sflag:$0x1], $0x10, s19, s14, $0xb8;
	[tilespmem:$0x6000] =	vst v63  }
0x79: {  	_ =	swait.ge [sflag:s13], $0x800  }
0x7a: {  	[sflag:s13] =	ssyncset.done $0x0  }
0x7b: {  	s26 =	sadd.s32 $0x100, s18;
	[sflag:s13] =	ssyncadd.s32 $0xFFFFF800  }
0x7c: {  	[spmem:s2] =	stream.indirect.scatter.add.f32 [tilespmem:s15], [sflag:$0x1], $0x10, s26, s14, $0xb8;
	[tilespmem:$0x6000] =	vst v63  }
0x7d: {  	_ =	swait.ge [sflag:s13], $0x800  }
0x7e: {  	[sflag:s13] =	ssyncset.done $0x0  }
0x7f: {  	s28 =	sadd.s32 $0x180, s18;
	[sflag:s13] =	ssyncadd.s32 $0xFFFFF800  }
0x80: {  	[spmem:s2] =	stream.indirect.scatter.add.f32 [tilespmem:s15], [sflag:$0x1], $0x10, s28, s14, $0xb8;
	[tilespmem:$0x6000] =	vst v63  }
0x81: {  	_ =	swait.ge [sflag:s13], $0x800  }
0x82: {  	[sflag:s13] =	ssyncset.done $0x0  }
0x83: {  	s29 =	sadd.s32 $0x200, s18;
	[sflag:s13] =	ssyncadd.s32 $0xFFFFF800  }
0x84: {  	[spmem:s2] =	stream.indirect.scatter.add.f32 [tilespmem:s15], [sflag:$0x1], $0x10, s29, s14, $0xb8;
	[tilespmem:$0x6000] =	vst v63  }
0x85: {  	_ =	swait.ge [sflag:s13], $0x800  }
0x86: {  	[sflag:s13] =	ssyncset.done $0x0  }
0x87: {  	s30 =	sadd.s32 $0x280, s18;
	[sflag:s13] =	ssyncadd.s32 $0xFFFFF800  }
0x88: {  	[spmem:s2] =	stream.indirect.scatter.add.f32 [tilespmem:s15], [sflag:$0x1], $0x10, s30, s14, $0xb8;
	[tilespmem:$0x6000] =	vst v63  }
0x89: {  	_ =	swait.ge [sflag:s13], $0x800  }
0x8a: {  	[sflag:s13] =	ssyncset.done $0x0  }
0x8b: {  	s31 =	sadd.s32 $0x300, s18;
	[sflag:s13] =	ssyncadd.s32 $0xFFFFF800  }
0x8c: {  	[spmem:s2] =	stream.indirect.scatter.add.f32 [tilespmem:s15], [sflag:$0x1], $0x10, s31, s14, $0xb8;
	[tilespmem:$0x6000] =	vst v63  }
0x8d: {  	_ =	swait.ge [sflag:s13], $0x800  }
0x8e: {  	[sflag:s13] =	ssyncset.done $0x0  }
0x8f: {  	s18 =	sadd.s32 $0x380, s18;
	[sflag:s13] =	ssyncadd.s32 $0xFFFFF800  }
0x90: {  	[spmem:s2] =	stream.indirect.scatter.add.f32 [tilespmem:s15], [sflag:$0x1], $0x10, s18, s14, $0xb8;
	[tilespmem:$0x6000] =	vst v63  }
0x91: {  	_ =	swait.ge [sflag:s13], $0x800  }
0x92: {  	s3 =	sadd.s32 $0x1, s3;
	[sflag:s13] =	ssyncset.done $0x0  }
0x93: {  	p0 =	sne.s32 s3, s7;
	[sflag:s13] =	ssyncadd.s32 $0xFFFFF800  }
.Ltmp3:
0x94: {  	[bflag:$0x0] =	sbarrier.arrive $0xFFFF;
	(pc) =	sbr.rel @p0 .LBB2_1-.Ltmp3, $4  }
0x95: {  	[hbm:s6], [sflag:s16] =	dma.local [spmem:s17], $0x500  }
0x96: {  	_ =	swait.ge [sflag:s13], $0x500  }
0x97: {  	[sflag:s13] =	ssyncset.done $0x0  }
0x98: {  	[sflag:s13] =	ssyncadd.s32 $0xFFFFFB00  }
0x99: {  	_ =	sfence.sel $0x180000  }
0x9a: {  	[bflag:$0x0] =	sbarrier.arrive $0xFFFF  }
0x9b: {  	p0 =	sne.s32 s0, $0x0;
	_ =	strace $0x90000047  }
0x9c: {  	s0 =	sadd.s32 @!p0 $0x100000, s1;
	[bflag:$0x2] =	sbarrier.arrive $0xFFFF  }
0x9d: {  	[sflag:s0] =	ssyncadd.tile.s32 @!p0 $0x1;
	_ =	shalt  }
.Lfunc_end2:
_tile_overlayer_lowered:
.L_overlay_start_2:
0x9e: {  	(tag) =	ssettag $0x2  }
0x9f: {  	s0 =	rddreg [dreg:$0x0];
	s2 =	stileid.u32  }
0xa0: {  	s1 =	rddreg [dreg:$0x1];
	p0 =	sne.s32 s2, $0x0  }
0xa1: {  	s3 =	rddreg [dreg:$0x2];
	[bflag:$0x3] =	sbarrier.arrive $0xFFFF;
	s2 =	simm.s32 @!p0 $0x1C01  }
0xa2: {  	[timem:s3], [sflag:s2] =	dma.local @!p0 [hbm:s0], s1  }
0xa3: {  	s0 =	simm.s32 @!p0 $0x1  }
0xa4: {  	_ =	swait.ge @!p0 [sflag:s0], s1  }
0xa5: {  	s1 =	ssub.s32 @!p0 $0x0, s1;
	[sflag:s0] =	ssyncset.done @!p0 $0x0  }
0xa6: {  	[sflag:s0] =	ssyncadd.s32 @!p0 s1  }
0xa7: {  	[bflag:$0x3] =	sbarrier.arrive $0xFFFF  }
0xa8: {  	_ =	shalt  }

</sc_bundles>
